<compile_context>
chip_gen: v7x
topology: tpu7x:2x2x1
jax: 0.10.2.dev20260603
libtpu: 0.0.44.dev20260713+nightly
codegen_flags: <defaults>
</compile_context>

<pallas_src>
import functools
import jax
import jax.numpy as jnp
from jax import lax
from jax.experimental import pallas as pl
from jax.experimental.pallas import tpu as pltpu
from jax.experimental.pallas import tpu_sc as plsc

BATCH = 16384
FEAT = 128
SHAPE_DIM = 300
OUT_DIM = SHAPE_DIM + FEAT
ROW_PAD = 384
TAIL = OUT_DIM - ROW_PAD
SPLIT = ROW_PAD - SHAPE_DIM

NC = 2
NS = 16
NW = NC * NS
B_PER_W = BATCH // NW
CHUNK = 64
NCHUNK = B_PER_W // CHUNK
NBUF = 2

_mesh = plsc.VectorSubcoreMesh(core_axis_name="c", subcore_axis_name="s")


def _rotate4(v):
    idx = (lax.iota(jnp.int32, 16) + 4) % 16
    return lax.gather(
        v, idx[:, None],
        dimension_numbers=lax.GatherDimensionNumbers(
            offset_dims=(), collapsed_slice_dims=(0,), start_index_map=(0,)),
        slice_sizes=(1,),
        mode=lax.GatherScatterMode.PROMISE_IN_BOUNDS)


@functools.partial(
    pl.kernel,
    mesh=_mesh,
    out_type=jax.ShapeDtypeStruct((BATCH, OUT_DIM), jnp.float32),
    compiler_params=pltpu.CompilerParams(
        skip_device_barrier=True,
        disable_bounds_checks=True,
        disable_semaphore_checks=True,
    ),
    scratch_types=[
        pltpu.VMEM((B_PER_W,), jnp.int32),
        pltpu.VMEM((NBUF, CHUNK, ROW_PAD), jnp.float32),
        pltpu.VMEM((NBUF, CHUNK, FEAT), jnp.float32),
        pltpu.VMEM((NBUF, CHUNK, TAIL), jnp.float32),
        pltpu.SemaphoreType.DMA((NBUF,)),
        pltpu.SemaphoreType.DMA((NBUF,)),
        pltpu.SemaphoreType.DMA((NBUF,)),
        pltpu.SemaphoreType.DMA((NBUF,)),
    ],
)
def _concat_shape(inputs_hbm, idx_hbm, table_hbm, out_hbm,
                  idx_v, buf_v, inp_v, tail_v, sem_g, sem_i, sem_o, sem_t):
    wid = lax.axis_index("s") * NC + lax.axis_index("c")
    lanes = lax.iota(jnp.int32, 16)

    gh = [None] * NBUF
    ih = [None] * NBUF
    oh = [None] * NBUF
    th = [None] * NBUF

    pltpu.sync_copy(idx_hbm.at[pl.ds(wid * B_PER_W, B_PER_W)], idx_v)

    def start_chunk(c):
        b = c % NBUF
        base = wid * B_PER_W + c * CHUNK
        gh[b] = pltpu.async_copy(
            table_hbm.at[idx_v.at[pl.ds(c * CHUNK, CHUNK)], pl.ds(0, ROW_PAD)],
            buf_v.at[b], sem_g.at[b])
        ih[b] = pltpu.async_copy(
            inputs_hbm.at[pl.ds(base, CHUNK)], inp_v.at[b], sem_i.at[b])

    start_chunk(0)
    for c in range(NCHUNK):
        b = c % NBUF
        base = wid * B_PER_W + c * CHUNK
        if c + 1 < NCHUNK:
            nb = (c + 1) % NBUF
            if oh[nb] is not None:
                oh[nb].wait()
                th[nb].wait()
            start_chunk(c + 1)
        gh[b].wait()
        ih[b].wait()

        def body(i, carry, b=b):
            vg = buf_v[b, i, pl.ds(288, 16)]
            rot = _rotate4(inp_v[b, i, pl.ds(0, 16)])
            buf_v[b, i, pl.ds(288, 16)] = jnp.where(lanes < 12, vg, rot)
            for u in range(5):
                buf_v[b, i, pl.ds(304 + 16 * u, 16)] = \
                    inp_v[b, i, pl.ds(4 + 16 * u, 16)]
            tail_v[b, i, pl.ds(0, 16)] = inp_v[b, i, pl.ds(SPLIT, 16)]
            tail_v[b, i, pl.ds(28, 16)] = inp_v[b, i, pl.ds(112, 16)]
            tail_v[b, i, pl.ds(16, 16)] = inp_v[b, i, pl.ds(100, 16)]
            return carry
        lax.fori_loop(0, CHUNK, body, 0)

        oh[b] = pltpu.async_copy(
            buf_v.at[b],
            out_hbm.at[pl.ds(base, CHUNK), pl.ds(0, ROW_PAD)], sem_o.at[b])
        th[b] = pltpu.async_copy(
            tail_v.at[b],
            out_hbm.at[pl.ds(base, CHUNK), pl.ds(ROW_PAD, TAIL)], sem_t.at[b])

    for b in range(NBUF):
        oh[b].wait()
        th[b].wait()


def kernel(inputs, subject_id, s):
    return _concat_shape(inputs, subject_id.astype(jnp.int32), s)

# --- scband reference (transcript-rebuilt; emitter-appended) ---
"""Pipeline reference for scband-concat-shape-layer-6356551598695 (READ-ONLY COPY).

The authoritative reference and input builder live on the scoring server;
editing this copy changes nothing except your own understanding.
"""

import jax, jax.numpy as jnp
import numpy as np

NUM_SUBJECTS = 100000
SHAPE_DIM = 300
BATCH = 16384
FEAT = 128

def setup_inputs(seed: int = 0) -> dict:
    key = jax.random.key(seed)
    k1, k2, k3 = jax.random.split(key, 3)
    inputs = jax.random.normal(k1, (BATCH, FEAT), dtype=jnp.float32)
    subject_id = jax.random.randint(k2, (BATCH,), 0, NUM_SUBJECTS, dtype=jnp.int64 if jax.config.read('jax_enable_x64') else jnp.int32)
    s = jax.random.normal(k3, (NUM_SUBJECTS, SHAPE_DIM), dtype=jnp.float32)
    return {"inputs": inputs, "subject_id": subject_id, "s": s}

def reference(inputs, subject_id, s):
    # tf.gather(self.s, subject_id) -> s[subject_id]; concat along axis=1
    gathered = jnp.take(s, subject_id, axis=0)
    return jnp.concatenate([gathered, inputs], axis=1)

if __name__ == "__main__":
    import jax
    _d = setup_inputs()
    print(jax.jit(kernel)(*tuple(_d.values())))

</pallas_src>

<mosaic_0001>
#map = affine_map<(d0, d1) -> (0, 0)>
#map1 = affine_map<(d0, d1) -> (0)>
module attributes {stable_mosaic.version = 14 : i64} {
  func.func @_concat_shape(%arg0: i32, %arg1: i32, %arg2: memref<16384x128xf32, #tpu.memory_space<hbm>>, %arg3: memref<16384xi32, #tpu.memory_space<hbm>>, %arg4: memref<100000x300xf32, #tpu.memory_space<hbm>>, %arg5: memref<16384x428xf32, #tpu.memory_space<hbm>>, %arg6: memref<512xi32, #tpu.memory_space<vmem>>, %arg7: memref<2x64x384xf32, #tpu.memory_space<vmem>>, %arg8: memref<2x64x128xf32, #tpu.memory_space<vmem>>, %arg9: memref<2x64x44xf32, #tpu.memory_space<vmem>>, %arg10: memref<2x!tpu.dma_semaphore, #tpu.memory_space<semaphore_mem>>, %arg11: memref<2x!tpu.dma_semaphore, #tpu.memory_space<semaphore_mem>>, %arg12: memref<2x!tpu.dma_semaphore, #tpu.memory_space<semaphore_mem>>, %arg13: memref<2x!tpu.dma_semaphore, #tpu.memory_space<semaphore_mem>>) attributes {dimension_semantics = [#tpu.dimension_semantics<core_parallel>, #tpu.dimension_semantics<subcore_parallel>], iteration_bounds = array<i64: 2, 16>, scalar_prefetch = 0 : i64, scratch_operands = 8 : i64, tpu.core_type = #tpu.core_type<sc_vector_subcore>, window_params = [{transform_indices = #map}, {transform_indices = #map1}, {transform_indices = #map}, {transform_indices = #map}]} {
    %mul3A = arith.constant 2 : i32
    %mul3A_0 = arith.muli %arg1, %mul3A : i32
    %add3A = arith.addi %mul3A_0, %arg0 : i32
    %iota3A = tpu.iota {dimensions = array<i32: 0>} : vector<16xi32>
    %mul3A_1 = arith.constant 512 : i32
    %mul3A_2 = arith.muli %add3A, %mul3A_1 : i32
    "tpu.region"() ({
      %run_scoped3A = tpu.sem_alloc : memref<!tpu.dma_semaphore, #tpu.memory_space<semaphore_mem>>
      %dma_start3A_1088 = tpu.memref_slice %arg3[%mul3A_2] : memref<16384xi32, #tpu.memory_space<hbm>> -> memref<512xi32, #tpu.memory_space<hbm>>
      %dma_start3A_1089 = tpu.memref_slice %arg3[%mul3A_2] : memref<16384xi32, #tpu.memory_space<hbm>> -> memref<512xi32, #tpu.memory_space<hbm>>
      tpu.enqueue_dma source(%dma_start3A_1089 : memref<512xi32, #tpu.memory_space<hbm>>) target(%arg6 : memref<512xi32, #tpu.memory_space<vmem>>) target_semaphore(%run_scoped3A : memref<!tpu.dma_semaphore, #tpu.memory_space<semaphore_mem>>)
      %dma_wait3A_1090 = tpu.memref_slice %arg3[%mul3A_2] : memref<16384xi32, #tpu.memory_space<hbm>> -> memref<512xi32, #tpu.memory_space<hbm>>
      %dma_wait3A_1091 = tpu.memref_slice %arg3[%mul3A_2] : memref<16384xi32, #tpu.memory_space<hbm>> -> memref<512xi32, #tpu.memory_space<hbm>>
      tpu.wait_dma2 semaphore(%run_scoped3A : memref<!tpu.dma_semaphore, #tpu.memory_space<semaphore_mem>>) src(%dma_wait3A_1091 : memref<512xi32, #tpu.memory_space<hbm>>) dst(%arg6 : memref<512xi32, #tpu.memory_space<vmem>>)
      tpu.yield
    }) : () -> ()
    %mul3A_3 = arith.constant 512 : i32
    %mul3A_4 = arith.muli %add3A, %mul3A_3 : i32
    %add3A_5 = arith.constant 0 : i32
    %add3A_6 = arith.addi %mul3A_4, %add3A_5 : i32
    %dma_start3A = arith.constant 0 : i32
    %dma_start3A_7 = arith.constant 0 : i32
    %dma_start3A_8 = arith.constant 0 : i32
    %dma_start3A_9 = arith.constant 0 : i32
    %dma_start3A_10 = tpu.memref_slice %arg7[%dma_start3A, %dma_start3A_8, %dma_start3A_9] : memref<2x64x384xf32, #tpu.memory_space<vmem>> -> memref<1x64x384xf32, #tpu.memory_space<vmem>>
    %dma_start3A_11 = tpu.memref_squeeze %dma_start3A_10 : memref<1x64x384xf32, #tpu.memory_space<vmem>> -> memref<64x384xf32, #tpu.memory_space<vmem>>
    %dma_start3A_12 = arith.constant 0 : i32
    %dma_start3A_13 = tpu.memref_slice %arg6[%dma_start3A_12] : memref<512xi32, #tpu.memory_space<vmem>> -> memref<64xi32, #tpu.memory_space<vmem>>
    %dma_start3A_14 = arith.constant 0 : i32
    %dma_start3A_15 = arith.constant 0 : i32
    %dma_start3A_16 = tpu.memref_slice %arg4[%dma_start3A_14, %dma_start3A_15] : memref<100000x300xf32, #tpu.memory_space<hbm>> -> memref<100000x384xf32, #tpu.memory_space<hbm>>
    %dma_start3A_17 = tpu.memref_slice %arg10[%dma_start3A_7] : memref<2x!tpu.dma_semaphore, #tpu.memory_space<semaphore_mem>> -> memref<1x!tpu.dma_semaphore, #tpu.memory_space<semaphore_mem>>
    %dma_start3A_18 = tpu.memref_squeeze %dma_start3A_17 : memref<1x!tpu.dma_semaphore, #tpu.memory_space<semaphore_mem>> -> memref<!tpu.dma_semaphore, #tpu.memory_space<semaphore_mem>>
    tpu.enqueue_indirect_dma source(%dma_start3A_16 : memref<100000x384xf32, #tpu.memory_space<hbm>>) target(%dma_start3A_11 : memref<64x384xf32, #tpu.memory_space<vmem>>) offsets(%dma_start3A_13 : memref<64xi32, #tpu.memory_space<vmem>>) semaphore(%dma_start3A_18 : memref<!tpu.dma_semaphore, #tpu.memory_space<semaphore_mem>>)
    %dma_start3A_19 = arith.constant 0 : i32
    %dma_start3A_20 = arith.constant 0 : i32
    %dma_start3A_21 = arith.constant 0 : i32
    %dma_start3A_22 = arith.constant 0 : i32
    %dma_start3A_23 = tpu.memref_slice %arg8[%dma_start3A_19, %dma_start3A_21, %dma_start3A_22] : memref<2x64x128xf32, #tpu.memory_space<vmem>> -> memref<1x64x128xf32, #tpu.memory_space<vmem>>
    %dma_start3A_24 = tpu.memref_squeeze %dma_start3A_23 : memref<1x64x128xf32, #tpu.memory_space<vmem>> -> memref<64x128xf32, #tpu.memory_space<vmem>>
    %dma_start3A_25 = arith.constant 0 : i32
    %dma_start3A_26 = tpu.memref_slice %arg2[%add3A_6, %dma_start3A_25] : memref<16384x128xf32, #tpu.memory_space<hbm>> -> memref<64x128xf32, #tpu.memory_space<hbm>>
    %dma_start3A_27 = tpu.memref_slice %arg11[%dma_start3A_20] : memref<2x!tpu.dma_semaphore, #tpu.memory_space<semaphore_mem>> -> memref<1x!tpu.dma_semaphore, #tpu.memory_space<semaphore_mem>>
    %dma_start3A_28 = tpu.memref_squeeze %dma_start3A_27 : memref<1x!tpu.dma_semaphore, #tpu.memory_space<semaphore_mem>> -> memref<!tpu.dma_semaphore, #tpu.memory_space<semaphore_mem>>
    %dma_start3A_29 = arith.constant 0 : i32
    %dma_start3A_30 = arith.constant 0 : i32
    %dma_start3A_31 = tpu.memref_slice %arg8[%dma_start3A_19, %dma_start3A_29, %dma_start3A_30] : memref<2x64x128xf32, #tpu.memory_space<vmem>> -> memref<1x64x128xf32, #tpu.memory_space<vmem>>
    %dma_start3A_32 = tpu.memref_squeeze %dma_start3A_31 : memref<1x64x128xf32, #tpu.memory_space<vmem>> -> memref<64x128xf32, #tpu.memory_space<vmem>>
    %dma_start3A_33 = arith.constant 0 : i32
    %dma_start3A_34 = tpu.memref_slice %arg2[%add3A_6, %dma_start3A_33] : memref<16384x128xf32, #tpu.memory_space<hbm>> -> memref<64x128xf32, #tpu.memory_space<hbm>>
    tpu.enqueue_dma source(%dma_start3A_34 : memref<64x128xf32, #tpu.memory_space<hbm>>) target(%dma_start3A_32 : memref<64x128xf32, #tpu.memory_space<vmem>>) target_semaphore(%dma_start3A_28 : memref<!tpu.dma_semaphore, #tpu.memory_space<semaphore_mem>>)
    %mul3A_35 = arith.constant 512 : i32
    %mul3A_36 = arith.muli %add3A, %mul3A_35 : i32
    %add3A_37 = arith.constant 0 : i32
    %add3A_38 = arith.addi %mul3A_36, %add3A_37 : i32
    %mul3A_39 = arith.constant 512 : i32
    %mul3A_40 = arith.muli %add3A, %mul3A_39 : i32
    %add3A_41 = arith.constant 64 : i32
    %add3A_42 = arith.addi %mul3A_40, %add3A_41 : i32
    %dma_start3A_43 = arith.constant 1 : i32
    %dma_start3A_44 = arith.constant 1 : i32
    %dma_start3A_45 = arith.constant 0 : i32
    %dma_start3A_46 = arith.constant 0 : i32
    %dma_start3A_47 = tpu.memref_slice %arg7[%dma_start3A_43, %dma_start3A_45, %dma_start3A_46] : memref<2x64x384xf32, #tpu.memory_space<vmem>> -> memref<1x64x384xf32, #tpu.memory_space<vmem>>
    %dma_start3A_48 = tpu.memref_squeeze %dma_start3A_47 : memref<1x64x384xf32, #tpu.memory_space<vmem>> -> memref<64x384xf32, #tpu.memory_space<vmem>>
    %dma_start3A_49 = arith.constant 64 : i32
    %dma_start3A_50 = tpu.memref_slice %arg6[%dma_start3A_49] : memref<512xi32, #tpu.memory_space<vmem>> -> memref<64xi32, #tpu.memory_space<vmem>>
    %dma_start3A_51 = arith.constant 0 : i32
    %dma_start3A_52 = arith.constant 0 : i32
    %dma_start3A_53 = tpu.memref_slice %arg4[%dma_start3A_51, %dma_start3A_52] : memref<100000x300xf32, #tpu.memory_space<hbm>> -> memref<100000x384xf32, #tpu.memory_space<hbm>>
    %dma_start3A_54 = tpu.memref_slice %arg10[%dma_start3A_44] : memref<2x!tpu.dma_semaphore, #tpu.memory_space<semaphore_mem>> -> memref<1x!tpu.dma_semaphore, #tpu.memory_space<semaphore_mem>>
    %dma_start3A_55 = tpu.memref_squeeze %dma_start3A_54 : memref<1x!tpu.dma_semaphore, #tpu.memory_space<semaphore_mem>> -> memref<!tpu.dma_semaphore, #tpu.memory_space<semaphore_mem>>
    tpu.enqueue_indirect_dma source(%dma_start3A_53 : memref<100000x384xf32, #tpu.memory_space<hbm>>) target(%dma_start3A_48 : memref<64x384xf32, #tpu.memory_space<vmem>>) offsets(%dma_start3A_50 : memref<64xi32, #tpu.memory_space<vmem>>) semaphore(%dma_start3A_55 : memref<!tpu.dma_semaphore, #tpu.memory_space<semaphore_mem>>)
    %dma_start3A_56 = arith.constant 1 : i32
    %dma_start3A_57 = arith.constant 1 : i32
    %dma_start3A_58 = arith.constant 0 : i32
    %dma_start3A_59 = arith.constant 0 : i32
    %dma_start3A_60 = tpu.memref_slice %arg8[%dma_start3A_56, %dma_start3A_58, %dma_start3A_59] : memref<2x64x128xf32, #tpu.memory_space<vmem>> -> memref<1x64x128xf32, #tpu.memory_space<vmem>>
    %dma_start3A_61 = tpu.memref_squeeze %dma_start3A_60 : memref<1x64x128xf32, #tpu.memory_space<vmem>> -> memref<64x128xf32, #tpu.memory_space<vmem>>
    %dma_start3A_62 = arith.constant 0 : i32
    %dma_start3A_63 = tpu.memref_slice %arg2[%add3A_42, %dma_start3A_62] : memref<16384x128xf32, #tpu.memory_space<hbm>> -> memref<64x128xf32, #tpu.memory_space<hbm>>
    %dma_start3A_64 = tpu.memref_slice %arg11[%dma_start3A_57] : memref<2x!tpu.dma_semaphore, #tpu.memory_space<semaphore_mem>> -> memref<1x!tpu.dma_semaphore, #tpu.memory_space<semaphore_mem>>
    %dma_start3A_65 = tpu.memref_squeeze %dma_start3A_64 : memref<1x!tpu.dma_semaphore, #tpu.memory_space<semaphore_mem>> -> memref<!tpu.dma_semaphore, #tpu.memory_space<semaphore_mem>>
    %dma_start3A_66 = arith.constant 0 : i32
    %dma_start3A_67 = arith.constant 0 : i32
    %dma_start3A_68 = tpu.memref_slice %arg8[%dma_start3A_56, %dma_start3A_66, %dma_start3A_67] : memref<2x64x128xf32, #tpu.memory_space<vmem>> -> memref<1x64x128xf32, #tpu.memory_space<vmem>>
    %dma_start3A_69 = tpu.memref_squeeze %dma_start3A_68 : memref<1x64x128xf32, #tpu.memory_space<vmem>> -> memref<64x128xf32, #tpu.memory_space<vmem>>
    %dma_start3A_70 = arith.constant 0 : i32
    %dma_start3A_71 = tpu.memref_slice %arg2[%add3A_42, %dma_start3A_70] : memref<16384x128xf32, #tpu.memory_space<hbm>> -> memref<64x128xf32, #tpu.memory_space<hbm>>
    tpu.enqueue_dma source(%dma_start3A_71 : memref<64x128xf32, #tpu.memory_space<hbm>>) target(%dma_start3A_69 : memref<64x128xf32, #tpu.memory_space<vmem>>) target_semaphore(%dma_start3A_65 : memref<!tpu.dma_semaphore, #tpu.memory_space<semaphore_mem>>)
    %dma_wait3A = arith.constant 0 : i32
    %dma_wait3A_72 = arith.constant 0 : i32
    %dma_wait3A_73 = arith.constant 0 : i32
    %dma_wait3A_74 = arith.constant 0 : i32
    %dma_wait3A_75 = tpu.memref_slice %arg7[%dma_wait3A, %dma_wait3A_73, %dma_wait3A_74] : memref<2x64x384xf32, #tpu.memory_space<vmem>> -> memref<1x64x384xf32, #tpu.memory_space<vmem>>
    %dma_wait3A_76 = tpu.memref_squeeze %dma_wait3A_75 : memref<1x64x384xf32, #tpu.memory_space<vmem>> -> memref<64x384xf32, #tpu.memory_space<vmem>>
    %dma_wait3A_77 = arith.constant 0 : i32
    %dma_wait3A_78 = tpu.memref_slice %arg6[%dma_wait3A_77] : memref<512xi32, #tpu.memory_space<vmem>> -> memref<64xi32, #tpu.memory_space<vmem>>
    %dma_wait3A_79 = arith.constant 0 : i32
    %dma_wait3A_80 = arith.constant 0 : i32
    %dma_wait3A_81 = tpu.memref_slice %arg4[%dma_wait3A_79, %dma_wait3A_80] : memref<100000x300xf32, #tpu.memory_space<hbm>> -> memref<100000x384xf32, #tpu.memory_space<hbm>>
    %dma_wait3A_82 = tpu.memref_slice %arg10[%dma_wait3A_72] : memref<2x!tpu.dma_semaphore, #tpu.memory_space<semaphore_mem>> -> memref<1x!tpu.dma_semaphore, #tpu.memory_space<semaphore_mem>>
    %dma_wait3A_83 = tpu.memref_squeeze %dma_wait3A_82 : memref<1x!tpu.dma_semaphore, #tpu.memory_space<semaphore_mem>> -> memref<!tpu.dma_semaphore, #tpu.memory_space<semaphore_mem>>
    tpu.wait_indirect_dma semaphore(%dma_wait3A_83 : memref<!tpu.dma_semaphore, #tpu.memory_space<semaphore_mem>>) src(%dma_wait3A_81 : memref<100000x384xf32, #tpu.memory_space<hbm>>) dst(%dma_wait3A_76 : memref<64x384xf32, #tpu.memory_space<vmem>>)
    %dma_wait3A_84 = arith.constant 0 : i32
    %dma_wait3A_85 = arith.constant 0 : i32
    %dma_wait3A_86 = arith.constant 0 : i32
    %dma_wait3A_87 = arith.constant 0 : i32
    %dma_wait3A_88 = tpu.memref_slice %arg8[%dma_wait3A_84, %dma_wait3A_86, %dma_wait3A_87] : memref<2x64x128xf32, #tpu.memory_space<vmem>> -> memref<1x64x128xf32, #tpu.memory_space<vmem>>
    %dma_wait3A_89 = tpu.memref_squeeze %dma_wait3A_88 : memref<1x64x128xf32, #tpu.memory_space<vmem>> -> memref<64x128xf32, #tpu.memory_space<vmem>>
    %dma_wait3A_90 = arith.constant 0 : i32
    %dma_wait3A_91 = tpu.memref_slice %arg2[%add3A_6, %dma_wait3A_90] : memref<16384x128xf32, #tpu.memory_space<hbm>> -> memref<64x128xf32, #tpu.memory_space<hbm>>
    %dma_wait3A_92 = tpu.memref_slice %arg11[%dma_wait3A_85] : memref<2x!tpu.dma_semaphore, #tpu.memory_space<semaphore_mem>> -> memref<1x!tpu.dma_semaphore, #tpu.memory_space<semaphore_mem>>
    %dma_wait3A_93 = tpu.memref_squeeze %dma_wait3A_92 : memref<1x!tpu.dma_semaphore, #tpu.memory_space<semaphore_mem>> -> memref<!tpu.dma_semaphore, #tpu.memory_space<semaphore_mem>>
    %dma_wait3A_94 = arith.constant 0 : i32
    %dma_wait3A_95 = arith.constant 0 : i32
    %dma_wait3A_96 = tpu.memref_slice %arg8[%dma_wait3A_84, %dma_wait3A_94, %dma_wait3A_95] : memref<2x64x128xf32, #tpu.memory_space<vmem>> -> memref<1x64x128xf32, #tpu.memory_space<vmem>>
    %dma_wait3A_97 = tpu.memref_squeeze %dma_wait3A_96 : memref<1x64x128xf32, #tpu.memory_space<vmem>> -> memref<64x128xf32, #tpu.memory_space<vmem>>
    %dma_wait3A_98 = arith.constant 0 : i32
    %dma_wait3A_99 = tpu.memref_slice %arg2[%add3A_6, %dma_wait3A_98] : memref<16384x128xf32, #tpu.memory_space<hbm>> -> memref<64x128xf32, #tpu.memory_space<hbm>>
    tpu.wait_dma2 semaphore(%dma_wait3A_93 : memref<!tpu.dma_semaphore, #tpu.memory_space<semaphore_mem>>) src(%dma_wait3A_99 : memref<64x128xf32, #tpu.memory_space<hbm>>) dst(%dma_wait3A_97 : memref<64x128xf32, #tpu.memory_space<vmem>>)
    %scan3A = arith.constant 0 : i32
    %scan3A_100 = arith.constant 0 : i32
    %scan3A_101 = arith.constant 64 : i32
    %scan3A_102 = arith.addi %scan3A_100, %scan3A_101 : i32
    %scan3A_103 = arith.constant 1 : i32
    scf.for %scan3A_1088 = %scan3A_100 to %scan3A_102 step %scan3A_103  : i32 {
      %get3A = arith.constant 0 : i32
      %get3A_1089 = arith.index_cast %get3A : i32 to index
      %get3A_1090 = arith.index_cast %scan3A_1088 : i32 to index
      %get3A_1091 = arith.constant 288 : index
      %get3A_1092 = tpu.vector_load %arg7[%get3A_1089, %get3A_1090, %get3A_1091] {strides = array<i32>} : memref<2x64x384xf32, #tpu.memory_space<vmem>>, vector<1x1x16xf32>,
      %get3A_1093 = vector.shape_cast %get3A_1092 : vector<1x1x16xf32> to vector<16xf32>
      %get3A_1094 = arith.constant 0 : i32
      %get3A_1095 = arith.index_cast %get3A_1094 : i32 to index
      %get3A_1096 = arith.index_cast %scan3A_1088 : i32 to index
      %get3A_1097 = arith.constant 0 : index
      %get3A_1098 = tpu.vector_load %arg8[%get3A_1095, %get3A_1096, %get3A_1097] {strides = array<i32>} : memref<2x64x128xf32, #tpu.memory_space<vmem>>, vector<1x1x16xf32>,
      %get3A_1099 = vector.shape_cast %get3A_1098 : vector<1x1x16xf32> to vector<16xf32>
      %iota3A_1100 = tpu.iota {dimensions = array<i32: 0>} : vector<16xi32>
      %add3A_1101 = arith.constant 4 : i32
      %add3A_1102 = vector.broadcast %add3A_1101 : i32 to vector<16xi32>
      %add3A_1103 = arith.addi %iota3A_1100, %add3A_1102 : vector<16xi32>
      %jit3A = arith.constant 16 : i32
      %eq3A = arith.constant 0 : i32
      %eq3A_1104 = arith.cmpi eq, %jit3A, %eq3A : i32
      %jit3A_1105 = arith.constant 1 : i32
      %select_n3A = arith.select %eq3A_1104, %jit3A_1105, %jit3A : i32
      %rem3A = vector.broadcast %select_n3A : i32 to vector<16xi32>
      %rem3A_1106 = arith.remsi %add3A_1103, %rem3A : vector<16xi32>
      %ne3A = arith.constant 0 : i32
      %ne3A_1107 = vector.broadcast %ne3A : i32 to vector<16xi32>
      %ne3A_1108 = arith.cmpi ne, %rem3A_1106, %ne3A_1107 : vector<16xi32>
      %lt3A = arith.constant 0 : i32
      %lt3A_1109 = vector.broadcast %lt3A : i32 to vector<16xi32>
      %lt3A_1110 = arith.cmpi slt, %rem3A_1106, %lt3A_1109 : vector<16xi32>
      %lt3A_1111 = arith.constant 0 : i32
      %lt3A_1112 = arith.cmpi slt, %select_n3A, %lt3A_1111 : i32
      %ne3A_1113 = vector.broadcast %lt3A_1112 : i1 to vector<16xi1>
      %ne3A_1114 = vector.broadcast %ne3A_1113 : vector<16xi1> to vector<16xi1>
      %ne3A_1115 = arith.xori %lt3A_1110, %ne3A_1114 : vector<16xi1>
      %and3A = arith.andi %ne3A_1115, %ne3A_1108 : vector<16xi1>
      %add3A_1116 = vector.broadcast %select_n3A : i32 to vector<16xi32>
      %add3A_1117 = arith.addi %rem3A_1106, %add3A_1116 : vector<16xi32>
      %select_n3A_1118 = arith.select %and3A, %add3A_1117, %rem3A_1106 : vector<16xi1>, vector<16xi32>
      %broadcast_in_dim3A = vector.shape_cast %select_n3A_1118 : vector<16xi32> to vector<16x1xi32>
      %gather3A = vector.shape_cast %broadcast_in_dim3A : vector<16x1xi32> to vector<16xi32>
      %gather3A_1119 = tpu.dynamic_gather %get3A_1099[%gather3A] in [0] : vector<16xf32>, vector<16xi32> -> vector<16xf32>
      %lt3A_1120 = arith.constant 12 : i32
      %lt3A_1121 = vector.broadcast %lt3A_1120 : i32 to vector<16xi32>
      %lt3A_1122 = arith.cmpi slt, %iota3A, %lt3A_1121 : vector<16xi32>
      %select_n3A_1123 = arith.select %lt3A_1122, %get3A_1093, %gather3A_1119 : vector<16xi1>, vector<16xf32>
      %swap3A = arith.constant 0 : i32
      %swap3A_1124 = arith.index_cast %swap3A : i32 to index
      %swap3A_1125 = arith.index_cast %scan3A_1088 : i32 to index
      %swap3A_1126 = arith.constant 288 : index
      %swap3A_1127 = tpu.vector_load %arg7[%swap3A_1124, %swap3A_1125, %swap3A_1126] {strides = array<i32>} : memref<2x64x384xf32, #tpu.memory_space<vmem>>, vector<1x1x16xf32>,
      %swap3A_1128 = vector.shape_cast %swap3A_1127 : vector<1x1x16xf32> to vector<16xf32>
      %swap3A_1129 = vector.shape_cast %select_n3A_1123 : vector<16xf32> to vector<1x1x16xf32>
      tpu.vector_store %arg7[%swap3A_1124, %swap3A_1125, %swap3A_1126], %swap3A_1129 {strides = array<i32>} : memref<2x64x384xf32, #tpu.memory_space<vmem>>, vector<1x1x16xf32>,
      %get3A_1130 = arith.constant 0 : i32
      %get3A_1131 = arith.index_cast %get3A_1130 : i32 to index
      %get3A_1132 = arith.index_cast %scan3A_1088 : i32 to index
      %get3A_1133 = arith.constant 4 : index
      %get3A_1134 = tpu.vector_load %arg8[%get3A_1131, %get3A_1132, %get3A_1133] {strides = array<i32>} : memref<2x64x128xf32, #tpu.memory_space<vmem>>, vector<1x1x16xf32>,
      %get3A_1135 = vector.shape_cast %get3A_1134 : vector<1x1x16xf32> to vector<16xf32>
      %swap3A_1136 = arith.constant 0 : i32
      %swap3A_1137 = arith.index_cast %swap3A_1136 : i32 to index
      %swap3A_1138 = arith.index_cast %scan3A_1088 : i32 to index
      %swap3A_1139 = arith.constant 304 : index
      %swap3A_1140 = tpu.vector_load %arg7[%swap3A_1137, %swap3A_1138, %swap3A_1139] {strides = array<i32>} : memref<2x64x384xf32, #tpu.memory_space<vmem>>, vector<1x1x16xf32>,
      %swap3A_1141 = vector.shape_cast %swap3A_1140 : vector<1x1x16xf32> to vector<16xf32>
      %swap3A_1142 = vector.shape_cast %get3A_1135 : vector<16xf32> to vector<1x1x16xf32>
      tpu.vector_store %arg7[%swap3A_1137, %swap3A_1138, %swap3A_1139], %swap3A_1142 {strides = array<i32>} : memref<2x64x384xf32, #tpu.memory_space<vmem>>, vector<1x1x16xf32>,
      %get3A_1143 = arith.constant 0 : i32
      %get3A_1144 = arith.index_cast %get3A_1143 : i32 to index
      %get3A_1145 = arith.index_cast %scan3A_1088 : i32 to index
      %get3A_1146 = arith.constant 20 : index
      %get3A_1147 = tpu.vector_load %arg8[%get3A_1144, %get3A_1145, %get3A_1146] {strides = array<i32>} : memref<2x64x128xf32, #tpu.memory_space<vmem>>, vector<1x1x16xf32>,
      %get3A_1148 = vector.shape_cast %get3A_1147 : vector<1x1x16xf32> to vector<16xf32>
      %swap3A_1149 = arith.constant 0 : i32
      %swap3A_1150 = arith.index_cast %swap3A_1149 : i32 to index
      %swap3A_1151 = arith.index_cast %scan3A_1088 : i32 to index
      %swap3A_1152 = arith.constant 320 : index
      %swap3A_1153 = tpu.vector_load %arg7[%swap3A_1150, %swap3A_1151, %swap3A_1152] {strides = array<i32>} : memref<2x64x384xf32, #tpu.memory_space<vmem>>, vector<1x1x16xf32>,
      %swap3A_1154 = vector.shape_cast %swap3A_1153 : vector<1x1x16xf32> to vector<16xf32>
      %swap3A_1155 = vector.shape_cast %get3A_1148 : vector<16xf32> to vector<1x1x16xf32>
      tpu.vector_store %arg7[%swap3A_1150, %swap3A_1151, %swap3A_1152], %swap3A_1155 {strides = array<i32>} : memref<2x64x384xf32, #tpu.memory_space<vmem>>, vector<1x1x16xf32>,
      %get3A_1156 = arith.constant 0 : i32
      %get3A_1157 = arith.index_cast %get3A_1156 : i32 to index
      %get3A_1158 = arith.index_cast %scan3A_1088 : i32 to index
      %get3A_1159 = arith.constant 36 : index
      %get3A_1160 = tpu.vector_load %arg8[%get3A_1157, %get3A_1158, %get3A_1159] {strides = array<i32>} : memref<2x64x128xf32, #tpu.memory_space<vmem>>, vector<1x1x16xf32>,
      %get3A_1161 = vector.shape_cast %get3A_1160 : vector<1x1x16xf32> to vector<16xf32>
      %swap3A_1162 = arith.constant 0 : i32
      %swap3A_1163 = arith.index_cast %swap3A_1162 : i32 to index
      %swap3A_1164 = arith.index_cast %scan3A_1088 : i32 to index
      %swap3A_1165 = arith.constant 336 : index
      %swap3A_1166 = tpu.vector_load %arg7[%swap3A_1163, %swap3A_1164, %swap3A_1165] {strides = array<i32>} : memref<2x64x384xf32, #tpu.memory_space<vmem>>, vector<1x1x16xf32>,
      %swap3A_1167 = vector.shape_cast %swap3A_1166 : vector<1x1x16xf32> to vector<16xf32>
      %swap3A_1168 = vector.shape_cast %get3A_1161 : vector<16xf32> to vector<1x1x16xf32>
      tpu.vector_store %arg7[%swap3A_1163, %swap3A_1164, %swap3A_1165], %swap3A_1168 {strides = array<i32>} : memref<2x64x384xf32, #tpu.memory_space<vmem>>, vector<1x1x16xf32>,
      %get3A_1169 = arith.constant 0 : i32
      %get3A_1170 = arith.index_cast %get3A_1169 : i32 to index
      %get3A_1171 = arith.index_cast %scan3A_1088 : i32 to index
      %get3A_1172 = arith.constant 52 : index
      %get3A_1173 = tpu.vector_load %arg8[%get3A_1170, %get3A_1171, %get3A_1172] {strides = array<i32>} : memref<2x64x128xf32, #tpu.memory_space<vmem>>, vector<1x1x16xf32>,
      %get3A_1174 = vector.shape_cast %get3A_1173 : vector<1x1x16xf32> to vector<16xf32>
      %swap3A_1175 = arith.constant 0 : i32
      %swap3A_1176 = arith.index_cast %swap3A_1175 : i32 to index
      %swap3A_1177 = arith.index_cast %scan3A_1088 : i32 to index
      %swap3A_1178 = arith.constant 352 : index
      %swap3A_1179 = tpu.vector_load %arg7[%swap3A_1176, %swap3A_1177, %swap3A_1178] {strides = array<i32>} : memref<2x64x384xf32, #tpu.memory_space<vmem>>, vector<1x1x16xf32>,
      %swap3A_1180 = vector.shape_cast %swap3A_1179 : vector<1x1x16xf32> to vector<16xf32>
      %swap3A_1181 = vector.shape_cast %get3A_1174 : vector<16xf32> to vector<1x1x16xf32>
      tpu.vector_store %arg7[%swap3A_1176, %swap3A_1177, %swap3A_1178], %swap3A_1181 {strides = array<i32>} : memref<2x64x384xf32, #tpu.memory_space<vmem>>, vector<1x1x16xf32>,
      %get3A_1182 = arith.constant 0 : i32
      %get3A_1183 = arith.index_cast %get3A_1182 : i32 to index
      %get3A_1184 = arith.index_cast %scan3A_1088 : i32 to index
      %get3A_1185 = arith.constant 68 : index
      %get3A_1186 = tpu.vector_load %arg8[%get3A_1183, %get3A_1184, %get3A_1185] {strides = array<i32>} : memref<2x64x128xf32, #tpu.memory_space<vmem>>, vector<1x1x16xf32>,
      %get3A_1187 = vector.shape_cast %get3A_1186 : vector<1x1x16xf32> to vector<16xf32>
      %swap3A_1188 = arith.constant 0 : i32
      %swap3A_1189 = arith.index_cast %swap3A_1188 : i32 to index
      %swap3A_1190 = arith.index_cast %scan3A_1088 : i32 to index
      %swap3A_1191 = arith.constant 368 : index
      %swap3A_1192 = tpu.vector_load %arg7[%swap3A_1189, %swap3A_1190, %swap3A_1191] {strides = array<i32>} : memref<2x64x384xf32, #tpu.memory_space<vmem>>, vector<1x1x16xf32>,
      %swap3A_1193 = vector.shape_cast %swap3A_1192 : vector<1x1x16xf32> to vector<16xf32>
      %swap3A_1194 = vector.shape_cast %get3A_1187 : vector<16xf32> to vector<1x1x16xf32>
      tpu.vector_store %arg7[%swap3A_1189, %swap3A_1190, %swap3A_1191], %swap3A_1194 {strides = array<i32>} : memref<2x64x384xf32, #tpu.memory_space<vmem>>, vector<1x1x16xf32>,
      %get3A_1195 = arith.constant 0 : i32
      %get3A_1196 = arith.index_cast %get3A_1195 : i32 to index
      %get3A_1197 = arith.index_cast %scan3A_1088 : i32 to index
      %get3A_1198 = arith.constant 84 : index
      %get3A_1199 = tpu.vector_load %arg8[%get3A_1196, %get3A_1197, %get3A_1198] {strides = array<i32>} : memref<2x64x128xf32, #tpu.memory_space<vmem>>, vector<1x1x16xf32>,
      %get3A_1200 = vector.shape_cast %get3A_1199 : vector<1x1x16xf32> to vector<16xf32>
      %swap3A_1201 = arith.constant 0 : i32
      %swap3A_1202 = arith.index_cast %swap3A_1201 : i32 to index
      %swap3A_1203 = arith.index_cast %scan3A_1088 : i32 to index
      %swap3A_1204 = arith.constant 0 : index
      %swap3A_1205 = tpu.vector_load %arg9[%swap3A_1202, %swap3A_1203, %swap3A_1204] {strides = array<i32>} : memref<2x64x44xf32, #tpu.memory_space<vmem>>, vector<1x1x16xf32>,
      %swap3A_1206 = vector.shape_cast %swap3A_1205 : vector<1x1x16xf32> to vector<16xf32>
      %swap3A_1207 = vector.shape_cast %get3A_1200 : vector<16xf32> to vector<1x1x16xf32>
      tpu.vector_store %arg9[%swap3A_1202, %swap3A_1203, %swap3A_1204], %swap3A_1207 {strides = array<i32>} : memref<2x64x44xf32, #tpu.memory_space<vmem>>, vector<1x1x16xf32>,
      %get3A_1208 = arith.constant 0 : i32
      %get3A_1209 = arith.index_cast %get3A_1208 : i32 to index
      %get3A_1210 = arith.index_cast %scan3A_1088 : i32 to index
      %get3A_1211 = arith.constant 112 : index
      %get3A_1212 = tpu.vector_load %arg8[%get3A_1209, %get3A_1210, %get3A_1211] {strides = array<i32>} : memref<2x64x128xf32, #tpu.memory_space<vmem>>, vector<1x1x16xf32>,
      %get3A_1213 = vector.shape_cast %get3A_1212 : vector<1x1x16xf32> to vector<16xf32>
      %swap3A_1214 = arith.constant 0 : i32
      %swap3A_1215 = arith.index_cast %swap3A_1214 : i32 to index
      %swap3A_1216 = arith.index_cast %scan3A_1088 : i32 to index
      %swap3A_1217 = arith.constant 28 : index
      %swap3A_1218 = tpu.vector_load %arg9[%swap3A_1215, %swap3A_1216, %swap3A_1217] {strides = array<i32>} : memref<2x64x44xf32, #tpu.memory_space<vmem>>, vector<1x1x16xf32>,
      %swap3A_1219 = vector.shape_cast %swap3A_1218 : vector<1x1x16xf32> to vector<16xf32>
      %swap3A_1220 = vector.shape_cast %get3A_1213 : vector<16xf32> to vector<1x1x16xf32>
      tpu.vector_store %arg9[%swap3A_1215, %swap3A_1216, %swap3A_1217], %swap3A_1220 {strides = array<i32>} : memref<2x64x44xf32, #tpu.memory_space<vmem>>, vector<1x1x16xf32>,
      %get3A_1221 = arith.constant 0 : i32
      %get3A_1222 = arith.index_cast %get3A_1221 : i32 to index
      %get3A_1223 = arith.index_cast %scan3A_1088 : i32 to index
      %get3A_1224 = arith.constant 100 : index
      %get3A_1225 = tpu.vector_load %arg8[%get3A_1222, %get3A_1223, %get3A_1224] {strides = array<i32>} : memref<2x64x128xf32, #tpu.memory_space<vmem>>, vector<1x1x16xf32>,
      %get3A_1226 = vector.shape_cast %get3A_1225 : vector<1x1x16xf32> to vector<16xf32>
      %swap3A_1227 = arith.constant 0 : i32
      %swap3A_1228 = arith.index_cast %swap3A_1227 : i32 to index
      %swap3A_1229 = arith.index_cast %scan3A_1088 : i32 to index
      %swap3A_1230 = arith.constant 16 : index
      %swap3A_1231 = tpu.vector_load %arg9[%swap3A_1228, %swap3A_1229, %swap3A_1230] {strides = array<i32>} : memref<2x64x44xf32, #tpu.memory_space<vmem>>, vector<1x1x16xf32>,
      %swap3A_1232 = vector.shape_cast %swap3A_1231 : vector<1x1x16xf32> to vector<16xf32>
      %swap3A_1233 = vector.shape_cast %get3A_1226 : vector<16xf32> to vector<1x1x16xf32>
      tpu.vector_store %arg9[%swap3A_1228, %swap3A_1229, %swap3A_1230], %swap3A_1233 {strides = array<i32>} : memref<2x64x44xf32, #tpu.memory_space<vmem>>, vector<1x1x16xf32>,
    }
    %scan3A_104 = arith.constant 64 : i32
    %dma_start3A_105 = arith.constant 0 : i32
    %dma_start3A_106 = arith.constant 0 : i32
    %dma_start3A_107 = arith.constant 0 : i32
    %dma_start3A_108 = arith.constant 0 : i32
    %dma_start3A_109 = tpu.memref_slice %arg7[%dma_start3A_105, %dma_start3A_107, %dma_start3A_108] : memref<2x64x384xf32, #tpu.memory_space<vmem>> -> memref<1x64x384xf32, #tpu.memory_space<vmem>>
    %dma_start3A_110 = tpu.memref_squeeze %dma_start3A_109 : memref<1x64x384xf32, #tpu.memory_space<vmem>> -> memref<64x384xf32, #tpu.memory_space<vmem>>
    %dma_start3A_111 = arith.constant 0 : i32
    %dma_start3A_112 = tpu.memref_slice %arg5[%add3A_38, %dma_start3A_111] : memref<16384x428xf32, #tpu.memory_space<hbm>> -> memref<64x384xf32, #tpu.memory_space<hbm>>
    %dma_start3A_113 = tpu.memref_slice %arg12[%dma_start3A_106] : memref<2x!tpu.dma_semaphore, #tpu.memory_space<semaphore_mem>> -> memref<1x!tpu.dma_semaphore, #tpu.memory_space<semaphore_mem>>
    %dma_start3A_114 = tpu.memref_squeeze %dma_start3A_113 : memref<1x!tpu.dma_semaphore, #tpu.memory_space<semaphore_mem>> -> memref<!tpu.dma_semaphore, #tpu.memory_space<semaphore_mem>>
    %dma_start3A_115 = arith.constant 0 : i32
    %dma_start3A_116 = tpu.memref_slice %arg5[%add3A_38, %dma_start3A_115] : memref<16384x428xf32, #tpu.memory_space<hbm>> -> memref<64x384xf32, #tpu.memory_space<hbm>>
    %dma_start3A_117 = arith.constant 0 : i32
    %dma_start3A_118 = arith.constant 0 : i32
    %dma_start3A_119 = tpu.memref_slice %arg7[%dma_start3A_105, %dma_start3A_117, %dma_start3A_118] : memref<2x64x384xf32, #tpu.memory_space<vmem>> -> memref<1x64x384xf32, #tpu.memory_space<vmem>>
    %dma_start3A_120 = tpu.memref_squeeze %dma_start3A_119 : memref<1x64x384xf32, #tpu.memory_space<vmem>> -> memref<64x384xf32, #tpu.memory_space<vmem>>
    tpu.enqueue_dma source(%dma_start3A_120 : memref<64x384xf32, #tpu.memory_space<vmem>>) target(%dma_start3A_116 : memref<64x384xf32, #tpu.memory_space<hbm>>) target_semaphore(%dma_start3A_114 : memref<!tpu.dma_semaphore, #tpu.memory_space<semaphore_mem>>)
    %dma_start3A_121 = arith.constant 0 : i32
    %dma_start3A_122 = arith.constant 0 : i32
    %dma_start3A_123 = arith.constant 0 : i32
    %dma_start3A_124 = arith.constant 0 : i32
    %dma_start3A_125 = tpu.memref_slice %arg9[%dma_start3A_121, %dma_start3A_123, %dma_start3A_124] : memref<2x64x44xf32, #tpu.memory_space<vmem>> -> memref<1x64x44xf32, #tpu.memory_space<vmem>>
    %dma_start3A_126 = tpu.memref_squeeze %dma_start3A_125 : memref<1x64x44xf32, #tpu.memory_space<vmem>> -> memref<64x44xf32, #tpu.memory_space<vmem>>
    %dma_start3A_127 = arith.constant 384 : i32
    %dma_start3A_128 = tpu.memref_slice %arg5[%add3A_38, %dma_start3A_127] : memref<16384x428xf32, #tpu.memory_space<hbm>> -> memref<64x44xf32, #tpu.memory_space<hbm>>
    %dma_start3A_129 = tpu.memref_slice %arg13[%dma_start3A_122] : memref<2x!tpu.dma_semaphore, #tpu.memory_space<semaphore_mem>> -> memref<1x!tpu.dma_semaphore, #tpu.memory_space<semaphore_mem>>
    %dma_start3A_130 = tpu.memref_squeeze %dma_start3A_129 : memref<1x!tpu.dma_semaphore, #tpu.memory_space<semaphore_mem>> -> memref<!tpu.dma_semaphore, #tpu.memory_space<semaphore_mem>>
    %dma_start3A_131 = arith.constant 384 : i32
    %dma_start3A_132 = tpu.memref_slice %arg5[%add3A_38, %dma_start3A_131] : memref<16384x428xf32, #tpu.memory_space<hbm>> -> memref<64x44xf32, #tpu.memory_space<hbm>>
    %dma_start3A_133 = arith.constant 0 : i32
    %dma_start3A_134 = arith.constant 0 : i32
    %dma_start3A_135 = tpu.memref_slice %arg9[%dma_start3A_121, %dma_start3A_133, %dma_start3A_134] : memref<2x64x44xf32, #tpu.memory_space<vmem>> -> memref<1x64x44xf32, #tpu.memory_space<vmem>>
    %dma_start3A_136 = tpu.memref_squeeze %dma_start3A_135 : memref<1x64x44xf32, #tpu.memory_space<vmem>> -> memref<64x44xf32, #tpu.memory_space<vmem>>
    tpu.enqueue_dma source(%dma_start3A_136 : memref<64x44xf32, #tpu.memory_space<vmem>>) target(%dma_start3A_132 : memref<64x44xf32, #tpu.memory_space<hbm>>) target_semaphore(%dma_start3A_130 : memref<!tpu.dma_semaphore, #tpu.memory_space<semaphore_mem>>)
    %mul3A_137 = arith.constant 512 : i32
    %mul3A_138 = arith.muli %add3A, %mul3A_137 : i32
    %add3A_139 = arith.constant 64 : i32
    %add3A_140 = arith.addi %mul3A_138, %add3A_139 : i32
    %dma_wait3A_141 = arith.constant 0 : i32
    %dma_wait3A_142 = arith.constant 0 : i32
    %dma_wait3A_143 = arith.constant 0 : i32
    %dma_wait3A_144 = arith.constant 0 : i32
    %dma_wait3A_145 = tpu.memref_slice %arg7[%dma_wait3A_141, %dma_wait3A_143, %dma_wait3A_144] : memref<2x64x384xf32, #tpu.memory_space<vmem>> -> memref<1x64x384xf32, #tpu.memory_space<vmem>>
    %dma_wait3A_146 = tpu.memref_squeeze %dma_wait3A_145 : memref<1x64x384xf32, #tpu.memory_space<vmem>> -> memref<64x384xf32, #tpu.memory_space<vmem>>
    %dma_wait3A_147 = arith.constant 0 : i32
    %dma_wait3A_148 = tpu.memref_slice %arg5[%add3A_38, %dma_wait3A_147] : memref<16384x428xf32, #tpu.memory_space<hbm>> -> memref<64x384xf32, #tpu.memory_space<hbm>>
    %dma_wait3A_149 = tpu.memref_slice %arg12[%dma_wait3A_142] : memref<2x!tpu.dma_semaphore, #tpu.memory_space<semaphore_mem>> -> memref<1x!tpu.dma_semaphore, #tpu.memory_space<semaphore_mem>>
    %dma_wait3A_150 = tpu.memref_squeeze %dma_wait3A_149 : memref<1x!tpu.dma_semaphore, #tpu.memory_space<semaphore_mem>> -> memref<!tpu.dma_semaphore, #tpu.memory_space<semaphore_mem>>
    %dma_wait3A_151 = arith.constant 0 : i32
    %dma_wait3A_152 = tpu.memref_slice %arg5[%add3A_38, %dma_wait3A_151] : memref<16384x428xf32, #tpu.memory_space<hbm>> -> memref<64x384xf32, #tpu.memory_space<hbm>>
    %dma_wait3A_153 = arith.constant 0 : i32
    %dma_wait3A_154 = arith.constant 0 : i32
    %dma_wait3A_155 = tpu.memref_slice %arg7[%dma_wait3A_141, %dma_wait3A_153, %dma_wait3A_154] : memref<2x64x384xf32, #tpu.memory_space<vmem>> -> memref<1x64x384xf32, #tpu.memory_space<vmem>>
    %dma_wait3A_156 = tpu.memref_squeeze %dma_wait3A_155 : memref<1x64x384xf32, #tpu.memory_space<vmem>> -> memref<64x384xf32, #tpu.memory_space<vmem>>
    tpu.wait_dma2 semaphore(%dma_wait3A_150 : memref<!tpu.dma_semaphore, #tpu.memory_space<semaphore_mem>>) src(%dma_wait3A_156 : memref<64x384xf32, #tpu.memory_space<vmem>>) dst(%dma_wait3A_152 : memref<64x384xf32, #tpu.memory_space<hbm>>)
    %dma_wait3A_157 = arith.constant 0 : i32
    %dma_wait3A_158 = arith.constant 0 : i32
    %dma_wait3A_159 = arith.constant 0 : i32
    %dma_wait3A_160 = arith.constant 0 : i32
    %dma_wait3A_161 = tpu.memref_slice %arg9[%dma_wait3A_157, %dma_wait3A_159, %dma_wait3A_160] : memref<2x64x44xf32, #tpu.memory_space<vmem>> -> memref<1x64x44xf32, #tpu.memory_space<vmem>>
    %dma_wait3A_162 = tpu.memref_squeeze %dma_wait3A_161 : memref<1x64x44xf32, #tpu.memory_space<vmem>> -> memref<64x44xf32, #tpu.memory_space<vmem>>
    %dma_wait3A_163 = arith.constant 384 : i32
    %dma_wait3A_164 = tpu.memref_slice %arg5[%add3A_38, %dma_wait3A_163] : memref<16384x428xf32, #tpu.memory_space<hbm>> -> memref<64x44xf32, #tpu.memory_space<hbm>>
    %dma_wait3A_165 = tpu.memref_slice %arg13[%dma_wait3A_158] : memref<2x!tpu.dma_semaphore, #tpu.memory_space<semaphore_mem>> -> memref<1x!tpu.dma_semaphore, #tpu.memory_space<semaphore_mem>>
    %dma_wait3A_166 = tpu.memref_squeeze %dma_wait3A_165 : memref<1x!tpu.dma_semaphore, #tpu.memory_space<semaphore_mem>> -> memref<!tpu.dma_semaphore, #tpu.memory_space<semaphore_mem>>
    %dma_wait3A_167 = arith.constant 384 : i32
    %dma_wait3A_168 = tpu.memref_slice %arg5[%add3A_38, %dma_wait3A_167] : memref<16384x428xf32, #tpu.memory_space<hbm>> -> memref<64x44xf32, #tpu.memory_space<hbm>>
    %dma_wait3A_169 = arith.constant 0 : i32
    %dma_wait3A_170 = arith.constant 0 : i32
    %dma_wait3A_171 = tpu.memref_slice %arg9[%dma_wait3A_157, %dma_wait3A_169, %dma_wait3A_170] : memref<2x64x44xf32, #tpu.memory_space<vmem>> -> memref<1x64x44xf32, #tpu.memory_space<vmem>>
    %dma_wait3A_172 = tpu.memref_squeeze %dma_wait3A_171 : memref<1x64x44xf32, #tpu.memory_space<vmem>> -> memref<64x44xf32, #tpu.memory_space<vmem>>
    tpu.wait_dma2 semaphore(%dma_wait3A_166 : memref<!tpu.dma_semaphore, #tpu.memory_space<semaphore_mem>>) src(%dma_wait3A_172 : memref<64x44xf32, #tpu.memory_space<vmem>>) dst(%dma_wait3A_168 : memref<64x44xf32, #tpu.memory_space<hbm>>)
    %mul3A_173 = arith.constant 512 : i32
    %mul3A_174 = arith.muli %add3A, %mul3A_173 : i32
    %add3A_175 = arith.constant 128 : i32
    %add3A_176 = arith.addi %mul3A_174, %add3A_175 : i32
    %dma_start3A_177 = arith.constant 0 : i32
    %dma_start3A_178 = arith.constant 0 : i32
    %dma_start3A_179 = arith.constant 0 : i32
    %dma_start3A_180 = arith.constant 0 : i32
    %dma_start3A_181 = tpu.memref_slice %arg7[%dma_start3A_177, %dma_start3A_179, %dma_start3A_180] : memref<2x64x384xf32, #tpu.memory_space<vmem>> -> memref<1x64x384xf32, #tpu.memory_space<vmem>>
    %dma_start3A_182 = tpu.memref_squeeze %dma_start3A_181 : memref<1x64x384xf32, #tpu.memory_space<vmem>> -> memref<64x384xf32, #tpu.memory_space<vmem>>
    %dma_start3A_183 = arith.constant 128 : i32
    %dma_start3A_184 = tpu.memref_slice %arg6[%dma_start3A_183] : memref<512xi32, #tpu.memory_space<vmem>> -> memref<64xi32, #tpu.memory_space<vmem>>
    %dma_start3A_185 = arith.constant 0 : i32
    %dma_start3A_186 = arith.constant 0 : i32
    %dma_start3A_187 = tpu.memref_slice %arg4[%dma_start3A_185, %dma_start3A_186] : memref<100000x300xf32, #tpu.memory_space<hbm>> -> memref<100000x384xf32, #tpu.memory_space<hbm>>
    %dma_start3A_188 = tpu.memref_slice %arg10[%dma_start3A_178] : memref<2x!tpu.dma_semaphore, #tpu.memory_space<semaphore_mem>> -> memref<1x!tpu.dma_semaphore, #tpu.memory_space<semaphore_mem>>
    %dma_start3A_189 = tpu.memref_squeeze %dma_start3A_188 : memref<1x!tpu.dma_semaphore, #tpu.memory_space<semaphore_mem>> -> memref<!tpu.dma_semaphore, #tpu.memory_space<semaphore_mem>>
    tpu.enqueue_indirect_dma source(%dma_start3A_187 : memref<100000x384xf32, #tpu.memory_space<hbm>>) target(%dma_start3A_182 : memref<64x384xf32, #tpu.memory_space<vmem>>) offsets(%dma_start3A_184 : memref<64xi32, #tpu.memory_space<vmem>>) semaphore(%dma_start3A_189 : memref<!tpu.dma_semaphore, #tpu.memory_space<semaphore_mem>>)
    %dma_start3A_190 = arith.constant 0 : i32
    %dma_start3A_191 = arith.constant 0 : i32
    %dma_start3A_192 = arith.constant 0 : i32
    %dma_start3A_193 = arith.constant 0 : i32
    %dma_start3A_194 = tpu.memref_slice %arg8[%dma_start3A_190, %dma_start3A_192, %dma_start3A_193] : memref<2x64x128xf32, #tpu.memory_space<vmem>> -> memref<1x64x128xf32, #tpu.memory_space<vmem>>
    %dma_start3A_195 = tpu.memref_squeeze %dma_start3A_194 : memref<1x64x128xf32, #tpu.memory_space<vmem>> -> memref<64x128xf32, #tpu.memory_space<vmem>>
    %dma_start3A_196 = arith.constant 0 : i32
    %dma_start3A_197 = tpu.memref_slice %arg2[%add3A_176, %dma_start3A_196] : memref<16384x128xf32, #tpu.memory_space<hbm>> -> memref<64x128xf32, #tpu.memory_space<hbm>>
    %dma_start3A_198 = tpu.memref_slice %arg11[%dma_start3A_191] : memref<2x!tpu.dma_semaphore, #tpu.memory_space<semaphore_mem>> -> memref<1x!tpu.dma_semaphore, #tpu.memory_space<semaphore_mem>>
    %dma_start3A_199 = tpu.memref_squeeze %dma_start3A_198 : memref<1x!tpu.dma_semaphore, #tpu.memory_space<semaphore_mem>> -> memref<!tpu.dma_semaphore, #tpu.memory_space<semaphore_mem>>
    %dma_start3A_200 = arith.constant 0 : i32
    %dma_start3A_201 = arith.constant 0 : i32
    %dma_start3A_202 = tpu.memref_slice %arg8[%dma_start3A_190, %dma_start3A_200, %dma_start3A_201] : memref<2x64x128xf32, #tpu.memory_space<vmem>> -> memref<1x64x128xf32, #tpu.memory_space<vmem>>
    %dma_start3A_203 = tpu.memref_squeeze %dma_start3A_202 : memref<1x64x128xf32, #tpu.memory_space<vmem>> -> memref<64x128xf32, #tpu.memory_space<vmem>>
    %dma_start3A_204 = arith.constant 0 : i32
    %dma_start3A_205 = tpu.memref_slice %arg2[%add3A_176, %dma_start3A_204] : memref<16384x128xf32, #tpu.memory_space<hbm>> -> memref<64x128xf32, #tpu.memory_space<hbm>>
    tpu.enqueue_dma source(%dma_start3A_205 : memref<64x128xf32, #tpu.memory_space<hbm>>) target(%dma_start3A_203 : memref<64x128xf32, #tpu.memory_space<vmem>>) target_semaphore(%dma_start3A_199 : memref<!tpu.dma_semaphore, #tpu.memory_space<semaphore_mem>>)
    %dma_wait3A_206 = arith.constant 1 : i32
    %dma_wait3A_207 = arith.constant 1 : i32
    %dma_wait3A_208 = arith.constant 0 : i32
    %dma_wait3A_209 = arith.constant 0 : i32
    %dma_wait3A_210 = tpu.memref_slice %arg7[%dma_wait3A_206, %dma_wait3A_208, %dma_wait3A_209] : memref<2x64x384xf32, #tpu.memory_space<vmem>> -> memref<1x64x384xf32, #tpu.memory_space<vmem>>
    %dma_wait3A_211 = tpu.memref_squeeze %dma_wait3A_210 : memref<1x64x384xf32, #tpu.memory_space<vmem>> -> memref<64x384xf32, #tpu.memory_space<vmem>>
    %dma_wait3A_212 = arith.constant 64 : i32
    %dma_wait3A_213 = tpu.memref_slice %arg6[%dma_wait3A_212] : memref<512xi32, #tpu.memory_space<vmem>> -> memref<64xi32, #tpu.memory_space<vmem>>
    %dma_wait3A_214 = arith.constant 0 : i32
    %dma_wait3A_215 = arith.constant 0 : i32
    %dma_wait3A_216 = tpu.memref_slice %arg4[%dma_wait3A_214, %dma_wait3A_215] : memref<100000x300xf32, #tpu.memory_space<hbm>> -> memref<100000x384xf32, #tpu.memory_space<hbm>>
    %dma_wait3A_217 = tpu.memref_slice %arg10[%dma_wait3A_207] : memref<2x!tpu.dma_semaphore, #tpu.memory_space<semaphore_mem>> -> memref<1x!tpu.dma_semaphore, #tpu.memory_space<semaphore_mem>>
    %dma_wait3A_218 = tpu.memref_squeeze %dma_wait3A_217 : memref<1x!tpu.dma_semaphore, #tpu.memory_space<semaphore_mem>> -> memref<!tpu.dma_semaphore, #tpu.memory_space<semaphore_mem>>
    tpu.wait_indirect_dma semaphore(%dma_wait3A_218 : memref<!tpu.dma_semaphore, #tpu.memory_space<semaphore_mem>>) src(%dma_wait3A_216 : memref<100000x384xf32, #tpu.memory_space<hbm>>) dst(%dma_wait3A_211 : memref<64x384xf32, #tpu.memory_space<vmem>>)
    %dma_wait3A_219 = arith.constant 1 : i32
    %dma_wait3A_220 = arith.constant 1 : i32
    %dma_wait3A_221 = arith.constant 0 : i32
    %dma_wait3A_222 = arith.constant 0 : i32
    %dma_wait3A_223 = tpu.memref_slice %arg8[%dma_wait3A_219, %dma_wait3A_221, %dma_wait3A_222] : memref<2x64x128xf32, #tpu.memory_space<vmem>> -> memref<1x64x128xf32, #tpu.memory_space<vmem>>
    %dma_wait3A_224 = tpu.memref_squeeze %dma_wait3A_223 : memref<1x64x128xf32, #tpu.memory_space<vmem>> -> memref<64x128xf32, #tpu.memory_space<vmem>>
    %dma_wait3A_225 = arith.constant 0 : i32
    %dma_wait3A_226 = tpu.memref_slice %arg2[%add3A_42, %dma_wait3A_225] : memref<16384x128xf32, #tpu.memory_space<hbm>> -> memref<64x128xf32, #tpu.memory_space<hbm>>
    %dma_wait3A_227 = tpu.memref_slice %arg11[%dma_wait3A_220] : memref<2x!tpu.dma_semaphore, #tpu.memory_space<semaphore_mem>> -> memref<1x!tpu.dma_semaphore, #tpu.memory_space<semaphore_mem>>
    %dma_wait3A_228 = tpu.memref_squeeze %dma_wait3A_227 : memref<1x!tpu.dma_semaphore, #tpu.memory_space<semaphore_mem>> -> memref<!tpu.dma_semaphore, #tpu.memory_space<semaphore_mem>>
    %dma_wait3A_229 = arith.constant 0 : i32
    %dma_wait3A_230 = arith.constant 0 : i32
    %dma_wait3A_231 = tpu.memref_slice %arg8[%dma_wait3A_219, %dma_wait3A_229, %dma_wait3A_230] : memref<2x64x128xf32, #tpu.memory_space<vmem>> -> memref<1x64x128xf32, #tpu.memory_space<vmem>>
    %dma_wait3A_232 = tpu.memref_squeeze %dma_wait3A_231 : memref<1x64x128xf32, #tpu.memory_space<vmem>> -> memref<64x128xf32, #tpu.memory_space<vmem>>
    %dma_wait3A_233 = arith.constant 0 : i32
    %dma_wait3A_234 = tpu.memref_slice %arg2[%add3A_42, %dma_wait3A_233] : memref<16384x128xf32, #tpu.memory_space<hbm>> -> memref<64x128xf32, #tpu.memory_space<hbm>>
    tpu.wait_dma2 semaphore(%dma_wait3A_228 : memref<!tpu.dma_semaphore, #tpu.memory_space<semaphore_mem>>) src(%dma_wait3A_234 : memref<64x128xf32, #tpu.memory_space<hbm>>) dst(%dma_wait3A_232 : memref<64x128xf32, #tpu.memory_space<vmem>>)
    %scan3A_235 = arith.constant 0 : i32
    %scan3A_236 = arith.constant 0 : i32
    %scan3A_237 = arith.constant 64 : i32
    %scan3A_238 = arith.addi %scan3A_236, %scan3A_237 : i32
    %scan3A_239 = arith.constant 1 : i32
    scf.for %scan3A_1088 = %scan3A_236 to %scan3A_238 step %scan3A_239  : i32 {
      %get3A = arith.constant 1 : i32
      %get3A_1089 = arith.index_cast %get3A : i32 to index
      %get3A_1090 = arith.index_cast %scan3A_1088 : i32 to index
      %get3A_1091 = arith.constant 288 : index
      %get3A_1092 = tpu.vector_load %arg7[%get3A_1089, %get3A_1090, %get3A_1091] {strides = array<i32>} : memref<2x64x384xf32, #tpu.memory_space<vmem>>, vector<1x1x16xf32>,
      %get3A_1093 = vector.shape_cast %get3A_1092 : vector<1x1x16xf32> to vector<16xf32>
      %get3A_1094 = arith.constant 1 : i32
      %get3A_1095 = arith.index_cast %get3A_1094 : i32 to index
      %get3A_1096 = arith.index_cast %scan3A_1088 : i32 to index
      %get3A_1097 = arith.constant 0 : index
      %get3A_1098 = tpu.vector_load %arg8[%get3A_1095, %get3A_1096, %get3A_1097] {strides = array<i32>} : memref<2x64x128xf32, #tpu.memory_space<vmem>>, vector<1x1x16xf32>,
      %get3A_1099 = vector.shape_cast %get3A_1098 : vector<1x1x16xf32> to vector<16xf32>
      %iota3A_1100 = tpu.iota {dimensions = array<i32: 0>} : vector<16xi32>
      %add3A_1101 = arith.constant 4 : i32
      %add3A_1102 = vector.broadcast %add3A_1101 : i32 to vector<16xi32>
      %add3A_1103 = arith.addi %iota3A_1100, %add3A_1102 : vector<16xi32>
      %jit3A = arith.constant 16 : i32
      %eq3A = arith.constant 0 : i32
      %eq3A_1104 = arith.cmpi eq, %jit3A, %eq3A : i32
      %jit3A_1105 = arith.constant 1 : i32
      %select_n3A = arith.select %eq3A_1104, %jit3A_1105, %jit3A : i32
      %rem3A = vector.broadcast %select_n3A : i32 to vector<16xi32>
      %rem3A_1106 = arith.remsi %add3A_1103, %rem3A : vector<16xi32>
      %ne3A = arith.constant 0 : i32
      %ne3A_1107 = vector.broadcast %ne3A : i32 to vector<16xi32>
      %ne3A_1108 = arith.cmpi ne, %rem3A_1106, %ne3A_1107 : vector<16xi32>
      %lt3A = arith.constant 0 : i32
      %lt3A_1109 = vector.broadcast %lt3A : i32 to vector<16xi32>
      %lt3A_1110 = arith.cmpi slt, %rem3A_1106, %lt3A_1109 : vector<16xi32>
      %lt3A_1111 = arith.constant 0 : i32
      %lt3A_1112 = arith.cmpi slt, %select_n3A, %lt3A_1111 : i32
      %ne3A_1113 = vector.broadcast %lt3A_1112 : i1 to vector<16xi1>
      %ne3A_1114 = vector.broadcast %ne3A_1113 : vector<16xi1> to vector<16xi1>
      %ne3A_1115 = arith.xori %lt3A_1110, %ne3A_1114 : vector<16xi1>
      %and3A = arith.andi %ne3A_1115, %ne3A_1108 : vector<16xi1>
      %add3A_1116 = vector.broadcast %select_n3A : i32 to vector<16xi32>
      %add3A_1117 = arith.addi %rem3A_1106, %add3A_1116 : vector<16xi32>
      %select_n3A_1118 = arith.select %and3A, %add3A_1117, %rem3A_1106 : vector<16xi1>, vector<16xi32>
      %broadcast_in_dim3A = vector.shape_cast %select_n3A_1118 : vector<16xi32> to vector<16x1xi32>
      %gather3A = vector.shape_cast %broadcast_in_dim3A : vector<16x1xi32> to vector<16xi32>
      %gather3A_1119 = tpu.dynamic_gather %get3A_1099[%gather3A] in [0] : vector<16xf32>, vector<16xi32> -> vector<16xf32>
      %lt3A_1120 = arith.constant 12 : i32
      %lt3A_1121 = vector.broadcast %lt3A_1120 : i32 to vector<16xi32>
      %lt3A_1122 = arith.cmpi slt, %iota3A, %lt3A_1121 : vector<16xi32>
      %select_n3A_1123 = arith.select %lt3A_1122, %get3A_1093, %gather3A_1119 : vector<16xi1>, vector<16xf32>
      %swap3A = arith.constant 1 : i32
      %swap3A_1124 = arith.index_cast %swap3A : i32 to index
      %swap3A_1125 = arith.index_cast %scan3A_1088 : i32 to index
      %swap3A_1126 = arith.constant 288 : index
      %swap3A_1127 = tpu.vector_load %arg7[%swap3A_1124, %swap3A_1125, %swap3A_1126] {strides = array<i32>} : memref<2x64x384xf32, #tpu.memory_space<vmem>>, vector<1x1x16xf32>,
      %swap3A_1128 = vector.shape_cast %swap3A_1127 : vector<1x1x16xf32> to vector<16xf32>
      %swap3A_1129 = vector.shape_cast %select_n3A_1123 : vector<16xf32> to vector<1x1x16xf32>
      tpu.vector_store %arg7[%swap3A_1124, %swap3A_1125, %swap3A_1126], %swap3A_1129 {strides = array<i32>} : memref<2x64x384xf32, #tpu.memory_space<vmem>>, vector<1x1x16xf32>,
      %get3A_1130 = arith.constant 1 : i32
      %get3A_1131 = arith.index_cast %get3A_1130 : i32 to index
      %get3A_1132 = arith.index_cast %scan3A_1088 : i32 to index
      %get3A_1133 = arith.constant 4 : index
      %get3A_1134 = tpu.vector_load %arg8[%get3A_1131, %get3A_1132, %get3A_1133] {strides = array<i32>} : memref<2x64x128xf32, #tpu.memory_space<vmem>>, vector<1x1x16xf32>,
      %get3A_1135 = vector.shape_cast %get3A_1134 : vector<1x1x16xf32> to vector<16xf32>
      %swap3A_1136 = arith.constant 1 : i32
      %swap3A_1137 = arith.index_cast %swap3A_1136 : i32 to index
      %swap3A_1138 = arith.index_cast %scan3A_1088 : i32 to index
      %swap3A_1139 = arith.constant 304 : index
      %swap3A_1140 = tpu.vector_load %arg7[%swap3A_1137, %swap3A_1138, %swap3A_1139] {strides = array<i32>} : memref<2x64x384xf32, #tpu.memory_space<vmem>>, vector<1x1x16xf32>,
      %swap3A_1141 = vector.shape_cast %swap3A_1140 : vector<1x1x16xf32> to vector<16xf32>
      %swap3A_1142 = vector.shape_cast %get3A_1135 : vector<16xf32> to vector<1x1x16xf32>
      tpu.vector_store %arg7[%swap3A_1137, %swap3A_1138, %swap3A_1139], %swap3A_1142 {strides = array<i32>} : memref<2x64x384xf32, #tpu.memory_space<vmem>>, vector<1x1x16xf32>,
      %get3A_1143 = arith.constant 1 : i32
      %get3A_1144 = arith.index_cast %get3A_1143 : i32 to index
      %get3A_1145 = arith.index_cast %scan3A_1088 : i32 to index
      %get3A_1146 = arith.constant 20 : index
      %get3A_1147 = tpu.vector_load %arg8[%get3A_1144, %get3A_1145, %get3A_1146] {strides = array<i32>} : memref<2x64x128xf32, #tpu.memory_space<vmem>>, vector<1x1x16xf32>,
      %get3A_1148 = vector.shape_cast %get3A_1147 : vector<1x1x16xf32> to vector<16xf32>
      %swap3A_1149 = arith.constant 1 : i32
      %swap3A_1150 = arith.index_cast %swap3A_1149 : i32 to index
      %swap3A_1151 = arith.index_cast %scan3A_1088 : i32 to index
      %swap3A_1152 = arith.constant 320 : index
      %swap3A_1153 = tpu.vector_load %arg7[%swap3A_1150, %swap3A_1151, %swap3A_1152] {strides = array<i32>} : memref<2x64x384xf32, #tpu.memory_space<vmem>>, vector<1x1x16xf32>,
      %swap3A_1154 = vector.shape_cast %swap3A_1153 : vector<1x1x16xf32> to vector<16xf32>
      %swap3A_1155 = vector.shape_cast %get3A_1148 : vector<16xf32> to vector<1x1x16xf32>
      tpu.vector_store %arg7[%swap3A_1150, %swap3A_1151, %swap3A_1152], %swap3A_1155 {strides = array<i32>} : memref<2x64x384xf32, #tpu.memory_space<vmem>>, vector<1x1x16xf32>,
      %get3A_1156 = arith.constant 1 : i32
      %get3A_1157 = arith.index_cast %get3A_1156 : i32 to index
      %get3A_1158 = arith.index_cast %scan3A_1088 : i32 to index
      %get3A_1159 = arith.constant 36 : index
      %get3A_1160 = tpu.vector_load %arg8[%get3A_1157, %get3A_1158, %get3A_1159] {strides = array<i32>} : memref<2x64x128xf32, #tpu.memory_space<vmem>>, vector<1x1x16xf32>,
      %get3A_1161 = vector.shape_cast %get3A_1160 : vector<1x1x16xf32> to vector<16xf32>
      %swap3A_1162 = arith.constant 1 : i32
      %swap3A_1163 = arith.index_cast %swap3A_1162 : i32 to index
      %swap3A_1164 = arith.index_cast %scan3A_1088 : i32 to index
      %swap3A_1165 = arith.constant 336 : index
      %swap3A_1166 = tpu.vector_load %arg7[%swap3A_1163, %swap3A_1164, %swap3A_1165] {strides = array<i32>} : memref<2x64x384xf32, #tpu.memory_space<vmem>>, vector<1x1x16xf32>,
      %swap3A_1167 = vector.shape_cast %swap3A_1166 : vector<1x1x16xf32> to vector<16xf32>
      %swap3A_1168 = vector.shape_cast %get3A_1161 : vector<16xf32> to vector<1x1x16xf32>
      tpu.vector_store %arg7[%swap3A_1163, %swap3A_1164, %swap3A_1165], %swap3A_1168 {strides = array<i32>} : memref<2x64x384xf32, #tpu.memory_space<vmem>>, vector<1x1x16xf32>,
      %get3A_1169 = arith.constant 1 : i32
      %get3A_1170 = arith.index_cast %get3A_1169 : i32 to index
      %get3A_1171 = arith.index_cast %scan3A_1088 : i32 to index
      %get3A_1172 = arith.constant 52 : index
      %get3A_1173 = tpu.vector_load %arg8[%get3A_1170, %get3A_1171, %get3A_1172] {strides = array<i32>} : memref<2x64x128xf32, #tpu.memory_space<vmem>>, vector<1x1x16xf32>,
      %get3A_1174 = vector.shape_cast %get3A_1173 : vector<1x1x16xf32> to vector<16xf32>
      %swap3A_1175 = arith.constant 1 : i32
      %swap3A_1176 = arith.index_cast %swap3A_1175 : i32 to index
      %swap3A_1177 = arith.index_cast %scan3A_1088 : i32 to index
      %swap3A_1178 = arith.constant 352 : index
      %swap3A_1179 = tpu.vector_load %arg7[%swap3A_1176, %swap3A_1177, %swap3A_1178] {strides = array<i32>} : memref<2x64x384xf32, #tpu.memory_space<vmem>>, vector<1x1x16xf32>,
      %swap3A_1180 = vector.shape_cast %swap3A_1179 : vector<1x1x16xf32> to vector<16xf32>
      %swap3A_1181 = vector.shape_cast %get3A_1174 : vector<16xf32> to vector<1x1x16xf32>
      tpu.vector_store %arg7[%swap3A_1176, %swap3A_1177, %swap3A_1178], %swap3A_1181 {strides = array<i32>} : memref<2x64x384xf32, #tpu.memory_space<vmem>>, vector<1x1x16xf32>,
      %get3A_1182 = arith.constant 1 : i32
      %get3A_1183 = arith.index_cast %get3A_1182 : i32 to index
      %get3A_1184 = arith.index_cast %scan3A_1088 : i32 to index
      %get3A_1185 = arith.constant 68 : index
      %get3A_1186 = tpu.vector_load %arg8[%get3A_1183, %get3A_1184, %get3A_1185] {strides = array<i32>} : memref<2x64x128xf32, #tpu.memory_space<vmem>>, vector<1x1x16xf32>,
      %get3A_1187 = vector.shape_cast %get3A_1186 : vector<1x1x16xf32> to vector<16xf32>
      %swap3A_1188 = arith.constant 1 : i32
      %swap3A_1189 = arith.index_cast %swap3A_1188 : i32 to index
      %swap3A_1190 = arith.index_cast %scan3A_1088 : i32 to index
      %swap3A_1191 = arith.constant 368 : index
      %swap3A_1192 = tpu.vector_load %arg7[%swap3A_1189, %swap3A_1190, %swap3A_1191] {strides = array<i32>} : memref<2x64x384xf32, #tpu.memory_space<vmem>>, vector<1x1x16xf32>,
      %swap3A_1193 = vector.shape_cast %swap3A_1192 : vector<1x1x16xf32> to vector<16xf32>
      %swap3A_1194 = vector.shape_cast %get3A_1187 : vector<16xf32> to vector<1x1x16xf32>
      tpu.vector_store %arg7[%swap3A_1189, %swap3A_1190, %swap3A_1191], %swap3A_1194 {strides = array<i32>} : memref<2x64x384xf32, #tpu.memory_space<vmem>>, vector<1x1x16xf32>,
      %get3A_1195 = arith.constant 1 : i32
      %get3A_1196 = arith.index_cast %get3A_1195 : i32 to index
      %get3A_1197 = arith.index_cast %scan3A_1088 : i32 to index
      %get3A_1198 = arith.constant 84 : index
      %get3A_1199 = tpu.vector_load %arg8[%get3A_1196, %get3A_1197, %get3A_1198] {strides = array<i32>} : memref<2x64x128xf32, #tpu.memory_space<vmem>>, vector<1x1x16xf32>,
      %get3A_1200 = vector.shape_cast %get3A_1199 : vector<1x1x16xf32> to vector<16xf32>
      %swap3A_1201 = arith.constant 1 : i32
      %swap3A_1202 = arith.index_cast %swap3A_1201 : i32 to index
      %swap3A_1203 = arith.index_cast %scan3A_1088 : i32 to index
      %swap3A_1204 = arith.constant 0 : index
      %swap3A_1205 = tpu.vector_load %arg9[%swap3A_1202, %swap3A_1203, %swap3A_1204] {strides = array<i32>} : memref<2x64x44xf32, #tpu.memory_space<vmem>>, vector<1x1x16xf32>,
      %swap3A_1206 = vector.shape_cast %swap3A_1205 : vector<1x1x16xf32> to vector<16xf32>
      %swap3A_1207 = vector.shape_cast %get3A_1200 : vector<16xf32> to vector<1x1x16xf32>
      tpu.vector_store %arg9[%swap3A_1202, %swap3A_1203, %swap3A_1204], %swap3A_1207 {strides = array<i32>} : memref<2x64x44xf32, #tpu.memory_space<vmem>>, vector<1x1x16xf32>,
      %get3A_1208 = arith.constant 1 : i32
      %get3A_1209 = arith.index_cast %get3A_1208 : i32 to index
      %get3A_1210 = arith.index_cast %scan3A_1088 : i32 to index
      %get3A_1211 = arith.constant 112 : index
      %get3A_1212 = tpu.vector_load %arg8[%get3A_1209, %get3A_1210, %get3A_1211] {strides = array<i32>} : memref<2x64x128xf32, #tpu.memory_space<vmem>>, vector<1x1x16xf32>,
      %get3A_1213 = vector.shape_cast %get3A_1212 : vector<1x1x16xf32> to vector<16xf32>
      %swap3A_1214 = arith.constant 1 : i32
      %swap3A_1215 = arith.index_cast %swap3A_1214 : i32 to index
      %swap3A_1216 = arith.index_cast %scan3A_1088 : i32 to index
      %swap3A_1217 = arith.constant 28 : index
      %swap3A_1218 = tpu.vector_load %arg9[%swap3A_1215, %swap3A_1216, %swap3A_1217] {strides = array<i32>} : memref<2x64x44xf32, #tpu.memory_space<vmem>>, vector<1x1x16xf32>,
      %swap3A_1219 = vector.shape_cast %swap3A_1218 : vector<1x1x16xf32> to vector<16xf32>
      %swap3A_1220 = vector.shape_cast %get3A_1213 : vector<16xf32> to vector<1x1x16xf32>
      tpu.vector_store %arg9[%swap3A_1215, %swap3A_1216, %swap3A_1217], %swap3A_1220 {strides = array<i32>} : memref<2x64x44xf32, #tpu.memory_space<vmem>>, vector<1x1x16xf32>,
      %get3A_1221 = arith.constant 1 : i32
      %get3A_1222 = arith.index_cast %get3A_1221 : i32 to index
      %get3A_1223 = arith.index_cast %scan3A_1088 : i32 to index
      %get3A_1224 = arith.constant 100 : index
      %get3A_1225 = tpu.vector_load %arg8[%get3A_1222, %get3A_1223, %get3A_1224] {strides = array<i32>} : memref<2x64x128xf32, #tpu.memory_space<vmem>>, vector<1x1x16xf32>,
      %get3A_1226 = vector.shape_cast %get3A_1225 : vector<1x1x16xf32> to vector<16xf32>
      %swap3A_1227 = arith.constant 1 : i32
      %swap3A_1228 = arith.index_cast %swap3A_1227 : i32 to index
      %swap3A_1229 = arith.index_cast %scan3A_1088 : i32 to index
      %swap3A_1230 = arith.constant 16 : index
      %swap3A_1231 = tpu.vector_load %arg9[%swap3A_1228, %swap3A_1229, %swap3A_1230] {strides = array<i32>} : memref<2x64x44xf32, #tpu.memory_space<vmem>>, vector<1x1x16xf32>,
      %swap3A_1232 = vector.shape_cast %swap3A_1231 : vector<1x1x16xf32> to vector<16xf32>
      %swap3A_1233 = vector.shape_cast %get3A_1226 : vector<16xf32> to vector<1x1x16xf32>
      tpu.vector_store %arg9[%swap3A_1228, %swap3A_1229, %swap3A_1230], %swap3A_1233 {strides = array<i32>} : memref<2x64x44xf32, #tpu.memory_space<vmem>>, vector<1x1x16xf32>,
    }
    %scan3A_240 = arith.constant 64 : i32
    %dma_start3A_241 = arith.constant 1 : i32
    %dma_start3A_242 = arith.constant 1 : i32
    %dma_start3A_243 = arith.constant 0 : i32
    %dma_start3A_244 = arith.constant 0 : i32
    %dma_start3A_245 = tpu.memref_slice %arg7[%dma_start3A_241, %dma_start3A_243, %dma_start3A_244] : memref<2x64x384xf32, #tpu.memory_space<vmem>> -> memref<1x64x384xf32, #tpu.memory_space<vmem>>
    %dma_start3A_246 = tpu.memref_squeeze %dma_start3A_245 : memref<1x64x384xf32, #tpu.memory_space<vmem>> -> memref<64x384xf32, #tpu.memory_space<vmem>>
    %dma_start3A_247 = arith.constant 0 : i32
    %dma_start3A_248 = tpu.memref_slice %arg5[%add3A_140, %dma_start3A_247] : memref<16384x428xf32, #tpu.memory_space<hbm>> -> memref<64x384xf32, #tpu.memory_space<hbm>>
    %dma_start3A_249 = tpu.memref_slice %arg12[%dma_start3A_242] : memref<2x!tpu.dma_semaphore, #tpu.memory_space<semaphore_mem>> -> memref<1x!tpu.dma_semaphore, #tpu.memory_space<semaphore_mem>>
    %dma_start3A_250 = tpu.memref_squeeze %dma_start3A_249 : memref<1x!tpu.dma_semaphore, #tpu.memory_space<semaphore_mem>> -> memref<!tpu.dma_semaphore, #tpu.memory_space<semaphore_mem>>
    %dma_start3A_251 = arith.constant 0 : i32
    %dma_start3A_252 = tpu.memref_slice %arg5[%add3A_140, %dma_start3A_251] : memref<16384x428xf32, #tpu.memory_space<hbm>> -> memref<64x384xf32, #tpu.memory_space<hbm>>
    %dma_start3A_253 = arith.constant 0 : i32
    %dma_start3A_254 = arith.constant 0 : i32
    %dma_start3A_255 = tpu.memref_slice %arg7[%dma_start3A_241, %dma_start3A_253, %dma_start3A_254] : memref<2x64x384xf32, #tpu.memory_space<vmem>> -> memref<1x64x384xf32, #tpu.memory_space<vmem>>
    %dma_start3A_256 = tpu.memref_squeeze %dma_start3A_255 : memref<1x64x384xf32, #tpu.memory_space<vmem>> -> memref<64x384xf32, #tpu.memory_space<vmem>>
    tpu.enqueue_dma source(%dma_start3A_256 : memref<64x384xf32, #tpu.memory_space<vmem>>) target(%dma_start3A_252 : memref<64x384xf32, #tpu.memory_space<hbm>>) target_semaphore(%dma_start3A_250 : memref<!tpu.dma_semaphore, #tpu.memory_space<semaphore_mem>>)
    %dma_start3A_257 = arith.constant 1 : i32
    %dma_start3A_258 = arith.constant 1 : i32
    %dma_start3A_259 = arith.constant 0 : i32
    %dma_start3A_260 = arith.constant 0 : i32
    %dma_start3A_261 = tpu.memref_slice %arg9[%dma_start3A_257, %dma_start3A_259, %dma_start3A_260] : memref<2x64x44xf32, #tpu.memory_space<vmem>> -> memref<1x64x44xf32, #tpu.memory_space<vmem>>
    %dma_start3A_262 = tpu.memref_squeeze %dma_start3A_261 : memref<1x64x44xf32, #tpu.memory_space<vmem>> -> memref<64x44xf32, #tpu.memory_space<vmem>>
    %dma_start3A_263 = arith.constant 384 : i32
    %dma_start3A_264 = tpu.memref_slice %arg5[%add3A_140, %dma_start3A_263] : memref<16384x428xf32, #tpu.memory_space<hbm>> -> memref<64x44xf32, #tpu.memory_space<hbm>>
    %dma_start3A_265 = tpu.memref_slice %arg13[%dma_start3A_258] : memref<2x!tpu.dma_semaphore, #tpu.memory_space<semaphore_mem>> -> memref<1x!tpu.dma_semaphore, #tpu.memory_space<semaphore_mem>>
    %dma_start3A_266 = tpu.memref_squeeze %dma_start3A_265 : memref<1x!tpu.dma_semaphore, #tpu.memory_space<semaphore_mem>> -> memref<!tpu.dma_semaphore, #tpu.memory_space<semaphore_mem>>
    %dma_start3A_267 = arith.constant 384 : i32
    %dma_start3A_268 = tpu.memref_slice %arg5[%add3A_140, %dma_start3A_267] : memref<16384x428xf32, #tpu.memory_space<hbm>> -> memref<64x44xf32, #tpu.memory_space<hbm>>
    %dma_start3A_269 = arith.constant 0 : i32
    %dma_start3A_270 = arith.constant 0 : i32
    %dma_start3A_271 = tpu.memref_slice %arg9[%dma_start3A_257, %dma_start3A_269, %dma_start3A_270] : memref<2x64x44xf32, #tpu.memory_space<vmem>> -> memref<1x64x44xf32, #tpu.memory_space<vmem>>
    %dma_start3A_272 = tpu.memref_squeeze %dma_start3A_271 : memref<1x64x44xf32, #tpu.memory_space<vmem>> -> memref<64x44xf32, #tpu.memory_space<vmem>>
    tpu.enqueue_dma source(%dma_start3A_272 : memref<64x44xf32, #tpu.memory_space<vmem>>) target(%dma_start3A_268 : memref<64x44xf32, #tpu.memory_space<hbm>>) target_semaphore(%dma_start3A_266 : memref<!tpu.dma_semaphore, #tpu.memory_space<semaphore_mem>>)
    %mul3A_273 = arith.constant 512 : i32
    %mul3A_274 = arith.muli %add3A, %mul3A_273 : i32
    %add3A_275 = arith.constant 128 : i32
    %add3A_276 = arith.addi %mul3A_274, %add3A_275 : i32
    %dma_wait3A_277 = arith.constant 1 : i32
    %dma_wait3A_278 = arith.constant 1 : i32
    %dma_wait3A_279 = arith.constant 0 : i32
    %dma_wait3A_280 = arith.constant 0 : i32
    %dma_wait3A_281 = tpu.memref_slice %arg7[%dma_wait3A_277, %dma_wait3A_279, %dma_wait3A_280] : memref<2x64x384xf32, #tpu.memory_space<vmem>> -> memref<1x64x384xf32, #tpu.memory_space<vmem>>
    %dma_wait3A_282 = tpu.memref_squeeze %dma_wait3A_281 : memref<1x64x384xf32, #tpu.memory_space<vmem>> -> memref<64x384xf32, #tpu.memory_space<vmem>>
    %dma_wait3A_283 = arith.constant 0 : i32
    %dma_wait3A_284 = tpu.memref_slice %arg5[%add3A_140, %dma_wait3A_283] : memref<16384x428xf32, #tpu.memory_space<hbm>> -> memref<64x384xf32, #tpu.memory_space<hbm>>
    %dma_wait3A_285 = tpu.memref_slice %arg12[%dma_wait3A_278] : memref<2x!tpu.dma_semaphore, #tpu.memory_space<semaphore_mem>> -> memref<1x!tpu.dma_semaphore, #tpu.memory_space<semaphore_mem>>
    %dma_wait3A_286 = tpu.memref_squeeze %dma_wait3A_285 : memref<1x!tpu.dma_semaphore, #tpu.memory_space<semaphore_mem>> -> memref<!tpu.dma_semaphore, #tpu.memory_space<semaphore_mem>>
    %dma_wait3A_287 = arith.constant 0 : i32
    %dma_wait3A_288 = tpu.memref_slice %arg5[%add3A_140, %dma_wait3A_287] : memref<16384x428xf32, #tpu.memory_space<hbm>> -> memref<64x384xf32, #tpu.memory_space<hbm>>
    %dma_wait3A_289 = arith.constant 0 : i32
    %dma_wait3A_290 = arith.constant 0 : i32
    %dma_wait3A_291 = tpu.memref_slice %arg7[%dma_wait3A_277, %dma_wait3A_289, %dma_wait3A_290] : memref<2x64x384xf32, #tpu.memory_space<vmem>> -> memref<1x64x384xf32, #tpu.memory_space<vmem>>
    %dma_wait3A_292 = tpu.memref_squeeze %dma_wait3A_291 : memref<1x64x384xf32, #tpu.memory_space<vmem>> -> memref<64x384xf32, #tpu.memory_space<vmem>>
    tpu.wait_dma2 semaphore(%dma_wait3A_286 : memref<!tpu.dma_semaphore, #tpu.memory_space<semaphore_mem>>) src(%dma_wait3A_292 : memref<64x384xf32, #tpu.memory_space<vmem>>) dst(%dma_wait3A_288 : memref<64x384xf32, #tpu.memory_space<hbm>>)
    %dma_wait3A_293 = arith.constant 1 : i32
    %dma_wait3A_294 = arith.constant 1 : i32
    %dma_wait3A_295 = arith.constant 0 : i32
    %dma_wait3A_296 = arith.constant 0 : i32
    %dma_wait3A_297 = tpu.memref_slice %arg9[%dma_wait3A_293, %dma_wait3A_295, %dma_wait3A_296] : memref<2x64x44xf32, #tpu.memory_space<vmem>> -> memref<1x64x44xf32, #tpu.memory_space<vmem>>
    %dma_wait3A_298 = tpu.memref_squeeze %dma_wait3A_297 : memref<1x64x44xf32, #tpu.memory_space<vmem>> -> memref<64x44xf32, #tpu.memory_space<vmem>>
    %dma_wait3A_299 = arith.constant 384 : i32
    %dma_wait3A_300 = tpu.memref_slice %arg5[%add3A_140, %dma_wait3A_299] : memref<16384x428xf32, #tpu.memory_space<hbm>> -> memref<64x44xf32, #tpu.memory_space<hbm>>
    %dma_wait3A_301 = tpu.memref_slice %arg13[%dma_wait3A_294] : memref<2x!tpu.dma_semaphore, #tpu.memory_space<semaphore_mem>> -> memref<1x!tpu.dma_semaphore, #tpu.memory_space<semaphore_mem>>
    %dma_wait3A_302 = tpu.memref_squeeze %dma_wait3A_301 : memref<1x!tpu.dma_semaphore, #tpu.memory_space<semaphore_mem>> -> memref<!tpu.dma_semaphore, #tpu.memory_space<semaphore_mem>>
    %dma_wait3A_303 = arith.constant 384 : i32
    %dma_wait3A_304 = tpu.memref_slice %arg5[%add3A_140, %dma_wait3A_303] : memref<16384x428xf32, #tpu.memory_space<hbm>> -> memref<64x44xf32, #tpu.memory_space<hbm>>
    %dma_wait3A_305 = arith.constant 0 : i32
    %dma_wait3A_306 = arith.constant 0 : i32
    %dma_wait3A_307 = tpu.memref_slice %arg9[%dma_wait3A_293, %dma_wait3A_305, %dma_wait3A_306] : memref<2x64x44xf32, #tpu.memory_space<vmem>> -> memref<1x64x44xf32, #tpu.memory_space<vmem>>
    %dma_wait3A_308 = tpu.memref_squeeze %dma_wait3A_307 : memref<1x64x44xf32, #tpu.memory_space<vmem>> -> memref<64x44xf32, #tpu.memory_space<vmem>>
    tpu.wait_dma2 semaphore(%dma_wait3A_302 : memref<!tpu.dma_semaphore, #tpu.memory_space<semaphore_mem>>) src(%dma_wait3A_308 : memref<64x44xf32, #tpu.memory_space<vmem>>) dst(%dma_wait3A_304 : memref<64x44xf32, #tpu.memory_space<hbm>>)
    %mul3A_309 = arith.constant 512 : i32
    %mul3A_310 = arith.muli %add3A, %mul3A_309 : i32
    %add3A_311 = arith.constant 192 : i32
    %add3A_312 = arith.addi %mul3A_310, %add3A_311 : i32
    %dma_start3A_313 = arith.constant 1 : i32
    %dma_start3A_314 = arith.constant 1 : i32
    %dma_start3A_315 = arith.constant 0 : i32
    %dma_start3A_316 = arith.constant 0 : i32
    %dma_start3A_317 = tpu.memref_slice %arg7[%dma_start3A_313, %dma_start3A_315, %dma_start3A_316] : memref<2x64x384xf32, #tpu.memory_space<vmem>> -> memref<1x64x384xf32, #tpu.memory_space<vmem>>
    %dma_start3A_318 = tpu.memref_squeeze %dma_start3A_317 : memref<1x64x384xf32, #tpu.memory_space<vmem>> -> memref<64x384xf32, #tpu.memory_space<vmem>>
    %dma_start3A_319 = arith.constant 192 : i32
    %dma_start3A_320 = tpu.memref_slice %arg6[%dma_start3A_319] : memref<512xi32, #tpu.memory_space<vmem>> -> memref<64xi32, #tpu.memory_space<vmem>>
    %dma_start3A_321 = arith.constant 0 : i32
    %dma_start3A_322 = arith.constant 0 : i32
    %dma_start3A_323 = tpu.memref_slice %arg4[%dma_start3A_321, %dma_start3A_322] : memref<100000x300xf32, #tpu.memory_space<hbm>> -> memref<100000x384xf32, #tpu.memory_space<hbm>>
    %dma_start3A_324 = tpu.memref_slice %arg10[%dma_start3A_314] : memref<2x!tpu.dma_semaphore, #tpu.memory_space<semaphore_mem>> -> memref<1x!tpu.dma_semaphore, #tpu.memory_space<semaphore_mem>>
    %dma_start3A_325 = tpu.memref_squeeze %dma_start3A_324 : memref<1x!tpu.dma_semaphore, #tpu.memory_space<semaphore_mem>> -> memref<!tpu.dma_semaphore, #tpu.memory_space<semaphore_mem>>
    tpu.enqueue_indirect_dma source(%dma_start3A_323 : memref<100000x384xf32, #tpu.memory_space<hbm>>) target(%dma_start3A_318 : memref<64x384xf32, #tpu.memory_space<vmem>>) offsets(%dma_start3A_320 : memref<64xi32, #tpu.memory_space<vmem>>) semaphore(%dma_start3A_325 : memref<!tpu.dma_semaphore, #tpu.memory_space<semaphore_mem>>)
    %dma_start3A_326 = arith.constant 1 : i32
    %dma_start3A_327 = arith.constant 1 : i32
    %dma_start3A_328 = arith.constant 0 : i32
    %dma_start3A_329 = arith.constant 0 : i32
    %dma_start3A_330 = tpu.memref_slice %arg8[%dma_start3A_326, %dma_start3A_328, %dma_start3A_329] : memref<2x64x128xf32, #tpu.memory_space<vmem>> -> memref<1x64x128xf32, #tpu.memory_space<vmem>>
    %dma_start3A_331 = tpu.memref_squeeze %dma_start3A_330 : memref<1x64x128xf32, #tpu.memory_space<vmem>> -> memref<64x128xf32, #tpu.memory_space<vmem>>
    %dma_start3A_332 = arith.constant 0 : i32
    %dma_start3A_333 = tpu.memref_slice %arg2[%add3A_312, %dma_start3A_332] : memref<16384x128xf32, #tpu.memory_space<hbm>> -> memref<64x128xf32, #tpu.memory_space<hbm>>
    %dma_start3A_334 = tpu.memref_slice %arg11[%dma_start3A_327] : memref<2x!tpu.dma_semaphore, #tpu.memory_space<semaphore_mem>> -> memref<1x!tpu.dma_semaphore, #tpu.memory_space<semaphore_mem>>
    %dma_start3A_335 = tpu.memref_squeeze %dma_start3A_334 : memref<1x!tpu.dma_semaphore, #tpu.memory_space<semaphore_mem>> -> memref<!tpu.dma_semaphore, #tpu.memory_space<semaphore_mem>>
    %dma_start3A_336 = arith.constant 0 : i32
    %dma_start3A_337 = arith.constant 0 : i32
    %dma_start3A_338 = tpu.memref_slice %arg8[%dma_start3A_326, %dma_start3A_336, %dma_start3A_337] : memref<2x64x128xf32, #tpu.memory_space<vmem>> -> memref<1x64x128xf32, #tpu.memory_space<vmem>>
    %dma_start3A_339 = tpu.memref_squeeze %dma_start3A_338 : memref<1x64x128xf32, #tpu.memory_space<vmem>> -> memref<64x128xf32, #tpu.memory_space<vmem>>
    %dma_start3A_340 = arith.constant 0 : i32
    %dma_start3A_341 = tpu.memref_slice %arg2[%add3A_312, %dma_start3A_340] : memref<16384x128xf32, #tpu.memory_space<hbm>> -> memref<64x128xf32, #tpu.memory_space<hbm>>
    tpu.enqueue_dma source(%dma_start3A_341 : memref<64x128xf32, #tpu.memory_space<hbm>>) target(%dma_start3A_339 : memref<64x128xf32, #tpu.memory_space<vmem>>) target_semaphore(%dma_start3A_335 : memref<!tpu.dma_semaphore, #tpu.memory_space<semaphore_mem>>)
    %dma_wait3A_342 = arith.constant 0 : i32
    %dma_wait3A_343 = arith.constant 0 : i32
    %dma_wait3A_344 = arith.constant 0 : i32
    %dma_wait3A_345 = arith.constant 0 : i32
    %dma_wait3A_346 = tpu.memref_slice %arg7[%dma_wait3A_342, %dma_wait3A_344, %dma_wait3A_345] : memref<2x64x384xf32, #tpu.memory_space<vmem>> -> memref<1x64x384xf32, #tpu.memory_space<vmem>>
    %dma_wait3A_347 = tpu.memref_squeeze %dma_wait3A_346 : memref<1x64x384xf32, #tpu.memory_space<vmem>> -> memref<64x384xf32, #tpu.memory_space<vmem>>
    %dma_wait3A_348 = arith.constant 128 : i32
    %dma_wait3A_349 = tpu.memref_slice %arg6[%dma_wait3A_348] : memref<512xi32, #tpu.memory_space<vmem>> -> memref<64xi32, #tpu.memory_space<vmem>>
    %dma_wait3A_350 = arith.constant 0 : i32
    %dma_wait3A_351 = arith.constant 0 : i32
    %dma_wait3A_352 = tpu.memref_slice %arg4[%dma_wait3A_350, %dma_wait3A_351] : memref<100000x300xf32, #tpu.memory_space<hbm>> -> memref<100000x384xf32, #tpu.memory_space<hbm>>
    %dma_wait3A_353 = tpu.memref_slice %arg10[%dma_wait3A_343] : memref<2x!tpu.dma_semaphore, #tpu.memory_space<semaphore_mem>> -> memref<1x!tpu.dma_semaphore, #tpu.memory_space<semaphore_mem>>
    %dma_wait3A_354 = tpu.memref_squeeze %dma_wait3A_353 : memref<1x!tpu.dma_semaphore, #tpu.memory_space<semaphore_mem>> -> memref<!tpu.dma_semaphore, #tpu.memory_space<semaphore_mem>>
    tpu.wait_indirect_dma semaphore(%dma_wait3A_354 : memref<!tpu.dma_semaphore, #tpu.memory_space<semaphore_mem>>) src(%dma_wait3A_352 : memref<100000x384xf32, #tpu.memory_space<hbm>>) dst(%dma_wait3A_347 : memref<64x384xf32, #tpu.memory_space<vmem>>)
    %dma_wait3A_355 = arith.constant 0 : i32
    %dma_wait3A_356 = arith.constant 0 : i32
    %dma_wait3A_357 = arith.constant 0 : i32
    %dma_wait3A_358 = arith.constant 0 : i32
    %dma_wait3A_359 = tpu.memref_slice %arg8[%dma_wait3A_355, %dma_wait3A_357, %dma_wait3A_358] : memref<2x64x128xf32, #tpu.memory_space<vmem>> -> memref<1x64x128xf32, #tpu.memory_space<vmem>>
    %dma_wait3A_360 = tpu.memref_squeeze %dma_wait3A_359 : memref<1x64x128xf32, #tpu.memory_space<vmem>> -> memref<64x128xf32, #tpu.memory_space<vmem>>
    %dma_wait3A_361 = arith.constant 0 : i32
    %dma_wait3A_362 = tpu.memref_slice %arg2[%add3A_176, %dma_wait3A_361] : memref<16384x128xf32, #tpu.memory_space<hbm>> -> memref<64x128xf32, #tpu.memory_space<hbm>>
    %dma_wait3A_363 = tpu.memref_slice %arg11[%dma_wait3A_356] : memref<2x!tpu.dma_semaphore, #tpu.memory_space<semaphore_mem>> -> memref<1x!tpu.dma_semaphore, #tpu.memory_space<semaphore_mem>>
    %dma_wait3A_364 = tpu.memref_squeeze %dma_wait3A_363 : memref<1x!tpu.dma_semaphore, #tpu.memory_space<semaphore_mem>> -> memref<!tpu.dma_semaphore, #tpu.memory_space<semaphore_mem>>
    %dma_wait3A_365 = arith.constant 0 : i32
    %dma_wait3A_366 = arith.constant 0 : i32
    %dma_wait3A_367 = tpu.memref_slice %arg8[%dma_wait3A_355, %dma_wait3A_365, %dma_wait3A_366] : memref<2x64x128xf32, #tpu.memory_space<vmem>> -> memref<1x64x128xf32, #tpu.memory_space<vmem>>
    %dma_wait3A_368 = tpu.memref_squeeze %dma_wait3A_367 : memref<1x64x128xf32, #tpu.memory_space<vmem>> -> memref<64x128xf32, #tpu.memory_space<vmem>>
    %dma_wait3A_369 = arith.constant 0 : i32
    %dma_wait3A_370 = tpu.memref_slice %arg2[%add3A_176, %dma_wait3A_369] : memref<16384x128xf32, #tpu.memory_space<hbm>> -> memref<64x128xf32, #tpu.memory_space<hbm>>
    tpu.wait_dma2 semaphore(%dma_wait3A_364 : memref<!tpu.dma_semaphore, #tpu.memory_space<semaphore_mem>>) src(%dma_wait3A_370 : memref<64x128xf32, #tpu.memory_space<hbm>>) dst(%dma_wait3A_368 : memref<64x128xf32, #tpu.memory_space<vmem>>)
    %scan3A_371 = arith.constant 0 : i32
    %scan3A_372 = arith.constant 0 : i32
    %scan3A_373 = arith.constant 64 : i32
    %scan3A_374 = arith.addi %scan3A_372, %scan3A_373 : i32
    %scan3A_375 = arith.constant 1 : i32
    scf.for %scan3A_1088 = %scan3A_372 to %scan3A_374 step %scan3A_375  : i32 {
      %get3A = arith.constant 0 : i32
      %get3A_1089 = arith.index_cast %get3A : i32 to index
      %get3A_1090 = arith.index_cast %scan3A_1088 : i32 to index
      %get3A_1091 = arith.constant 288 : index
      %get3A_1092 = tpu.vector_load %arg7[%get3A_1089, %get3A_1090, %get3A_1091] {strides = array<i32>} : memref<2x64x384xf32, #tpu.memory_space<vmem>>, vector<1x1x16xf32>,
      %get3A_1093 = vector.shape_cast %get3A_1092 : vector<1x1x16xf32> to vector<16xf32>
      %get3A_1094 = arith.constant 0 : i32
      %get3A_1095 = arith.index_cast %get3A_1094 : i32 to index
      %get3A_1096 = arith.index_cast %scan3A_1088 : i32 to index
      %get3A_1097 = arith.constant 0 : index
      %get3A_1098 = tpu.vector_load %arg8[%get3A_1095, %get3A_1096, %get3A_1097] {strides = array<i32>} : memref<2x64x128xf32, #tpu.memory_space<vmem>>, vector<1x1x16xf32>,
      %get3A_1099 = vector.shape_cast %get3A_1098 : vector<1x1x16xf32> to vector<16xf32>
      %iota3A_1100 = tpu.iota {dimensions = array<i32: 0>} : vector<16xi32>
      %add3A_1101 = arith.constant 4 : i32
      %add3A_1102 = vector.broadcast %add3A_1101 : i32 to vector<16xi32>
      %add3A_1103 = arith.addi %iota3A_1100, %add3A_1102 : vector<16xi32>
      %jit3A = arith.constant 16 : i32
      %eq3A = arith.constant 0 : i32
      %eq3A_1104 = arith.cmpi eq, %jit3A, %eq3A : i32
      %jit3A_1105 = arith.constant 1 : i32
      %select_n3A = arith.select %eq3A_1104, %jit3A_1105, %jit3A : i32
      %rem3A = vector.broadcast %select_n3A : i32 to vector<16xi32>
      %rem3A_1106 = arith.remsi %add3A_1103, %rem3A : vector<16xi32>
      %ne3A = arith.constant 0 : i32
      %ne3A_1107 = vector.broadcast %ne3A : i32 to vector<16xi32>
      %ne3A_1108 = arith.cmpi ne, %rem3A_1106, %ne3A_1107 : vector<16xi32>
      %lt3A = arith.constant 0 : i32
      %lt3A_1109 = vector.broadcast %lt3A : i32 to vector<16xi32>
      %lt3A_1110 = arith.cmpi slt, %rem3A_1106, %lt3A_1109 : vector<16xi32>
      %lt3A_1111 = arith.constant 0 : i32
      %lt3A_1112 = arith.cmpi slt, %select_n3A, %lt3A_1111 : i32
      %ne3A_1113 = vector.broadcast %lt3A_1112 : i1 to vector<16xi1>
      %ne3A_1114 = vector.broadcast %ne3A_1113 : vector<16xi1> to vector<16xi1>
      %ne3A_1115 = arith.xori %lt3A_1110, %ne3A_1114 : vector<16xi1>
      %and3A = arith.andi %ne3A_1115, %ne3A_1108 : vector<16xi1>
      %add3A_1116 = vector.broadcast %select_n3A : i32 to vector<16xi32>
      %add3A_1117 = arith.addi %rem3A_1106, %add3A_1116 : vector<16xi32>
      %select_n3A_1118 = arith.select %and3A, %add3A_1117, %rem3A_1106 : vector<16xi1>, vector<16xi32>
      %broadcast_in_dim3A = vector.shape_cast %select_n3A_1118 : vector<16xi32> to vector<16x1xi32>
      %gather3A = vector.shape_cast %broadcast_in_dim3A : vector<16x1xi32> to vector<16xi32>
      %gather3A_1119 = tpu.dynamic_gather %get3A_1099[%gather3A] in [0] : vector<16xf32>, vector<16xi32> -> vector<16xf32>
      %lt3A_1120 = arith.constant 12 : i32
      %lt3A_1121 = vector.broadcast %lt3A_1120 : i32 to vector<16xi32>
      %lt3A_1122 = arith.cmpi slt, %iota3A, %lt3A_1121 : vector<16xi32>
      %select_n3A_1123 = arith.select %lt3A_1122, %get3A_1093, %gather3A_1119 : vector<16xi1>, vector<16xf32>
      %swap3A = arith.constant 0 : i32
      %swap3A_1124 = arith.index_cast %swap3A : i32 to index
      %swap3A_1125 = arith.index_cast %scan3A_1088 : i32 to index
      %swap3A_1126 = arith.constant 288 : index
      %swap3A_1127 = tpu.vector_load %arg7[%swap3A_1124, %swap3A_1125, %swap3A_1126] {strides = array<i32>} : memref<2x64x384xf32, #tpu.memory_space<vmem>>, vector<1x1x16xf32>,
      %swap3A_1128 = vector.shape_cast %swap3A_1127 : vector<1x1x16xf32> to vector<16xf32>
      %swap3A_1129 = vector.shape_cast %select_n3A_1123 : vector<16xf32> to vector<1x1x16xf32>
      tpu.vector_store %arg7[%swap3A_1124, %swap3A_1125, %swap3A_1126], %swap3A_1129 {strides = array<i32>} : memref<2x64x384xf32, #tpu.memory_space<vmem>>, vector<1x1x16xf32>,
      %get3A_1130 = arith.constant 0 : i32
      %get3A_1131 = arith.index_cast %get3A_1130 : i32 to index
      %get3A_1132 = arith.index_cast %scan3A_1088 : i32 to index
      %get3A_1133 = arith.constant 4 : index
      %get3A_1134 = tpu.vector_load %arg8[%get3A_1131, %get3A_1132, %get3A_1133] {strides = array<i32>} : memref<2x64x128xf32, #tpu.memory_space<vmem>>, vector<1x1x16xf32>,
      %get3A_1135 = vector.shape_cast %get3A_1134 : vector<1x1x16xf32> to vector<16xf32>
      %swap3A_1136 = arith.constant 0 : i32
      %swap3A_1137 = arith.index_cast %swap3A_1136 : i32 to index
      %swap3A_1138 = arith.index_cast %scan3A_1088 : i32 to index
      %swap3A_1139 = arith.constant 304 : index
      %swap3A_1140 = tpu.vector_load %arg7[%swap3A_1137, %swap3A_1138, %swap3A_1139] {strides = array<i32>} : memref<2x64x384xf32, #tpu.memory_space<vmem>>, vector<1x1x16xf32>,
      %swap3A_1141 = vector.shape_cast %swap3A_1140 : vector<1x1x16xf32> to vector<16xf32>
      %swap3A_1142 = vector.shape_cast %get3A_1135 : vector<16xf32> to vector<1x1x16xf32>
      tpu.vector_store %arg7[%swap3A_1137, %swap3A_1138, %swap3A_1139], %swap3A_1142 {strides = array<i32>} : memref<2x64x384xf32, #tpu.memory_space<vmem>>, vector<1x1x16xf32>,
      %get3A_1143 = arith.constant 0 : i32
      %get3A_1144 = arith.index_cast %get3A_1143 : i32 to index
      %get3A_1145 = arith.index_cast %scan3A_1088 : i32 to index
      %get3A_1146 = arith.constant 20 : index
      %get3A_1147 = tpu.vector_load %arg8[%get3A_1144, %get3A_1145, %get3A_1146] {strides = array<i32>} : memref<2x64x128xf32, #tpu.memory_space<vmem>>, vector<1x1x16xf32>,
      %get3A_1148 = vector.shape_cast %get3A_1147 : vector<1x1x16xf32> to vector<16xf32>
      %swap3A_1149 = arith.constant 0 : i32
      %swap3A_1150 = arith.index_cast %swap3A_1149 : i32 to index
      %swap3A_1151 = arith.index_cast %scan3A_1088 : i32 to index
      %swap3A_1152 = arith.constant 320 : index
      %swap3A_1153 = tpu.vector_load %arg7[%swap3A_1150, %swap3A_1151, %swap3A_1152] {strides = array<i32>} : memref<2x64x384xf32, #tpu.memory_space<vmem>>, vector<1x1x16xf32>,
      %swap3A_1154 = vector.shape_cast %swap3A_1153 : vector<1x1x16xf32> to vector<16xf32>
      %swap3A_1155 = vector.shape_cast %get3A_1148 : vector<16xf32> to vector<1x1x16xf32>
      tpu.vector_store %arg7[%swap3A_1150, %swap3A_1151, %swap3A_1152], %swap3A_1155 {strides = array<i32>} : memref<2x64x384xf32, #tpu.memory_space<vmem>>, vector<1x1x16xf32>,
      %get3A_1156 = arith.constant 0 : i32
      %get3A_1157 = arith.index_cast %get3A_1156 : i32 to index
      %get3A_1158 = arith.index_cast %scan3A_1088 : i32 to index
      %get3A_1159 = arith.constant 36 : index
      %get3A_1160 = tpu.vector_load %arg8[%get3A_1157, %get3A_1158, %get3A_1159] {strides = array<i32>} : memref<2x64x128xf32, #tpu.memory_space<vmem>>, vector<1x1x16xf32>,
      %get3A_1161 = vector.shape_cast %get3A_1160 : vector<1x1x16xf32> to vector<16xf32>
      %swap3A_1162 = arith.constant 0 : i32
      %swap3A_1163 = arith.index_cast %swap3A_1162 : i32 to index
      %swap3A_1164 = arith.index_cast %scan3A_1088 : i32 to index
      %swap3A_1165 = arith.constant 336 : index
      %swap3A_1166 = tpu.vector_load %arg7[%swap3A_1163, %swap3A_1164, %swap3A_1165] {strides = array<i32>} : memref<2x64x384xf32, #tpu.memory_space<vmem>>, vector<1x1x16xf32>,
      %swap3A_1167 = vector.shape_cast %swap3A_1166 : vector<1x1x16xf32> to vector<16xf32>
      %swap3A_1168 = vector.shape_cast %get3A_1161 : vector<16xf32> to vector<1x1x16xf32>
      tpu.vector_store %arg7[%swap3A_1163, %swap3A_1164, %swap3A_1165], %swap3A_1168 {strides = array<i32>} : memref<2x64x384xf32, #tpu.memory_space<vmem>>, vector<1x1x16xf32>,
      %get3A_1169 = arith.constant 0 : i32
      %get3A_1170 = arith.index_cast %get3A_1169 : i32 to index
      %get3A_1171 = arith.index_cast %scan3A_1088 : i32 to index
      %get3A_1172 = arith.constant 52 : index
      %get3A_1173 = tpu.vector_load %arg8[%get3A_1170, %get3A_1171, %get3A_1172] {strides = array<i32>} : memref<2x64x128xf32, #tpu.memory_space<vmem>>, vector<1x1x16xf32>,
      %get3A_1174 = vector.shape_cast %get3A_1173 : vector<1x1x16xf32> to vector<16xf32>
      %swap3A_1175 = arith.constant 0 : i32
      %swap3A_1176 = arith.index_cast %swap3A_1175 : i32 to index
      %swap3A_1177 = arith.index_cast %scan3A_1088 : i32 to index
      %swap3A_1178 = arith.constant 352 : index
      %swap3A_1179 = tpu.vector_load %arg7[%swap3A_1176, %swap3A_1177, %swap3A_1178] {strides = array<i32>} : memref<2x64x384xf32, #tpu.memory_space<vmem>>, vector<1x1x16xf32>,
      %swap3A_1180 = vector.shape_cast %swap3A_1179 : vector<1x1x16xf32> to vector<16xf32>
      %swap3A_1181 = vector.shape_cast %get3A_1174 : vector<16xf32> to vector<1x1x16xf32>
      tpu.vector_store %arg7[%swap3A_1176, %swap3A_1177, %swap3A_1178], %swap3A_1181 {strides = array<i32>} : memref<2x64x384xf32, #tpu.memory_space<vmem>>, vector<1x1x16xf32>,
      %get3A_1182 = arith.constant 0 : i32
      %get3A_1183 = arith.index_cast %get3A_1182 : i32 to index
      %get3A_1184 = arith.index_cast %scan3A_1088 : i32 to index
      %get3A_1185 = arith.constant 68 : index
      %get3A_1186 = tpu.vector_load %arg8[%get3A_1183, %get3A_1184, %get3A_1185] {strides = array<i32>} : memref<2x64x128xf32, #tpu.memory_space<vmem>>, vector<1x1x16xf32>,
      %get3A_1187 = vector.shape_cast %get3A_1186 : vector<1x1x16xf32> to vector<16xf32>
      %swap3A_1188 = arith.constant 0 : i32
      %swap3A_1189 = arith.index_cast %swap3A_1188 : i32 to index
      %swap3A_1190 = arith.index_cast %scan3A_1088 : i32 to index
      %swap3A_1191 = arith.constant 368 : index
      %swap3A_1192 = tpu.vector_load %arg7[%swap3A_1189, %swap3A_1190, %swap3A_1191] {strides = array<i32>} : memref<2x64x384xf32, #tpu.memory_space<vmem>>, vector<1x1x16xf32>,
      %swap3A_1193 = vector.shape_cast %swap3A_1192 : vector<1x1x16xf32> to vector<16xf32>
      %swap3A_1194 = vector.shape_cast %get3A_1187 : vector<16xf32> to vector<1x1x16xf32>
      tpu.vector_store %arg7[%swap3A_1189, %swap3A_1190, %swap3A_1191], %swap3A_1194 {strides = array<i32>} : memref<2x64x384xf32, #tpu.memory_space<vmem>>, vector<1x1x16xf32>,
      %get3A_1195 = arith.constant 0 : i32
      %get3A_1196 = arith.index_cast %get3A_1195 : i32 to index
      %get3A_1197 = arith.index_cast %scan3A_1088 : i32 to index
      %get3A_1198 = arith.constant 84 : index
      %get3A_1199 = tpu.vector_load %arg8[%get3A_1196, %get3A_1197, %get3A_1198] {strides = array<i32>} : memref<2x64x128xf32, #tpu.memory_space<vmem>>, vector<1x1x16xf32>,
      %get3A_1200 = vector.shape_cast %get3A_1199 : vector<1x1x16xf32> to vector<16xf32>
      %swap3A_1201 = arith.constant 0 : i32
      %swap3A_1202 = arith.index_cast %swap3A_1201 : i32 to index
      %swap3A_1203 = arith.index_cast %scan3A_1088 : i32 to index
      %swap3A_1204 = arith.constant 0 : index
      %swap3A_1205 = tpu.vector_load %arg9[%swap3A_1202, %swap3A_1203, %swap3A_1204] {strides = array<i32>} : memref<2x64x44xf32, #tpu.memory_space<vmem>>, vector<1x1x16xf32>,
      %swap3A_1206 = vector.shape_cast %swap3A_1205 : vector<1x1x16xf32> to vector<16xf32>
      %swap3A_1207 = vector.shape_cast %get3A_1200 : vector<16xf32> to vector<1x1x16xf32>
      tpu.vector_store %arg9[%swap3A_1202, %swap3A_1203, %swap3A_1204], %swap3A_1207 {strides = array<i32>} : memref<2x64x44xf32, #tpu.memory_space<vmem>>, vector<1x1x16xf32>,
      %get3A_1208 = arith.constant 0 : i32
      %get3A_1209 = arith.index_cast %get3A_1208 : i32 to index
      %get3A_1210 = arith.index_cast %scan3A_1088 : i32 to index
      %get3A_1211 = arith.constant 112 : index
      %get3A_1212 = tpu.vector_load %arg8[%get3A_1209, %get3A_1210, %get3A_1211] {strides = array<i32>} : memref<2x64x128xf32, #tpu.memory_space<vmem>>, vector<1x1x16xf32>,
      %get3A_1213 = vector.shape_cast %get3A_1212 : vector<1x1x16xf32> to vector<16xf32>
      %swap3A_1214 = arith.constant 0 : i32
      %swap3A_1215 = arith.index_cast %swap3A_1214 : i32 to index
      %swap3A_1216 = arith.index_cast %scan3A_1088 : i32 to index
      %swap3A_1217 = arith.constant 28 : index
      %swap3A_1218 = tpu.vector_load %arg9[%swap3A_1215, %swap3A_1216, %swap3A_1217] {strides = array<i32>} : memref<2x64x44xf32, #tpu.memory_space<vmem>>, vector<1x1x16xf32>,
      %swap3A_1219 = vector.shape_cast %swap3A_1218 : vector<1x1x16xf32> to vector<16xf32>
      %swap3A_1220 = vector.shape_cast %get3A_1213 : vector<16xf32> to vector<1x1x16xf32>
      tpu.vector_store %arg9[%swap3A_1215, %swap3A_1216, %swap3A_1217], %swap3A_1220 {strides = array<i32>} : memref<2x64x44xf32, #tpu.memory_space<vmem>>, vector<1x1x16xf32>,
      %get3A_1221 = arith.constant 0 : i32
      %get3A_1222 = arith.index_cast %get3A_1221 : i32 to index
      %get3A_1223 = arith.index_cast %scan3A_1088 : i32 to index
      %get3A_1224 = arith.constant 100 : index
      %get3A_1225 = tpu.vector_load %arg8[%get3A_1222, %get3A_1223, %get3A_1224] {strides = array<i32>} : memref<2x64x128xf32, #tpu.memory_space<vmem>>, vector<1x1x16xf32>,
      %get3A_1226 = vector.shape_cast %get3A_1225 : vector<1x1x16xf32> to vector<16xf32>
      %swap3A_1227 = arith.constant 0 : i32
      %swap3A_1228 = arith.index_cast %swap3A_1227 : i32 to index
      %swap3A_1229 = arith.index_cast %scan3A_1088 : i32 to index
      %swap3A_1230 = arith.constant 16 : index
      %swap3A_1231 = tpu.vector_load %arg9[%swap3A_1228, %swap3A_1229, %swap3A_1230] {strides = array<i32>} : memref<2x64x44xf32, #tpu.memory_space<vmem>>, vector<1x1x16xf32>,
      %swap3A_1232 = vector.shape_cast %swap3A_1231 : vector<1x1x16xf32> to vector<16xf32>
      %swap3A_1233 = vector.shape_cast %get3A_1226 : vector<16xf32> to vector<1x1x16xf32>
      tpu.vector_store %arg9[%swap3A_1228, %swap3A_1229, %swap3A_1230], %swap3A_1233 {strides = array<i32>} : memref<2x64x44xf32, #tpu.memory_space<vmem>>, vector<1x1x16xf32>,
    }
    %scan3A_376 = arith.constant 64 : i32
    %dma_start3A_377 = arith.constant 0 : i32
    %dma_start3A_378 = arith.constant 0 : i32
    %dma_start3A_379 = arith.constant 0 : i32
    %dma_start3A_380 = arith.constant 0 : i32
    %dma_start3A_381 = tpu.memref_slice %arg7[%dma_start3A_377, %dma_start3A_379, %dma_start3A_380] : memref<2x64x384xf32, #tpu.memory_space<vmem>> -> memref<1x64x384xf32, #tpu.memory_space<vmem>>
    %dma_start3A_382 = tpu.memref_squeeze %dma_start3A_381 : memref<1x64x384xf32, #tpu.memory_space<vmem>> -> memref<64x384xf32, #tpu.memory_space<vmem>>
    %dma_start3A_383 = arith.constant 0 : i32
    %dma_start3A_384 = tpu.memref_slice %arg5[%add3A_276, %dma_start3A_383] : memref<16384x428xf32, #tpu.memory_space<hbm>> -> memref<64x384xf32, #tpu.memory_space<hbm>>
    %dma_start3A_385 = tpu.memref_slice %arg12[%dma_start3A_378] : memref<2x!tpu.dma_semaphore, #tpu.memory_space<semaphore_mem>> -> memref<1x!tpu.dma_semaphore, #tpu.memory_space<semaphore_mem>>
    %dma_start3A_386 = tpu.memref_squeeze %dma_start3A_385 : memref<1x!tpu.dma_semaphore, #tpu.memory_space<semaphore_mem>> -> memref<!tpu.dma_semaphore, #tpu.memory_space<semaphore_mem>>
    %dma_start3A_387 = arith.constant 0 : i32
    %dma_start3A_388 = tpu.memref_slice %arg5[%add3A_276, %dma_start3A_387] : memref<16384x428xf32, #tpu.memory_space<hbm>> -> memref<64x384xf32, #tpu.memory_space<hbm>>
    %dma_start3A_389 = arith.constant 0 : i32
    %dma_start3A_390 = arith.constant 0 : i32
    %dma_start3A_391 = tpu.memref_slice %arg7[%dma_start3A_377, %dma_start3A_389, %dma_start3A_390] : memref<2x64x384xf32, #tpu.memory_space<vmem>> -> memref<1x64x384xf32, #tpu.memory_space<vmem>>
    %dma_start3A_392 = tpu.memref_squeeze %dma_start3A_391 : memref<1x64x384xf32, #tpu.memory_space<vmem>> -> memref<64x384xf32, #tpu.memory_space<vmem>>
    tpu.enqueue_dma source(%dma_start3A_392 : memref<64x384xf32, #tpu.memory_space<vmem>>) target(%dma_start3A_388 : memref<64x384xf32, #tpu.memory_space<hbm>>) target_semaphore(%dma_start3A_386 : memref<!tpu.dma_semaphore, #tpu.memory_space<semaphore_mem>>)
    %dma_start3A_393 = arith.constant 0 : i32
    %dma_start3A_394 = arith.constant 0 : i32
    %dma_start3A_395 = arith.constant 0 : i32
    %dma_start3A_396 = arith.constant 0 : i32
    %dma_start3A_397 = tpu.memref_slice %arg9[%dma_start3A_393, %dma_start3A_395, %dma_start3A_396] : memref<2x64x44xf32, #tpu.memory_space<vmem>> -> memref<1x64x44xf32, #tpu.memory_space<vmem>>
    %dma_start3A_398 = tpu.memref_squeeze %dma_start3A_397 : memref<1x64x44xf32, #tpu.memory_space<vmem>> -> memref<64x44xf32, #tpu.memory_space<vmem>>
    %dma_start3A_399 = arith.constant 384 : i32
    %dma_start3A_400 = tpu.memref_slice %arg5[%add3A_276, %dma_start3A_399] : memref<16384x428xf32, #tpu.memory_space<hbm>> -> memref<64x44xf32, #tpu.memory_space<hbm>>
    %dma_start3A_401 = tpu.memref_slice %arg13[%dma_start3A_394] : memref<2x!tpu.dma_semaphore, #tpu.memory_space<semaphore_mem>> -> memref<1x!tpu.dma_semaphore, #tpu.memory_space<semaphore_mem>>
    %dma_start3A_402 = tpu.memref_squeeze %dma_start3A_401 : memref<1x!tpu.dma_semaphore, #tpu.memory_space<semaphore_mem>> -> memref<!tpu.dma_semaphore, #tpu.memory_space<semaphore_mem>>
    %dma_start3A_403 = arith.constant 384 : i32
    %dma_start3A_404 = tpu.memref_slice %arg5[%add3A_276, %dma_start3A_403] : memref<16384x428xf32, #tpu.memory_space<hbm>> -> memref<64x44xf32, #tpu.memory_space<hbm>>
    %dma_start3A_405 = arith.constant 0 : i32
    %dma_start3A_406 = arith.constant 0 : i32
    %dma_start3A_407 = tpu.memref_slice %arg9[%dma_start3A_393, %dma_start3A_405, %dma_start3A_406] : memref<2x64x44xf32, #tpu.memory_space<vmem>> -> memref<1x64x44xf32, #tpu.memory_space<vmem>>
    %dma_start3A_408 = tpu.memref_squeeze %dma_start3A_407 : memref<1x64x44xf32, #tpu.memory_space<vmem>> -> memref<64x44xf32, #tpu.memory_space<vmem>>
    tpu.enqueue_dma source(%dma_start3A_408 : memref<64x44xf32, #tpu.memory_space<vmem>>) target(%dma_start3A_404 : memref<64x44xf32, #tpu.memory_space<hbm>>) target_semaphore(%dma_start3A_402 : memref<!tpu.dma_semaphore, #tpu.memory_space<semaphore_mem>>)
    %mul3A_409 = arith.constant 512 : i32
    %mul3A_410 = arith.muli %add3A, %mul3A_409 : i32
    %add3A_411 = arith.constant 192 : i32
    %add3A_412 = arith.addi %mul3A_410, %add3A_411 : i32
    %dma_wait3A_413 = arith.constant 0 : i32
    %dma_wait3A_414 = arith.constant 0 : i32
    %dma_wait3A_415 = arith.constant 0 : i32
    %dma_wait3A_416 = arith.constant 0 : i32
    %dma_wait3A_417 = tpu.memref_slice %arg7[%dma_wait3A_413, %dma_wait3A_415, %dma_wait3A_416] : memref<2x64x384xf32, #tpu.memory_space<vmem>> -> memref<1x64x384xf32, #tpu.memory_space<vmem>>
    %dma_wait3A_418 = tpu.memref_squeeze %dma_wait3A_417 : memref<1x64x384xf32, #tpu.memory_space<vmem>> -> memref<64x384xf32, #tpu.memory_space<vmem>>
    %dma_wait3A_419 = arith.constant 0 : i32
    %dma_wait3A_420 = tpu.memref_slice %arg5[%add3A_276, %dma_wait3A_419] : memref<16384x428xf32, #tpu.memory_space<hbm>> -> memref<64x384xf32, #tpu.memory_space<hbm>>
    %dma_wait3A_421 = tpu.memref_slice %arg12[%dma_wait3A_414] : memref<2x!tpu.dma_semaphore, #tpu.memory_space<semaphore_mem>> -> memref<1x!tpu.dma_semaphore, #tpu.memory_space<semaphore_mem>>
    %dma_wait3A_422 = tpu.memref_squeeze %dma_wait3A_421 : memref<1x!tpu.dma_semaphore, #tpu.memory_space<semaphore_mem>> -> memref<!tpu.dma_semaphore, #tpu.memory_space<semaphore_mem>>
    %dma_wait3A_423 = arith.constant 0 : i32
    %dma_wait3A_424 = tpu.memref_slice %arg5[%add3A_276, %dma_wait3A_423] : memref<16384x428xf32, #tpu.memory_space<hbm>> -> memref<64x384xf32, #tpu.memory_space<hbm>>
    %dma_wait3A_425 = arith.constant 0 : i32
    %dma_wait3A_426 = arith.constant 0 : i32
    %dma_wait3A_427 = tpu.memref_slice %arg7[%dma_wait3A_413, %dma_wait3A_425, %dma_wait3A_426] : memref<2x64x384xf32, #tpu.memory_space<vmem>> -> memref<1x64x384xf32, #tpu.memory_space<vmem>>
    %dma_wait3A_428 = tpu.memref_squeeze %dma_wait3A_427 : memref<1x64x384xf32, #tpu.memory_space<vmem>> -> memref<64x384xf32, #tpu.memory_space<vmem>>
    tpu.wait_dma2 semaphore(%dma_wait3A_422 : memref<!tpu.dma_semaphore, #tpu.memory_space<semaphore_mem>>) src(%dma_wait3A_428 : memref<64x384xf32, #tpu.memory_space<vmem>>) dst(%dma_wait3A_424 : memref<64x384xf32, #tpu.memory_space<hbm>>)
    %dma_wait3A_429 = arith.constant 0 : i32
    %dma_wait3A_430 = arith.constant 0 : i32
    %dma_wait3A_431 = arith.constant 0 : i32
    %dma_wait3A_432 = arith.constant 0 : i32
    %dma_wait3A_433 = tpu.memref_slice %arg9[%dma_wait3A_429, %dma_wait3A_431, %dma_wait3A_432] : memref<2x64x44xf32, #tpu.memory_space<vmem>> -> memref<1x64x44xf32, #tpu.memory_space<vmem>>
    %dma_wait3A_434 = tpu.memref_squeeze %dma_wait3A_433 : memref<1x64x44xf32, #tpu.memory_space<vmem>> -> memref<64x44xf32, #tpu.memory_space<vmem>>
    %dma_wait3A_435 = arith.constant 384 : i32
    %dma_wait3A_436 = tpu.memref_slice %arg5[%add3A_276, %dma_wait3A_435] : memref<16384x428xf32, #tpu.memory_space<hbm>> -> memref<64x44xf32, #tpu.memory_space<hbm>>
    %dma_wait3A_437 = tpu.memref_slice %arg13[%dma_wait3A_430] : memref<2x!tpu.dma_semaphore, #tpu.memory_space<semaphore_mem>> -> memref<1x!tpu.dma_semaphore, #tpu.memory_space<semaphore_mem>>
    %dma_wait3A_438 = tpu.memref_squeeze %dma_wait3A_437 : memref<1x!tpu.dma_semaphore, #tpu.memory_space<semaphore_mem>> -> memref<!tpu.dma_semaphore, #tpu.memory_space<semaphore_mem>>
    %dma_wait3A_439 = arith.constant 384 : i32
    %dma_wait3A_440 = tpu.memref_slice %arg5[%add3A_276, %dma_wait3A_439] : memref<16384x428xf32, #tpu.memory_space<hbm>> -> memref<64x44xf32, #tpu.memory_space<hbm>>
    %dma_wait3A_441 = arith.constant 0 : i32
    %dma_wait3A_442 = arith.constant 0 : i32
    %dma_wait3A_443 = tpu.memref_slice %arg9[%dma_wait3A_429, %dma_wait3A_441, %dma_wait3A_442] : memref<2x64x44xf32, #tpu.memory_space<vmem>> -> memref<1x64x44xf32, #tpu.memory_space<vmem>>
    %dma_wait3A_444 = tpu.memref_squeeze %dma_wait3A_443 : memref<1x64x44xf32, #tpu.memory_space<vmem>> -> memref<64x44xf32, #tpu.memory_space<vmem>>
    tpu.wait_dma2 semaphore(%dma_wait3A_438 : memref<!tpu.dma_semaphore, #tpu.memory_space<semaphore_mem>>) src(%dma_wait3A_444 : memref<64x44xf32, #tpu.memory_space<vmem>>) dst(%dma_wait3A_440 : memref<64x44xf32, #tpu.memory_space<hbm>>)
    %mul3A_445 = arith.constant 512 : i32
    %mul3A_446 = arith.muli %add3A, %mul3A_445 : i32
    %add3A_447 = arith.constant 256 : i32
    %add3A_448 = arith.addi %mul3A_446, %add3A_447 : i32
    %dma_start3A_449 = arith.constant 0 : i32
    %dma_start3A_450 = arith.constant 0 : i32
    %dma_start3A_451 = arith.constant 0 : i32
    %dma_start3A_452 = arith.constant 0 : i32
    %dma_start3A_453 = tpu.memref_slice %arg7[%dma_start3A_449, %dma_start3A_451, %dma_start3A_452] : memref<2x64x384xf32, #tpu.memory_space<vmem>> -> memref<1x64x384xf32, #tpu.memory_space<vmem>>
    %dma_start3A_454 = tpu.memref_squeeze %dma_start3A_453 : memref<1x64x384xf32, #tpu.memory_space<vmem>> -> memref<64x384xf32, #tpu.memory_space<vmem>>
    %dma_start3A_455 = arith.constant 256 : i32
    %dma_start3A_456 = tpu.memref_slice %arg6[%dma_start3A_455] : memref<512xi32, #tpu.memory_space<vmem>> -> memref<64xi32, #tpu.memory_space<vmem>>
    %dma_start3A_457 = arith.constant 0 : i32
    %dma_start3A_458 = arith.constant 0 : i32
    %dma_start3A_459 = tpu.memref_slice %arg4[%dma_start3A_457, %dma_start3A_458] : memref<100000x300xf32, #tpu.memory_space<hbm>> -> memref<100000x384xf32, #tpu.memory_space<hbm>>
    %dma_start3A_460 = tpu.memref_slice %arg10[%dma_start3A_450] : memref<2x!tpu.dma_semaphore, #tpu.memory_space<semaphore_mem>> -> memref<1x!tpu.dma_semaphore, #tpu.memory_space<semaphore_mem>>
    %dma_start3A_461 = tpu.memref_squeeze %dma_start3A_460 : memref<1x!tpu.dma_semaphore, #tpu.memory_space<semaphore_mem>> -> memref<!tpu.dma_semaphore, #tpu.memory_space<semaphore_mem>>
    tpu.enqueue_indirect_dma source(%dma_start3A_459 : memref<100000x384xf32, #tpu.memory_space<hbm>>) target(%dma_start3A_454 : memref<64x384xf32, #tpu.memory_space<vmem>>) offsets(%dma_start3A_456 : memref<64xi32, #tpu.memory_space<vmem>>) semaphore(%dma_start3A_461 : memref<!tpu.dma_semaphore, #tpu.memory_space<semaphore_mem>>)
    %dma_start3A_462 = arith.constant 0 : i32
    %dma_start3A_463 = arith.constant 0 : i32
    %dma_start3A_464 = arith.constant 0 : i32
    %dma_start3A_465 = arith.constant 0 : i32
    %dma_start3A_466 = tpu.memref_slice %arg8[%dma_start3A_462, %dma_start3A_464, %dma_start3A_465] : memref<2x64x128xf32, #tpu.memory_space<vmem>> -> memref<1x64x128xf32, #tpu.memory_space<vmem>>
    %dma_start3A_467 = tpu.memref_squeeze %dma_start3A_466 : memref<1x64x128xf32, #tpu.memory_space<vmem>> -> memref<64x128xf32, #tpu.memory_space<vmem>>
    %dma_start3A_468 = arith.constant 0 : i32
    %dma_start3A_469 = tpu.memref_slice %arg2[%add3A_448, %dma_start3A_468] : memref<16384x128xf32, #tpu.memory_space<hbm>> -> memref<64x128xf32, #tpu.memory_space<hbm>>
    %dma_start3A_470 = tpu.memref_slice %arg11[%dma_start3A_463] : memref<2x!tpu.dma_semaphore, #tpu.memory_space<semaphore_mem>> -> memref<1x!tpu.dma_semaphore, #tpu.memory_space<semaphore_mem>>
    %dma_start3A_471 = tpu.memref_squeeze %dma_start3A_470 : memref<1x!tpu.dma_semaphore, #tpu.memory_space<semaphore_mem>> -> memref<!tpu.dma_semaphore, #tpu.memory_space<semaphore_mem>>
    %dma_start3A_472 = arith.constant 0 : i32
    %dma_start3A_473 = arith.constant 0 : i32
    %dma_start3A_474 = tpu.memref_slice %arg8[%dma_start3A_462, %dma_start3A_472, %dma_start3A_473] : memref<2x64x128xf32, #tpu.memory_space<vmem>> -> memref<1x64x128xf32, #tpu.memory_space<vmem>>
    %dma_start3A_475 = tpu.memref_squeeze %dma_start3A_474 : memref<1x64x128xf32, #tpu.memory_space<vmem>> -> memref<64x128xf32, #tpu.memory_space<vmem>>
    %dma_start3A_476 = arith.constant 0 : i32
    %dma_start3A_477 = tpu.memref_slice %arg2[%add3A_448, %dma_start3A_476] : memref<16384x128xf32, #tpu.memory_space<hbm>> -> memref<64x128xf32, #tpu.memory_space<hbm>>
    tpu.enqueue_dma source(%dma_start3A_477 : memref<64x128xf32, #tpu.memory_space<hbm>>) target(%dma_start3A_475 : memref<64x128xf32, #tpu.memory_space<vmem>>) target_semaphore(%dma_start3A_471 : memref<!tpu.dma_semaphore, #tpu.memory_space<semaphore_mem>>)
    %dma_wait3A_478 = arith.constant 1 : i32
    %dma_wait3A_479 = arith.constant 1 : i32
    %dma_wait3A_480 = arith.constant 0 : i32
    %dma_wait3A_481 = arith.constant 0 : i32
    %dma_wait3A_482 = tpu.memref_slice %arg7[%dma_wait3A_478, %dma_wait3A_480, %dma_wait3A_481] : memref<2x64x384xf32, #tpu.memory_space<vmem>> -> memref<1x64x384xf32, #tpu.memory_space<vmem>>
    %dma_wait3A_483 = tpu.memref_squeeze %dma_wait3A_482 : memref<1x64x384xf32, #tpu.memory_space<vmem>> -> memref<64x384xf32, #tpu.memory_space<vmem>>
    %dma_wait3A_484 = arith.constant 192 : i32
    %dma_wait3A_485 = tpu.memref_slice %arg6[%dma_wait3A_484] : memref<512xi32, #tpu.memory_space<vmem>> -> memref<64xi32, #tpu.memory_space<vmem>>
    %dma_wait3A_486 = arith.constant 0 : i32
    %dma_wait3A_487 = arith.constant 0 : i32
    %dma_wait3A_488 = tpu.memref_slice %arg4[%dma_wait3A_486, %dma_wait3A_487] : memref<100000x300xf32, #tpu.memory_space<hbm>> -> memref<100000x384xf32, #tpu.memory_space<hbm>>
    %dma_wait3A_489 = tpu.memref_slice %arg10[%dma_wait3A_479] : memref<2x!tpu.dma_semaphore, #tpu.memory_space<semaphore_mem>> -> memref<1x!tpu.dma_semaphore, #tpu.memory_space<semaphore_mem>>
    %dma_wait3A_490 = tpu.memref_squeeze %dma_wait3A_489 : memref<1x!tpu.dma_semaphore, #tpu.memory_space<semaphore_mem>> -> memref<!tpu.dma_semaphore, #tpu.memory_space<semaphore_mem>>
    tpu.wait_indirect_dma semaphore(%dma_wait3A_490 : memref<!tpu.dma_semaphore, #tpu.memory_space<semaphore_mem>>) src(%dma_wait3A_488 : memref<100000x384xf32, #tpu.memory_space<hbm>>) dst(%dma_wait3A_483 : memref<64x384xf32, #tpu.memory_space<vmem>>)
    %dma_wait3A_491 = arith.constant 1 : i32
    %dma_wait3A_492 = arith.constant 1 : i32
    %dma_wait3A_493 = arith.constant 0 : i32
    %dma_wait3A_494 = arith.constant 0 : i32
    %dma_wait3A_495 = tpu.memref_slice %arg8[%dma_wait3A_491, %dma_wait3A_493, %dma_wait3A_494] : memref<2x64x128xf32, #tpu.memory_space<vmem>> -> memref<1x64x128xf32, #tpu.memory_space<vmem>>
    %dma_wait3A_496 = tpu.memref_squeeze %dma_wait3A_495 : memref<1x64x128xf32, #tpu.memory_space<vmem>> -> memref<64x128xf32, #tpu.memory_space<vmem>>
    %dma_wait3A_497 = arith.constant 0 : i32
    %dma_wait3A_498 = tpu.memref_slice %arg2[%add3A_312, %dma_wait3A_497] : memref<16384x128xf32, #tpu.memory_space<hbm>> -> memref<64x128xf32, #tpu.memory_space<hbm>>
    %dma_wait3A_499 = tpu.memref_slice %arg11[%dma_wait3A_492] : memref<2x!tpu.dma_semaphore, #tpu.memory_space<semaphore_mem>> -> memref<1x!tpu.dma_semaphore, #tpu.memory_space<semaphore_mem>>
    %dma_wait3A_500 = tpu.memref_squeeze %dma_wait3A_499 : memref<1x!tpu.dma_semaphore, #tpu.memory_space<semaphore_mem>> -> memref<!tpu.dma_semaphore, #tpu.memory_space<semaphore_mem>>
    %dma_wait3A_501 = arith.constant 0 : i32
    %dma_wait3A_502 = arith.constant 0 : i32
    %dma_wait3A_503 = tpu.memref_slice %arg8[%dma_wait3A_491, %dma_wait3A_501, %dma_wait3A_502] : memref<2x64x128xf32, #tpu.memory_space<vmem>> -> memref<1x64x128xf32, #tpu.memory_space<vmem>>
    %dma_wait3A_504 = tpu.memref_squeeze %dma_wait3A_503 : memref<1x64x128xf32, #tpu.memory_space<vmem>> -> memref<64x128xf32, #tpu.memory_space<vmem>>
    %dma_wait3A_505 = arith.constant 0 : i32
    %dma_wait3A_506 = tpu.memref_slice %arg2[%add3A_312, %dma_wait3A_505] : memref<16384x128xf32, #tpu.memory_space<hbm>> -> memref<64x128xf32, #tpu.memory_space<hbm>>
    tpu.wait_dma2 semaphore(%dma_wait3A_500 : memref<!tpu.dma_semaphore, #tpu.memory_space<semaphore_mem>>) src(%dma_wait3A_506 : memref<64x128xf32, #tpu.memory_space<hbm>>) dst(%dma_wait3A_504 : memref<64x128xf32, #tpu.memory_space<vmem>>)
    %scan3A_507 = arith.constant 0 : i32
    %scan3A_508 = arith.constant 0 : i32
    %scan3A_509 = arith.constant 64 : i32
    %scan3A_510 = arith.addi %scan3A_508, %scan3A_509 : i32
    %scan3A_511 = arith.constant 1 : i32
    scf.for %scan3A_1088 = %scan3A_508 to %scan3A_510 step %scan3A_511  : i32 {
      %get3A = arith.constant 1 : i32
      %get3A_1089 = arith.index_cast %get3A : i32 to index
      %get3A_1090 = arith.index_cast %scan3A_1088 : i32 to index
      %get3A_1091 = arith.constant 288 : index
      %get3A_1092 = tpu.vector_load %arg7[%get3A_1089, %get3A_1090, %get3A_1091] {strides = array<i32>} : memref<2x64x384xf32, #tpu.memory_space<vmem>>, vector<1x1x16xf32>,
      %get3A_1093 = vector.shape_cast %get3A_1092 : vector<1x1x16xf32> to vector<16xf32>
      %get3A_1094 = arith.constant 1 : i32
      %get3A_1095 = arith.index_cast %get3A_1094 : i32 to index
      %get3A_1096 = arith.index_cast %scan3A_1088 : i32 to index
      %get3A_1097 = arith.constant 0 : index
      %get3A_1098 = tpu.vector_load %arg8[%get3A_1095, %get3A_1096, %get3A_1097] {strides = array<i32>} : memref<2x64x128xf32, #tpu.memory_space<vmem>>, vector<1x1x16xf32>,
      %get3A_1099 = vector.shape_cast %get3A_1098 : vector<1x1x16xf32> to vector<16xf32>
      %iota3A_1100 = tpu.iota {dimensions = array<i32: 0>} : vector<16xi32>
      %add3A_1101 = arith.constant 4 : i32
      %add3A_1102 = vector.broadcast %add3A_1101 : i32 to vector<16xi32>
      %add3A_1103 = arith.addi %iota3A_1100, %add3A_1102 : vector<16xi32>
      %jit3A = arith.constant 16 : i32
      %eq3A = arith.constant 0 : i32
      %eq3A_1104 = arith.cmpi eq, %jit3A, %eq3A : i32
      %jit3A_1105 = arith.constant 1 : i32
      %select_n3A = arith.select %eq3A_1104, %jit3A_1105, %jit3A : i32
      %rem3A = vector.broadcast %select_n3A : i32 to vector<16xi32>
      %rem3A_1106 = arith.remsi %add3A_1103, %rem3A : vector<16xi32>
      %ne3A = arith.constant 0 : i32
      %ne3A_1107 = vector.broadcast %ne3A : i32 to vector<16xi32>
      %ne3A_1108 = arith.cmpi ne, %rem3A_1106, %ne3A_1107 : vector<16xi32>
      %lt3A = arith.constant 0 : i32
      %lt3A_1109 = vector.broadcast %lt3A : i32 to vector<16xi32>
      %lt3A_1110 = arith.cmpi slt, %rem3A_1106, %lt3A_1109 : vector<16xi32>
      %lt3A_1111 = arith.constant 0 : i32
      %lt3A_1112 = arith.cmpi slt, %select_n3A, %lt3A_1111 : i32
      %ne3A_1113 = vector.broadcast %lt3A_1112 : i1 to vector<16xi1>
      %ne3A_1114 = vector.broadcast %ne3A_1113 : vector<16xi1> to vector<16xi1>
      %ne3A_1115 = arith.xori %lt3A_1110, %ne3A_1114 : vector<16xi1>
      %and3A = arith.andi %ne3A_1115, %ne3A_1108 : vector<16xi1>
      %add3A_1116 = vector.broadcast %select_n3A : i32 to vector<16xi32>
      %add3A_1117 = arith.addi %rem3A_1106, %add3A_1116 : vector<16xi32>
      %select_n3A_1118 = arith.select %and3A, %add3A_1117, %rem3A_1106 : vector<16xi1>, vector<16xi32>
      %broadcast_in_dim3A = vector.shape_cast %select_n3A_1118 : vector<16xi32> to vector<16x1xi32>
      %gather3A = vector.shape_cast %broadcast_in_dim3A : vector<16x1xi32> to vector<16xi32>
      %gather3A_1119 = tpu.dynamic_gather %get3A_1099[%gather3A] in [0] : vector<16xf32>, vector<16xi32> -> vector<16xf32>
      %lt3A_1120 = arith.constant 12 : i32
      %lt3A_1121 = vector.broadcast %lt3A_1120 : i32 to vector<16xi32>
      %lt3A_1122 = arith.cmpi slt, %iota3A, %lt3A_1121 : vector<16xi32>
      %select_n3A_1123 = arith.select %lt3A_1122, %get3A_1093, %gather3A_1119 : vector<16xi1>, vector<16xf32>
      %swap3A = arith.constant 1 : i32
      %swap3A_1124 = arith.index_cast %swap3A : i32 to index
      %swap3A_1125 = arith.index_cast %scan3A_1088 : i32 to index
      %swap3A_1126 = arith.constant 288 : index
      %swap3A_1127 = tpu.vector_load %arg7[%swap3A_1124, %swap3A_1125, %swap3A_1126] {strides = array<i32>} : memref<2x64x384xf32, #tpu.memory_space<vmem>>, vector<1x1x16xf32>,
      %swap3A_1128 = vector.shape_cast %swap3A_1127 : vector<1x1x16xf32> to vector<16xf32>
      %swap3A_1129 = vector.shape_cast %select_n3A_1123 : vector<16xf32> to vector<1x1x16xf32>
      tpu.vector_store %arg7[%swap3A_1124, %swap3A_1125, %swap3A_1126], %swap3A_1129 {strides = array<i32>} : memref<2x64x384xf32, #tpu.memory_space<vmem>>, vector<1x1x16xf32>,
      %get3A_1130 = arith.constant 1 : i32
      %get3A_1131 = arith.index_cast %get3A_1130 : i32 to index
      %get3A_1132 = arith.index_cast %scan3A_1088 : i32 to index
      %get3A_1133 = arith.constant 4 : index
      %get3A_1134 = tpu.vector_load %arg8[%get3A_1131, %get3A_1132, %get3A_1133] {strides = array<i32>} : memref<2x64x128xf32, #tpu.memory_space<vmem>>, vector<1x1x16xf32>,
      %get3A_1135 = vector.shape_cast %get3A_1134 : vector<1x1x16xf32> to vector<16xf32>
      %swap3A_1136 = arith.constant 1 : i32
      %swap3A_1137 = arith.index_cast %swap3A_1136 : i32 to index
      %swap3A_1138 = arith.index_cast %scan3A_1088 : i32 to index
      %swap3A_1139 = arith.constant 304 : index
      %swap3A_1140 = tpu.vector_load %arg7[%swap3A_1137, %swap3A_1138, %swap3A_1139] {strides = array<i32>} : memref<2x64x384xf32, #tpu.memory_space<vmem>>, vector<1x1x16xf32>,
      %swap3A_1141 = vector.shape_cast %swap3A_1140 : vector<1x1x16xf32> to vector<16xf32>
      %swap3A_1142 = vector.shape_cast %get3A_1135 : vector<16xf32> to vector<1x1x16xf32>
      tpu.vector_store %arg7[%swap3A_1137, %swap3A_1138, %swap3A_1139], %swap3A_1142 {strides = array<i32>} : memref<2x64x384xf32, #tpu.memory_space<vmem>>, vector<1x1x16xf32>,
      %get3A_1143 = arith.constant 1 : i32
      %get3A_1144 = arith.index_cast %get3A_1143 : i32 to index
      %get3A_1145 = arith.index_cast %scan3A_1088 : i32 to index
      %get3A_1146 = arith.constant 20 : index
      %get3A_1147 = tpu.vector_load %arg8[%get3A_1144, %get3A_1145, %get3A_1146] {strides = array<i32>} : memref<2x64x128xf32, #tpu.memory_space<vmem>>, vector<1x1x16xf32>,
      %get3A_1148 = vector.shape_cast %get3A_1147 : vector<1x1x16xf32> to vector<16xf32>
      %swap3A_1149 = arith.constant 1 : i32
      %swap3A_1150 = arith.index_cast %swap3A_1149 : i32 to index
      %swap3A_1151 = arith.index_cast %scan3A_1088 : i32 to index
      %swap3A_1152 = arith.constant 320 : index
      %swap3A_1153 = tpu.vector_load %arg7[%swap3A_1150, %swap3A_1151, %swap3A_1152] {strides = array<i32>} : memref<2x64x384xf32, #tpu.memory_space<vmem>>, vector<1x1x16xf32>,
      %swap3A_1154 = vector.shape_cast %swap3A_1153 : vector<1x1x16xf32> to vector<16xf32>
      %swap3A_1155 = vector.shape_cast %get3A_1148 : vector<16xf32> to vector<1x1x16xf32>
      tpu.vector_store %arg7[%swap3A_1150, %swap3A_1151, %swap3A_1152], %swap3A_1155 {strides = array<i32>} : memref<2x64x384xf32, #tpu.memory_space<vmem>>, vector<1x1x16xf32>,
      %get3A_1156 = arith.constant 1 : i32
      %get3A_1157 = arith.index_cast %get3A_1156 : i32 to index
      %get3A_1158 = arith.index_cast %scan3A_1088 : i32 to index
      %get3A_1159 = arith.constant 36 : index
      %get3A_1160 = tpu.vector_load %arg8[%get3A_1157, %get3A_1158, %get3A_1159] {strides = array<i32>} : memref<2x64x128xf32, #tpu.memory_space<vmem>>, vector<1x1x16xf32>,
      %get3A_1161 = vector.shape_cast %get3A_1160 : vector<1x1x16xf32> to vector<16xf32>
      %swap3A_1162 = arith.constant 1 : i32
      %swap3A_1163 = arith.index_cast %swap3A_1162 : i32 to index
      %swap3A_1164 = arith.index_cast %scan3A_1088 : i32 to index
      %swap3A_1165 = arith.constant 336 : index
      %swap3A_1166 = tpu.vector_load %arg7[%swap3A_1163, %swap3A_1164, %swap3A_1165] {strides = array<i32>} : memref<2x64x384xf32, #tpu.memory_space<vmem>>, vector<1x1x16xf32>,
      %swap3A_1167 = vector.shape_cast %swap3A_1166 : vector<1x1x16xf32> to vector<16xf32>
      %swap3A_1168 = vector.shape_cast %get3A_1161 : vector<16xf32> to vector<1x1x16xf32>
      tpu.vector_store %arg7[%swap3A_1163, %swap3A_1164, %swap3A_1165], %swap3A_1168 {strides = array<i32>} : memref<2x64x384xf32, #tpu.memory_space<vmem>>, vector<1x1x16xf32>,
      %get3A_1169 = arith.constant 1 : i32
      %get3A_1170 = arith.index_cast %get3A_1169 : i32 to index
      %get3A_1171 = arith.index_cast %scan3A_1088 : i32 to index
      %get3A_1172 = arith.constant 52 : index
      %get3A_1173 = tpu.vector_load %arg8[%get3A_1170, %get3A_1171, %get3A_1172] {strides = array<i32>} : memref<2x64x128xf32, #tpu.memory_space<vmem>>, vector<1x1x16xf32>,
      %get3A_1174 = vector.shape_cast %get3A_1173 : vector<1x1x16xf32> to vector<16xf32>
      %swap3A_1175 = arith.constant 1 : i32
      %swap3A_1176 = arith.index_cast %swap3A_1175 : i32 to index
      %swap3A_1177 = arith.index_cast %scan3A_1088 : i32 to index
      %swap3A_1178 = arith.constant 352 : index
      %swap3A_1179 = tpu.vector_load %arg7[%swap3A_1176, %swap3A_1177, %swap3A_1178] {strides = array<i32>} : memref<2x64x384xf32, #tpu.memory_space<vmem>>, vector<1x1x16xf32>,
      %swap3A_1180 = vector.shape_cast %swap3A_1179 : vector<1x1x16xf32> to vector<16xf32>
      %swap3A_1181 = vector.shape_cast %get3A_1174 : vector<16xf32> to vector<1x1x16xf32>
      tpu.vector_store %arg7[%swap3A_1176, %swap3A_1177, %swap3A_1178], %swap3A_1181 {strides = array<i32>} : memref<2x64x384xf32, #tpu.memory_space<vmem>>, vector<1x1x16xf32>,
      %get3A_1182 = arith.constant 1 : i32
      %get3A_1183 = arith.index_cast %get3A_1182 : i32 to index
      %get3A_1184 = arith.index_cast %scan3A_1088 : i32 to index
      %get3A_1185 = arith.constant 68 : index
      %get3A_1186 = tpu.vector_load %arg8[%get3A_1183, %get3A_1184, %get3A_1185] {strides = array<i32>} : memref<2x64x128xf32, #tpu.memory_space<vmem>>, vector<1x1x16xf32>,
      %get3A_1187 = vector.shape_cast %get3A_1186 : vector<1x1x16xf32> to vector<16xf32>
      %swap3A_1188 = arith.constant 1 : i32
      %swap3A_1189 = arith.index_cast %swap3A_1188 : i32 to index
      %swap3A_1190 = arith.index_cast %scan3A_1088 : i32 to index
      %swap3A_1191 = arith.constant 368 : index
      %swap3A_1192 = tpu.vector_load %arg7[%swap3A_1189, %swap3A_1190, %swap3A_1191] {strides = array<i32>} : memref<2x64x384xf32, #tpu.memory_space<vmem>>, vector<1x1x16xf32>,
      %swap3A_1193 = vector.shape_cast %swap3A_1192 : vector<1x1x16xf32> to vector<16xf32>
      %swap3A_1194 = vector.shape_cast %get3A_1187 : vector<16xf32> to vector<1x1x16xf32>
      tpu.vector_store %arg7[%swap3A_1189, %swap3A_1190, %swap3A_1191], %swap3A_1194 {strides = array<i32>} : memref<2x64x384xf32, #tpu.memory_space<vmem>>, vector<1x1x16xf32>,
      %get3A_1195 = arith.constant 1 : i32
      %get3A_1196 = arith.index_cast %get3A_1195 : i32 to index
      %get3A_1197 = arith.index_cast %scan3A_1088 : i32 to index
      %get3A_1198 = arith.constant 84 : index
      %get3A_1199 = tpu.vector_load %arg8[%get3A_1196, %get3A_1197, %get3A_1198] {strides = array<i32>} : memref<2x64x128xf32, #tpu.memory_space<vmem>>, vector<1x1x16xf32>,
      %get3A_1200 = vector.shape_cast %get3A_1199 : vector<1x1x16xf32> to vector<16xf32>
      %swap3A_1201 = arith.constant 1 : i32
      %swap3A_1202 = arith.index_cast %swap3A_1201 : i32 to index
      %swap3A_1203 = arith.index_cast %scan3A_1088 : i32 to index
      %swap3A_1204 = arith.constant 0 : index
      %swap3A_1205 = tpu.vector_load %arg9[%swap3A_1202, %swap3A_1203, %swap3A_1204] {strides = array<i32>} : memref<2x64x44xf32, #tpu.memory_space<vmem>>, vector<1x1x16xf32>,
      %swap3A_1206 = vector.shape_cast %swap3A_1205 : vector<1x1x16xf32> to vector<16xf32>
      %swap3A_1207 = vector.shape_cast %get3A_1200 : vector<16xf32> to vector<1x1x16xf32>
      tpu.vector_store %arg9[%swap3A_1202, %swap3A_1203, %swap3A_1204], %swap3A_1207 {strides = array<i32>} : memref<2x64x44xf32, #tpu.memory_space<vmem>>, vector<1x1x16xf32>,
      %get3A_1208 = arith.constant 1 : i32
      %get3A_1209 = arith.index_cast %get3A_1208 : i32 to index
      %get3A_1210 = arith.index_cast %scan3A_1088 : i32 to index
      %get3A_1211 = arith.constant 112 : index
      %get3A_1212 = tpu.vector_load %arg8[%get3A_1209, %get3A_1210, %get3A_1211] {strides = array<i32>} : memref<2x64x128xf32, #tpu.memory_space<vmem>>, vector<1x1x16xf32>,
      %get3A_1213 = vector.shape_cast %get3A_1212 : vector<1x1x16xf32> to vector<16xf32>
      %swap3A_1214 = arith.constant 1 : i32
      %swap3A_1215 = arith.index_cast %swap3A_1214 : i32 to index
      %swap3A_1216 = arith.index_cast %scan3A_1088 : i32 to index
      %swap3A_1217 = arith.constant 28 : index
      %swap3A_1218 = tpu.vector_load %arg9[%swap3A_1215, %swap3A_1216, %swap3A_1217] {strides = array<i32>} : memref<2x64x44xf32, #tpu.memory_space<vmem>>, vector<1x1x16xf32>,
      %swap3A_1219 = vector.shape_cast %swap3A_1218 : vector<1x1x16xf32> to vector<16xf32>
      %swap3A_1220 = vector.shape_cast %get3A_1213 : vector<16xf32> to vector<1x1x16xf32>
      tpu.vector_store %arg9[%swap3A_1215, %swap3A_1216, %swap3A_1217], %swap3A_1220 {strides = array<i32>} : memref<2x64x44xf32, #tpu.memory_space<vmem>>, vector<1x1x16xf32>,
      %get3A_1221 = arith.constant 1 : i32
      %get3A_1222 = arith.index_cast %get3A_1221 : i32 to index
      %get3A_1223 = arith.index_cast %scan3A_1088 : i32 to index
      %get3A_1224 = arith.constant 100 : index
      %get3A_1225 = tpu.vector_load %arg8[%get3A_1222, %get3A_1223, %get3A_1224] {strides = array<i32>} : memref<2x64x128xf32, #tpu.memory_space<vmem>>, vector<1x1x16xf32>,
      %get3A_1226 = vector.shape_cast %get3A_1225 : vector<1x1x16xf32> to vector<16xf32>
      %swap3A_1227 = arith.constant 1 : i32
      %swap3A_1228 = arith.index_cast %swap3A_1227 : i32 to index
      %swap3A_1229 = arith.index_cast %scan3A_1088 : i32 to index
      %swap3A_1230 = arith.constant 16 : index
      %swap3A_1231 = tpu.vector_load %arg9[%swap3A_1228, %swap3A_1229, %swap3A_1230] {strides = array<i32>} : memref<2x64x44xf32, #tpu.memory_space<vmem>>, vector<1x1x16xf32>,
      %swap3A_1232 = vector.shape_cast %swap3A_1231 : vector<1x1x16xf32> to vector<16xf32>
      %swap3A_1233 = vector.shape_cast %get3A_1226 : vector<16xf32> to vector<1x1x16xf32>
      tpu.vector_store %arg9[%swap3A_1228, %swap3A_1229, %swap3A_1230], %swap3A_1233 {strides = array<i32>} : memref<2x64x44xf32, #tpu.memory_space<vmem>>, vector<1x1x16xf32>,
    }
    %scan3A_512 = arith.constant 64 : i32
    %dma_start3A_513 = arith.constant 1 : i32
    %dma_start3A_514 = arith.constant 1 : i32
    %dma_start3A_515 = arith.constant 0 : i32
    %dma_start3A_516 = arith.constant 0 : i32
    %dma_start3A_517 = tpu.memref_slice %arg7[%dma_start3A_513, %dma_start3A_515, %dma_start3A_516] : memref<2x64x384xf32, #tpu.memory_space<vmem>> -> memref<1x64x384xf32, #tpu.memory_space<vmem>>
    %dma_start3A_518 = tpu.memref_squeeze %dma_start3A_517 : memref<1x64x384xf32, #tpu.memory_space<vmem>> -> memref<64x384xf32, #tpu.memory_space<vmem>>
    %dma_start3A_519 = arith.constant 0 : i32
    %dma_start3A_520 = tpu.memref_slice %arg5[%add3A_412, %dma_start3A_519] : memref<16384x428xf32, #tpu.memory_space<hbm>> -> memref<64x384xf32, #tpu.memory_space<hbm>>
    %dma_start3A_521 = tpu.memref_slice %arg12[%dma_start3A_514] : memref<2x!tpu.dma_semaphore, #tpu.memory_space<semaphore_mem>> -> memref<1x!tpu.dma_semaphore, #tpu.memory_space<semaphore_mem>>
    %dma_start3A_522 = tpu.memref_squeeze %dma_start3A_521 : memref<1x!tpu.dma_semaphore, #tpu.memory_space<semaphore_mem>> -> memref<!tpu.dma_semaphore, #tpu.memory_space<semaphore_mem>>
    %dma_start3A_523 = arith.constant 0 : i32
    %dma_start3A_524 = tpu.memref_slice %arg5[%add3A_412, %dma_start3A_523] : memref<16384x428xf32, #tpu.memory_space<hbm>> -> memref<64x384xf32, #tpu.memory_space<hbm>>
    %dma_start3A_525 = arith.constant 0 : i32
    %dma_start3A_526 = arith.constant 0 : i32
    %dma_start3A_527 = tpu.memref_slice %arg7[%dma_start3A_513, %dma_start3A_525, %dma_start3A_526] : memref<2x64x384xf32, #tpu.memory_space<vmem>> -> memref<1x64x384xf32, #tpu.memory_space<vmem>>
    %dma_start3A_528 = tpu.memref_squeeze %dma_start3A_527 : memref<1x64x384xf32, #tpu.memory_space<vmem>> -> memref<64x384xf32, #tpu.memory_space<vmem>>
    tpu.enqueue_dma source(%dma_start3A_528 : memref<64x384xf32, #tpu.memory_space<vmem>>) target(%dma_start3A_524 : memref<64x384xf32, #tpu.memory_space<hbm>>) target_semaphore(%dma_start3A_522 : memref<!tpu.dma_semaphore, #tpu.memory_space<semaphore_mem>>)
    %dma_start3A_529 = arith.constant 1 : i32
    %dma_start3A_530 = arith.constant 1 : i32
    %dma_start3A_531 = arith.constant 0 : i32
    %dma_start3A_532 = arith.constant 0 : i32
    %dma_start3A_533 = tpu.memref_slice %arg9[%dma_start3A_529, %dma_start3A_531, %dma_start3A_532] : memref<2x64x44xf32, #tpu.memory_space<vmem>> -> memref<1x64x44xf32, #tpu.memory_space<vmem>>
    %dma_start3A_534 = tpu.memref_squeeze %dma_start3A_533 : memref<1x64x44xf32, #tpu.memory_space<vmem>> -> memref<64x44xf32, #tpu.memory_space<vmem>>
    %dma_start3A_535 = arith.constant 384 : i32
    %dma_start3A_536 = tpu.memref_slice %arg5[%add3A_412, %dma_start3A_535] : memref<16384x428xf32, #tpu.memory_space<hbm>> -> memref<64x44xf32, #tpu.memory_space<hbm>>
    %dma_start3A_537 = tpu.memref_slice %arg13[%dma_start3A_530] : memref<2x!tpu.dma_semaphore, #tpu.memory_space<semaphore_mem>> -> memref<1x!tpu.dma_semaphore, #tpu.memory_space<semaphore_mem>>
    %dma_start3A_538 = tpu.memref_squeeze %dma_start3A_537 : memref<1x!tpu.dma_semaphore, #tpu.memory_space<semaphore_mem>> -> memref<!tpu.dma_semaphore, #tpu.memory_space<semaphore_mem>>
    %dma_start3A_539 = arith.constant 384 : i32
    %dma_start3A_540 = tpu.memref_slice %arg5[%add3A_412, %dma_start3A_539] : memref<16384x428xf32, #tpu.memory_space<hbm>> -> memref<64x44xf32, #tpu.memory_space<hbm>>
    %dma_start3A_541 = arith.constant 0 : i32
    %dma_start3A_542 = arith.constant 0 : i32
    %dma_start3A_543 = tpu.memref_slice %arg9[%dma_start3A_529, %dma_start3A_541, %dma_start3A_542] : memref<2x64x44xf32, #tpu.memory_space<vmem>> -> memref<1x64x44xf32, #tpu.memory_space<vmem>>
    %dma_start3A_544 = tpu.memref_squeeze %dma_start3A_543 : memref<1x64x44xf32, #tpu.memory_space<vmem>> -> memref<64x44xf32, #tpu.memory_space<vmem>>
    tpu.enqueue_dma source(%dma_start3A_544 : memref<64x44xf32, #tpu.memory_space<vmem>>) target(%dma_start3A_540 : memref<64x44xf32, #tpu.memory_space<hbm>>) target_semaphore(%dma_start3A_538 : memref<!tpu.dma_semaphore, #tpu.memory_space<semaphore_mem>>)
    %mul3A_545 = arith.constant 512 : i32
    %mul3A_546 = arith.muli %add3A, %mul3A_545 : i32
    %add3A_547 = arith.constant 256 : i32
    %add3A_548 = arith.addi %mul3A_546, %add3A_547 : i32
    %dma_wait3A_549 = arith.constant 1 : i32
    %dma_wait3A_550 = arith.constant 1 : i32
    %dma_wait3A_551 = arith.constant 0 : i32
    %dma_wait3A_552 = arith.constant 0 : i32
    %dma_wait3A_553 = tpu.memref_slice %arg7[%dma_wait3A_549, %dma_wait3A_551, %dma_wait3A_552] : memref<2x64x384xf32, #tpu.memory_space<vmem>> -> memref<1x64x384xf32, #tpu.memory_space<vmem>>
    %dma_wait3A_554 = tpu.memref_squeeze %dma_wait3A_553 : memref<1x64x384xf32, #tpu.memory_space<vmem>> -> memref<64x384xf32, #tpu.memory_space<vmem>>
    %dma_wait3A_555 = arith.constant 0 : i32
    %dma_wait3A_556 = tpu.memref_slice %arg5[%add3A_412, %dma_wait3A_555] : memref<16384x428xf32, #tpu.memory_space<hbm>> -> memref<64x384xf32, #tpu.memory_space<hbm>>
    %dma_wait3A_557 = tpu.memref_slice %arg12[%dma_wait3A_550] : memref<2x!tpu.dma_semaphore, #tpu.memory_space<semaphore_mem>> -> memref<1x!tpu.dma_semaphore, #tpu.memory_space<semaphore_mem>>
    %dma_wait3A_558 = tpu.memref_squeeze %dma_wait3A_557 : memref<1x!tpu.dma_semaphore, #tpu.memory_space<semaphore_mem>> -> memref<!tpu.dma_semaphore, #tpu.memory_space<semaphore_mem>>
    %dma_wait3A_559 = arith.constant 0 : i32
    %dma_wait3A_560 = tpu.memref_slice %arg5[%add3A_412, %dma_wait3A_559] : memref<16384x428xf32, #tpu.memory_space<hbm>> -> memref<64x384xf32, #tpu.memory_space<hbm>>
    %dma_wait3A_561 = arith.constant 0 : i32
    %dma_wait3A_562 = arith.constant 0 : i32
    %dma_wait3A_563 = tpu.memref_slice %arg7[%dma_wait3A_549, %dma_wait3A_561, %dma_wait3A_562] : memref<2x64x384xf32, #tpu.memory_space<vmem>> -> memref<1x64x384xf32, #tpu.memory_space<vmem>>
    %dma_wait3A_564 = tpu.memref_squeeze %dma_wait3A_563 : memref<1x64x384xf32, #tpu.memory_space<vmem>> -> memref<64x384xf32, #tpu.memory_space<vmem>>
    tpu.wait_dma2 semaphore(%dma_wait3A_558 : memref<!tpu.dma_semaphore, #tpu.memory_space<semaphore_mem>>) src(%dma_wait3A_564 : memref<64x384xf32, #tpu.memory_space<vmem>>) dst(%dma_wait3A_560 : memref<64x384xf32, #tpu.memory_space<hbm>>)
    %dma_wait3A_565 = arith.constant 1 : i32
    %dma_wait3A_566 = arith.constant 1 : i32
    %dma_wait3A_567 = arith.constant 0 : i32
    %dma_wait3A_568 = arith.constant 0 : i32
    %dma_wait3A_569 = tpu.memref_slice %arg9[%dma_wait3A_565, %dma_wait3A_567, %dma_wait3A_568] : memref<2x64x44xf32, #tpu.memory_space<vmem>> -> memref<1x64x44xf32, #tpu.memory_space<vmem>>
    %dma_wait3A_570 = tpu.memref_squeeze %dma_wait3A_569 : memref<1x64x44xf32, #tpu.memory_space<vmem>> -> memref<64x44xf32, #tpu.memory_space<vmem>>
    %dma_wait3A_571 = arith.constant 384 : i32
    %dma_wait3A_572 = tpu.memref_slice %arg5[%add3A_412, %dma_wait3A_571] : memref<16384x428xf32, #tpu.memory_space<hbm>> -> memref<64x44xf32, #tpu.memory_space<hbm>>
    %dma_wait3A_573 = tpu.memref_slice %arg13[%dma_wait3A_566] : memref<2x!tpu.dma_semaphore, #tpu.memory_space<semaphore_mem>> -> memref<1x!tpu.dma_semaphore, #tpu.memory_space<semaphore_mem>>
    %dma_wait3A_574 = tpu.memref_squeeze %dma_wait3A_573 : memref<1x!tpu.dma_semaphore, #tpu.memory_space<semaphore_mem>> -> memref<!tpu.dma_semaphore, #tpu.memory_space<semaphore_mem>>
    %dma_wait3A_575 = arith.constant 384 : i32
    %dma_wait3A_576 = tpu.memref_slice %arg5[%add3A_412, %dma_wait3A_575] : memref<16384x428xf32, #tpu.memory_space<hbm>> -> memref<64x44xf32, #tpu.memory_space<hbm>>
    %dma_wait3A_577 = arith.constant 0 : i32
    %dma_wait3A_578 = arith.constant 0 : i32
    %dma_wait3A_579 = tpu.memref_slice %arg9[%dma_wait3A_565, %dma_wait3A_577, %dma_wait3A_578] : memref<2x64x44xf32, #tpu.memory_space<vmem>> -> memref<1x64x44xf32, #tpu.memory_space<vmem>>
    %dma_wait3A_580 = tpu.memref_squeeze %dma_wait3A_579 : memref<1x64x44xf32, #tpu.memory_space<vmem>> -> memref<64x44xf32, #tpu.memory_space<vmem>>
    tpu.wait_dma2 semaphore(%dma_wait3A_574 : memref<!tpu.dma_semaphore, #tpu.memory_space<semaphore_mem>>) src(%dma_wait3A_580 : memref<64x44xf32, #tpu.memory_space<vmem>>) dst(%dma_wait3A_576 : memref<64x44xf32, #tpu.memory_space<hbm>>)
    %mul3A_581 = arith.constant 512 : i32
    %mul3A_582 = arith.muli %add3A, %mul3A_581 : i32
    %add3A_583 = arith.constant 320 : i32
    %add3A_584 = arith.addi %mul3A_582, %add3A_583 : i32
    %dma_start3A_585 = arith.constant 1 : i32
    %dma_start3A_586 = arith.constant 1 : i32
    %dma_start3A_587 = arith.constant 0 : i32
    %dma_start3A_588 = arith.constant 0 : i32
    %dma_start3A_589 = tpu.memref_slice %arg7[%dma_start3A_585, %dma_start3A_587, %dma_start3A_588] : memref<2x64x384xf32, #tpu.memory_space<vmem>> -> memref<1x64x384xf32, #tpu.memory_space<vmem>>
    %dma_start3A_590 = tpu.memref_squeeze %dma_start3A_589 : memref<1x64x384xf32, #tpu.memory_space<vmem>> -> memref<64x384xf32, #tpu.memory_space<vmem>>
    %dma_start3A_591 = arith.constant 320 : i32
    %dma_start3A_592 = tpu.memref_slice %arg6[%dma_start3A_591] : memref<512xi32, #tpu.memory_space<vmem>> -> memref<64xi32, #tpu.memory_space<vmem>>
    %dma_start3A_593 = arith.constant 0 : i32
    %dma_start3A_594 = arith.constant 0 : i32
    %dma_start3A_595 = tpu.memref_slice %arg4[%dma_start3A_593, %dma_start3A_594] : memref<100000x300xf32, #tpu.memory_space<hbm>> -> memref<100000x384xf32, #tpu.memory_space<hbm>>
    %dma_start3A_596 = tpu.memref_slice %arg10[%dma_start3A_586] : memref<2x!tpu.dma_semaphore, #tpu.memory_space<semaphore_mem>> -> memref<1x!tpu.dma_semaphore, #tpu.memory_space<semaphore_mem>>
    %dma_start3A_597 = tpu.memref_squeeze %dma_start3A_596 : memref<1x!tpu.dma_semaphore, #tpu.memory_space<semaphore_mem>> -> memref<!tpu.dma_semaphore, #tpu.memory_space<semaphore_mem>>
    tpu.enqueue_indirect_dma source(%dma_start3A_595 : memref<100000x384xf32, #tpu.memory_space<hbm>>) target(%dma_start3A_590 : memref<64x384xf32, #tpu.memory_space<vmem>>) offsets(%dma_start3A_592 : memref<64xi32, #tpu.memory_space<vmem>>) semaphore(%dma_start3A_597 : memref<!tpu.dma_semaphore, #tpu.memory_space<semaphore_mem>>)
    %dma_start3A_598 = arith.constant 1 : i32
    %dma_start3A_599 = arith.constant 1 : i32
    %dma_start3A_600 = arith.constant 0 : i32
    %dma_start3A_601 = arith.constant 0 : i32
    %dma_start3A_602 = tpu.memref_slice %arg8[%dma_start3A_598, %dma_start3A_600, %dma_start3A_601] : memref<2x64x128xf32, #tpu.memory_space<vmem>> -> memref<1x64x128xf32, #tpu.memory_space<vmem>>
    %dma_start3A_603 = tpu.memref_squeeze %dma_start3A_602 : memref<1x64x128xf32, #tpu.memory_space<vmem>> -> memref<64x128xf32, #tpu.memory_space<vmem>>
    %dma_start3A_604 = arith.constant 0 : i32
    %dma_start3A_605 = tpu.memref_slice %arg2[%add3A_584, %dma_start3A_604] : memref<16384x128xf32, #tpu.memory_space<hbm>> -> memref<64x128xf32, #tpu.memory_space<hbm>>
    %dma_start3A_606 = tpu.memref_slice %arg11[%dma_start3A_599] : memref<2x!tpu.dma_semaphore, #tpu.memory_space<semaphore_mem>> -> memref<1x!tpu.dma_semaphore, #tpu.memory_space<semaphore_mem>>
    %dma_start3A_607 = tpu.memref_squeeze %dma_start3A_606 : memref<1x!tpu.dma_semaphore, #tpu.memory_space<semaphore_mem>> -> memref<!tpu.dma_semaphore, #tpu.memory_space<semaphore_mem>>
    %dma_start3A_608 = arith.constant 0 : i32
    %dma_start3A_609 = arith.constant 0 : i32
    %dma_start3A_610 = tpu.memref_slice %arg8[%dma_start3A_598, %dma_start3A_608, %dma_start3A_609] : memref<2x64x128xf32, #tpu.memory_space<vmem>> -> memref<1x64x128xf32, #tpu.memory_space<vmem>>
    %dma_start3A_611 = tpu.memref_squeeze %dma_start3A_610 : memref<1x64x128xf32, #tpu.memory_space<vmem>> -> memref<64x128xf32, #tpu.memory_space<vmem>>
    %dma_start3A_612 = arith.constant 0 : i32
    %dma_start3A_613 = tpu.memref_slice %arg2[%add3A_584, %dma_start3A_612] : memref<16384x128xf32, #tpu.memory_space<hbm>> -> memref<64x128xf32, #tpu.memory_space<hbm>>
    tpu.enqueue_dma source(%dma_start3A_613 : memref<64x128xf32, #tpu.memory_space<hbm>>) target(%dma_start3A_611 : memref<64x128xf32, #tpu.memory_space<vmem>>) target_semaphore(%dma_start3A_607 : memref<!tpu.dma_semaphore, #tpu.memory_space<semaphore_mem>>)
    %dma_wait3A_614 = arith.constant 0 : i32
    %dma_wait3A_615 = arith.constant 0 : i32
    %dma_wait3A_616 = arith.constant 0 : i32
    %dma_wait3A_617 = arith.constant 0 : i32
    %dma_wait3A_618 = tpu.memref_slice %arg7[%dma_wait3A_614, %dma_wait3A_616, %dma_wait3A_617] : memref<2x64x384xf32, #tpu.memory_space<vmem>> -> memref<1x64x384xf32, #tpu.memory_space<vmem>>
    %dma_wait3A_619 = tpu.memref_squeeze %dma_wait3A_618 : memref<1x64x384xf32, #tpu.memory_space<vmem>> -> memref<64x384xf32, #tpu.memory_space<vmem>>
    %dma_wait3A_620 = arith.constant 256 : i32
    %dma_wait3A_621 = tpu.memref_slice %arg6[%dma_wait3A_620] : memref<512xi32, #tpu.memory_space<vmem>> -> memref<64xi32, #tpu.memory_space<vmem>>
    %dma_wait3A_622 = arith.constant 0 : i32
    %dma_wait3A_623 = arith.constant 0 : i32
    %dma_wait3A_624 = tpu.memref_slice %arg4[%dma_wait3A_622, %dma_wait3A_623] : memref<100000x300xf32, #tpu.memory_space<hbm>> -> memref<100000x384xf32, #tpu.memory_space<hbm>>
    %dma_wait3A_625 = tpu.memref_slice %arg10[%dma_wait3A_615] : memref<2x!tpu.dma_semaphore, #tpu.memory_space<semaphore_mem>> -> memref<1x!tpu.dma_semaphore, #tpu.memory_space<semaphore_mem>>
    %dma_wait3A_626 = tpu.memref_squeeze %dma_wait3A_625 : memref<1x!tpu.dma_semaphore, #tpu.memory_space<semaphore_mem>> -> memref<!tpu.dma_semaphore, #tpu.memory_space<semaphore_mem>>
    tpu.wait_indirect_dma semaphore(%dma_wait3A_626 : memref<!tpu.dma_semaphore, #tpu.memory_space<semaphore_mem>>) src(%dma_wait3A_624 : memref<100000x384xf32, #tpu.memory_space<hbm>>) dst(%dma_wait3A_619 : memref<64x384xf32, #tpu.memory_space<vmem>>)
    %dma_wait3A_627 = arith.constant 0 : i32
    %dma_wait3A_628 = arith.constant 0 : i32
    %dma_wait3A_629 = arith.constant 0 : i32
    %dma_wait3A_630 = arith.constant 0 : i32
    %dma_wait3A_631 = tpu.memref_slice %arg8[%dma_wait3A_627, %dma_wait3A_629, %dma_wait3A_630] : memref<2x64x128xf32, #tpu.memory_space<vmem>> -> memref<1x64x128xf32, #tpu.memory_space<vmem>>
    %dma_wait3A_632 = tpu.memref_squeeze %dma_wait3A_631 : memref<1x64x128xf32, #tpu.memory_space<vmem>> -> memref<64x128xf32, #tpu.memory_space<vmem>>
    %dma_wait3A_633 = arith.constant 0 : i32
    %dma_wait3A_634 = tpu.memref_slice %arg2[%add3A_448, %dma_wait3A_633] : memref<16384x128xf32, #tpu.memory_space<hbm>> -> memref<64x128xf32, #tpu.memory_space<hbm>>
    %dma_wait3A_635 = tpu.memref_slice %arg11[%dma_wait3A_628] : memref<2x!tpu.dma_semaphore, #tpu.memory_space<semaphore_mem>> -> memref<1x!tpu.dma_semaphore, #tpu.memory_space<semaphore_mem>>
    %dma_wait3A_636 = tpu.memref_squeeze %dma_wait3A_635 : memref<1x!tpu.dma_semaphore, #tpu.memory_space<semaphore_mem>> -> memref<!tpu.dma_semaphore, #tpu.memory_space<semaphore_mem>>
    %dma_wait3A_637 = arith.constant 0 : i32
    %dma_wait3A_638 = arith.constant 0 : i32
    %dma_wait3A_639 = tpu.memref_slice %arg8[%dma_wait3A_627, %dma_wait3A_637, %dma_wait3A_638] : memref<2x64x128xf32, #tpu.memory_space<vmem>> -> memref<1x64x128xf32, #tpu.memory_space<vmem>>
    %dma_wait3A_640 = tpu.memref_squeeze %dma_wait3A_639 : memref<1x64x128xf32, #tpu.memory_space<vmem>> -> memref<64x128xf32, #tpu.memory_space<vmem>>
    %dma_wait3A_641 = arith.constant 0 : i32
    %dma_wait3A_642 = tpu.memref_slice %arg2[%add3A_448, %dma_wait3A_641] : memref<16384x128xf32, #tpu.memory_space<hbm>> -> memref<64x128xf32, #tpu.memory_space<hbm>>
    tpu.wait_dma2 semaphore(%dma_wait3A_636 : memref<!tpu.dma_semaphore, #tpu.memory_space<semaphore_mem>>) src(%dma_wait3A_642 : memref<64x128xf32, #tpu.memory_space<hbm>>) dst(%dma_wait3A_640 : memref<64x128xf32, #tpu.memory_space<vmem>>)
    %scan3A_643 = arith.constant 0 : i32
    %scan3A_644 = arith.constant 0 : i32
    %scan3A_645 = arith.constant 64 : i32
    %scan3A_646 = arith.addi %scan3A_644, %scan3A_645 : i32
    %scan3A_647 = arith.constant 1 : i32
    scf.for %scan3A_1088 = %scan3A_644 to %scan3A_646 step %scan3A_647  : i32 {
      %get3A = arith.constant 0 : i32
      %get3A_1089 = arith.index_cast %get3A : i32 to index
      %get3A_1090 = arith.index_cast %scan3A_1088 : i32 to index
      %get3A_1091 = arith.constant 288 : index
      %get3A_1092 = tpu.vector_load %arg7[%get3A_1089, %get3A_1090, %get3A_1091] {strides = array<i32>} : memref<2x64x384xf32, #tpu.memory_space<vmem>>, vector<1x1x16xf32>,
      %get3A_1093 = vector.shape_cast %get3A_1092 : vector<1x1x16xf32> to vector<16xf32>
      %get3A_1094 = arith.constant 0 : i32
      %get3A_1095 = arith.index_cast %get3A_1094 : i32 to index
      %get3A_1096 = arith.index_cast %scan3A_1088 : i32 to index
      %get3A_1097 = arith.constant 0 : index
      %get3A_1098 = tpu.vector_load %arg8[%get3A_1095, %get3A_1096, %get3A_1097] {strides = array<i32>} : memref<2x64x128xf32, #tpu.memory_space<vmem>>, vector<1x1x16xf32>,
      %get3A_1099 = vector.shape_cast %get3A_1098 : vector<1x1x16xf32> to vector<16xf32>
      %iota3A_1100 = tpu.iota {dimensions = array<i32: 0>} : vector<16xi32>
      %add3A_1101 = arith.constant 4 : i32
      %add3A_1102 = vector.broadcast %add3A_1101 : i32 to vector<16xi32>
      %add3A_1103 = arith.addi %iota3A_1100, %add3A_1102 : vector<16xi32>
      %jit3A = arith.constant 16 : i32
      %eq3A = arith.constant 0 : i32
      %eq3A_1104 = arith.cmpi eq, %jit3A, %eq3A : i32
      %jit3A_1105 = arith.constant 1 : i32
      %select_n3A = arith.select %eq3A_1104, %jit3A_1105, %jit3A : i32
      %rem3A = vector.broadcast %select_n3A : i32 to vector<16xi32>
      %rem3A_1106 = arith.remsi %add3A_1103, %rem3A : vector<16xi32>
      %ne3A = arith.constant 0 : i32
      %ne3A_1107 = vector.broadcast %ne3A : i32 to vector<16xi32>
      %ne3A_1108 = arith.cmpi ne, %rem3A_1106, %ne3A_1107 : vector<16xi32>
      %lt3A = arith.constant 0 : i32
      %lt3A_1109 = vector.broadcast %lt3A : i32 to vector<16xi32>
      %lt3A_1110 = arith.cmpi slt, %rem3A_1106, %lt3A_1109 : vector<16xi32>
      %lt3A_1111 = arith.constant 0 : i32
      %lt3A_1112 = arith.cmpi slt, %select_n3A, %lt3A_1111 : i32
      %ne3A_1113 = vector.broadcast %lt3A_1112 : i1 to vector<16xi1>
      %ne3A_1114 = vector.broadcast %ne3A_1113 : vector<16xi1> to vector<16xi1>
      %ne3A_1115 = arith.xori %lt3A_1110, %ne3A_1114 : vector<16xi1>
      %and3A = arith.andi %ne3A_1115, %ne3A_1108 : vector<16xi1>
      %add3A_1116 = vector.broadcast %select_n3A : i32 to vector<16xi32>
      %add3A_1117 = arith.addi %rem3A_1106, %add3A_1116 : vector<16xi32>
      %select_n3A_1118 = arith.select %and3A, %add3A_1117, %rem3A_1106 : vector<16xi1>, vector<16xi32>
      %broadcast_in_dim3A = vector.shape_cast %select_n3A_1118 : vector<16xi32> to vector<16x1xi32>
      %gather3A = vector.shape_cast %broadcast_in_dim3A : vector<16x1xi32> to vector<16xi32>
      %gather3A_1119 = tpu.dynamic_gather %get3A_1099[%gather3A] in [0] : vector<16xf32>, vector<16xi32> -> vector<16xf32>
      %lt3A_1120 = arith.constant 12 : i32
      %lt3A_1121 = vector.broadcast %lt3A_1120 : i32 to vector<16xi32>
      %lt3A_1122 = arith.cmpi slt, %iota3A, %lt3A_1121 : vector<16xi32>
      %select_n3A_1123 = arith.select %lt3A_1122, %get3A_1093, %gather3A_1119 : vector<16xi1>, vector<16xf32>
      %swap3A = arith.constant 0 : i32
      %swap3A_1124 = arith.index_cast %swap3A : i32 to index
      %swap3A_1125 = arith.index_cast %scan3A_1088 : i32 to index
      %swap3A_1126 = arith.constant 288 : index
      %swap3A_1127 = tpu.vector_load %arg7[%swap3A_1124, %swap3A_1125, %swap3A_1126] {strides = array<i32>} : memref<2x64x384xf32, #tpu.memory_space<vmem>>, vector<1x1x16xf32>,
      %swap3A_1128 = vector.shape_cast %swap3A_1127 : vector<1x1x16xf32> to vector<16xf32>
      %swap3A_1129 = vector.shape_cast %select_n3A_1123 : vector<16xf32> to vector<1x1x16xf32>
      tpu.vector_store %arg7[%swap3A_1124, %swap3A_1125, %swap3A_1126], %swap3A_1129 {strides = array<i32>} : memref<2x64x384xf32, #tpu.memory_space<vmem>>, vector<1x1x16xf32>,
      %get3A_1130 = arith.constant 0 : i32
      %get3A_1131 = arith.index_cast %get3A_1130 : i32 to index
      %get3A_1132 = arith.index_cast %scan3A_1088 : i32 to index
      %get3A_1133 = arith.constant 4 : index
      %get3A_1134 = tpu.vector_load %arg8[%get3A_1131, %get3A_1132, %get3A_1133] {strides = array<i32>} : memref<2x64x128xf32, #tpu.memory_space<vmem>>, vector<1x1x16xf32>,
      %get3A_1135 = vector.shape_cast %get3A_1134 : vector<1x1x16xf32> to vector<16xf32>
      %swap3A_1136 = arith.constant 0 : i32
      %swap3A_1137 = arith.index_cast %swap3A_1136 : i32 to index
      %swap3A_1138 = arith.index_cast %scan3A_1088 : i32 to index
      %swap3A_1139 = arith.constant 304 : index
      %swap3A_1140 = tpu.vector_load %arg7[%swap3A_1137, %swap3A_1138, %swap3A_1139] {strides = array<i32>} : memref<2x64x384xf32, #tpu.memory_space<vmem>>, vector<1x1x16xf32>,
      %swap3A_1141 = vector.shape_cast %swap3A_1140 : vector<1x1x16xf32> to vector<16xf32>
      %swap3A_1142 = vector.shape_cast %get3A_1135 : vector<16xf32> to vector<1x1x16xf32>
      tpu.vector_store %arg7[%swap3A_1137, %swap3A_1138, %swap3A_1139], %swap3A_1142 {strides = array<i32>} : memref<2x64x384xf32, #tpu.memory_space<vmem>>, vector<1x1x16xf32>,
      %get3A_1143 = arith.constant 0 : i32
      %get3A_1144 = arith.index_cast %get3A_1143 : i32 to index
      %get3A_1145 = arith.index_cast %scan3A_1088 : i32 to index
      %get3A_1146 = arith.constant 20 : index
      %get3A_1147 = tpu.vector_load %arg8[%get3A_1144, %get3A_1145, %get3A_1146] {strides = array<i32>} : memref<2x64x128xf32, #tpu.memory_space<vmem>>, vector<1x1x16xf32>,
      %get3A_1148 = vector.shape_cast %get3A_1147 : vector<1x1x16xf32> to vector<16xf32>
      %swap3A_1149 = arith.constant 0 : i32
      %swap3A_1150 = arith.index_cast %swap3A_1149 : i32 to index
      %swap3A_1151 = arith.index_cast %scan3A_1088 : i32 to index
      %swap3A_1152 = arith.constant 320 : index
      %swap3A_1153 = tpu.vector_load %arg7[%swap3A_1150, %swap3A_1151, %swap3A_1152] {strides = array<i32>} : memref<2x64x384xf32, #tpu.memory_space<vmem>>, vector<1x1x16xf32>,
      %swap3A_1154 = vector.shape_cast %swap3A_1153 : vector<1x1x16xf32> to vector<16xf32>
      %swap3A_1155 = vector.shape_cast %get3A_1148 : vector<16xf32> to vector<1x1x16xf32>
      tpu.vector_store %arg7[%swap3A_1150, %swap3A_1151, %swap3A_1152], %swap3A_1155 {strides = array<i32>} : memref<2x64x384xf32, #tpu.memory_space<vmem>>, vector<1x1x16xf32>,
      %get3A_1156 = arith.constant 0 : i32
      %get3A_1157 = arith.index_cast %get3A_1156 : i32 to index
      %get3A_1158 = arith.index_cast %scan3A_1088 : i32 to index
      %get3A_1159 = arith.constant 36 : index
      %get3A_1160 = tpu.vector_load %arg8[%get3A_1157, %get3A_1158, %get3A_1159] {strides = array<i32>} : memref<2x64x128xf32, #tpu.memory_space<vmem>>, vector<1x1x16xf32>,
      %get3A_1161 = vector.shape_cast %get3A_1160 : vector<1x1x16xf32> to vector<16xf32>
      %swap3A_1162 = arith.constant 0 : i32
      %swap3A_1163 = arith.index_cast %swap3A_1162 : i32 to index
      %swap3A_1164 = arith.index_cast %scan3A_1088 : i32 to index
      %swap3A_1165 = arith.constant 336 : index
      %swap3A_1166 = tpu.vector_load %arg7[%swap3A_1163, %swap3A_1164, %swap3A_1165] {strides = array<i32>} : memref<2x64x384xf32, #tpu.memory_space<vmem>>, vector<1x1x16xf32>,
      %swap3A_1167 = vector.shape_cast %swap3A_1166 : vector<1x1x16xf32> to vector<16xf32>
      %swap3A_1168 = vector.shape_cast %get3A_1161 : vector<16xf32> to vector<1x1x16xf32>
      tpu.vector_store %arg7[%swap3A_1163, %swap3A_1164, %swap3A_1165], %swap3A_1168 {strides = array<i32>} : memref<2x64x384xf32, #tpu.memory_space<vmem>>, vector<1x1x16xf32>,
      %get3A_1169 = arith.constant 0 : i32
      %get3A_1170 = arith.index_cast %get3A_1169 : i32 to index
      %get3A_1171 = arith.index_cast %scan3A_1088 : i32 to index
      %get3A_1172 = arith.constant 52 : index
      %get3A_1173 = tpu.vector_load %arg8[%get3A_1170, %get3A_1171, %get3A_1172] {strides = array<i32>} : memref<2x64x128xf32, #tpu.memory_space<vmem>>, vector<1x1x16xf32>,
      %get3A_1174 = vector.shape_cast %get3A_1173 : vector<1x1x16xf32> to vector<16xf32>
      %swap3A_1175 = arith.constant 0 : i32
      %swap3A_1176 = arith.index_cast %swap3A_1175 : i32 to index
      %swap3A_1177 = arith.index_cast %scan3A_1088 : i32 to index
      %swap3A_1178 = arith.constant 352 : index
      %swap3A_1179 = tpu.vector_load %arg7[%swap3A_1176, %swap3A_1177, %swap3A_1178] {strides = array<i32>} : memref<2x64x384xf32, #tpu.memory_space<vmem>>, vector<1x1x16xf32>,
      %swap3A_1180 = vector.shape_cast %swap3A_1179 : vector<1x1x16xf32> to vector<16xf32>
      %swap3A_1181 = vector.shape_cast %get3A_1174 : vector<16xf32> to vector<1x1x16xf32>
      tpu.vector_store %arg7[%swap3A_1176, %swap3A_1177, %swap3A_1178], %swap3A_1181 {strides = array<i32>} : memref<2x64x384xf32, #tpu.memory_space<vmem>>, vector<1x1x16xf32>,
      %get3A_1182 = arith.constant 0 : i32
      %get3A_1183 = arith.index_cast %get3A_1182 : i32 to index
      %get3A_1184 = arith.index_cast %scan3A_1088 : i32 to index
      %get3A_1185 = arith.constant 68 : index
      %get3A_1186 = tpu.vector_load %arg8[%get3A_1183, %get3A_1184, %get3A_1185] {strides = array<i32>} : memref<2x64x128xf32, #tpu.memory_space<vmem>>, vector<1x1x16xf32>,
      %get3A_1187 = vector.shape_cast %get3A_1186 : vector<1x1x16xf32> to vector<16xf32>
      %swap3A_1188 = arith.constant 0 : i32
      %swap3A_1189 = arith.index_cast %swap3A_1188 : i32 to index
      %swap3A_1190 = arith.index_cast %scan3A_1088 : i32 to index
      %swap3A_1191 = arith.constant 368 : index
      %swap3A_1192 = tpu.vector_load %arg7[%swap3A_1189, %swap3A_1190, %swap3A_1191] {strides = array<i32>} : memref<2x64x384xf32, #tpu.memory_space<vmem>>, vector<1x1x16xf32>,
      %swap3A_1193 = vector.shape_cast %swap3A_1192 : vector<1x1x16xf32> to vector<16xf32>
      %swap3A_1194 = vector.shape_cast %get3A_1187 : vector<16xf32> to vector<1x1x16xf32>
      tpu.vector_store %arg7[%swap3A_1189, %swap3A_1190, %swap3A_1191], %swap3A_1194 {strides = array<i32>} : memref<2x64x384xf32, #tpu.memory_space<vmem>>, vector<1x1x16xf32>,
      %get3A_1195 = arith.constant 0 : i32
      %get3A_1196 = arith.index_cast %get3A_1195 : i32 to index
      %get3A_1197 = arith.index_cast %scan3A_1088 : i32 to index
      %get3A_1198 = arith.constant 84 : index
      %get3A_1199 = tpu.vector_load %arg8[%get3A_1196, %get3A_1197, %get3A_1198] {strides = array<i32>} : memref<2x64x128xf32, #tpu.memory_space<vmem>>, vector<1x1x16xf32>,
      %get3A_1200 = vector.shape_cast %get3A_1199 : vector<1x1x16xf32> to vector<16xf32>
      %swap3A_1201 = arith.constant 0 : i32
      %swap3A_1202 = arith.index_cast %swap3A_1201 : i32 to index
      %swap3A_1203 = arith.index_cast %scan3A_1088 : i32 to index
      %swap3A_1204 = arith.constant 0 : index
      %swap3A_1205 = tpu.vector_load %arg9[%swap3A_1202, %swap3A_1203, %swap3A_1204] {strides = array<i32>} : memref<2x64x44xf32, #tpu.memory_space<vmem>>, vector<1x1x16xf32>,
      %swap3A_1206 = vector.shape_cast %swap3A_1205 : vector<1x1x16xf32> to vector<16xf32>
      %swap3A_1207 = vector.shape_cast %get3A_1200 : vector<16xf32> to vector<1x1x16xf32>
      tpu.vector_store %arg9[%swap3A_1202, %swap3A_1203, %swap3A_1204], %swap3A_1207 {strides = array<i32>} : memref<2x64x44xf32, #tpu.memory_space<vmem>>, vector<1x1x16xf32>,
      %get3A_1208 = arith.constant 0 : i32
      %get3A_1209 = arith.index_cast %get3A_1208 : i32 to index
      %get3A_1210 = arith.index_cast %scan3A_1088 : i32 to index
      %get3A_1211 = arith.constant 112 : index
      %get3A_1212 = tpu.vector_load %arg8[%get3A_1209, %get3A_1210, %get3A_1211] {strides = array<i32>} : memref<2x64x128xf32, #tpu.memory_space<vmem>>, vector<1x1x16xf32>,
      %get3A_1213 = vector.shape_cast %get3A_1212 : vector<1x1x16xf32> to vector<16xf32>
      %swap3A_1214 = arith.constant 0 : i32
      %swap3A_1215 = arith.index_cast %swap3A_1214 : i32 to index
      %swap3A_1216 = arith.index_cast %scan3A_1088 : i32 to index
      %swap3A_1217 = arith.constant 28 : index
      %swap3A_1218 = tpu.vector_load %arg9[%swap3A_1215, %swap3A_1216, %swap3A_1217] {strides = array<i32>} : memref<2x64x44xf32, #tpu.memory_space<vmem>>, vector<1x1x16xf32>,
      %swap3A_1219 = vector.shape_cast %swap3A_1218 : vector<1x1x16xf32> to vector<16xf32>
      %swap3A_1220 = vector.shape_cast %get3A_1213 : vector<16xf32> to vector<1x1x16xf32>
      tpu.vector_store %arg9[%swap3A_1215, %swap3A_1216, %swap3A_1217], %swap3A_1220 {strides = array<i32>} : memref<2x64x44xf32, #tpu.memory_space<vmem>>, vector<1x1x16xf32>,
      %get3A_1221 = arith.constant 0 : i32
      %get3A_1222 = arith.index_cast %get3A_1221 : i32 to index
      %get3A_1223 = arith.index_cast %scan3A_1088 : i32 to index
      %get3A_1224 = arith.constant 100 : index
      %get3A_1225 = tpu.vector_load %arg8[%get3A_1222, %get3A_1223, %get3A_1224] {strides = array<i32>} : memref<2x64x128xf32, #tpu.memory_space<vmem>>, vector<1x1x16xf32>,
      %get3A_1226 = vector.shape_cast %get3A_1225 : vector<1x1x16xf32> to vector<16xf32>
      %swap3A_1227 = arith.constant 0 : i32
      %swap3A_1228 = arith.index_cast %swap3A_1227 : i32 to index
      %swap3A_1229 = arith.index_cast %scan3A_1088 : i32 to index
      %swap3A_1230 = arith.constant 16 : index
      %swap3A_1231 = tpu.vector_load %arg9[%swap3A_1228, %swap3A_1229, %swap3A_1230] {strides = array<i32>} : memref<2x64x44xf32, #tpu.memory_space<vmem>>, vector<1x1x16xf32>,
      %swap3A_1232 = vector.shape_cast %swap3A_1231 : vector<1x1x16xf32> to vector<16xf32>
      %swap3A_1233 = vector.shape_cast %get3A_1226 : vector<16xf32> to vector<1x1x16xf32>
      tpu.vector_store %arg9[%swap3A_1228, %swap3A_1229, %swap3A_1230], %swap3A_1233 {strides = array<i32>} : memref<2x64x44xf32, #tpu.memory_space<vmem>>, vector<1x1x16xf32>,
    }
    %scan3A_648 = arith.constant 64 : i32
    %dma_start3A_649 = arith.constant 0 : i32
    %dma_start3A_650 = arith.constant 0 : i32
    %dma_start3A_651 = arith.constant 0 : i32
    %dma_start3A_652 = arith.constant 0 : i32
    %dma_start3A_653 = tpu.memref_slice %arg7[%dma_start3A_649, %dma_start3A_651, %dma_start3A_652] : memref<2x64x384xf32, #tpu.memory_space<vmem>> -> memref<1x64x384xf32, #tpu.memory_space<vmem>>
    %dma_start3A_654 = tpu.memref_squeeze %dma_start3A_653 : memref<1x64x384xf32, #tpu.memory_space<vmem>> -> memref<64x384xf32, #tpu.memory_space<vmem>>
    %dma_start3A_655 = arith.constant 0 : i32
    %dma_start3A_656 = tpu.memref_slice %arg5[%add3A_548, %dma_start3A_655] : memref<16384x428xf32, #tpu.memory_space<hbm>> -> memref<64x384xf32, #tpu.memory_space<hbm>>
    %dma_start3A_657 = tpu.memref_slice %arg12[%dma_start3A_650] : memref<2x!tpu.dma_semaphore, #tpu.memory_space<semaphore_mem>> -> memref<1x!tpu.dma_semaphore, #tpu.memory_space<semaphore_mem>>
    %dma_start3A_658 = tpu.memref_squeeze %dma_start3A_657 : memref<1x!tpu.dma_semaphore, #tpu.memory_space<semaphore_mem>> -> memref<!tpu.dma_semaphore, #tpu.memory_space<semaphore_mem>>
    %dma_start3A_659 = arith.constant 0 : i32
    %dma_start3A_660 = tpu.memref_slice %arg5[%add3A_548, %dma_start3A_659] : memref<16384x428xf32, #tpu.memory_space<hbm>> -> memref<64x384xf32, #tpu.memory_space<hbm>>
    %dma_start3A_661 = arith.constant 0 : i32
    %dma_start3A_662 = arith.constant 0 : i32
    %dma_start3A_663 = tpu.memref_slice %arg7[%dma_start3A_649, %dma_start3A_661, %dma_start3A_662] : memref<2x64x384xf32, #tpu.memory_space<vmem>> -> memref<1x64x384xf32, #tpu.memory_space<vmem>>
    %dma_start3A_664 = tpu.memref_squeeze %dma_start3A_663 : memref<1x64x384xf32, #tpu.memory_space<vmem>> -> memref<64x384xf32, #tpu.memory_space<vmem>>
    tpu.enqueue_dma source(%dma_start3A_664 : memref<64x384xf32, #tpu.memory_space<vmem>>) target(%dma_start3A_660 : memref<64x384xf32, #tpu.memory_space<hbm>>) target_semaphore(%dma_start3A_658 : memref<!tpu.dma_semaphore, #tpu.memory_space<semaphore_mem>>)
    %dma_start3A_665 = arith.constant 0 : i32
    %dma_start3A_666 = arith.constant 0 : i32
    %dma_start3A_667 = arith.constant 0 : i32
    %dma_start3A_668 = arith.constant 0 : i32
    %dma_start3A_669 = tpu.memref_slice %arg9[%dma_start3A_665, %dma_start3A_667, %dma_start3A_668] : memref<2x64x44xf32, #tpu.memory_space<vmem>> -> memref<1x64x44xf32, #tpu.memory_space<vmem>>
    %dma_start3A_670 = tpu.memref_squeeze %dma_start3A_669 : memref<1x64x44xf32, #tpu.memory_space<vmem>> -> memref<64x44xf32, #tpu.memory_space<vmem>>
    %dma_start3A_671 = arith.constant 384 : i32
    %dma_start3A_672 = tpu.memref_slice %arg5[%add3A_548, %dma_start3A_671] : memref<16384x428xf32, #tpu.memory_space<hbm>> -> memref<64x44xf32, #tpu.memory_space<hbm>>
    %dma_start3A_673 = tpu.memref_slice %arg13[%dma_start3A_666] : memref<2x!tpu.dma_semaphore, #tpu.memory_space<semaphore_mem>> -> memref<1x!tpu.dma_semaphore, #tpu.memory_space<semaphore_mem>>
    %dma_start3A_674 = tpu.memref_squeeze %dma_start3A_673 : memref<1x!tpu.dma_semaphore, #tpu.memory_space<semaphore_mem>> -> memref<!tpu.dma_semaphore, #tpu.memory_space<semaphore_mem>>
    %dma_start3A_675 = arith.constant 384 : i32
    %dma_start3A_676 = tpu.memref_slice %arg5[%add3A_548, %dma_start3A_675] : memref<16384x428xf32, #tpu.memory_space<hbm>> -> memref<64x44xf32, #tpu.memory_space<hbm>>
    %dma_start3A_677 = arith.constant 0 : i32
    %dma_start3A_678 = arith.constant 0 : i32
    %dma_start3A_679 = tpu.memref_slice %arg9[%dma_start3A_665, %dma_start3A_677, %dma_start3A_678] : memref<2x64x44xf32, #tpu.memory_space<vmem>> -> memref<1x64x44xf32, #tpu.memory_space<vmem>>
    %dma_start3A_680 = tpu.memref_squeeze %dma_start3A_679 : memref<1x64x44xf32, #tpu.memory_space<vmem>> -> memref<64x44xf32, #tpu.memory_space<vmem>>
    tpu.enqueue_dma source(%dma_start3A_680 : memref<64x44xf32, #tpu.memory_space<vmem>>) target(%dma_start3A_676 : memref<64x44xf32, #tpu.memory_space<hbm>>) target_semaphore(%dma_start3A_674 : memref<!tpu.dma_semaphore, #tpu.memory_space<semaphore_mem>>)
    %mul3A_681 = arith.constant 512 : i32
    %mul3A_682 = arith.muli %add3A, %mul3A_681 : i32
    %add3A_683 = arith.constant 320 : i32
    %add3A_684 = arith.addi %mul3A_682, %add3A_683 : i32
    %dma_wait3A_685 = arith.constant 0 : i32
    %dma_wait3A_686 = arith.constant 0 : i32
    %dma_wait3A_687 = arith.constant 0 : i32
    %dma_wait3A_688 = arith.constant 0 : i32
    %dma_wait3A_689 = tpu.memref_slice %arg7[%dma_wait3A_685, %dma_wait3A_687, %dma_wait3A_688] : memref<2x64x384xf32, #tpu.memory_space<vmem>> -> memref<1x64x384xf32, #tpu.memory_space<vmem>>
    %dma_wait3A_690 = tpu.memref_squeeze %dma_wait3A_689 : memref<1x64x384xf32, #tpu.memory_space<vmem>> -> memref<64x384xf32, #tpu.memory_space<vmem>>
    %dma_wait3A_691 = arith.constant 0 : i32
    %dma_wait3A_692 = tpu.memref_slice %arg5[%add3A_548, %dma_wait3A_691] : memref<16384x428xf32, #tpu.memory_space<hbm>> -> memref<64x384xf32, #tpu.memory_space<hbm>>
    %dma_wait3A_693 = tpu.memref_slice %arg12[%dma_wait3A_686] : memref<2x!tpu.dma_semaphore, #tpu.memory_space<semaphore_mem>> -> memref<1x!tpu.dma_semaphore, #tpu.memory_space<semaphore_mem>>
    %dma_wait3A_694 = tpu.memref_squeeze %dma_wait3A_693 : memref<1x!tpu.dma_semaphore, #tpu.memory_space<semaphore_mem>> -> memref<!tpu.dma_semaphore, #tpu.memory_space<semaphore_mem>>
    %dma_wait3A_695 = arith.constant 0 : i32
    %dma_wait3A_696 = tpu.memref_slice %arg5[%add3A_548, %dma_wait3A_695] : memref<16384x428xf32, #tpu.memory_space<hbm>> -> memref<64x384xf32, #tpu.memory_space<hbm>>
    %dma_wait3A_697 = arith.constant 0 : i32
    %dma_wait3A_698 = arith.constant 0 : i32
    %dma_wait3A_699 = tpu.memref_slice %arg7[%dma_wait3A_685, %dma_wait3A_697, %dma_wait3A_698] : memref<2x64x384xf32, #tpu.memory_space<vmem>> -> memref<1x64x384xf32, #tpu.memory_space<vmem>>
    %dma_wait3A_700 = tpu.memref_squeeze %dma_wait3A_699 : memref<1x64x384xf32, #tpu.memory_space<vmem>> -> memref<64x384xf32, #tpu.memory_space<vmem>>
    tpu.wait_dma2 semaphore(%dma_wait3A_694 : memref<!tpu.dma_semaphore, #tpu.memory_space<semaphore_mem>>) src(%dma_wait3A_700 : memref<64x384xf32, #tpu.memory_space<vmem>>) dst(%dma_wait3A_696 : memref<64x384xf32, #tpu.memory_space<hbm>>)
    %dma_wait3A_701 = arith.constant 0 : i32
    %dma_wait3A_702 = arith.constant 0 : i32
    %dma_wait3A_703 = arith.constant 0 : i32
    %dma_wait3A_704 = arith.constant 0 : i32
    %dma_wait3A_705 = tpu.memref_slice %arg9[%dma_wait3A_701, %dma_wait3A_703, %dma_wait3A_704] : memref<2x64x44xf32, #tpu.memory_space<vmem>> -> memref<1x64x44xf32, #tpu.memory_space<vmem>>
    %dma_wait3A_706 = tpu.memref_squeeze %dma_wait3A_705 : memref<1x64x44xf32, #tpu.memory_space<vmem>> -> memref<64x44xf32, #tpu.memory_space<vmem>>
    %dma_wait3A_707 = arith.constant 384 : i32
    %dma_wait3A_708 = tpu.memref_slice %arg5[%add3A_548, %dma_wait3A_707] : memref<16384x428xf32, #tpu.memory_space<hbm>> -> memref<64x44xf32, #tpu.memory_space<hbm>>
    %dma_wait3A_709 = tpu.memref_slice %arg13[%dma_wait3A_702] : memref<2x!tpu.dma_semaphore, #tpu.memory_space<semaphore_mem>> -> memref<1x!tpu.dma_semaphore, #tpu.memory_space<semaphore_mem>>
    %dma_wait3A_710 = tpu.memref_squeeze %dma_wait3A_709 : memref<1x!tpu.dma_semaphore, #tpu.memory_space<semaphore_mem>> -> memref<!tpu.dma_semaphore, #tpu.memory_space<semaphore_mem>>
    %dma_wait3A_711 = arith.constant 384 : i32
    %dma_wait3A_712 = tpu.memref_slice %arg5[%add3A_548, %dma_wait3A_711] : memref<16384x428xf32, #tpu.memory_space<hbm>> -> memref<64x44xf32, #tpu.memory_space<hbm>>
    %dma_wait3A_713 = arith.constant 0 : i32
    %dma_wait3A_714 = arith.constant 0 : i32
    %dma_wait3A_715 = tpu.memref_slice %arg9[%dma_wait3A_701, %dma_wait3A_713, %dma_wait3A_714] : memref<2x64x44xf32, #tpu.memory_space<vmem>> -> memref<1x64x44xf32, #tpu.memory_space<vmem>>
    %dma_wait3A_716 = tpu.memref_squeeze %dma_wait3A_715 : memref<1x64x44xf32, #tpu.memory_space<vmem>> -> memref<64x44xf32, #tpu.memory_space<vmem>>
    tpu.wait_dma2 semaphore(%dma_wait3A_710 : memref<!tpu.dma_semaphore, #tpu.memory_space<semaphore_mem>>) src(%dma_wait3A_716 : memref<64x44xf32, #tpu.memory_space<vmem>>) dst(%dma_wait3A_712 : memref<64x44xf32, #tpu.memory_space<hbm>>)
    %mul3A_717 = arith.constant 512 : i32
    %mul3A_718 = arith.muli %add3A, %mul3A_717 : i32
    %add3A_719 = arith.constant 384 : i32
    %add3A_720 = arith.addi %mul3A_718, %add3A_719 : i32
    %dma_start3A_721 = arith.constant 0 : i32
    %dma_start3A_722 = arith.constant 0 : i32
    %dma_start3A_723 = arith.constant 0 : i32
    %dma_start3A_724 = arith.constant 0 : i32
    %dma_start3A_725 = tpu.memref_slice %arg7[%dma_start3A_721, %dma_start3A_723, %dma_start3A_724] : memref<2x64x384xf32, #tpu.memory_space<vmem>> -> memref<1x64x384xf32, #tpu.memory_space<vmem>>
    %dma_start3A_726 = tpu.memref_squeeze %dma_start3A_725 : memref<1x64x384xf32, #tpu.memory_space<vmem>> -> memref<64x384xf32, #tpu.memory_space<vmem>>
    %dma_start3A_727 = arith.constant 384 : i32
    %dma_start3A_728 = tpu.memref_slice %arg6[%dma_start3A_727] : memref<512xi32, #tpu.memory_space<vmem>> -> memref<64xi32, #tpu.memory_space<vmem>>
    %dma_start3A_729 = arith.constant 0 : i32
    %dma_start3A_730 = arith.constant 0 : i32
    %dma_start3A_731 = tpu.memref_slice %arg4[%dma_start3A_729, %dma_start3A_730] : memref<100000x300xf32, #tpu.memory_space<hbm>> -> memref<100000x384xf32, #tpu.memory_space<hbm>>
    %dma_start3A_732 = tpu.memref_slice %arg10[%dma_start3A_722] : memref<2x!tpu.dma_semaphore, #tpu.memory_space<semaphore_mem>> -> memref<1x!tpu.dma_semaphore, #tpu.memory_space<semaphore_mem>>
    %dma_start3A_733 = tpu.memref_squeeze %dma_start3A_732 : memref<1x!tpu.dma_semaphore, #tpu.memory_space<semaphore_mem>> -> memref<!tpu.dma_semaphore, #tpu.memory_space<semaphore_mem>>
    tpu.enqueue_indirect_dma source(%dma_start3A_731 : memref<100000x384xf32, #tpu.memory_space<hbm>>) target(%dma_start3A_726 : memref<64x384xf32, #tpu.memory_space<vmem>>) offsets(%dma_start3A_728 : memref<64xi32, #tpu.memory_space<vmem>>) semaphore(%dma_start3A_733 : memref<!tpu.dma_semaphore, #tpu.memory_space<semaphore_mem>>)
    %dma_start3A_734 = arith.constant 0 : i32
    %dma_start3A_735 = arith.constant 0 : i32
    %dma_start3A_736 = arith.constant 0 : i32
    %dma_start3A_737 = arith.constant 0 : i32
    %dma_start3A_738 = tpu.memref_slice %arg8[%dma_start3A_734, %dma_start3A_736, %dma_start3A_737] : memref<2x64x128xf32, #tpu.memory_space<vmem>> -> memref<1x64x128xf32, #tpu.memory_space<vmem>>
    %dma_start3A_739 = tpu.memref_squeeze %dma_start3A_738 : memref<1x64x128xf32, #tpu.memory_space<vmem>> -> memref<64x128xf32, #tpu.memory_space<vmem>>
    %dma_start3A_740 = arith.constant 0 : i32
    %dma_start3A_741 = tpu.memref_slice %arg2[%add3A_720, %dma_start3A_740] : memref<16384x128xf32, #tpu.memory_space<hbm>> -> memref<64x128xf32, #tpu.memory_space<hbm>>
    %dma_start3A_742 = tpu.memref_slice %arg11[%dma_start3A_735] : memref<2x!tpu.dma_semaphore, #tpu.memory_space<semaphore_mem>> -> memref<1x!tpu.dma_semaphore, #tpu.memory_space<semaphore_mem>>
    %dma_start3A_743 = tpu.memref_squeeze %dma_start3A_742 : memref<1x!tpu.dma_semaphore, #tpu.memory_space<semaphore_mem>> -> memref<!tpu.dma_semaphore, #tpu.memory_space<semaphore_mem>>
    %dma_start3A_744 = arith.constant 0 : i32
    %dma_start3A_745 = arith.constant 0 : i32
    %dma_start3A_746 = tpu.memref_slice %arg8[%dma_start3A_734, %dma_start3A_744, %dma_start3A_745] : memref<2x64x128xf32, #tpu.memory_space<vmem>> -> memref<1x64x128xf32, #tpu.memory_space<vmem>>
    %dma_start3A_747 = tpu.memref_squeeze %dma_start3A_746 : memref<1x64x128xf32, #tpu.memory_space<vmem>> -> memref<64x128xf32, #tpu.memory_space<vmem>>
    %dma_start3A_748 = arith.constant 0 : i32
    %dma_start3A_749 = tpu.memref_slice %arg2[%add3A_720, %dma_start3A_748] : memref<16384x128xf32, #tpu.memory_space<hbm>> -> memref<64x128xf32, #tpu.memory_space<hbm>>
    tpu.enqueue_dma source(%dma_start3A_749 : memref<64x128xf32, #tpu.memory_space<hbm>>) target(%dma_start3A_747 : memref<64x128xf32, #tpu.memory_space<vmem>>) target_semaphore(%dma_start3A_743 : memref<!tpu.dma_semaphore, #tpu.memory_space<semaphore_mem>>)
    %dma_wait3A_750 = arith.constant 1 : i32
    %dma_wait3A_751 = arith.constant 1 : i32
    %dma_wait3A_752 = arith.constant 0 : i32
    %dma_wait3A_753 = arith.constant 0 : i32
    %dma_wait3A_754 = tpu.memref_slice %arg7[%dma_wait3A_750, %dma_wait3A_752, %dma_wait3A_753] : memref<2x64x384xf32, #tpu.memory_space<vmem>> -> memref<1x64x384xf32, #tpu.memory_space<vmem>>
    %dma_wait3A_755 = tpu.memref_squeeze %dma_wait3A_754 : memref<1x64x384xf32, #tpu.memory_space<vmem>> -> memref<64x384xf32, #tpu.memory_space<vmem>>
    %dma_wait3A_756 = arith.constant 320 : i32
    %dma_wait3A_757 = tpu.memref_slice %arg6[%dma_wait3A_756] : memref<512xi32, #tpu.memory_space<vmem>> -> memref<64xi32, #tpu.memory_space<vmem>>
    %dma_wait3A_758 = arith.constant 0 : i32
    %dma_wait3A_759 = arith.constant 0 : i32
    %dma_wait3A_760 = tpu.memref_slice %arg4[%dma_wait3A_758, %dma_wait3A_759] : memref<100000x300xf32, #tpu.memory_space<hbm>> -> memref<100000x384xf32, #tpu.memory_space<hbm>>
    %dma_wait3A_761 = tpu.memref_slice %arg10[%dma_wait3A_751] : memref<2x!tpu.dma_semaphore, #tpu.memory_space<semaphore_mem>> -> memref<1x!tpu.dma_semaphore, #tpu.memory_space<semaphore_mem>>
    %dma_wait3A_762 = tpu.memref_squeeze %dma_wait3A_761 : memref<1x!tpu.dma_semaphore, #tpu.memory_space<semaphore_mem>> -> memref<!tpu.dma_semaphore, #tpu.memory_space<semaphore_mem>>
    tpu.wait_indirect_dma semaphore(%dma_wait3A_762 : memref<!tpu.dma_semaphore, #tpu.memory_space<semaphore_mem>>) src(%dma_wait3A_760 : memref<100000x384xf32, #tpu.memory_space<hbm>>) dst(%dma_wait3A_755 : memref<64x384xf32, #tpu.memory_space<vmem>>)
    %dma_wait3A_763 = arith.constant 1 : i32
    %dma_wait3A_764 = arith.constant 1 : i32
    %dma_wait3A_765 = arith.constant 0 : i32
    %dma_wait3A_766 = arith.constant 0 : i32
    %dma_wait3A_767 = tpu.memref_slice %arg8[%dma_wait3A_763, %dma_wait3A_765, %dma_wait3A_766] : memref<2x64x128xf32, #tpu.memory_space<vmem>> -> memref<1x64x128xf32, #tpu.memory_space<vmem>>
    %dma_wait3A_768 = tpu.memref_squeeze %dma_wait3A_767 : memref<1x64x128xf32, #tpu.memory_space<vmem>> -> memref<64x128xf32, #tpu.memory_space<vmem>>
    %dma_wait3A_769 = arith.constant 0 : i32
    %dma_wait3A_770 = tpu.memref_slice %arg2[%add3A_584, %dma_wait3A_769] : memref<16384x128xf32, #tpu.memory_space<hbm>> -> memref<64x128xf32, #tpu.memory_space<hbm>>
    %dma_wait3A_771 = tpu.memref_slice %arg11[%dma_wait3A_764] : memref<2x!tpu.dma_semaphore, #tpu.memory_space<semaphore_mem>> -> memref<1x!tpu.dma_semaphore, #tpu.memory_space<semaphore_mem>>
    %dma_wait3A_772 = tpu.memref_squeeze %dma_wait3A_771 : memref<1x!tpu.dma_semaphore, #tpu.memory_space<semaphore_mem>> -> memref<!tpu.dma_semaphore, #tpu.memory_space<semaphore_mem>>
    %dma_wait3A_773 = arith.constant 0 : i32
    %dma_wait3A_774 = arith.constant 0 : i32
    %dma_wait3A_775 = tpu.memref_slice %arg8[%dma_wait3A_763, %dma_wait3A_773, %dma_wait3A_774] : memref<2x64x128xf32, #tpu.memory_space<vmem>> -> memref<1x64x128xf32, #tpu.memory_space<vmem>>
    %dma_wait3A_776 = tpu.memref_squeeze %dma_wait3A_775 : memref<1x64x128xf32, #tpu.memory_space<vmem>> -> memref<64x128xf32, #tpu.memory_space<vmem>>
    %dma_wait3A_777 = arith.constant 0 : i32
    %dma_wait3A_778 = tpu.memref_slice %arg2[%add3A_584, %dma_wait3A_777] : memref<16384x128xf32, #tpu.memory_space<hbm>> -> memref<64x128xf32, #tpu.memory_space<hbm>>
    tpu.wait_dma2 semaphore(%dma_wait3A_772 : memref<!tpu.dma_semaphore, #tpu.memory_space<semaphore_mem>>) src(%dma_wait3A_778 : memref<64x128xf32, #tpu.memory_space<hbm>>) dst(%dma_wait3A_776 : memref<64x128xf32, #tpu.memory_space<vmem>>)
    %scan3A_779 = arith.constant 0 : i32
    %scan3A_780 = arith.constant 0 : i32
    %scan3A_781 = arith.constant 64 : i32
    %scan3A_782 = arith.addi %scan3A_780, %scan3A_781 : i32
    %scan3A_783 = arith.constant 1 : i32
    scf.for %scan3A_1088 = %scan3A_780 to %scan3A_782 step %scan3A_783  : i32 {
      %get3A = arith.constant 1 : i32
      %get3A_1089 = arith.index_cast %get3A : i32 to index
      %get3A_1090 = arith.index_cast %scan3A_1088 : i32 to index
      %get3A_1091 = arith.constant 288 : index
      %get3A_1092 = tpu.vector_load %arg7[%get3A_1089, %get3A_1090, %get3A_1091] {strides = array<i32>} : memref<2x64x384xf32, #tpu.memory_space<vmem>>, vector<1x1x16xf32>,
      %get3A_1093 = vector.shape_cast %get3A_1092 : vector<1x1x16xf32> to vector<16xf32>
      %get3A_1094 = arith.constant 1 : i32
      %get3A_1095 = arith.index_cast %get3A_1094 : i32 to index
      %get3A_1096 = arith.index_cast %scan3A_1088 : i32 to index
      %get3A_1097 = arith.constant 0 : index
      %get3A_1098 = tpu.vector_load %arg8[%get3A_1095, %get3A_1096, %get3A_1097] {strides = array<i32>} : memref<2x64x128xf32, #tpu.memory_space<vmem>>, vector<1x1x16xf32>,
      %get3A_1099 = vector.shape_cast %get3A_1098 : vector<1x1x16xf32> to vector<16xf32>
      %iota3A_1100 = tpu.iota {dimensions = array<i32: 0>} : vector<16xi32>
      %add3A_1101 = arith.constant 4 : i32
      %add3A_1102 = vector.broadcast %add3A_1101 : i32 to vector<16xi32>
      %add3A_1103 = arith.addi %iota3A_1100, %add3A_1102 : vector<16xi32>
      %jit3A = arith.constant 16 : i32
      %eq3A = arith.constant 0 : i32
      %eq3A_1104 = arith.cmpi eq, %jit3A, %eq3A : i32
      %jit3A_1105 = arith.constant 1 : i32
      %select_n3A = arith.select %eq3A_1104, %jit3A_1105, %jit3A : i32
      %rem3A = vector.broadcast %select_n3A : i32 to vector<16xi32>
      %rem3A_1106 = arith.remsi %add3A_1103, %rem3A : vector<16xi32>
      %ne3A = arith.constant 0 : i32
      %ne3A_1107 = vector.broadcast %ne3A : i32 to vector<16xi32>
      %ne3A_1108 = arith.cmpi ne, %rem3A_1106, %ne3A_1107 : vector<16xi32>
      %lt3A = arith.constant 0 : i32
      %lt3A_1109 = vector.broadcast %lt3A : i32 to vector<16xi32>
      %lt3A_1110 = arith.cmpi slt, %rem3A_1106, %lt3A_1109 : vector<16xi32>
      %lt3A_1111 = arith.constant 0 : i32
      %lt3A_1112 = arith.cmpi slt, %select_n3A, %lt3A_1111 : i32
      %ne3A_1113 = vector.broadcast %lt3A_1112 : i1 to vector<16xi1>
      %ne3A_1114 = vector.broadcast %ne3A_1113 : vector<16xi1> to vector<16xi1>
      %ne3A_1115 = arith.xori %lt3A_1110, %ne3A_1114 : vector<16xi1>
      %and3A = arith.andi %ne3A_1115, %ne3A_1108 : vector<16xi1>
      %add3A_1116 = vector.broadcast %select_n3A : i32 to vector<16xi32>
      %add3A_1117 = arith.addi %rem3A_1106, %add3A_1116 : vector<16xi32>
      %select_n3A_1118 = arith.select %and3A, %add3A_1117, %rem3A_1106 : vector<16xi1>, vector<16xi32>
      %broadcast_in_dim3A = vector.shape_cast %select_n3A_1118 : vector<16xi32> to vector<16x1xi32>
      %gather3A = vector.shape_cast %broadcast_in_dim3A : vector<16x1xi32> to vector<16xi32>
      %gather3A_1119 = tpu.dynamic_gather %get3A_1099[%gather3A] in [0] : vector<16xf32>, vector<16xi32> -> vector<16xf32>
      %lt3A_1120 = arith.constant 12 : i32
      %lt3A_1121 = vector.broadcast %lt3A_1120 : i32 to vector<16xi32>
      %lt3A_1122 = arith.cmpi slt, %iota3A, %lt3A_1121 : vector<16xi32>
      %select_n3A_1123 = arith.select %lt3A_1122, %get3A_1093, %gather3A_1119 : vector<16xi1>, vector<16xf32>
      %swap3A = arith.constant 1 : i32
      %swap3A_1124 = arith.index_cast %swap3A : i32 to index
      %swap3A_1125 = arith.index_cast %scan3A_1088 : i32 to index
      %swap3A_1126 = arith.constant 288 : index
      %swap3A_1127 = tpu.vector_load %arg7[%swap3A_1124, %swap3A_1125, %swap3A_1126] {strides = array<i32>} : memref<2x64x384xf32, #tpu.memory_space<vmem>>, vector<1x1x16xf32>,
      %swap3A_1128 = vector.shape_cast %swap3A_1127 : vector<1x1x16xf32> to vector<16xf32>
      %swap3A_1129 = vector.shape_cast %select_n3A_1123 : vector<16xf32> to vector<1x1x16xf32>
      tpu.vector_store %arg7[%swap3A_1124, %swap3A_1125, %swap3A_1126], %swap3A_1129 {strides = array<i32>} : memref<2x64x384xf32, #tpu.memory_space<vmem>>, vector<1x1x16xf32>,
      %get3A_1130 = arith.constant 1 : i32
      %get3A_1131 = arith.index_cast %get3A_1130 : i32 to index
      %get3A_1132 = arith.index_cast %scan3A_1088 : i32 to index
      %get3A_1133 = arith.constant 4 : index
      %get3A_1134 = tpu.vector_load %arg8[%get3A_1131, %get3A_1132, %get3A_1133] {strides = array<i32>} : memref<2x64x128xf32, #tpu.memory_space<vmem>>, vector<1x1x16xf32>,
      %get3A_1135 = vector.shape_cast %get3A_1134 : vector<1x1x16xf32> to vector<16xf32>
      %swap3A_1136 = arith.constant 1 : i32
      %swap3A_1137 = arith.index_cast %swap3A_1136 : i32 to index
      %swap3A_1138 = arith.index_cast %scan3A_1088 : i32 to index
      %swap3A_1139 = arith.constant 304 : index
      %swap3A_1140 = tpu.vector_load %arg7[%swap3A_1137, %swap3A_1138, %swap3A_1139] {strides = array<i32>} : memref<2x64x384xf32, #tpu.memory_space<vmem>>, vector<1x1x16xf32>,
      %swap3A_1141 = vector.shape_cast %swap3A_1140 : vector<1x1x16xf32> to vector<16xf32>
      %swap3A_1142 = vector.shape_cast %get3A_1135 : vector<16xf32> to vector<1x1x16xf32>
      tpu.vector_store %arg7[%swap3A_1137, %swap3A_1138, %swap3A_1139], %swap3A_1142 {strides = array<i32>} : memref<2x64x384xf32, #tpu.memory_space<vmem>>, vector<1x1x16xf32>,
      %get3A_1143 = arith.constant 1 : i32
      %get3A_1144 = arith.index_cast %get3A_1143 : i32 to index
      %get3A_1145 = arith.index_cast %scan3A_1088 : i32 to index
      %get3A_1146 = arith.constant 20 : index
      %get3A_1147 = tpu.vector_load %arg8[%get3A_1144, %get3A_1145, %get3A_1146] {strides = array<i32>} : memref<2x64x128xf32, #tpu.memory_space<vmem>>, vector<1x1x16xf32>,
      %get3A_1148 = vector.shape_cast %get3A_1147 : vector<1x1x16xf32> to vector<16xf32>
      %swap3A_1149 = arith.constant 1 : i32
      %swap3A_1150 = arith.index_cast %swap3A_1149 : i32 to index
      %swap3A_1151 = arith.index_cast %scan3A_1088 : i32 to index
      %swap3A_1152 = arith.constant 320 : index
      %swap3A_1153 = tpu.vector_load %arg7[%swap3A_1150, %swap3A_1151, %swap3A_1152] {strides = array<i32>} : memref<2x64x384xf32, #tpu.memory_space<vmem>>, vector<1x1x16xf32>,
      %swap3A_1154 = vector.shape_cast %swap3A_1153 : vector<1x1x16xf32> to vector<16xf32>
      %swap3A_1155 = vector.shape_cast %get3A_1148 : vector<16xf32> to vector<1x1x16xf32>
      tpu.vector_store %arg7[%swap3A_1150, %swap3A_1151, %swap3A_1152], %swap3A_1155 {strides = array<i32>} : memref<2x64x384xf32, #tpu.memory_space<vmem>>, vector<1x1x16xf32>,
      %get3A_1156 = arith.constant 1 : i32
      %get3A_1157 = arith.index_cast %get3A_1156 : i32 to index
      %get3A_1158 = arith.index_cast %scan3A_1088 : i32 to index
      %get3A_1159 = arith.constant 36 : index
      %get3A_1160 = tpu.vector_load %arg8[%get3A_1157, %get3A_1158, %get3A_1159] {strides = array<i32>} : memref<2x64x128xf32, #tpu.memory_space<vmem>>, vector<1x1x16xf32>,
      %get3A_1161 = vector.shape_cast %get3A_1160 : vector<1x1x16xf32> to vector<16xf32>
      %swap3A_1162 = arith.constant 1 : i32
      %swap3A_1163 = arith.index_cast %swap3A_1162 : i32 to index
      %swap3A_1164 = arith.index_cast %scan3A_1088 : i32 to index
      %swap3A_1165 = arith.constant 336 : index
      %swap3A_1166 = tpu.vector_load %arg7[%swap3A_1163, %swap3A_1164, %swap3A_1165] {strides = array<i32>} : memref<2x64x384xf32, #tpu.memory_space<vmem>>, vector<1x1x16xf32>,
      %swap3A_1167 = vector.shape_cast %swap3A_1166 : vector<1x1x16xf32> to vector<16xf32>
      %swap3A_1168 = vector.shape_cast %get3A_1161 : vector<16xf32> to vector<1x1x16xf32>
      tpu.vector_store %arg7[%swap3A_1163, %swap3A_1164, %swap3A_1165], %swap3A_1168 {strides = array<i32>} : memref<2x64x384xf32, #tpu.memory_space<vmem>>, vector<1x1x16xf32>,
      %get3A_1169 = arith.constant 1 : i32
      %get3A_1170 = arith.index_cast %get3A_1169 : i32 to index
      %get3A_1171 = arith.index_cast %scan3A_1088 : i32 to index
      %get3A_1172 = arith.constant 52 : index
      %get3A_1173 = tpu.vector_load %arg8[%get3A_1170, %get3A_1171, %get3A_1172] {strides = array<i32>} : memref<2x64x128xf32, #tpu.memory_space<vmem>>, vector<1x1x16xf32>,
      %get3A_1174 = vector.shape_cast %get3A_1173 : vector<1x1x16xf32> to vector<16xf32>
      %swap3A_1175 = arith.constant 1 : i32
      %swap3A_1176 = arith.index_cast %swap3A_1175 : i32 to index
      %swap3A_1177 = arith.index_cast %scan3A_1088 : i32 to index
      %swap3A_1178 = arith.constant 352 : index
      %swap3A_1179 = tpu.vector_load %arg7[%swap3A_1176, %swap3A_1177, %swap3A_1178] {strides = array<i32>} : memref<2x64x384xf32, #tpu.memory_space<vmem>>, vector<1x1x16xf32>,
      %swap3A_1180 = vector.shape_cast %swap3A_1179 : vector<1x1x16xf32> to vector<16xf32>
      %swap3A_1181 = vector.shape_cast %get3A_1174 : vector<16xf32> to vector<1x1x16xf32>
      tpu.vector_store %arg7[%swap3A_1176, %swap3A_1177, %swap3A_1178], %swap3A_1181 {strides = array<i32>} : memref<2x64x384xf32, #tpu.memory_space<vmem>>, vector<1x1x16xf32>,
      %get3A_1182 = arith.constant 1 : i32
      %get3A_1183 = arith.index_cast %get3A_1182 : i32 to index
      %get3A_1184 = arith.index_cast %scan3A_1088 : i32 to index
      %get3A_1185 = arith.constant 68 : index
      %get3A_1186 = tpu.vector_load %arg8[%get3A_1183, %get3A_1184, %get3A_1185] {strides = array<i32>} : memref<2x64x128xf32, #tpu.memory_space<vmem>>, vector<1x1x16xf32>,
      %get3A_1187 = vector.shape_cast %get3A_1186 : vector<1x1x16xf32> to vector<16xf32>
      %swap3A_1188 = arith.constant 1 : i32
      %swap3A_1189 = arith.index_cast %swap3A_1188 : i32 to index
      %swap3A_1190 = arith.index_cast %scan3A_1088 : i32 to index
      %swap3A_1191 = arith.constant 368 : index
      %swap3A_1192 = tpu.vector_load %arg7[%swap3A_1189, %swap3A_1190, %swap3A_1191] {strides = array<i32>} : memref<2x64x384xf32, #tpu.memory_space<vmem>>, vector<1x1x16xf32>,
      %swap3A_1193 = vector.shape_cast %swap3A_1192 : vector<1x1x16xf32> to vector<16xf32>
      %swap3A_1194 = vector.shape_cast %get3A_1187 : vector<16xf32> to vector<1x1x16xf32>
      tpu.vector_store %arg7[%swap3A_1189, %swap3A_1190, %swap3A_1191], %swap3A_1194 {strides = array<i32>} : memref<2x64x384xf32, #tpu.memory_space<vmem>>, vector<1x1x16xf32>,
      %get3A_1195 = arith.constant 1 : i32
      %get3A_1196 = arith.index_cast %get3A_1195 : i32 to index
      %get3A_1197 = arith.index_cast %scan3A_1088 : i32 to index
      %get3A_1198 = arith.constant 84 : index
      %get3A_1199 = tpu.vector_load %arg8[%get3A_1196, %get3A_1197, %get3A_1198] {strides = array<i32>} : memref<2x64x128xf32, #tpu.memory_space<vmem>>, vector<1x1x16xf32>,
      %get3A_1200 = vector.shape_cast %get3A_1199 : vector<1x1x16xf32> to vector<16xf32>
      %swap3A_1201 = arith.constant 1 : i32
      %swap3A_1202 = arith.index_cast %swap3A_1201 : i32 to index
      %swap3A_1203 = arith.index_cast %scan3A_1088 : i32 to index
      %swap3A_1204 = arith.constant 0 : index
      %swap3A_1205 = tpu.vector_load %arg9[%swap3A_1202, %swap3A_1203, %swap3A_1204] {strides = array<i32>} : memref<2x64x44xf32, #tpu.memory_space<vmem>>, vector<1x1x16xf32>,
      %swap3A_1206 = vector.shape_cast %swap3A_1205 : vector<1x1x16xf32> to vector<16xf32>
      %swap3A_1207 = vector.shape_cast %get3A_1200 : vector<16xf32> to vector<1x1x16xf32>
      tpu.vector_store %arg9[%swap3A_1202, %swap3A_1203, %swap3A_1204], %swap3A_1207 {strides = array<i32>} : memref<2x64x44xf32, #tpu.memory_space<vmem>>, vector<1x1x16xf32>,
      %get3A_1208 = arith.constant 1 : i32
      %get3A_1209 = arith.index_cast %get3A_1208 : i32 to index
      %get3A_1210 = arith.index_cast %scan3A_1088 : i32 to index
      %get3A_1211 = arith.constant 112 : index
      %get3A_1212 = tpu.vector_load %arg8[%get3A_1209, %get3A_1210, %get3A_1211] {strides = array<i32>} : memref<2x64x128xf32, #tpu.memory_space<vmem>>, vector<1x1x16xf32>,
      %get3A_1213 = vector.shape_cast %get3A_1212 : vector<1x1x16xf32> to vector<16xf32>
      %swap3A_1214 = arith.constant 1 : i32
      %swap3A_1215 = arith.index_cast %swap3A_1214 : i32 to index
      %swap3A_1216 = arith.index_cast %scan3A_1088 : i32 to index
      %swap3A_1217 = arith.constant 28 : index
      %swap3A_1218 = tpu.vector_load %arg9[%swap3A_1215, %swap3A_1216, %swap3A_1217] {strides = array<i32>} : memref<2x64x44xf32, #tpu.memory_space<vmem>>, vector<1x1x16xf32>,
      %swap3A_1219 = vector.shape_cast %swap3A_1218 : vector<1x1x16xf32> to vector<16xf32>
      %swap3A_1220 = vector.shape_cast %get3A_1213 : vector<16xf32> to vector<1x1x16xf32>
      tpu.vector_store %arg9[%swap3A_1215, %swap3A_1216, %swap3A_1217], %swap3A_1220 {strides = array<i32>} : memref<2x64x44xf32, #tpu.memory_space<vmem>>, vector<1x1x16xf32>,
      %get3A_1221 = arith.constant 1 : i32
      %get3A_1222 = arith.index_cast %get3A_1221 : i32 to index
      %get3A_1223 = arith.index_cast %scan3A_1088 : i32 to index
      %get3A_1224 = arith.constant 100 : index
      %get3A_1225 = tpu.vector_load %arg8[%get3A_1222, %get3A_1223, %get3A_1224] {strides = array<i32>} : memref<2x64x128xf32, #tpu.memory_space<vmem>>, vector<1x1x16xf32>,
      %get3A_1226 = vector.shape_cast %get3A_1225 : vector<1x1x16xf32> to vector<16xf32>
      %swap3A_1227 = arith.constant 1 : i32
      %swap3A_1228 = arith.index_cast %swap3A_1227 : i32 to index
      %swap3A_1229 = arith.index_cast %scan3A_1088 : i32 to index
      %swap3A_1230 = arith.constant 16 : index
      %swap3A_1231 = tpu.vector_load %arg9[%swap3A_1228, %swap3A_1229, %swap3A_1230] {strides = array<i32>} : memref<2x64x44xf32, #tpu.memory_space<vmem>>, vector<1x1x16xf32>,
      %swap3A_1232 = vector.shape_cast %swap3A_1231 : vector<1x1x16xf32> to vector<16xf32>
      %swap3A_1233 = vector.shape_cast %get3A_1226 : vector<16xf32> to vector<1x1x16xf32>
      tpu.vector_store %arg9[%swap3A_1228, %swap3A_1229, %swap3A_1230], %swap3A_1233 {strides = array<i32>} : memref<2x64x44xf32, #tpu.memory_space<vmem>>, vector<1x1x16xf32>,
    }
    %scan3A_784 = arith.constant 64 : i32
    %dma_start3A_785 = arith.constant 1 : i32
    %dma_start3A_786 = arith.constant 1 : i32
    %dma_start3A_787 = arith.constant 0 : i32
    %dma_start3A_788 = arith.constant 0 : i32
    %dma_start3A_789 = tpu.memref_slice %arg7[%dma_start3A_785, %dma_start3A_787, %dma_start3A_788] : memref<2x64x384xf32, #tpu.memory_space<vmem>> -> memref<1x64x384xf32, #tpu.memory_space<vmem>>
    %dma_start3A_790 = tpu.memref_squeeze %dma_start3A_789 : memref<1x64x384xf32, #tpu.memory_space<vmem>> -> memref<64x384xf32, #tpu.memory_space<vmem>>
    %dma_start3A_791 = arith.constant 0 : i32
    %dma_start3A_792 = tpu.memref_slice %arg5[%add3A_684, %dma_start3A_791] : memref<16384x428xf32, #tpu.memory_space<hbm>> -> memref<64x384xf32, #tpu.memory_space<hbm>>
    %dma_start3A_793 = tpu.memref_slice %arg12[%dma_start3A_786] : memref<2x!tpu.dma_semaphore, #tpu.memory_space<semaphore_mem>> -> memref<1x!tpu.dma_semaphore, #tpu.memory_space<semaphore_mem>>
    %dma_start3A_794 = tpu.memref_squeeze %dma_start3A_793 : memref<1x!tpu.dma_semaphore, #tpu.memory_space<semaphore_mem>> -> memref<!tpu.dma_semaphore, #tpu.memory_space<semaphore_mem>>
    %dma_start3A_795 = arith.constant 0 : i32
    %dma_start3A_796 = tpu.memref_slice %arg5[%add3A_684, %dma_start3A_795] : memref<16384x428xf32, #tpu.memory_space<hbm>> -> memref<64x384xf32, #tpu.memory_space<hbm>>
    %dma_start3A_797 = arith.constant 0 : i32
    %dma_start3A_798 = arith.constant 0 : i32
    %dma_start3A_799 = tpu.memref_slice %arg7[%dma_start3A_785, %dma_start3A_797, %dma_start3A_798] : memref<2x64x384xf32, #tpu.memory_space<vmem>> -> memref<1x64x384xf32, #tpu.memory_space<vmem>>
    %dma_start3A_800 = tpu.memref_squeeze %dma_start3A_799 : memref<1x64x384xf32, #tpu.memory_space<vmem>> -> memref<64x384xf32, #tpu.memory_space<vmem>>
    tpu.enqueue_dma source(%dma_start3A_800 : memref<64x384xf32, #tpu.memory_space<vmem>>) target(%dma_start3A_796 : memref<64x384xf32, #tpu.memory_space<hbm>>) target_semaphore(%dma_start3A_794 : memref<!tpu.dma_semaphore, #tpu.memory_space<semaphore_mem>>)
    %dma_start3A_801 = arith.constant 1 : i32
    %dma_start3A_802 = arith.constant 1 : i32
    %dma_start3A_803 = arith.constant 0 : i32
    %dma_start3A_804 = arith.constant 0 : i32
    %dma_start3A_805 = tpu.memref_slice %arg9[%dma_start3A_801, %dma_start3A_803, %dma_start3A_804] : memref<2x64x44xf32, #tpu.memory_space<vmem>> -> memref<1x64x44xf32, #tpu.memory_space<vmem>>
    %dma_start3A_806 = tpu.memref_squeeze %dma_start3A_805 : memref<1x64x44xf32, #tpu.memory_space<vmem>> -> memref<64x44xf32, #tpu.memory_space<vmem>>
    %dma_start3A_807 = arith.constant 384 : i32
    %dma_start3A_808 = tpu.memref_slice %arg5[%add3A_684, %dma_start3A_807] : memref<16384x428xf32, #tpu.memory_space<hbm>> -> memref<64x44xf32, #tpu.memory_space<hbm>>
    %dma_start3A_809 = tpu.memref_slice %arg13[%dma_start3A_802] : memref<2x!tpu.dma_semaphore, #tpu.memory_space<semaphore_mem>> -> memref<1x!tpu.dma_semaphore, #tpu.memory_space<semaphore_mem>>
    %dma_start3A_810 = tpu.memref_squeeze %dma_start3A_809 : memref<1x!tpu.dma_semaphore, #tpu.memory_space<semaphore_mem>> -> memref<!tpu.dma_semaphore, #tpu.memory_space<semaphore_mem>>
    %dma_start3A_811 = arith.constant 384 : i32
    %dma_start3A_812 = tpu.memref_slice %arg5[%add3A_684, %dma_start3A_811] : memref<16384x428xf32, #tpu.memory_space<hbm>> -> memref<64x44xf32, #tpu.memory_space<hbm>>
    %dma_start3A_813 = arith.constant 0 : i32
    %dma_start3A_814 = arith.constant 0 : i32
    %dma_start3A_815 = tpu.memref_slice %arg9[%dma_start3A_801, %dma_start3A_813, %dma_start3A_814] : memref<2x64x44xf32, #tpu.memory_space<vmem>> -> memref<1x64x44xf32, #tpu.memory_space<vmem>>
    %dma_start3A_816 = tpu.memref_squeeze %dma_start3A_815 : memref<1x64x44xf32, #tpu.memory_space<vmem>> -> memref<64x44xf32, #tpu.memory_space<vmem>>
    tpu.enqueue_dma source(%dma_start3A_816 : memref<64x44xf32, #tpu.memory_space<vmem>>) target(%dma_start3A_812 : memref<64x44xf32, #tpu.memory_space<hbm>>) target_semaphore(%dma_start3A_810 : memref<!tpu.dma_semaphore, #tpu.memory_space<semaphore_mem>>)
    %mul3A_817 = arith.constant 512 : i32
    %mul3A_818 = arith.muli %add3A, %mul3A_817 : i32
    %add3A_819 = arith.constant 384 : i32
    %add3A_820 = arith.addi %mul3A_818, %add3A_819 : i32
    %dma_wait3A_821 = arith.constant 1 : i32
    %dma_wait3A_822 = arith.constant 1 : i32
    %dma_wait3A_823 = arith.constant 0 : i32
    %dma_wait3A_824 = arith.constant 0 : i32
    %dma_wait3A_825 = tpu.memref_slice %arg7[%dma_wait3A_821, %dma_wait3A_823, %dma_wait3A_824] : memref<2x64x384xf32, #tpu.memory_space<vmem>> -> memref<1x64x384xf32, #tpu.memory_space<vmem>>
    %dma_wait3A_826 = tpu.memref_squeeze %dma_wait3A_825 : memref<1x64x384xf32, #tpu.memory_space<vmem>> -> memref<64x384xf32, #tpu.memory_space<vmem>>
    %dma_wait3A_827 = arith.constant 0 : i32
    %dma_wait3A_828 = tpu.memref_slice %arg5[%add3A_684, %dma_wait3A_827] : memref<16384x428xf32, #tpu.memory_space<hbm>> -> memref<64x384xf32, #tpu.memory_space<hbm>>
    %dma_wait3A_829 = tpu.memref_slice %arg12[%dma_wait3A_822] : memref<2x!tpu.dma_semaphore, #tpu.memory_space<semaphore_mem>> -> memref<1x!tpu.dma_semaphore, #tpu.memory_space<semaphore_mem>>
    %dma_wait3A_830 = tpu.memref_squeeze %dma_wait3A_829 : memref<1x!tpu.dma_semaphore, #tpu.memory_space<semaphore_mem>> -> memref<!tpu.dma_semaphore, #tpu.memory_space<semaphore_mem>>
    %dma_wait3A_831 = arith.constant 0 : i32
    %dma_wait3A_832 = tpu.memref_slice %arg5[%add3A_684, %dma_wait3A_831] : memref<16384x428xf32, #tpu.memory_space<hbm>> -> memref<64x384xf32, #tpu.memory_space<hbm>>
    %dma_wait3A_833 = arith.constant 0 : i32
    %dma_wait3A_834 = arith.constant 0 : i32
    %dma_wait3A_835 = tpu.memref_slice %arg7[%dma_wait3A_821, %dma_wait3A_833, %dma_wait3A_834] : memref<2x64x384xf32, #tpu.memory_space<vmem>> -> memref<1x64x384xf32, #tpu.memory_space<vmem>>
    %dma_wait3A_836 = tpu.memref_squeeze %dma_wait3A_835 : memref<1x64x384xf32, #tpu.memory_space<vmem>> -> memref<64x384xf32, #tpu.memory_space<vmem>>
    tpu.wait_dma2 semaphore(%dma_wait3A_830 : memref<!tpu.dma_semaphore, #tpu.memory_space<semaphore_mem>>) src(%dma_wait3A_836 : memref<64x384xf32, #tpu.memory_space<vmem>>) dst(%dma_wait3A_832 : memref<64x384xf32, #tpu.memory_space<hbm>>)
    %dma_wait3A_837 = arith.constant 1 : i32
    %dma_wait3A_838 = arith.constant 1 : i32
    %dma_wait3A_839 = arith.constant 0 : i32
    %dma_wait3A_840 = arith.constant 0 : i32
    %dma_wait3A_841 = tpu.memref_slice %arg9[%dma_wait3A_837, %dma_wait3A_839, %dma_wait3A_840] : memref<2x64x44xf32, #tpu.memory_space<vmem>> -> memref<1x64x44xf32, #tpu.memory_space<vmem>>
    %dma_wait3A_842 = tpu.memref_squeeze %dma_wait3A_841 : memref<1x64x44xf32, #tpu.memory_space<vmem>> -> memref<64x44xf32, #tpu.memory_space<vmem>>
    %dma_wait3A_843 = arith.constant 384 : i32
    %dma_wait3A_844 = tpu.memref_slice %arg5[%add3A_684, %dma_wait3A_843] : memref<16384x428xf32, #tpu.memory_space<hbm>> -> memref<64x44xf32, #tpu.memory_space<hbm>>
    %dma_wait3A_845 = tpu.memref_slice %arg13[%dma_wait3A_838] : memref<2x!tpu.dma_semaphore, #tpu.memory_space<semaphore_mem>> -> memref<1x!tpu.dma_semaphore, #tpu.memory_space<semaphore_mem>>
    %dma_wait3A_846 = tpu.memref_squeeze %dma_wait3A_845 : memref<1x!tpu.dma_semaphore, #tpu.memory_space<semaphore_mem>> -> memref<!tpu.dma_semaphore, #tpu.memory_space<semaphore_mem>>
    %dma_wait3A_847 = arith.constant 384 : i32
    %dma_wait3A_848 = tpu.memref_slice %arg5[%add3A_684, %dma_wait3A_847] : memref<16384x428xf32, #tpu.memory_space<hbm>> -> memref<64x44xf32, #tpu.memory_space<hbm>>
    %dma_wait3A_849 = arith.constant 0 : i32
    %dma_wait3A_850 = arith.constant 0 : i32
    %dma_wait3A_851 = tpu.memref_slice %arg9[%dma_wait3A_837, %dma_wait3A_849, %dma_wait3A_850] : memref<2x64x44xf32, #tpu.memory_space<vmem>> -> memref<1x64x44xf32, #tpu.memory_space<vmem>>
    %dma_wait3A_852 = tpu.memref_squeeze %dma_wait3A_851 : memref<1x64x44xf32, #tpu.memory_space<vmem>> -> memref<64x44xf32, #tpu.memory_space<vmem>>
    tpu.wait_dma2 semaphore(%dma_wait3A_846 : memref<!tpu.dma_semaphore, #tpu.memory_space<semaphore_mem>>) src(%dma_wait3A_852 : memref<64x44xf32, #tpu.memory_space<vmem>>) dst(%dma_wait3A_848 : memref<64x44xf32, #tpu.memory_space<hbm>>)
    %mul3A_853 = arith.constant 512 : i32
    %mul3A_854 = arith.muli %add3A, %mul3A_853 : i32
    %add3A_855 = arith.constant 448 : i32
    %add3A_856 = arith.addi %mul3A_854, %add3A_855 : i32
    %dma_start3A_857 = arith.constant 1 : i32
    %dma_start3A_858 = arith.constant 1 : i32
    %dma_start3A_859 = arith.constant 0 : i32
    %dma_start3A_860 = arith.constant 0 : i32
    %dma_start3A_861 = tpu.memref_slice %arg7[%dma_start3A_857, %dma_start3A_859, %dma_start3A_860] : memref<2x64x384xf32, #tpu.memory_space<vmem>> -> memref<1x64x384xf32, #tpu.memory_space<vmem>>
    %dma_start3A_862 = tpu.memref_squeeze %dma_start3A_861 : memref<1x64x384xf32, #tpu.memory_space<vmem>> -> memref<64x384xf32, #tpu.memory_space<vmem>>
    %dma_start3A_863 = arith.constant 448 : i32
    %dma_start3A_864 = tpu.memref_slice %arg6[%dma_start3A_863] : memref<512xi32, #tpu.memory_space<vmem>> -> memref<64xi32, #tpu.memory_space<vmem>>
    %dma_start3A_865 = arith.constant 0 : i32
    %dma_start3A_866 = arith.constant 0 : i32
    %dma_start3A_867 = tpu.memref_slice %arg4[%dma_start3A_865, %dma_start3A_866] : memref<100000x300xf32, #tpu.memory_space<hbm>> -> memref<100000x384xf32, #tpu.memory_space<hbm>>
    %dma_start3A_868 = tpu.memref_slice %arg10[%dma_start3A_858] : memref<2x!tpu.dma_semaphore, #tpu.memory_space<semaphore_mem>> -> memref<1x!tpu.dma_semaphore, #tpu.memory_space<semaphore_mem>>
    %dma_start3A_869 = tpu.memref_squeeze %dma_start3A_868 : memref<1x!tpu.dma_semaphore, #tpu.memory_space<semaphore_mem>> -> memref<!tpu.dma_semaphore, #tpu.memory_space<semaphore_mem>>
    tpu.enqueue_indirect_dma source(%dma_start3A_867 : memref<100000x384xf32, #tpu.memory_space<hbm>>) target(%dma_start3A_862 : memref<64x384xf32, #tpu.memory_space<vmem>>) offsets(%dma_start3A_864 : memref<64xi32, #tpu.memory_space<vmem>>) semaphore(%dma_start3A_869 : memref<!tpu.dma_semaphore, #tpu.memory_space<semaphore_mem>>)
    %dma_start3A_870 = arith.constant 1 : i32
    %dma_start3A_871 = arith.constant 1 : i32
    %dma_start3A_872 = arith.constant 0 : i32
    %dma_start3A_873 = arith.constant 0 : i32
    %dma_start3A_874 = tpu.memref_slice %arg8[%dma_start3A_870, %dma_start3A_872, %dma_start3A_873] : memref<2x64x128xf32, #tpu.memory_space<vmem>> -> memref<1x64x128xf32, #tpu.memory_space<vmem>>
    %dma_start3A_875 = tpu.memref_squeeze %dma_start3A_874 : memref<1x64x128xf32, #tpu.memory_space<vmem>> -> memref<64x128xf32, #tpu.memory_space<vmem>>
    %dma_start3A_876 = arith.constant 0 : i32
    %dma_start3A_877 = tpu.memref_slice %arg2[%add3A_856, %dma_start3A_876] : memref<16384x128xf32, #tpu.memory_space<hbm>> -> memref<64x128xf32, #tpu.memory_space<hbm>>
    %dma_start3A_878 = tpu.memref_slice %arg11[%dma_start3A_871] : memref<2x!tpu.dma_semaphore, #tpu.memory_space<semaphore_mem>> -> memref<1x!tpu.dma_semaphore, #tpu.memory_space<semaphore_mem>>
    %dma_start3A_879 = tpu.memref_squeeze %dma_start3A_878 : memref<1x!tpu.dma_semaphore, #tpu.memory_space<semaphore_mem>> -> memref<!tpu.dma_semaphore, #tpu.memory_space<semaphore_mem>>
    %dma_start3A_880 = arith.constant 0 : i32
    %dma_start3A_881 = arith.constant 0 : i32
    %dma_start3A_882 = tpu.memref_slice %arg8[%dma_start3A_870, %dma_start3A_880, %dma_start3A_881] : memref<2x64x128xf32, #tpu.memory_space<vmem>> -> memref<1x64x128xf32, #tpu.memory_space<vmem>>
    %dma_start3A_883 = tpu.memref_squeeze %dma_start3A_882 : memref<1x64x128xf32, #tpu.memory_space<vmem>> -> memref<64x128xf32, #tpu.memory_space<vmem>>
    %dma_start3A_884 = arith.constant 0 : i32
    %dma_start3A_885 = tpu.memref_slice %arg2[%add3A_856, %dma_start3A_884] : memref<16384x128xf32, #tpu.memory_space<hbm>> -> memref<64x128xf32, #tpu.memory_space<hbm>>
    tpu.enqueue_dma source(%dma_start3A_885 : memref<64x128xf32, #tpu.memory_space<hbm>>) target(%dma_start3A_883 : memref<64x128xf32, #tpu.memory_space<vmem>>) target_semaphore(%dma_start3A_879 : memref<!tpu.dma_semaphore, #tpu.memory_space<semaphore_mem>>)
    %dma_wait3A_886 = arith.constant 0 : i32
    %dma_wait3A_887 = arith.constant 0 : i32
    %dma_wait3A_888 = arith.constant 0 : i32
    %dma_wait3A_889 = arith.constant 0 : i32
    %dma_wait3A_890 = tpu.memref_slice %arg7[%dma_wait3A_886, %dma_wait3A_888, %dma_wait3A_889] : memref<2x64x384xf32, #tpu.memory_space<vmem>> -> memref<1x64x384xf32, #tpu.memory_space<vmem>>
    %dma_wait3A_891 = tpu.memref_squeeze %dma_wait3A_890 : memref<1x64x384xf32, #tpu.memory_space<vmem>> -> memref<64x384xf32, #tpu.memory_space<vmem>>
    %dma_wait3A_892 = arith.constant 384 : i32
    %dma_wait3A_893 = tpu.memref_slice %arg6[%dma_wait3A_892] : memref<512xi32, #tpu.memory_space<vmem>> -> memref<64xi32, #tpu.memory_space<vmem>>
    %dma_wait3A_894 = arith.constant 0 : i32
    %dma_wait3A_895 = arith.constant 0 : i32
    %dma_wait3A_896 = tpu.memref_slice %arg4[%dma_wait3A_894, %dma_wait3A_895] : memref<100000x300xf32, #tpu.memory_space<hbm>> -> memref<100000x384xf32, #tpu.memory_space<hbm>>
    %dma_wait3A_897 = tpu.memref_slice %arg10[%dma_wait3A_887] : memref<2x!tpu.dma_semaphore, #tpu.memory_space<semaphore_mem>> -> memref<1x!tpu.dma_semaphore, #tpu.memory_space<semaphore_mem>>
    %dma_wait3A_898 = tpu.memref_squeeze %dma_wait3A_897 : memref<1x!tpu.dma_semaphore, #tpu.memory_space<semaphore_mem>> -> memref<!tpu.dma_semaphore, #tpu.memory_space<semaphore_mem>>
    tpu.wait_indirect_dma semaphore(%dma_wait3A_898 : memref<!tpu.dma_semaphore, #tpu.memory_space<semaphore_mem>>) src(%dma_wait3A_896 : memref<100000x384xf32, #tpu.memory_space<hbm>>) dst(%dma_wait3A_891 : memref<64x384xf32, #tpu.memory_space<vmem>>)
    %dma_wait3A_899 = arith.constant 0 : i32
    %dma_wait3A_900 = arith.constant 0 : i32
    %dma_wait3A_901 = arith.constant 0 : i32
    %dma_wait3A_902 = arith.constant 0 : i32
    %dma_wait3A_903 = tpu.memref_slice %arg8[%dma_wait3A_899, %dma_wait3A_901, %dma_wait3A_902] : memref<2x64x128xf32, #tpu.memory_space<vmem>> -> memref<1x64x128xf32, #tpu.memory_space<vmem>>
    %dma_wait3A_904 = tpu.memref_squeeze %dma_wait3A_903 : memref<1x64x128xf32, #tpu.memory_space<vmem>> -> memref<64x128xf32, #tpu.memory_space<vmem>>
    %dma_wait3A_905 = arith.constant 0 : i32
    %dma_wait3A_906 = tpu.memref_slice %arg2[%add3A_720, %dma_wait3A_905] : memref<16384x128xf32, #tpu.memory_space<hbm>> -> memref<64x128xf32, #tpu.memory_space<hbm>>
    %dma_wait3A_907 = tpu.memref_slice %arg11[%dma_wait3A_900] : memref<2x!tpu.dma_semaphore, #tpu.memory_space<semaphore_mem>> -> memref<1x!tpu.dma_semaphore, #tpu.memory_space<semaphore_mem>>
    %dma_wait3A_908 = tpu.memref_squeeze %dma_wait3A_907 : memref<1x!tpu.dma_semaphore, #tpu.memory_space<semaphore_mem>> -> memref<!tpu.dma_semaphore, #tpu.memory_space<semaphore_mem>>
    %dma_wait3A_909 = arith.constant 0 : i32
    %dma_wait3A_910 = arith.constant 0 : i32
    %dma_wait3A_911 = tpu.memref_slice %arg8[%dma_wait3A_899, %dma_wait3A_909, %dma_wait3A_910] : memref<2x64x128xf32, #tpu.memory_space<vmem>> -> memref<1x64x128xf32, #tpu.memory_space<vmem>>
    %dma_wait3A_912 = tpu.memref_squeeze %dma_wait3A_911 : memref<1x64x128xf32, #tpu.memory_space<vmem>> -> memref<64x128xf32, #tpu.memory_space<vmem>>
    %dma_wait3A_913 = arith.constant 0 : i32
    %dma_wait3A_914 = tpu.memref_slice %arg2[%add3A_720, %dma_wait3A_913] : memref<16384x128xf32, #tpu.memory_space<hbm>> -> memref<64x128xf32, #tpu.memory_space<hbm>>
    tpu.wait_dma2 semaphore(%dma_wait3A_908 : memref<!tpu.dma_semaphore, #tpu.memory_space<semaphore_mem>>) src(%dma_wait3A_914 : memref<64x128xf32, #tpu.memory_space<hbm>>) dst(%dma_wait3A_912 : memref<64x128xf32, #tpu.memory_space<vmem>>)
    %scan3A_915 = arith.constant 0 : i32
    %scan3A_916 = arith.constant 0 : i32
    %scan3A_917 = arith.constant 64 : i32
    %scan3A_918 = arith.addi %scan3A_916, %scan3A_917 : i32
    %scan3A_919 = arith.constant 1 : i32
    scf.for %scan3A_1088 = %scan3A_916 to %scan3A_918 step %scan3A_919  : i32 {
      %get3A = arith.constant 0 : i32
      %get3A_1089 = arith.index_cast %get3A : i32 to index
      %get3A_1090 = arith.index_cast %scan3A_1088 : i32 to index
      %get3A_1091 = arith.constant 288 : index
      %get3A_1092 = tpu.vector_load %arg7[%get3A_1089, %get3A_1090, %get3A_1091] {strides = array<i32>} : memref<2x64x384xf32, #tpu.memory_space<vmem>>, vector<1x1x16xf32>,
      %get3A_1093 = vector.shape_cast %get3A_1092 : vector<1x1x16xf32> to vector<16xf32>
      %get3A_1094 = arith.constant 0 : i32
      %get3A_1095 = arith.index_cast %get3A_1094 : i32 to index
      %get3A_1096 = arith.index_cast %scan3A_1088 : i32 to index
      %get3A_1097 = arith.constant 0 : index
      %get3A_1098 = tpu.vector_load %arg8[%get3A_1095, %get3A_1096, %get3A_1097] {strides = array<i32>} : memref<2x64x128xf32, #tpu.memory_space<vmem>>, vector<1x1x16xf32>,
      %get3A_1099 = vector.shape_cast %get3A_1098 : vector<1x1x16xf32> to vector<16xf32>
      %iota3A_1100 = tpu.iota {dimensions = array<i32: 0>} : vector<16xi32>
      %add3A_1101 = arith.constant 4 : i32
      %add3A_1102 = vector.broadcast %add3A_1101 : i32 to vector<16xi32>
      %add3A_1103 = arith.addi %iota3A_1100, %add3A_1102 : vector<16xi32>
      %jit3A = arith.constant 16 : i32
      %eq3A = arith.constant 0 : i32
      %eq3A_1104 = arith.cmpi eq, %jit3A, %eq3A : i32
      %jit3A_1105 = arith.constant 1 : i32
      %select_n3A = arith.select %eq3A_1104, %jit3A_1105, %jit3A : i32
      %rem3A = vector.broadcast %select_n3A : i32 to vector<16xi32>
      %rem3A_1106 = arith.remsi %add3A_1103, %rem3A : vector<16xi32>
      %ne3A = arith.constant 0 : i32
      %ne3A_1107 = vector.broadcast %ne3A : i32 to vector<16xi32>
      %ne3A_1108 = arith.cmpi ne, %rem3A_1106, %ne3A_1107 : vector<16xi32>
      %lt3A = arith.constant 0 : i32
      %lt3A_1109 = vector.broadcast %lt3A : i32 to vector<16xi32>
      %lt3A_1110 = arith.cmpi slt, %rem3A_1106, %lt3A_1109 : vector<16xi32>
      %lt3A_1111 = arith.constant 0 : i32
      %lt3A_1112 = arith.cmpi slt, %select_n3A, %lt3A_1111 : i32
      %ne3A_1113 = vector.broadcast %lt3A_1112 : i1 to vector<16xi1>
      %ne3A_1114 = vector.broadcast %ne3A_1113 : vector<16xi1> to vector<16xi1>
      %ne3A_1115 = arith.xori %lt3A_1110, %ne3A_1114 : vector<16xi1>
      %and3A = arith.andi %ne3A_1115, %ne3A_1108 : vector<16xi1>
      %add3A_1116 = vector.broadcast %select_n3A : i32 to vector<16xi32>
      %add3A_1117 = arith.addi %rem3A_1106, %add3A_1116 : vector<16xi32>
      %select_n3A_1118 = arith.select %and3A, %add3A_1117, %rem3A_1106 : vector<16xi1>, vector<16xi32>
      %broadcast_in_dim3A = vector.shape_cast %select_n3A_1118 : vector<16xi32> to vector<16x1xi32>
      %gather3A = vector.shape_cast %broadcast_in_dim3A : vector<16x1xi32> to vector<16xi32>
      %gather3A_1119 = tpu.dynamic_gather %get3A_1099[%gather3A] in [0] : vector<16xf32>, vector<16xi32> -> vector<16xf32>
      %lt3A_1120 = arith.constant 12 : i32
      %lt3A_1121 = vector.broadcast %lt3A_1120 : i32 to vector<16xi32>
      %lt3A_1122 = arith.cmpi slt, %iota3A, %lt3A_1121 : vector<16xi32>
      %select_n3A_1123 = arith.select %lt3A_1122, %get3A_1093, %gather3A_1119 : vector<16xi1>, vector<16xf32>
      %swap3A = arith.constant 0 : i32
      %swap3A_1124 = arith.index_cast %swap3A : i32 to index
      %swap3A_1125 = arith.index_cast %scan3A_1088 : i32 to index
      %swap3A_1126 = arith.constant 288 : index
      %swap3A_1127 = tpu.vector_load %arg7[%swap3A_1124, %swap3A_1125, %swap3A_1126] {strides = array<i32>} : memref<2x64x384xf32, #tpu.memory_space<vmem>>, vector<1x1x16xf32>,
      %swap3A_1128 = vector.shape_cast %swap3A_1127 : vector<1x1x16xf32> to vector<16xf32>
      %swap3A_1129 = vector.shape_cast %select_n3A_1123 : vector<16xf32> to vector<1x1x16xf32>
      tpu.vector_store %arg7[%swap3A_1124, %swap3A_1125, %swap3A_1126], %swap3A_1129 {strides = array<i32>} : memref<2x64x384xf32, #tpu.memory_space<vmem>>, vector<1x1x16xf32>,
      %get3A_1130 = arith.constant 0 : i32
      %get3A_1131 = arith.index_cast %get3A_1130 : i32 to index
      %get3A_1132 = arith.index_cast %scan3A_1088 : i32 to index
      %get3A_1133 = arith.constant 4 : index
      %get3A_1134 = tpu.vector_load %arg8[%get3A_1131, %get3A_1132, %get3A_1133] {strides = array<i32>} : memref<2x64x128xf32, #tpu.memory_space<vmem>>, vector<1x1x16xf32>,
      %get3A_1135 = vector.shape_cast %get3A_1134 : vector<1x1x16xf32> to vector<16xf32>
      %swap3A_1136 = arith.constant 0 : i32
      %swap3A_1137 = arith.index_cast %swap3A_1136 : i32 to index
      %swap3A_1138 = arith.index_cast %scan3A_1088 : i32 to index
      %swap3A_1139 = arith.constant 304 : index
      %swap3A_1140 = tpu.vector_load %arg7[%swap3A_1137, %swap3A_1138, %swap3A_1139] {strides = array<i32>} : memref<2x64x384xf32, #tpu.memory_space<vmem>>, vector<1x1x16xf32>,
      %swap3A_1141 = vector.shape_cast %swap3A_1140 : vector<1x1x16xf32> to vector<16xf32>
      %swap3A_1142 = vector.shape_cast %get3A_1135 : vector<16xf32> to vector<1x1x16xf32>
      tpu.vector_store %arg7[%swap3A_1137, %swap3A_1138, %swap3A_1139], %swap3A_1142 {strides = array<i32>} : memref<2x64x384xf32, #tpu.memory_space<vmem>>, vector<1x1x16xf32>,
      %get3A_1143 = arith.constant 0 : i32
      %get3A_1144 = arith.index_cast %get3A_1143 : i32 to index
      %get3A_1145 = arith.index_cast %scan3A_1088 : i32 to index
      %get3A_1146 = arith.constant 20 : index
      %get3A_1147 = tpu.vector_load %arg8[%get3A_1144, %get3A_1145, %get3A_1146] {strides = array<i32>} : memref<2x64x128xf32, #tpu.memory_space<vmem>>, vector<1x1x16xf32>,
      %get3A_1148 = vector.shape_cast %get3A_1147 : vector<1x1x16xf32> to vector<16xf32>
      %swap3A_1149 = arith.constant 0 : i32
      %swap3A_1150 = arith.index_cast %swap3A_1149 : i32 to index
      %swap3A_1151 = arith.index_cast %scan3A_1088 : i32 to index
      %swap3A_1152 = arith.constant 320 : index
      %swap3A_1153 = tpu.vector_load %arg7[%swap3A_1150, %swap3A_1151, %swap3A_1152] {strides = array<i32>} : memref<2x64x384xf32, #tpu.memory_space<vmem>>, vector<1x1x16xf32>,
      %swap3A_1154 = vector.shape_cast %swap3A_1153 : vector<1x1x16xf32> to vector<16xf32>
      %swap3A_1155 = vector.shape_cast %get3A_1148 : vector<16xf32> to vector<1x1x16xf32>
      tpu.vector_store %arg7[%swap3A_1150, %swap3A_1151, %swap3A_1152], %swap3A_1155 {strides = array<i32>} : memref<2x64x384xf32, #tpu.memory_space<vmem>>, vector<1x1x16xf32>,
      %get3A_1156 = arith.constant 0 : i32
      %get3A_1157 = arith.index_cast %get3A_1156 : i32 to index
      %get3A_1158 = arith.index_cast %scan3A_1088 : i32 to index
      %get3A_1159 = arith.constant 36 : index
      %get3A_1160 = tpu.vector_load %arg8[%get3A_1157, %get3A_1158, %get3A_1159] {strides = array<i32>} : memref<2x64x128xf32, #tpu.memory_space<vmem>>, vector<1x1x16xf32>,
      %get3A_1161 = vector.shape_cast %get3A_1160 : vector<1x1x16xf32> to vector<16xf32>
      %swap3A_1162 = arith.constant 0 : i32
      %swap3A_1163 = arith.index_cast %swap3A_1162 : i32 to index
      %swap3A_1164 = arith.index_cast %scan3A_1088 : i32 to index
      %swap3A_1165 = arith.constant 336 : index
      %swap3A_1166 = tpu.vector_load %arg7[%swap3A_1163, %swap3A_1164, %swap3A_1165] {strides = array<i32>} : memref<2x64x384xf32, #tpu.memory_space<vmem>>, vector<1x1x16xf32>,
      %swap3A_1167 = vector.shape_cast %swap3A_1166 : vector<1x1x16xf32> to vector<16xf32>
      %swap3A_1168 = vector.shape_cast %get3A_1161 : vector<16xf32> to vector<1x1x16xf32>
      tpu.vector_store %arg7[%swap3A_1163, %swap3A_1164, %swap3A_1165], %swap3A_1168 {strides = array<i32>} : memref<2x64x384xf32, #tpu.memory_space<vmem>>, vector<1x1x16xf32>,
      %get3A_1169 = arith.constant 0 : i32
      %get3A_1170 = arith.index_cast %get3A_1169 : i32 to index
      %get3A_1171 = arith.index_cast %scan3A_1088 : i32 to index
      %get3A_1172 = arith.constant 52 : index
      %get3A_1173 = tpu.vector_load %arg8[%get3A_1170, %get3A_1171, %get3A_1172] {strides = array<i32>} : memref<2x64x128xf32, #tpu.memory_space<vmem>>, vector<1x1x16xf32>,
      %get3A_1174 = vector.shape_cast %get3A_1173 : vector<1x1x16xf32> to vector<16xf32>
      %swap3A_1175 = arith.constant 0 : i32
      %swap3A_1176 = arith.index_cast %swap3A_1175 : i32 to index
      %swap3A_1177 = arith.index_cast %scan3A_1088 : i32 to index
      %swap3A_1178 = arith.constant 352 : index
      %swap3A_1179 = tpu.vector_load %arg7[%swap3A_1176, %swap3A_1177, %swap3A_1178] {strides = array<i32>} : memref<2x64x384xf32, #tpu.memory_space<vmem>>, vector<1x1x16xf32>,
      %swap3A_1180 = vector.shape_cast %swap3A_1179 : vector<1x1x16xf32> to vector<16xf32>
      %swap3A_1181 = vector.shape_cast %get3A_1174 : vector<16xf32> to vector<1x1x16xf32>
      tpu.vector_store %arg7[%swap3A_1176, %swap3A_1177, %swap3A_1178], %swap3A_1181 {strides = array<i32>} : memref<2x64x384xf32, #tpu.memory_space<vmem>>, vector<1x1x16xf32>,
      %get3A_1182 = arith.constant 0 : i32
      %get3A_1183 = arith.index_cast %get3A_1182 : i32 to index
      %get3A_1184 = arith.index_cast %scan3A_1088 : i32 to index
      %get3A_1185 = arith.constant 68 : index
      %get3A_1186 = tpu.vector_load %arg8[%get3A_1183, %get3A_1184, %get3A_1185] {strides = array<i32>} : memref<2x64x128xf32, #tpu.memory_space<vmem>>, vector<1x1x16xf32>,
      %get3A_1187 = vector.shape_cast %get3A_1186 : vector<1x1x16xf32> to vector<16xf32>
      %swap3A_1188 = arith.constant 0 : i32
      %swap3A_1189 = arith.index_cast %swap3A_1188 : i32 to index
      %swap3A_1190 = arith.index_cast %scan3A_1088 : i32 to index
      %swap3A_1191 = arith.constant 368 : index
      %swap3A_1192 = tpu.vector_load %arg7[%swap3A_1189, %swap3A_1190, %swap3A_1191] {strides = array<i32>} : memref<2x64x384xf32, #tpu.memory_space<vmem>>, vector<1x1x16xf32>,
      %swap3A_1193 = vector.shape_cast %swap3A_1192 : vector<1x1x16xf32> to vector<16xf32>
      %swap3A_1194 = vector.shape_cast %get3A_1187 : vector<16xf32> to vector<1x1x16xf32>
      tpu.vector_store %arg7[%swap3A_1189, %swap3A_1190, %swap3A_1191], %swap3A_1194 {strides = array<i32>} : memref<2x64x384xf32, #tpu.memory_space<vmem>>, vector<1x1x16xf32>,
      %get3A_1195 = arith.constant 0 : i32
      %get3A_1196 = arith.index_cast %get3A_1195 : i32 to index
      %get3A_1197 = arith.index_cast %scan3A_1088 : i32 to index
      %get3A_1198 = arith.constant 84 : index
      %get3A_1199 = tpu.vector_load %arg8[%get3A_1196, %get3A_1197, %get3A_1198] {strides = array<i32>} : memref<2x64x128xf32, #tpu.memory_space<vmem>>, vector<1x1x16xf32>,
      %get3A_1200 = vector.shape_cast %get3A_1199 : vector<1x1x16xf32> to vector<16xf32>
      %swap3A_1201 = arith.constant 0 : i32
      %swap3A_1202 = arith.index_cast %swap3A_1201 : i32 to index
      %swap3A_1203 = arith.index_cast %scan3A_1088 : i32 to index
      %swap3A_1204 = arith.constant 0 : index
      %swap3A_1205 = tpu.vector_load %arg9[%swap3A_1202, %swap3A_1203, %swap3A_1204] {strides = array<i32>} : memref<2x64x44xf32, #tpu.memory_space<vmem>>, vector<1x1x16xf32>,
      %swap3A_1206 = vector.shape_cast %swap3A_1205 : vector<1x1x16xf32> to vector<16xf32>
      %swap3A_1207 = vector.shape_cast %get3A_1200 : vector<16xf32> to vector<1x1x16xf32>
      tpu.vector_store %arg9[%swap3A_1202, %swap3A_1203, %swap3A_1204], %swap3A_1207 {strides = array<i32>} : memref<2x64x44xf32, #tpu.memory_space<vmem>>, vector<1x1x16xf32>,
      %get3A_1208 = arith.constant 0 : i32
      %get3A_1209 = arith.index_cast %get3A_1208 : i32 to index
      %get3A_1210 = arith.index_cast %scan3A_1088 : i32 to index
      %get3A_1211 = arith.constant 112 : index
      %get3A_1212 = tpu.vector_load %arg8[%get3A_1209, %get3A_1210, %get3A_1211] {strides = array<i32>} : memref<2x64x128xf32, #tpu.memory_space<vmem>>, vector<1x1x16xf32>,
      %get3A_1213 = vector.shape_cast %get3A_1212 : vector<1x1x16xf32> to vector<16xf32>
      %swap3A_1214 = arith.constant 0 : i32
      %swap3A_1215 = arith.index_cast %swap3A_1214 : i32 to index
      %swap3A_1216 = arith.index_cast %scan3A_1088 : i32 to index
      %swap3A_1217 = arith.constant 28 : index
      %swap3A_1218 = tpu.vector_load %arg9[%swap3A_1215, %swap3A_1216, %swap3A_1217] {strides = array<i32>} : memref<2x64x44xf32, #tpu.memory_space<vmem>>, vector<1x1x16xf32>,
      %swap3A_1219 = vector.shape_cast %swap3A_1218 : vector<1x1x16xf32> to vector<16xf32>
      %swap3A_1220 = vector.shape_cast %get3A_1213 : vector<16xf32> to vector<1x1x16xf32>
      tpu.vector_store %arg9[%swap3A_1215, %swap3A_1216, %swap3A_1217], %swap3A_1220 {strides = array<i32>} : memref<2x64x44xf32, #tpu.memory_space<vmem>>, vector<1x1x16xf32>,
      %get3A_1221 = arith.constant 0 : i32
      %get3A_1222 = arith.index_cast %get3A_1221 : i32 to index
      %get3A_1223 = arith.index_cast %scan3A_1088 : i32 to index
      %get3A_1224 = arith.constant 100 : index
      %get3A_1225 = tpu.vector_load %arg8[%get3A_1222, %get3A_1223, %get3A_1224] {strides = array<i32>} : memref<2x64x128xf32, #tpu.memory_space<vmem>>, vector<1x1x16xf32>,
      %get3A_1226 = vector.shape_cast %get3A_1225 : vector<1x1x16xf32> to vector<16xf32>
      %swap3A_1227 = arith.constant 0 : i32
      %swap3A_1228 = arith.index_cast %swap3A_1227 : i32 to index
      %swap3A_1229 = arith.index_cast %scan3A_1088 : i32 to index
      %swap3A_1230 = arith.constant 16 : index
      %swap3A_1231 = tpu.vector_load %arg9[%swap3A_1228, %swap3A_1229, %swap3A_1230] {strides = array<i32>} : memref<2x64x44xf32, #tpu.memory_space<vmem>>, vector<1x1x16xf32>,
      %swap3A_1232 = vector.shape_cast %swap3A_1231 : vector<1x1x16xf32> to vector<16xf32>
      %swap3A_1233 = vector.shape_cast %get3A_1226 : vector<16xf32> to vector<1x1x16xf32>
      tpu.vector_store %arg9[%swap3A_1228, %swap3A_1229, %swap3A_1230], %swap3A_1233 {strides = array<i32>} : memref<2x64x44xf32, #tpu.memory_space<vmem>>, vector<1x1x16xf32>,
    }
    %scan3A_920 = arith.constant 64 : i32
    %dma_start3A_921 = arith.constant 0 : i32
    %dma_start3A_922 = arith.constant 0 : i32
    %dma_start3A_923 = arith.constant 0 : i32
    %dma_start3A_924 = arith.constant 0 : i32
    %dma_start3A_925 = tpu.memref_slice %arg7[%dma_start3A_921, %dma_start3A_923, %dma_start3A_924] : memref<2x64x384xf32, #tpu.memory_space<vmem>> -> memref<1x64x384xf32, #tpu.memory_space<vmem>>
    %dma_start3A_926 = tpu.memref_squeeze %dma_start3A_925 : memref<1x64x384xf32, #tpu.memory_space<vmem>> -> memref<64x384xf32, #tpu.memory_space<vmem>>
    %dma_start3A_927 = arith.constant 0 : i32
    %dma_start3A_928 = tpu.memref_slice %arg5[%add3A_820, %dma_start3A_927] : memref<16384x428xf32, #tpu.memory_space<hbm>> -> memref<64x384xf32, #tpu.memory_space<hbm>>
    %dma_start3A_929 = tpu.memref_slice %arg12[%dma_start3A_922] : memref<2x!tpu.dma_semaphore, #tpu.memory_space<semaphore_mem>> -> memref<1x!tpu.dma_semaphore, #tpu.memory_space<semaphore_mem>>
    %dma_start3A_930 = tpu.memref_squeeze %dma_start3A_929 : memref<1x!tpu.dma_semaphore, #tpu.memory_space<semaphore_mem>> -> memref<!tpu.dma_semaphore, #tpu.memory_space<semaphore_mem>>
    %dma_start3A_931 = arith.constant 0 : i32
    %dma_start3A_932 = tpu.memref_slice %arg5[%add3A_820, %dma_start3A_931] : memref<16384x428xf32, #tpu.memory_space<hbm>> -> memref<64x384xf32, #tpu.memory_space<hbm>>
    %dma_start3A_933 = arith.constant 0 : i32
    %dma_start3A_934 = arith.constant 0 : i32
    %dma_start3A_935 = tpu.memref_slice %arg7[%dma_start3A_921, %dma_start3A_933, %dma_start3A_934] : memref<2x64x384xf32, #tpu.memory_space<vmem>> -> memref<1x64x384xf32, #tpu.memory_space<vmem>>
    %dma_start3A_936 = tpu.memref_squeeze %dma_start3A_935 : memref<1x64x384xf32, #tpu.memory_space<vmem>> -> memref<64x384xf32, #tpu.memory_space<vmem>>
    tpu.enqueue_dma source(%dma_start3A_936 : memref<64x384xf32, #tpu.memory_space<vmem>>) target(%dma_start3A_932 : memref<64x384xf32, #tpu.memory_space<hbm>>) target_semaphore(%dma_start3A_930 : memref<!tpu.dma_semaphore, #tpu.memory_space<semaphore_mem>>)
    %dma_start3A_937 = arith.constant 0 : i32
    %dma_start3A_938 = arith.constant 0 : i32
    %dma_start3A_939 = arith.constant 0 : i32
    %dma_start3A_940 = arith.constant 0 : i32
    %dma_start3A_941 = tpu.memref_slice %arg9[%dma_start3A_937, %dma_start3A_939, %dma_start3A_940] : memref<2x64x44xf32, #tpu.memory_space<vmem>> -> memref<1x64x44xf32, #tpu.memory_space<vmem>>
    %dma_start3A_942 = tpu.memref_squeeze %dma_start3A_941 : memref<1x64x44xf32, #tpu.memory_space<vmem>> -> memref<64x44xf32, #tpu.memory_space<vmem>>
    %dma_start3A_943 = arith.constant 384 : i32
    %dma_start3A_944 = tpu.memref_slice %arg5[%add3A_820, %dma_start3A_943] : memref<16384x428xf32, #tpu.memory_space<hbm>> -> memref<64x44xf32, #tpu.memory_space<hbm>>
    %dma_start3A_945 = tpu.memref_slice %arg13[%dma_start3A_938] : memref<2x!tpu.dma_semaphore, #tpu.memory_space<semaphore_mem>> -> memref<1x!tpu.dma_semaphore, #tpu.memory_space<semaphore_mem>>
    %dma_start3A_946 = tpu.memref_squeeze %dma_start3A_945 : memref<1x!tpu.dma_semaphore, #tpu.memory_space<semaphore_mem>> -> memref<!tpu.dma_semaphore, #tpu.memory_space<semaphore_mem>>
    %dma_start3A_947 = arith.constant 384 : i32
    %dma_start3A_948 = tpu.memref_slice %arg5[%add3A_820, %dma_start3A_947] : memref<16384x428xf32, #tpu.memory_space<hbm>> -> memref<64x44xf32, #tpu.memory_space<hbm>>
    %dma_start3A_949 = arith.constant 0 : i32
    %dma_start3A_950 = arith.constant 0 : i32
    %dma_start3A_951 = tpu.memref_slice %arg9[%dma_start3A_937, %dma_start3A_949, %dma_start3A_950] : memref<2x64x44xf32, #tpu.memory_space<vmem>> -> memref<1x64x44xf32, #tpu.memory_space<vmem>>
    %dma_start3A_952 = tpu.memref_squeeze %dma_start3A_951 : memref<1x64x44xf32, #tpu.memory_space<vmem>> -> memref<64x44xf32, #tpu.memory_space<vmem>>
    tpu.enqueue_dma source(%dma_start3A_952 : memref<64x44xf32, #tpu.memory_space<vmem>>) target(%dma_start3A_948 : memref<64x44xf32, #tpu.memory_space<hbm>>) target_semaphore(%dma_start3A_946 : memref<!tpu.dma_semaphore, #tpu.memory_space<semaphore_mem>>)
    %mul3A_953 = arith.constant 512 : i32
    %mul3A_954 = arith.muli %add3A, %mul3A_953 : i32
    %add3A_955 = arith.constant 448 : i32
    %add3A_956 = arith.addi %mul3A_954, %add3A_955 : i32
    %dma_wait3A_957 = arith.constant 1 : i32
    %dma_wait3A_958 = arith.constant 1 : i32
    %dma_wait3A_959 = arith.constant 0 : i32
    %dma_wait3A_960 = arith.constant 0 : i32
    %dma_wait3A_961 = tpu.memref_slice %arg7[%dma_wait3A_957, %dma_wait3A_959, %dma_wait3A_960] : memref<2x64x384xf32, #tpu.memory_space<vmem>> -> memref<1x64x384xf32, #tpu.memory_space<vmem>>
    %dma_wait3A_962 = tpu.memref_squeeze %dma_wait3A_961 : memref<1x64x384xf32, #tpu.memory_space<vmem>> -> memref<64x384xf32, #tpu.memory_space<vmem>>
    %dma_wait3A_963 = arith.constant 448 : i32
    %dma_wait3A_964 = tpu.memref_slice %arg6[%dma_wait3A_963] : memref<512xi32, #tpu.memory_space<vmem>> -> memref<64xi32, #tpu.memory_space<vmem>>
    %dma_wait3A_965 = arith.constant 0 : i32
    %dma_wait3A_966 = arith.constant 0 : i32
    %dma_wait3A_967 = tpu.memref_slice %arg4[%dma_wait3A_965, %dma_wait3A_966] : memref<100000x300xf32, #tpu.memory_space<hbm>> -> memref<100000x384xf32, #tpu.memory_space<hbm>>
    %dma_wait3A_968 = tpu.memref_slice %arg10[%dma_wait3A_958] : memref<2x!tpu.dma_semaphore, #tpu.memory_space<semaphore_mem>> -> memref<1x!tpu.dma_semaphore, #tpu.memory_space<semaphore_mem>>
    %dma_wait3A_969 = tpu.memref_squeeze %dma_wait3A_968 : memref<1x!tpu.dma_semaphore, #tpu.memory_space<semaphore_mem>> -> memref<!tpu.dma_semaphore, #tpu.memory_space<semaphore_mem>>
    tpu.wait_indirect_dma semaphore(%dma_wait3A_969 : memref<!tpu.dma_semaphore, #tpu.memory_space<semaphore_mem>>) src(%dma_wait3A_967 : memref<100000x384xf32, #tpu.memory_space<hbm>>) dst(%dma_wait3A_962 : memref<64x384xf32, #tpu.memory_space<vmem>>)
    %dma_wait3A_970 = arith.constant 1 : i32
    %dma_wait3A_971 = arith.constant 1 : i32
    %dma_wait3A_972 = arith.constant 0 : i32
    %dma_wait3A_973 = arith.constant 0 : i32
    %dma_wait3A_974 = tpu.memref_slice %arg8[%dma_wait3A_970, %dma_wait3A_972, %dma_wait3A_973] : memref<2x64x128xf32, #tpu.memory_space<vmem>> -> memref<1x64x128xf32, #tpu.memory_space<vmem>>
    %dma_wait3A_975 = tpu.memref_squeeze %dma_wait3A_974 : memref<1x64x128xf32, #tpu.memory_space<vmem>> -> memref<64x128xf32, #tpu.memory_space<vmem>>
    %dma_wait3A_976 = arith.constant 0 : i32
    %dma_wait3A_977 = tpu.memref_slice %arg2[%add3A_856, %dma_wait3A_976] : memref<16384x128xf32, #tpu.memory_space<hbm>> -> memref<64x128xf32, #tpu.memory_space<hbm>>
    %dma_wait3A_978 = tpu.memref_slice %arg11[%dma_wait3A_971] : memref<2x!tpu.dma_semaphore, #tpu.memory_space<semaphore_mem>> -> memref<1x!tpu.dma_semaphore, #tpu.memory_space<semaphore_mem>>
    %dma_wait3A_979 = tpu.memref_squeeze %dma_wait3A_978 : memref<1x!tpu.dma_semaphore, #tpu.memory_space<semaphore_mem>> -> memref<!tpu.dma_semaphore, #tpu.memory_space<semaphore_mem>>
    %dma_wait3A_980 = arith.constant 0 : i32
    %dma_wait3A_981 = arith.constant 0 : i32
    %dma_wait3A_982 = tpu.memref_slice %arg8[%dma_wait3A_970, %dma_wait3A_980, %dma_wait3A_981] : memref<2x64x128xf32, #tpu.memory_space<vmem>> -> memref<1x64x128xf32, #tpu.memory_space<vmem>>
    %dma_wait3A_983 = tpu.memref_squeeze %dma_wait3A_982 : memref<1x64x128xf32, #tpu.memory_space<vmem>> -> memref<64x128xf32, #tpu.memory_space<vmem>>
    %dma_wait3A_984 = arith.constant 0 : i32
    %dma_wait3A_985 = tpu.memref_slice %arg2[%add3A_856, %dma_wait3A_984] : memref<16384x128xf32, #tpu.memory_space<hbm>> -> memref<64x128xf32, #tpu.memory_space<hbm>>
    tpu.wait_dma2 semaphore(%dma_wait3A_979 : memref<!tpu.dma_semaphore, #tpu.memory_space<semaphore_mem>>) src(%dma_wait3A_985 : memref<64x128xf32, #tpu.memory_space<hbm>>) dst(%dma_wait3A_983 : memref<64x128xf32, #tpu.memory_space<vmem>>)
    %scan3A_986 = arith.constant 0 : i32
    %scan3A_987 = arith.constant 0 : i32
    %scan3A_988 = arith.constant 64 : i32
    %scan3A_989 = arith.addi %scan3A_987, %scan3A_988 : i32
    %scan3A_990 = arith.constant 1 : i32
    scf.for %scan3A_1088 = %scan3A_987 to %scan3A_989 step %scan3A_990  : i32 {
      %get3A = arith.constant 1 : i32
      %get3A_1089 = arith.index_cast %get3A : i32 to index
      %get3A_1090 = arith.index_cast %scan3A_1088 : i32 to index
      %get3A_1091 = arith.constant 288 : index
      %get3A_1092 = tpu.vector_load %arg7[%get3A_1089, %get3A_1090, %get3A_1091] {strides = array<i32>} : memref<2x64x384xf32, #tpu.memory_space<vmem>>, vector<1x1x16xf32>,
      %get3A_1093 = vector.shape_cast %get3A_1092 : vector<1x1x16xf32> to vector<16xf32>
      %get3A_1094 = arith.constant 1 : i32
      %get3A_1095 = arith.index_cast %get3A_1094 : i32 to index
      %get3A_1096 = arith.index_cast %scan3A_1088 : i32 to index
      %get3A_1097 = arith.constant 0 : index
      %get3A_1098 = tpu.vector_load %arg8[%get3A_1095, %get3A_1096, %get3A_1097] {strides = array<i32>} : memref<2x64x128xf32, #tpu.memory_space<vmem>>, vector<1x1x16xf32>,
      %get3A_1099 = vector.shape_cast %get3A_1098 : vector<1x1x16xf32> to vector<16xf32>
      %iota3A_1100 = tpu.iota {dimensions = array<i32: 0>} : vector<16xi32>
      %add3A_1101 = arith.constant 4 : i32
      %add3A_1102 = vector.broadcast %add3A_1101 : i32 to vector<16xi32>
      %add3A_1103 = arith.addi %iota3A_1100, %add3A_1102 : vector<16xi32>
      %jit3A = arith.constant 16 : i32
      %eq3A = arith.constant 0 : i32
      %eq3A_1104 = arith.cmpi eq, %jit3A, %eq3A : i32
      %jit3A_1105 = arith.constant 1 : i32
      %select_n3A = arith.select %eq3A_1104, %jit3A_1105, %jit3A : i32
      %rem3A = vector.broadcast %select_n3A : i32 to vector<16xi32>
      %rem3A_1106 = arith.remsi %add3A_1103, %rem3A : vector<16xi32>
      %ne3A = arith.constant 0 : i32
      %ne3A_1107 = vector.broadcast %ne3A : i32 to vector<16xi32>
      %ne3A_1108 = arith.cmpi ne, %rem3A_1106, %ne3A_1107 : vector<16xi32>
      %lt3A = arith.constant 0 : i32
      %lt3A_1109 = vector.broadcast %lt3A : i32 to vector<16xi32>
      %lt3A_1110 = arith.cmpi slt, %rem3A_1106, %lt3A_1109 : vector<16xi32>
      %lt3A_1111 = arith.constant 0 : i32
      %lt3A_1112 = arith.cmpi slt, %select_n3A, %lt3A_1111 : i32
      %ne3A_1113 = vector.broadcast %lt3A_1112 : i1 to vector<16xi1>
      %ne3A_1114 = vector.broadcast %ne3A_1113 : vector<16xi1> to vector<16xi1>
      %ne3A_1115 = arith.xori %lt3A_1110, %ne3A_1114 : vector<16xi1>
      %and3A = arith.andi %ne3A_1115, %ne3A_1108 : vector<16xi1>
      %add3A_1116 = vector.broadcast %select_n3A : i32 to vector<16xi32>
      %add3A_1117 = arith.addi %rem3A_1106, %add3A_1116 : vector<16xi32>
      %select_n3A_1118 = arith.select %and3A, %add3A_1117, %rem3A_1106 : vector<16xi1>, vector<16xi32>
      %broadcast_in_dim3A = vector.shape_cast %select_n3A_1118 : vector<16xi32> to vector<16x1xi32>
      %gather3A = vector.shape_cast %broadcast_in_dim3A : vector<16x1xi32> to vector<16xi32>
      %gather3A_1119 = tpu.dynamic_gather %get3A_1099[%gather3A] in [0] : vector<16xf32>, vector<16xi32> -> vector<16xf32>
      %lt3A_1120 = arith.constant 12 : i32
      %lt3A_1121 = vector.broadcast %lt3A_1120 : i32 to vector<16xi32>
      %lt3A_1122 = arith.cmpi slt, %iota3A, %lt3A_1121 : vector<16xi32>
      %select_n3A_1123 = arith.select %lt3A_1122, %get3A_1093, %gather3A_1119 : vector<16xi1>, vector<16xf32>
      %swap3A = arith.constant 1 : i32
      %swap3A_1124 = arith.index_cast %swap3A : i32 to index
      %swap3A_1125 = arith.index_cast %scan3A_1088 : i32 to index
      %swap3A_1126 = arith.constant 288 : index
      %swap3A_1127 = tpu.vector_load %arg7[%swap3A_1124, %swap3A_1125, %swap3A_1126] {strides = array<i32>} : memref<2x64x384xf32, #tpu.memory_space<vmem>>, vector<1x1x16xf32>,
      %swap3A_1128 = vector.shape_cast %swap3A_1127 : vector<1x1x16xf32> to vector<16xf32>
      %swap3A_1129 = vector.shape_cast %select_n3A_1123 : vector<16xf32> to vector<1x1x16xf32>
      tpu.vector_store %arg7[%swap3A_1124, %swap3A_1125, %swap3A_1126], %swap3A_1129 {strides = array<i32>} : memref<2x64x384xf32, #tpu.memory_space<vmem>>, vector<1x1x16xf32>,
      %get3A_1130 = arith.constant 1 : i32
      %get3A_1131 = arith.index_cast %get3A_1130 : i32 to index
      %get3A_1132 = arith.index_cast %scan3A_1088 : i32 to index
      %get3A_1133 = arith.constant 4 : index
      %get3A_1134 = tpu.vector_load %arg8[%get3A_1131, %get3A_1132, %get3A_1133] {strides = array<i32>} : memref<2x64x128xf32, #tpu.memory_space<vmem>>, vector<1x1x16xf32>,
      %get3A_1135 = vector.shape_cast %get3A_1134 : vector<1x1x16xf32> to vector<16xf32>
      %swap3A_1136 = arith.constant 1 : i32
      %swap3A_1137 = arith.index_cast %swap3A_1136 : i32 to index
      %swap3A_1138 = arith.index_cast %scan3A_1088 : i32 to index
      %swap3A_1139 = arith.constant 304 : index
      %swap3A_1140 = tpu.vector_load %arg7[%swap3A_1137, %swap3A_1138, %swap3A_1139] {strides = array<i32>} : memref<2x64x384xf32, #tpu.memory_space<vmem>>, vector<1x1x16xf32>,
      %swap3A_1141 = vector.shape_cast %swap3A_1140 : vector<1x1x16xf32> to vector<16xf32>
      %swap3A_1142 = vector.shape_cast %get3A_1135 : vector<16xf32> to vector<1x1x16xf32>
      tpu.vector_store %arg7[%swap3A_1137, %swap3A_1138, %swap3A_1139], %swap3A_1142 {strides = array<i32>} : memref<2x64x384xf32, #tpu.memory_space<vmem>>, vector<1x1x16xf32>,
      %get3A_1143 = arith.constant 1 : i32
      %get3A_1144 = arith.index_cast %get3A_1143 : i32 to index
      %get3A_1145 = arith.index_cast %scan3A_1088 : i32 to index
      %get3A_1146 = arith.constant 20 : index
      %get3A_1147 = tpu.vector_load %arg8[%get3A_1144, %get3A_1145, %get3A_1146] {strides = array<i32>} : memref<2x64x128xf32, #tpu.memory_space<vmem>>, vector<1x1x16xf32>,
      %get3A_1148 = vector.shape_cast %get3A_1147 : vector<1x1x16xf32> to vector<16xf32>
      %swap3A_1149 = arith.constant 1 : i32
      %swap3A_1150 = arith.index_cast %swap3A_1149 : i32 to index
      %swap3A_1151 = arith.index_cast %scan3A_1088 : i32 to index
      %swap3A_1152 = arith.constant 320 : index
      %swap3A_1153 = tpu.vector_load %arg7[%swap3A_1150, %swap3A_1151, %swap3A_1152] {strides = array<i32>} : memref<2x64x384xf32, #tpu.memory_space<vmem>>, vector<1x1x16xf32>,
      %swap3A_1154 = vector.shape_cast %swap3A_1153 : vector<1x1x16xf32> to vector<16xf32>
      %swap3A_1155 = vector.shape_cast %get3A_1148 : vector<16xf32> to vector<1x1x16xf32>
      tpu.vector_store %arg7[%swap3A_1150, %swap3A_1151, %swap3A_1152], %swap3A_1155 {strides = array<i32>} : memref<2x64x384xf32, #tpu.memory_space<vmem>>, vector<1x1x16xf32>,
      %get3A_1156 = arith.constant 1 : i32
      %get3A_1157 = arith.index_cast %get3A_1156 : i32 to index
      %get3A_1158 = arith.index_cast %scan3A_1088 : i32 to index
      %get3A_1159 = arith.constant 36 : index
      %get3A_1160 = tpu.vector_load %arg8[%get3A_1157, %get3A_1158, %get3A_1159] {strides = array<i32>} : memref<2x64x128xf32, #tpu.memory_space<vmem>>, vector<1x1x16xf32>,
      %get3A_1161 = vector.shape_cast %get3A_1160 : vector<1x1x16xf32> to vector<16xf32>
      %swap3A_1162 = arith.constant 1 : i32
      %swap3A_1163 = arith.index_cast %swap3A_1162 : i32 to index
      %swap3A_1164 = arith.index_cast %scan3A_1088 : i32 to index
      %swap3A_1165 = arith.constant 336 : index
      %swap3A_1166 = tpu.vector_load %arg7[%swap3A_1163, %swap3A_1164, %swap3A_1165] {strides = array<i32>} : memref<2x64x384xf32, #tpu.memory_space<vmem>>, vector<1x1x16xf32>,
      %swap3A_1167 = vector.shape_cast %swap3A_1166 : vector<1x1x16xf32> to vector<16xf32>
      %swap3A_1168 = vector.shape_cast %get3A_1161 : vector<16xf32> to vector<1x1x16xf32>
      tpu.vector_store %arg7[%swap3A_1163, %swap3A_1164, %swap3A_1165], %swap3A_1168 {strides = array<i32>} : memref<2x64x384xf32, #tpu.memory_space<vmem>>, vector<1x1x16xf32>,
      %get3A_1169 = arith.constant 1 : i32
      %get3A_1170 = arith.index_cast %get3A_1169 : i32 to index
      %get3A_1171 = arith.index_cast %scan3A_1088 : i32 to index
      %get3A_1172 = arith.constant 52 : index
      %get3A_1173 = tpu.vector_load %arg8[%get3A_1170, %get3A_1171, %get3A_1172] {strides = array<i32>} : memref<2x64x128xf32, #tpu.memory_space<vmem>>, vector<1x1x16xf32>,
      %get3A_1174 = vector.shape_cast %get3A_1173 : vector<1x1x16xf32> to vector<16xf32>
      %swap3A_1175 = arith.constant 1 : i32
      %swap3A_1176 = arith.index_cast %swap3A_1175 : i32 to index
      %swap3A_1177 = arith.index_cast %scan3A_1088 : i32 to index
      %swap3A_1178 = arith.constant 352 : index
      %swap3A_1179 = tpu.vector_load %arg7[%swap3A_1176, %swap3A_1177, %swap3A_1178] {strides = array<i32>} : memref<2x64x384xf32, #tpu.memory_space<vmem>>, vector<1x1x16xf32>,
      %swap3A_1180 = vector.shape_cast %swap3A_1179 : vector<1x1x16xf32> to vector<16xf32>
      %swap3A_1181 = vector.shape_cast %get3A_1174 : vector<16xf32> to vector<1x1x16xf32>
      tpu.vector_store %arg7[%swap3A_1176, %swap3A_1177, %swap3A_1178], %swap3A_1181 {strides = array<i32>} : memref<2x64x384xf32, #tpu.memory_space<vmem>>, vector<1x1x16xf32>,
      %get3A_1182 = arith.constant 1 : i32
      %get3A_1183 = arith.index_cast %get3A_1182 : i32 to index
      %get3A_1184 = arith.index_cast %scan3A_1088 : i32 to index
      %get3A_1185 = arith.constant 68 : index
      %get3A_1186 = tpu.vector_load %arg8[%get3A_1183, %get3A_1184, %get3A_1185] {strides = array<i32>} : memref<2x64x128xf32, #tpu.memory_space<vmem>>, vector<1x1x16xf32>,
      %get3A_1187 = vector.shape_cast %get3A_1186 : vector<1x1x16xf32> to vector<16xf32>
      %swap3A_1188 = arith.constant 1 : i32
      %swap3A_1189 = arith.index_cast %swap3A_1188 : i32 to index
      %swap3A_1190 = arith.index_cast %scan3A_1088 : i32 to index
      %swap3A_1191 = arith.constant 368 : index
      %swap3A_1192 = tpu.vector_load %arg7[%swap3A_1189, %swap3A_1190, %swap3A_1191] {strides = array<i32>} : memref<2x64x384xf32, #tpu.memory_space<vmem>>, vector<1x1x16xf32>,
      %swap3A_1193 = vector.shape_cast %swap3A_1192 : vector<1x1x16xf32> to vector<16xf32>
      %swap3A_1194 = vector.shape_cast %get3A_1187 : vector<16xf32> to vector<1x1x16xf32>
      tpu.vector_store %arg7[%swap3A_1189, %swap3A_1190, %swap3A_1191], %swap3A_1194 {strides = array<i32>} : memref<2x64x384xf32, #tpu.memory_space<vmem>>, vector<1x1x16xf32>,
      %get3A_1195 = arith.constant 1 : i32
      %get3A_1196 = arith.index_cast %get3A_1195 : i32 to index
      %get3A_1197 = arith.index_cast %scan3A_1088 : i32 to index
      %get3A_1198 = arith.constant 84 : index
      %get3A_1199 = tpu.vector_load %arg8[%get3A_1196, %get3A_1197, %get3A_1198] {strides = array<i32>} : memref<2x64x128xf32, #tpu.memory_space<vmem>>, vector<1x1x16xf32>,
      %get3A_1200 = vector.shape_cast %get3A_1199 : vector<1x1x16xf32> to vector<16xf32>
      %swap3A_1201 = arith.constant 1 : i32
      %swap3A_1202 = arith.index_cast %swap3A_1201 : i32 to index
      %swap3A_1203 = arith.index_cast %scan3A_1088 : i32 to index
      %swap3A_1204 = arith.constant 0 : index
      %swap3A_1205 = tpu.vector_load %arg9[%swap3A_1202, %swap3A_1203, %swap3A_1204] {strides = array<i32>} : memref<2x64x44xf32, #tpu.memory_space<vmem>>, vector<1x1x16xf32>,
      %swap3A_1206 = vector.shape_cast %swap3A_1205 : vector<1x1x16xf32> to vector<16xf32>
      %swap3A_1207 = vector.shape_cast %get3A_1200 : vector<16xf32> to vector<1x1x16xf32>
      tpu.vector_store %arg9[%swap3A_1202, %swap3A_1203, %swap3A_1204], %swap3A_1207 {strides = array<i32>} : memref<2x64x44xf32, #tpu.memory_space<vmem>>, vector<1x1x16xf32>,
      %get3A_1208 = arith.constant 1 : i32
      %get3A_1209 = arith.index_cast %get3A_1208 : i32 to index
      %get3A_1210 = arith.index_cast %scan3A_1088 : i32 to index
      %get3A_1211 = arith.constant 112 : index
      %get3A_1212 = tpu.vector_load %arg8[%get3A_1209, %get3A_1210, %get3A_1211] {strides = array<i32>} : memref<2x64x128xf32, #tpu.memory_space<vmem>>, vector<1x1x16xf32>,
      %get3A_1213 = vector.shape_cast %get3A_1212 : vector<1x1x16xf32> to vector<16xf32>
      %swap3A_1214 = arith.constant 1 : i32
      %swap3A_1215 = arith.index_cast %swap3A_1214 : i32 to index
      %swap3A_1216 = arith.index_cast %scan3A_1088 : i32 to index
      %swap3A_1217 = arith.constant 28 : index
      %swap3A_1218 = tpu.vector_load %arg9[%swap3A_1215, %swap3A_1216, %swap3A_1217] {strides = array<i32>} : memref<2x64x44xf32, #tpu.memory_space<vmem>>, vector<1x1x16xf32>,
      %swap3A_1219 = vector.shape_cast %swap3A_1218 : vector<1x1x16xf32> to vector<16xf32>
      %swap3A_1220 = vector.shape_cast %get3A_1213 : vector<16xf32> to vector<1x1x16xf32>
      tpu.vector_store %arg9[%swap3A_1215, %swap3A_1216, %swap3A_1217], %swap3A_1220 {strides = array<i32>} : memref<2x64x44xf32, #tpu.memory_space<vmem>>, vector<1x1x16xf32>,
      %get3A_1221 = arith.constant 1 : i32
      %get3A_1222 = arith.index_cast %get3A_1221 : i32 to index
      %get3A_1223 = arith.index_cast %scan3A_1088 : i32 to index
      %get3A_1224 = arith.constant 100 : index
      %get3A_1225 = tpu.vector_load %arg8[%get3A_1222, %get3A_1223, %get3A_1224] {strides = array<i32>} : memref<2x64x128xf32, #tpu.memory_space<vmem>>, vector<1x1x16xf32>,
      %get3A_1226 = vector.shape_cast %get3A_1225 : vector<1x1x16xf32> to vector<16xf32>
      %swap3A_1227 = arith.constant 1 : i32
      %swap3A_1228 = arith.index_cast %swap3A_1227 : i32 to index
      %swap3A_1229 = arith.index_cast %scan3A_1088 : i32 to index
      %swap3A_1230 = arith.constant 16 : index
      %swap3A_1231 = tpu.vector_load %arg9[%swap3A_1228, %swap3A_1229, %swap3A_1230] {strides = array<i32>} : memref<2x64x44xf32, #tpu.memory_space<vmem>>, vector<1x1x16xf32>,
      %swap3A_1232 = vector.shape_cast %swap3A_1231 : vector<1x1x16xf32> to vector<16xf32>
      %swap3A_1233 = vector.shape_cast %get3A_1226 : vector<16xf32> to vector<1x1x16xf32>
      tpu.vector_store %arg9[%swap3A_1228, %swap3A_1229, %swap3A_1230], %swap3A_1233 {strides = array<i32>} : memref<2x64x44xf32, #tpu.memory_space<vmem>>, vector<1x1x16xf32>,
    }
    %scan3A_991 = arith.constant 64 : i32
    %dma_start3A_992 = arith.constant 1 : i32
    %dma_start3A_993 = arith.constant 1 : i32
    %dma_start3A_994 = arith.constant 0 : i32
    %dma_start3A_995 = arith.constant 0 : i32
    %dma_start3A_996 = tpu.memref_slice %arg7[%dma_start3A_992, %dma_start3A_994, %dma_start3A_995] : memref<2x64x384xf32, #tpu.memory_space<vmem>> -> memref<1x64x384xf32, #tpu.memory_space<vmem>>
    %dma_start3A_997 = tpu.memref_squeeze %dma_start3A_996 : memref<1x64x384xf32, #tpu.memory_space<vmem>> -> memref<64x384xf32, #tpu.memory_space<vmem>>
    %dma_start3A_998 = arith.constant 0 : i32
    %dma_start3A_999 = tpu.memref_slice %arg5[%add3A_956, %dma_start3A_998] : memref<16384x428xf32, #tpu.memory_space<hbm>> -> memref<64x384xf32, #tpu.memory_space<hbm>>
    %dma_start3A_1000 = tpu.memref_slice %arg12[%dma_start3A_993] : memref<2x!tpu.dma_semaphore, #tpu.memory_space<semaphore_mem>> -> memref<1x!tpu.dma_semaphore, #tpu.memory_space<semaphore_mem>>
    %dma_start3A_1001 = tpu.memref_squeeze %dma_start3A_1000 : memref<1x!tpu.dma_semaphore, #tpu.memory_space<semaphore_mem>> -> memref<!tpu.dma_semaphore, #tpu.memory_space<semaphore_mem>>
    %dma_start3A_1002 = arith.constant 0 : i32
    %dma_start3A_1003 = tpu.memref_slice %arg5[%add3A_956, %dma_start3A_1002] : memref<16384x428xf32, #tpu.memory_space<hbm>> -> memref<64x384xf32, #tpu.memory_space<hbm>>
    %dma_start3A_1004 = arith.constant 0 : i32
    %dma_start3A_1005 = arith.constant 0 : i32
    %dma_start3A_1006 = tpu.memref_slice %arg7[%dma_start3A_992, %dma_start3A_1004, %dma_start3A_1005] : memref<2x64x384xf32, #tpu.memory_space<vmem>> -> memref<1x64x384xf32, #tpu.memory_space<vmem>>
    %dma_start3A_1007 = tpu.memref_squeeze %dma_start3A_1006 : memref<1x64x384xf32, #tpu.memory_space<vmem>> -> memref<64x384xf32, #tpu.memory_space<vmem>>
    tpu.enqueue_dma source(%dma_start3A_1007 : memref<64x384xf32, #tpu.memory_space<vmem>>) target(%dma_start3A_1003 : memref<64x384xf32, #tpu.memory_space<hbm>>) target_semaphore(%dma_start3A_1001 : memref<!tpu.dma_semaphore, #tpu.memory_space<semaphore_mem>>)
    %dma_start3A_1008 = arith.constant 1 : i32
    %dma_start3A_1009 = arith.constant 1 : i32
    %dma_start3A_1010 = arith.constant 0 : i32
    %dma_start3A_1011 = arith.constant 0 : i32
    %dma_start3A_1012 = tpu.memref_slice %arg9[%dma_start3A_1008, %dma_start3A_1010, %dma_start3A_1011] : memref<2x64x44xf32, #tpu.memory_space<vmem>> -> memref<1x64x44xf32, #tpu.memory_space<vmem>>
    %dma_start3A_1013 = tpu.memref_squeeze %dma_start3A_1012 : memref<1x64x44xf32, #tpu.memory_space<vmem>> -> memref<64x44xf32, #tpu.memory_space<vmem>>
    %dma_start3A_1014 = arith.constant 384 : i32
    %dma_start3A_1015 = tpu.memref_slice %arg5[%add3A_956, %dma_start3A_1014] : memref<16384x428xf32, #tpu.memory_space<hbm>> -> memref<64x44xf32, #tpu.memory_space<hbm>>
    %dma_start3A_1016 = tpu.memref_slice %arg13[%dma_start3A_1009] : memref<2x!tpu.dma_semaphore, #tpu.memory_space<semaphore_mem>> -> memref<1x!tpu.dma_semaphore, #tpu.memory_space<semaphore_mem>>
    %dma_start3A_1017 = tpu.memref_squeeze %dma_start3A_1016 : memref<1x!tpu.dma_semaphore, #tpu.memory_space<semaphore_mem>> -> memref<!tpu.dma_semaphore, #tpu.memory_space<semaphore_mem>>
    %dma_start3A_1018 = arith.constant 384 : i32
    %dma_start3A_1019 = tpu.memref_slice %arg5[%add3A_956, %dma_start3A_1018] : memref<16384x428xf32, #tpu.memory_space<hbm>> -> memref<64x44xf32, #tpu.memory_space<hbm>>
    %dma_start3A_1020 = arith.constant 0 : i32
    %dma_start3A_1021 = arith.constant 0 : i32
    %dma_start3A_1022 = tpu.memref_slice %arg9[%dma_start3A_1008, %dma_start3A_1020, %dma_start3A_1021] : memref<2x64x44xf32, #tpu.memory_space<vmem>> -> memref<1x64x44xf32, #tpu.memory_space<vmem>>
    %dma_start3A_1023 = tpu.memref_squeeze %dma_start3A_1022 : memref<1x64x44xf32, #tpu.memory_space<vmem>> -> memref<64x44xf32, #tpu.memory_space<vmem>>
    tpu.enqueue_dma source(%dma_start3A_1023 : memref<64x44xf32, #tpu.memory_space<vmem>>) target(%dma_start3A_1019 : memref<64x44xf32, #tpu.memory_space<hbm>>) target_semaphore(%dma_start3A_1017 : memref<!tpu.dma_semaphore, #tpu.memory_space<semaphore_mem>>)
    %dma_wait3A_1024 = arith.constant 0 : i32
    %dma_wait3A_1025 = arith.constant 0 : i32
    %dma_wait3A_1026 = arith.constant 0 : i32
    %dma_wait3A_1027 = arith.constant 0 : i32
    %dma_wait3A_1028 = tpu.memref_slice %arg7[%dma_wait3A_1024, %dma_wait3A_1026, %dma_wait3A_1027] : memref<2x64x384xf32, #tpu.memory_space<vmem>> -> memref<1x64x384xf32, #tpu.memory_space<vmem>>
    %dma_wait3A_1029 = tpu.memref_squeeze %dma_wait3A_1028 : memref<1x64x384xf32, #tpu.memory_space<vmem>> -> memref<64x384xf32, #tpu.memory_space<vmem>>
    %dma_wait3A_1030 = arith.constant 0 : i32
    %dma_wait3A_1031 = tpu.memref_slice %arg5[%add3A_820, %dma_wait3A_1030] : memref<16384x428xf32, #tpu.memory_space<hbm>> -> memref<64x384xf32, #tpu.memory_space<hbm>>
    %dma_wait3A_1032 = tpu.memref_slice %arg12[%dma_wait3A_1025] : memref<2x!tpu.dma_semaphore, #tpu.memory_space<semaphore_mem>> -> memref<1x!tpu.dma_semaphore, #tpu.memory_space<semaphore_mem>>
    %dma_wait3A_1033 = tpu.memref_squeeze %dma_wait3A_1032 : memref<1x!tpu.dma_semaphore, #tpu.memory_space<semaphore_mem>> -> memref<!tpu.dma_semaphore, #tpu.memory_space<semaphore_mem>>
    %dma_wait3A_1034 = arith.constant 0 : i32
    %dma_wait3A_1035 = tpu.memref_slice %arg5[%add3A_820, %dma_wait3A_1034] : memref<16384x428xf32, #tpu.memory_space<hbm>> -> memref<64x384xf32, #tpu.memory_space<hbm>>
    %dma_wait3A_1036 = arith.constant 0 : i32
    %dma_wait3A_1037 = arith.constant 0 : i32
    %dma_wait3A_1038 = tpu.memref_slice %arg7[%dma_wait3A_1024, %dma_wait3A_1036, %dma_wait3A_1037] : memref<2x64x384xf32, #tpu.memory_space<vmem>> -> memref<1x64x384xf32, #tpu.memory_space<vmem>>
    %dma_wait3A_1039 = tpu.memref_squeeze %dma_wait3A_1038 : memref<1x64x384xf32, #tpu.memory_space<vmem>> -> memref<64x384xf32, #tpu.memory_space<vmem>>
    tpu.wait_dma2 semaphore(%dma_wait3A_1033 : memref<!tpu.dma_semaphore, #tpu.memory_space<semaphore_mem>>) src(%dma_wait3A_1039 : memref<64x384xf32, #tpu.memory_space<vmem>>) dst(%dma_wait3A_1035 : memref<64x384xf32, #tpu.memory_space<hbm>>)
    %dma_wait3A_1040 = arith.constant 0 : i32
    %dma_wait3A_1041 = arith.constant 0 : i32
    %dma_wait3A_1042 = arith.constant 0 : i32
    %dma_wait3A_1043 = arith.constant 0 : i32
    %dma_wait3A_1044 = tpu.memref_slice %arg9[%dma_wait3A_1040, %dma_wait3A_1042, %dma_wait3A_1043] : memref<2x64x44xf32, #tpu.memory_space<vmem>> -> memref<1x64x44xf32, #tpu.memory_space<vmem>>
    %dma_wait3A_1045 = tpu.memref_squeeze %dma_wait3A_1044 : memref<1x64x44xf32, #tpu.memory_space<vmem>> -> memref<64x44xf32, #tpu.memory_space<vmem>>
    %dma_wait3A_1046 = arith.constant 384 : i32
    %dma_wait3A_1047 = tpu.memref_slice %arg5[%add3A_820, %dma_wait3A_1046] : memref<16384x428xf32, #tpu.memory_space<hbm>> -> memref<64x44xf32, #tpu.memory_space<hbm>>
    %dma_wait3A_1048 = tpu.memref_slice %arg13[%dma_wait3A_1041] : memref<2x!tpu.dma_semaphore, #tpu.memory_space<semaphore_mem>> -> memref<1x!tpu.dma_semaphore, #tpu.memory_space<semaphore_mem>>
    %dma_wait3A_1049 = tpu.memref_squeeze %dma_wait3A_1048 : memref<1x!tpu.dma_semaphore, #tpu.memory_space<semaphore_mem>> -> memref<!tpu.dma_semaphore, #tpu.memory_space<semaphore_mem>>
    %dma_wait3A_1050 = arith.constant 384 : i32
    %dma_wait3A_1051 = tpu.memref_slice %arg5[%add3A_820, %dma_wait3A_1050] : memref<16384x428xf32, #tpu.memory_space<hbm>> -> memref<64x44xf32, #tpu.memory_space<hbm>>
    %dma_wait3A_1052 = arith.constant 0 : i32
    %dma_wait3A_1053 = arith.constant 0 : i32
    %dma_wait3A_1054 = tpu.memref_slice %arg9[%dma_wait3A_1040, %dma_wait3A_1052, %dma_wait3A_1053] : memref<2x64x44xf32, #tpu.memory_space<vmem>> -> memref<1x64x44xf32, #tpu.memory_space<vmem>>
    %dma_wait3A_1055 = tpu.memref_squeeze %dma_wait3A_1054 : memref<1x64x44xf32, #tpu.memory_space<vmem>> -> memref<64x44xf32, #tpu.memory_space<vmem>>
    tpu.wait_dma2 semaphore(%dma_wait3A_1049 : memref<!tpu.dma_semaphore, #tpu.memory_space<semaphore_mem>>) src(%dma_wait3A_1055 : memref<64x44xf32, #tpu.memory_space<vmem>>) dst(%dma_wait3A_1051 : memref<64x44xf32, #tpu.memory_space<hbm>>)
    %dma_wait3A_1056 = arith.constant 1 : i32
    %dma_wait3A_1057 = arith.constant 1 : i32
    %dma_wait3A_1058 = arith.constant 0 : i32
    %dma_wait3A_1059 = arith.constant 0 : i32
    %dma_wait3A_1060 = tpu.memref_slice %arg7[%dma_wait3A_1056, %dma_wait3A_1058, %dma_wait3A_1059] : memref<2x64x384xf32, #tpu.memory_space<vmem>> -> memref<1x64x384xf32, #tpu.memory_space<vmem>>
    %dma_wait3A_1061 = tpu.memref_squeeze %dma_wait3A_1060 : memref<1x64x384xf32, #tpu.memory_space<vmem>> -> memref<64x384xf32, #tpu.memory_space<vmem>>
    %dma_wait3A_1062 = arith.constant 0 : i32
    %dma_wait3A_1063 = tpu.memref_slice %arg5[%add3A_956, %dma_wait3A_1062] : memref<16384x428xf32, #tpu.memory_space<hbm>> -> memref<64x384xf32, #tpu.memory_space<hbm>>
    %dma_wait3A_1064 = tpu.memref_slice %arg12[%dma_wait3A_1057] : memref<2x!tpu.dma_semaphore, #tpu.memory_space<semaphore_mem>> -> memref<1x!tpu.dma_semaphore, #tpu.memory_space<semaphore_mem>>
    %dma_wait3A_1065 = tpu.memref_squeeze %dma_wait3A_1064 : memref<1x!tpu.dma_semaphore, #tpu.memory_space<semaphore_mem>> -> memref<!tpu.dma_semaphore, #tpu.memory_space<semaphore_mem>>
    %dma_wait3A_1066 = arith.constant 0 : i32
    %dma_wait3A_1067 = tpu.memref_slice %arg5[%add3A_956, %dma_wait3A_1066] : memref<16384x428xf32, #tpu.memory_space<hbm>> -> memref<64x384xf32, #tpu.memory_space<hbm>>
    %dma_wait3A_1068 = arith.constant 0 : i32
    %dma_wait3A_1069 = arith.constant 0 : i32
    %dma_wait3A_1070 = tpu.memref_slice %arg7[%dma_wait3A_1056, %dma_wait3A_1068, %dma_wait3A_1069] : memref<2x64x384xf32, #tpu.memory_space<vmem>> -> memref<1x64x384xf32, #tpu.memory_space<vmem>>
    %dma_wait3A_1071 = tpu.memref_squeeze %dma_wait3A_1070 : memref<1x64x384xf32, #tpu.memory_space<vmem>> -> memref<64x384xf32, #tpu.memory_space<vmem>>
    tpu.wait_dma2 semaphore(%dma_wait3A_1065 : memref<!tpu.dma_semaphore, #tpu.memory_space<semaphore_mem>>) src(%dma_wait3A_1071 : memref<64x384xf32, #tpu.memory_space<vmem>>) dst(%dma_wait3A_1067 : memref<64x384xf32, #tpu.memory_space<hbm>>)
    %dma_wait3A_1072 = arith.constant 1 : i32
    %dma_wait3A_1073 = arith.constant 1 : i32
    %dma_wait3A_1074 = arith.constant 0 : i32
    %dma_wait3A_1075 = arith.constant 0 : i32
    %dma_wait3A_1076 = tpu.memref_slice %arg9[%dma_wait3A_1072, %dma_wait3A_1074, %dma_wait3A_1075] : memref<2x64x44xf32, #tpu.memory_space<vmem>> -> memref<1x64x44xf32, #tpu.memory_space<vmem>>
    %dma_wait3A_1077 = tpu.memref_squeeze %dma_wait3A_1076 : memref<1x64x44xf32, #tpu.memory_space<vmem>> -> memref<64x44xf32, #tpu.memory_space<vmem>>
    %dma_wait3A_1078 = arith.constant 384 : i32
    %dma_wait3A_1079 = tpu.memref_slice %arg5[%add3A_956, %dma_wait3A_1078] : memref<16384x428xf32, #tpu.memory_space<hbm>> -> memref<64x44xf32, #tpu.memory_space<hbm>>
    %dma_wait3A_1080 = tpu.memref_slice %arg13[%dma_wait3A_1073] : memref<2x!tpu.dma_semaphore, #tpu.memory_space<semaphore_mem>> -> memref<1x!tpu.dma_semaphore, #tpu.memory_space<semaphore_mem>>
    %dma_wait3A_1081 = tpu.memref_squeeze %dma_wait3A_1080 : memref<1x!tpu.dma_semaphore, #tpu.memory_space<semaphore_mem>> -> memref<!tpu.dma_semaphore, #tpu.memory_space<semaphore_mem>>
    %dma_wait3A_1082 = arith.constant 384 : i32
    %dma_wait3A_1083 = tpu.memref_slice %arg5[%add3A_956, %dma_wait3A_1082] : memref<16384x428xf32, #tpu.memory_space<hbm>> -> memref<64x44xf32, #tpu.memory_space<hbm>>
    %dma_wait3A_1084 = arith.constant 0 : i32
    %dma_wait3A_1085 = arith.constant 0 : i32
    %dma_wait3A_1086 = tpu.memref_slice %arg9[%dma_wait3A_1072, %dma_wait3A_1084, %dma_wait3A_1085] : memref<2x64x44xf32, #tpu.memory_space<vmem>> -> memref<1x64x44xf32, #tpu.memory_space<vmem>>
    %dma_wait3A_1087 = tpu.memref_squeeze %dma_wait3A_1086 : memref<1x64x44xf32, #tpu.memory_space<vmem>> -> memref<64x44xf32, #tpu.memory_space<vmem>>
    tpu.wait_dma2 semaphore(%dma_wait3A_1081 : memref<!tpu.dma_semaphore, #tpu.memory_space<semaphore_mem>>) src(%dma_wait3A_1087 : memref<64x44xf32, #tpu.memory_space<vmem>>) dst(%dma_wait3A_1083 : memref<64x44xf32, #tpu.memory_space<hbm>>)
    return
  }
}

</mosaic_0001>

<sc_bundles>
// kernel: kernel.3.cloned.1.call-start
scs
__scs_entry_jumppad:
0x0: {  	(pc) =	sbr.rel $0x88, $3  }
0x1: {  	(tag) =	ssettag $0x0;
	lr =	simm.s32 $0x1  }
0x2: {  	[smem:$0x3F9E] =	sst lr;
	_ =	strace $0xD0000000  }
0x3: {  	_ = 	snop  }
0x4: {  	_ = 	snop  }
0x5: {  	_ = 	snop  }
0x6: {  	_ = 	snop  }
0x7: {  	_ = 	snop  }
__scs_overlays_trampoline_lowered:
0x8: {  	[smem:$0x3FAD] =	sst s0  }
0x9: {  	[smem:$0x3FAE] =	sst s1  }
0xa: {  	[smem:$0x3FAF] =	sst s2  }
0xb: {  	[smem:$0x3FB0] =	sst s3  }
0xc: {  	[smem:$0x3FB1] =	sst s4  }
0xd: {  	[smem:$0x3FB2] =	sst s5  }
0xe: {  	[smem:$0x3FB3] =	sst s6  }
0xf: {  	[smem:$0x3FB4] =	sst s7  }
0x10: {  	[smem:$0x3FB5] =	sst s8  }
0x11: {  	[smem:$0x3FB6] =	sst s9;
	s0 =	simm.s32 @!p0 $0x0  }
0x12: {  	s1 =	sld [smem:$0x3F9C];
	s0 =	simm.s32 @p0 $0x1  }
0x13: {  	[smem:$0x3FB7] =	sst s0;
	s0 =	simm.s32 @!p1 $0x0  }
0x14: {  	s2 =	sld [smem:$0x3F9B];
	s0 =	simm.s32 @p1 $0x1  }
0x15: {  	[smem:$0x3FB8] =	sst s0;
	s0 =	simm.s32 @!p2 $0x0  }
0x16: {  	s3 =	sld [smem:$0x3FDB];
	s0 =	simm.s32 @p2 $0x1  }
0x17: {  	s4 =	simm.s32 $0x1BF5;
	[smem:$0x3FBA] =	sst s0  }
0x18: {  	s0 =	sld [smem:$0x3F9D];
	_ =	swait.ge [sflag:s4], $0x0  }
0x19: {  	s7 =	sld [smem:$0x3F9E]  }
0x1a: {  	s8 =	sadd.s32 $0xFFFFE003, lr  }
0x1b: {  	s9 =	sadd.s32 $0xFFFFFEF7, lr;
	s5 =	simm.s32 $0xFFFFFFFF;
	p2 =	slt.u32 s8, $0xFFFFF086  }
0x1c: {  	p1 =	slt.u32 s9, $0xF7A;
	s5 =	simm.s32 @!p2 $0x0  }
0x1d: {  	s5 =	simm.s32 @p1 $0x1;
	p0 =	seq.s32 s7, s2  }
0x1e: {  	s7 =	smul.u32 @!p0 $0xF7A, s2;
	p2 =	seq.s32 @!p0 s5, $0x0  }
0x1f: {  	s9 =	smul.u32 $0xF7A, s1;
	s8 =	simm.s32 @!p0 $0x1BF5;
	p2 =	por !p2, p0  }
0x20: {  	[sflag:s8] =	ssyncset.s32 @!p0 $0xFFFFF086;
	s6 =	sadd.s32 @!p0 s3, s7;
	s7 =	simm.s32 @!p0 $0x108  }
0x21: {  	s3 =	sadd.s32 s3, s9;
	s6 =	sadd.s32 @!p0 $0x88, s6;
	s7 =	simm.s32 @p2 $0x1082  }
0x22: {  	[simem:s7], [sflag:s8] =	dma.local @!p0 [hbm:s6], $0xF7A  }
0x23: {  	s9 =	sor.u32 $0xD0000000, s2;
	s6 =	simm.s32 $0x108;
	_ =	swait.ge @!p0 [sflag:s8], $0x0  }
0x24: {  	s3 =	sadd.s32 $0x88, s3;
	s6 =	simm.s32 @!p1 $0x1082;
	[sflag:s4] =	ssyncset.s32 $0xFFFFF086  }
0x25: {  	[simem:s6], [sflag:s4] =	dma.local [hbm:s3], $0xF7A  }
0x26: {  	[smem:$0x3F9E] =	sst s1;
	(tag) =	ssettag s2;
	_ =	strace s9  }
0x27: {  	s1 =	sld [smem:$0x3FAE]  }
0x28: {  	s2 =	sld [smem:$0x3FAF]  }
0x29: {  	s4 =	sld [smem:$0x3FB1]  }
0x2a: {  	p0 =	seq.s32 s5, $0x0;
	s5 =	sld [smem:$0x3FB2]  }
0x2b: {  	s6 =	sld [smem:$0x3FB3]  }
0x2c: {  	s7 =	sld [smem:$0x3FB4]  }
0x2d: {  	s3 =	simm.s32 $0x108;
	s8 =	sld [smem:$0x3FB5]  }
0x2e: {  	s3 =	simm.s32 @!p0 $0x1082;
	s9 =	sld [smem:$0x3FB6]  }
0x2f: {  	lr =	sadd.s32 s0, s3;
	s0 =	sld [smem:$0x3FAD]  }
0x30: {  	s3 =	sld [smem:$0x3FB0]  }
0x31: {  	[smem:$0x3FB9] =	sst s10  }
0x32: {  	s10 =	sld [smem:$0x3FB7];
	_ =	sdelay $0x3  }
0x33: {  	p0 =	seq.s32 s10, $0x1;
	s10 =	sld [smem:$0x3FB9];
	_ =	sdelay $0x3  }
0x34: {  	[smem:$0x3FB9] =	sst s10  }
0x35: {  	s10 =	sld [smem:$0x3FB8];
	_ =	sdelay $0x3  }
0x36: {  	p1 =	seq.s32 s10, $0x1;
	s10 =	sld [smem:$0x3FB9];
	_ =	sdelay $0x3  }
0x37: {  	[smem:$0x3FB9] =	sst s10  }
0x38: {  	s10 =	sld [smem:$0x3FBA]  }
0x39: {  	_ = 	snop;
	(pc) =	sbr.ind lr, $3  }
0x3a: {  	_ = 	snop  }
0x3b: {  	_ = 	snop  }
0x3c: {  	p2 =	seq.s32 s10, $0x1;
	s10 =	sld [smem:$0x3FB9]  }
0x3d: {  	_ =	shalt  }
0x3e: {  	_ =	shalt  }
0x3f: {  	_ =	shalt  }
0x40: {  	_ =	shalt  }
0x41: {  	_ =	shalt  }
0x42: {  	_ =	shalt  }
0x43: {  	_ =	shalt  }
0x44: {  	_ =	shalt  }
0x45: {  	_ =	shalt  }
0x46: {  	_ =	shalt  }
0x47: {  	_ =	shalt  }
0x48: {  	_ =	shalt  }
0x49: {  	_ =	shalt  }
0x4a: {  	_ =	shalt  }
0x4b: {  	_ =	shalt  }
0x4c: {  	_ =	shalt  }
0x4d: {  	_ =	shalt  }
0x4e: {  	_ =	shalt  }
0x4f: {  	_ =	shalt  }
0x50: {  	_ =	shalt  }
0x51: {  	_ =	shalt  }
0x52: {  	_ =	shalt  }
0x53: {  	_ =	shalt  }
0x54: {  	_ =	shalt  }
0x55: {  	_ =	shalt  }
0x56: {  	_ =	shalt  }
0x57: {  	_ =	shalt  }
0x58: {  	_ =	shalt  }
0x59: {  	_ =	shalt  }
0x5a: {  	_ =	shalt  }
0x5b: {  	_ =	shalt  }
0x5c: {  	_ =	shalt  }
0x5d: {  	_ =	shalt  }
0x5e: {  	_ =	shalt  }
0x5f: {  	_ =	shalt  }
0x60: {  	_ =	shalt  }
0x61: {  	_ =	shalt  }
0x62: {  	_ =	shalt  }
0x63: {  	_ =	shalt  }
0x64: {  	_ =	shalt  }
0x65: {  	_ =	shalt  }
0x66: {  	_ =	shalt  }
0x67: {  	_ =	shalt  }
0x68: {  	_ =	shalt  }
0x69: {  	_ =	shalt  }
0x6a: {  	_ =	shalt  }
0x6b: {  	_ =	shalt  }
0x6c: {  	_ =	shalt  }
0x6d: {  	_ =	shalt  }
0x6e: {  	_ =	shalt  }
0x6f: {  	_ =	shalt  }
0x70: {  	_ =	shalt  }
0x71: {  	_ =	shalt  }
0x72: {  	_ =	shalt  }
0x73: {  	_ =	shalt  }
0x74: {  	_ =	shalt  }
0x75: {  	_ =	shalt  }
0x76: {  	_ =	shalt  }
0x77: {  	_ =	shalt  }
0x78: {  	_ =	shalt  }
0x79: {  	_ =	shalt  }
0x7a: {  	_ =	shalt  }
0x7b: {  	_ =	shalt  }
0x7c: {  	_ =	shalt  }
0x7d: {  	_ =	shalt  }
0x7e: {  	_ =	shalt  }
0x7f: {  	_ =	shalt  }
0x80: {  	_ =	shalt  }
0x81: {  	_ =	shalt  }
0x82: {  	_ =	shalt  }
0x83: {  	_ =	shalt  }
0x84: {  	_ =	shalt  }
0x85: {  	_ =	shalt  }
0x86: {  	_ =	shalt  }
0x87: {  	_ =	shalt  }
.Lfunc_end0:
.L_simem_size_0:
called_computation_lowered:
.L_overlay_start_0:
0x88: {  	s2 =	sld [smem:$0x3FD9]  }
0x89: {  	s3 =	sld [smem:$0x3FFE];
	_ =	sdelay $0x1  }
0x8a: {  	s1 =	srdreg.scid  }
0x8b: {  	s0 =	sand.u32 $0x1, s1  }
0x8c: {  	s17 =	sshll.u32 s0, $0xA;
	s2 =	sadd.s32 s3, s2  }
0x8d: {  	s2 =	sadd.s32 s2, s17  }
0x8e: {  	[smem:$0x3FC5] =	sst s2  }
0x8f: {  	_ = 	snop  }
0x90: {  	s2 =	sld [smem:$0x3FC9]  }
0x91: {  	s18 =	sld [smem:$0x3FC8];
	(tm) =	ssettm $0x1  }
0x92: {  	s4 =	sld [smem:$0x3FFB];
	_ =	sdelay $0x3  }
0x93: {  	_ =	strace s4  }
0x94: {  	s4 =	sld [smem:$0x3FFC];
	_ =	sdelay $0x3  }
0x95: {  	_ =	strace s4  }
0x96: {  	s4 =	sld [smem:$0x3FFD];
	_ =	sdelay $0x3  }
0x97: {  	_ =	strace s4  }
0x98: {  	_ =	strace $0x8FFFFFFF  }
0x99: {  	s19 =	sld [smem:$0x3FDB];
	_ =	sdelay $0x1  }
0x9a: {  	s5 =	simm.s32 $_scs_section_size  }
0x9b: {  	s6 =	simm.s32 $_size__tile_overlayer_lowered;
	s7 =	simm.s32 $_tile_overlayer_lowered  }
0x9c: {  	s22 =	simm.s32 $0x1BFF;
	s21 =	sshll.u32 s7, $0x1;
	s4 =	sadd.s32 s5, s19  }
0x9d: {  	s8 =	simm.s32 $0x0;
	s20 =	sshll.u32 s6, $0x1;
	s6 =	sadd.s32 s21, s4  }
0x9e: {  	[timem:s8], [sflag:s22] =	dma.local [hbm:s6], s20  }
0x9f: {  	_ =	swait.ge [sflag:s22], s20  }
0xa0: {  	s5 =	ssub.s32 $0x0, s20;
	[sflag:s22] =	ssyncset.done $0x0  }
0xa1: {  	[sflag:s22] =	ssyncadd.s32 s5;
	_ =	sdelay $0x1  }
0xa2: {  	s23 =	simm.s32 $0x1B8B  }
0xa3: {  	_ =	swait.ge [sflag:s23], $0x1  }
0xa4: {  	[sflag:s23] =	ssyncset.done $0x0  }
0xa5: {  	s25 =	simm.s32 $0x1B8E;
	s24 =	sld [smem:$0x3FFE];
	[sflag:s23] =	ssyncadd.s32 $0xFFFFFFFF  }
0xa6: {  	s26 =	simm.s32 $execute0_lowered;
	[smem:$0x3FD2] =	sst s25  }
0xa7: {  	s6 =	sshll.u32 s26, $0x1;
	_ =	strace $0x80000046;
	[dreg:$0x1] =	wrdreg $0xFFFFFFFF  }
0xa8: {  	s28 =	simm.s32 $_size_execute0_lowered;
	s4 =	sadd.s32 s4, s6;
	[dreg:$0x0] =	wrdreg $0x0  }
0xa9: {  	s6 =	sshll.u32 s28, $0x1;
	[dreg:$0x2] =	wrdreg s4  }
0xaa: {  	[dreg:$0x3] =	wrdreg s6  }
0xab: {  	[dreg:$0x4] =	wrdreg $0xC0  }
0xac: {  	_ =	task [dreg:s8], $0x5FFFF  }
0xad: {  	[dreg:$0x1] =	wrdreg $0xFFFFFFFF  }
0xae: {  	[dreg:$0x0] =	wrdreg $0x60  }
0xaf: {  	[dreg:$0x2] =	wrdreg s2  }
0xb0: {  	[dreg:$0x3] =	wrdreg s18  }
0xb1: {  	[dreg:$0x4] =	wrdreg s24  }
0xb2: {  	[dreg:$0x5] =	wrdreg $0x9  }
0xb3: {  	_ =	task.clear_ibuf [dreg:s8], $0x6FFFF;
	_ =	strace $0x90000046  }
0xb4: {  	s29 =	simm.s32 $0x9;
	_ =	strace $0x80000048  }
0xb5: {  	_ =	swait.ge [sflag:s29], $0x1  }
0xb6: {  	[sflag:s29] =	ssyncadd.s32 $0xFFFFFFFF  }
0xb7: {  	_ =	strace $0x90000048  }
0xb8: {  	_ =	sfence  }
0xb9: {  	s30 =	sld [smem:$0x0];
	_ =	sdelay $0x2  }
0xba: {  	s31 =	sshll.u32 s1, $0xD;
	s1 =	sshrl.u32 s1, $0x2  }
0xbb: {  	s3 =	sand.u32 $0x4000, s31;
	s1 =	sadd.s32 s1, s30  }
0xbc: {  	s0 =	sor.u32 s3, s0;
	s1 =	sshll.u32 s1, $0x11  }
0xbd: {  	s0 =	sor.u32 s1, s0  }
0xbe: {  	s0 =	sadd.s32 $0x8F2B, s0  }
0xbf: {  	[sflag:s0] =	ssyncadd.remote.s32 $0x1  }
0xc0: {  	_ =	sfence.sel $0xFFFF  }
0xc1: {  	[dreg:$0x0] =	wrdreg $0xFFFFFFFF;
	(pc) =	sbr.abs _section_cstart, $3  }
0xc2: {  	[dreg:$0x1] =	wrdreg $0xFFFFFFFF  }
0xc3: {  	_ =	task.clear_ibuf [dreg:s8], $0x2FFFF;
	_ =	strace $0x9FFFFFFF  }
0xc4: {  	(tm) =	ssettm $0x7FFFFFFF  }
0xc5: {  	_ =	shalt  }
tec
execute0_lowered:
.L_overlay_start_1:
0x0: {  	(tag) =	ssettag $0x1  }
0x1: {  	s2 =	rddreg [dreg:$0x0];
	s0 =	srdreg.scid  }
0x2: {  	s3 =	rddreg [dreg:$0x1];
	s1 =	stileid.u32  }
0x3: {  	s4 =	sand.u32 $0x1, s0;
	s0 =	rddreg [dreg:$0x2];
	s5 =	sshll.u32 s1, $0xA  }
0x4: {  	s1 =	simm.s32 $0x0;
	s6 =	sshll.u32 s4, $0x9;
	s4 =	ssub.s32 $0x2, s4  }
0x5: {  	[smem:$0x7FF] =	sst s1;
	s8 =	sadd.s32 $0x494200, s0;
	s29 =	sadd.s32 $0x400, s0  }
0x6: {  	s30 =	sadd.s32 $0x500, s0;
	s5 =	sor.u32 s6, s5;
	s16 =	sshrl.u32 s4, $0x1  }
0x7: {  	s7 =	sshrl.u32 s5, $0x3;
	s4 =	ssub.s32 s4, s16;
	s18 =	sshll.u32 s5, $0x4  }
0x8: {  	s20 =	sshll.u32 s5, $0x6;
	s17 =	sor.u32 $0x8, s7;
	s3 =	sadd.s32 s3, s7  }
0x9: {  	s5 =	sadd.s32 s8, s20;
	s21 =	sor.u32 $0x10, s7;
	s24 =	sor.u32 $0x18, s7  }
0xa: {  	s10 =	sor.u32 $0x20, s7;
	s31 =	sor.u32 $0x28, s7;
	s11 =	sor.u32 $0x30, s7  }
0xb: {  	s7 =	sor.u32 $0x38, s7;
	[dreg:$0x4] =	wrdreg s3;
	s9 =	sshll.u32 s17, $0x7  }
0xc: {  	s3 =	sadd.s32 s2, s18;
	[dreg:$0x7] =	wrdreg s5;
	s5 =	sadd.s32 $0x494380, s0  }
0xd: {  	s22 =	sshll.u32 s21, $0x7;
	s6 =	sshll.u32 s17, $0x9;
	s25 =	sshll.u32 s24, $0x7  }
0xe: {  	s26 =	sshll.u32 s21, $0x9;
	s28 =	sshll.u32 s10, $0x7;
	s12 =	sshll.u32 s31, $0x7  }
0xf: {  	s13 =	sshll.u32 s11, $0x7;
	[dreg:$0x5] =	wrdreg s3;
	s19 =	sadd.s32 s2, s9  }
0x10: {  	s15 =	sshll.u32 s7, $0x7;
	s3 =	sadd.s32 s20, s5;
	[dreg:$0x6] =	wrdreg s19  }
0x11: {  	s17 =	sshll.u32 s24, $0x9;
	s23 =	sadd.s32 s8, s6;
	[dreg:$0x8] =	wrdreg s3  }
0x12: {  	s21 =	sshll.u32 s31, $0x9;
	s6 =	sadd.s32 s6, s5;
	[dreg:$0xa] =	wrdreg s23  }
0x13: {  	s31 =	smax.u32 s4, $0x1;
	s9 =	sadd.s32 s2, s28;
	[dreg:$0xb] =	wrdreg s6  }
0x14: {  	s0 =	simm.s32 $0x200;
	s12 =	sadd.s32 s2, s12;
	[dreg:$0xd] =	wrdreg s9  }
0x15: {  	s4 =	simm.s32 $0xB200;
	s14 =	sadd.s32 s2, s13;
	[dreg:$0xe] =	wrdreg s12  }
0x16: {  	s16 =	sadd.s32 s8, s26;
	s18 =	sadd.s32 s26, s5;
	[dreg:$0xf] =	wrdreg s14  }
0x17: {  	s20 =	sadd.s32 s8, s17;
	s24 =	sadd.s32 s8, s21;
	[dreg:$0x11] =	wrdreg s16  }
0x18: {  	s13 =	simm.s32 $0x10200;
	s3 =	sadd.s32 s2, s22;
	[dreg:$0x12] =	wrdreg s18  }
0x19: {  	s6 =	sadd.s32 s2, s25;
	s2 =	sadd.s32 s2, s15;
	[dreg:$0x13] =	wrdreg s20  }
0x1a: {  	s19 =	sshll.u32 s10, $0x9;
	s23 =	sshll.u32 s11, $0x9;
	[dreg:$0x17] =	wrdreg s24  }
0x1b: {  	s25 =	sshll.u32 s7, $0x9;
	s18 =	simm.s32 $0x6200;
	s7 =	simm.s32 $0xE200  }
0x1c: {  	s9 =	simm.s32 $0x3;
	s10 =	simm.s32 $0xC00;
	[dreg:$0x9] =	wrdreg s3  }
0x1d: {  	s11 =	simm.s32 $0x1000;
	s12 =	simm.s32 $0x400;
	[dreg:$0xc] =	wrdreg s6  }
0x1e: {  	s14 =	simm.s32 $0x5;
	[dreg:$0x10] =	wrdreg s2;
	s2 =	sadd.s32 s17, s5  }
0x1f: {  	s15 =	simm.s32 $0x7;
	s22 =	sadd.s32 s8, s19;
	[dreg:$0x14] =	wrdreg s2  }
0x20: {  	s16 =	simm.s32 $0x2;
	s3 =	sadd.s32 s19, s5;
	[dreg:$0x15] =	wrdreg s22  }
0x21: {  	s20 =	simm.s32 $0x6;
	s26 =	sadd.s32 s8, s23;
	[dreg:$0x16] =	wrdreg s3  }
0x22: {  	v0 =	vimm.s32 $0x3210FEDC;
	v1 =	vimm.s32 $0xBA987654;
	s28 =	sadd.s32 s8, s25;
	s6 =	simm.s32 $0xBE00;
	[dreg:$0x19] =	wrdreg s26  }
0x23: {  	v3 =	vunpack.c.l.s4.s8 v0;
	v1 =	vunpack.c.l.s4.s8 v1;
	s8 =	simm.s32 $0x1;
	s2 =	sadd.s32 s21, s5;
	[dreg:$0x1b] =	wrdreg s28  }
0x24: {  	v2 =	vlaneseq.u32;
	vm0 =	vmmov $0xffff;
	s17 =	simm.s32 $0x4;
	s3 =	sadd.s32 s23, s5;
	[dreg:$0x18] =	wrdreg s2  }
0x25: {  	vm1 =	vmmov $0xff;
	v3 =	vunpack.c.0.s8.s32 v3;
	v5 =	vunpack.c.0.s8.s32 v1;
	s19 =	simm.s32 $0x12200;
	[dreg:$0x1a] =	wrdreg s3;
	s2 =	sadd.s32 s25, s5  }
0x26: {  	vm2 =	vmmov $0xfff;
	v0 =	vand.u32 $0x7, v2;
	v4 =	vshrl.u32 v2, $0x3;
	s22 =	simm.s32 $0x8;
	s23 =	simm.s32 $0x0;
	[dreg:$0x1c] =	wrdreg s2  }
0x27: {  	v2 =	vor.u32 $0x8, v2;
	v1 =	vmul.u32 $0x8, v4;
	v3 =	vcombine.low v5, v3;
	s5 =	simm.s32 $0xB600;
	_ =	strace $0x80000047;
	[dreg:$0x1d] =	wrdreg s31  }
.LBB2_1:
0x28: {  	s2 =	rddreg [dreg:$0x4];
	s25 =	simm.s32 $0x9  }
0x29: {  	[tilespmem:s1], [sflag:$0x9] =	stream.linear.gather [hbm4b:s2+s1], $0x200, $0x38;
	[tilespmem:$0x14200] =	vst v63  }
0x2a: {  	_ =	swait.ge [sflag:s25], $0x200  }
0x2b: {  	[sflag:s25] =	ssyncset.done $0x0  }
0x2c: {  	[sflag:s25] =	ssyncadd.s32 $0xFFFFFE00  }
0x2d: {  	v4 =	vld [tilespmem:$0x0];
	_ =	sdelay $0x4  }
0x2e: {  	v5 =	vshrl.u32 v4, $0x3  }
0x2f: {  	v5 =	vmul.u32 $0x18, v5  }
0x30: {  	v4 =	vand.u32 $0x7, v4  }
0x31: {  	v4 =	vor.u32 v4, v5  }
0x32: {  	v5 =	vperm.xlane v4, v0;
	_ =	sdelay $0x1  }
0x33: {  	v5 =	vadd.s32 v1, v5;
	_ =	sdelay $0x1  }
0x34: {  	v4 =	vperm.xlane v4, v2;
	_ =	sdelay $0x1  }
0x35: {  	v4 =	vadd.s32 v1, v4  }
0x36: {  	[tilespmem:s0], [sflag:$0x1] =	stream.indirect_vreg.gather [hbm4b:s29+s1], $0x80, v5, vm0, $0xb8;
	[tilespmem:$0x14200] =	vst v63  }
0x37: {  	s26 =	simm.s32 $0xA00  }
0x38: {  	[tilespmem:s26], [sflag:$0x1] =	stream.indirect_vreg.gather [hbm4b:s30+s1], $0x80, v5, vm1, $0xb8;
	[tilespmem:$0x14200] =	vst v63  }
0x39: {  	s28 =	simm.s32 $0xE00  }
0x3a: {  	[tilespmem:s28], [sflag:$0x1] =	stream.indirect_vreg.gather [hbm4b:s29+s1], $0x80, v4, vm0, $0xb8;
	[tilespmem:$0x14200] =	vst v63  }
0x3b: {  	s3 =	simm.s32 $0x1600  }
0x3c: {  	[tilespmem:s3], [sflag:$0x1] =	stream.indirect_vreg.gather [hbm4b:s30+s1], $0x80, v4, vm1, $0xb8;
	[tilespmem:$0x14200] =	vst v63  }
0x3d: {  	v4 =	vld [tilespmem:$0x10];
	_ =	sdelay $0x4  }
0x3e: {  	v5 =	vshrl.u32 v4, $0x3  }
0x3f: {  	v5 =	vmul.u32 $0x18, v5  }
0x40: {  	v4 =	vand.u32 $0x7, v4  }
0x41: {  	v4 =	vor.u32 v4, v5  }
0x42: {  	v5 =	vperm.xlane v4, v0;
	_ =	sdelay $0x1  }
0x43: {  	v5 =	vadd.s32 v1, v5;
	_ =	sdelay $0x1  }
0x44: {  	v4 =	vperm.xlane v4, v2;
	_ =	sdelay $0x1  }
0x45: {  	s21 =	simm.s32 $0x1A00;
	v4 =	vadd.s32 v1, v4  }
0x46: {  	[tilespmem:s21], [sflag:$0x1] =	stream.indirect_vreg.gather [hbm4b:s29+s1], $0x80, v5, vm0, $0xb8;
	[tilespmem:$0x14200] =	vst v63  }
0x47: {  	s24 =	simm.s32 $0x2200  }
0x48: {  	[tilespmem:s24], [sflag:$0x1] =	stream.indirect_vreg.gather [hbm4b:s30+s1], $0x80, v5, vm1, $0xb8;
	[tilespmem:$0x14200] =	vst v63  }
0x49: {  	s25 =	simm.s32 $0x2600  }
0x4a: {  	[tilespmem:s25], [sflag:$0x1] =	stream.indirect_vreg.gather [hbm4b:s29+s1], $0x80, v4, vm0, $0xb8;
	[tilespmem:$0x14200] =	vst v63  }
0x4b: {  	s26 =	simm.s32 $0x2E00  }
0x4c: {  	[tilespmem:s26], [sflag:$0x1] =	stream.indirect_vreg.gather [hbm4b:s30+s1], $0x80, v4, vm1, $0xb8;
	[tilespmem:$0x14200] =	vst v63  }
0x4d: {  	v4 =	vld [tilespmem:$0x20];
	_ =	sdelay $0x4  }
0x4e: {  	v5 =	vshrl.u32 v4, $0x3  }
0x4f: {  	v5 =	vmul.u32 $0x18, v5  }
0x50: {  	v4 =	vand.u32 $0x7, v4  }
0x51: {  	v4 =	vor.u32 v4, v5  }
0x52: {  	v5 =	vperm.xlane v4, v0;
	_ =	sdelay $0x1  }
0x53: {  	v5 =	vadd.s32 v1, v5;
	_ =	sdelay $0x1  }
0x54: {  	v4 =	vperm.xlane v4, v2;
	_ =	sdelay $0x1  }
0x55: {  	s28 =	simm.s32 $0x3200;
	v4 =	vadd.s32 v1, v4  }
0x56: {  	[tilespmem:s28], [sflag:$0x1] =	stream.indirect_vreg.gather [hbm4b:s29+s1], $0x80, v5, vm0, $0xb8;
	[tilespmem:$0x14200] =	vst v63  }
0x57: {  	s3 =	simm.s32 $0x3A00  }
0x58: {  	[tilespmem:s3], [sflag:$0x1] =	stream.indirect_vreg.gather [hbm4b:s30+s1], $0x80, v5, vm1, $0xb8;
	[tilespmem:$0x14200] =	vst v63  }
0x59: {  	s21 =	simm.s32 $0x3E00  }
0x5a: {  	[tilespmem:s21], [sflag:$0x1] =	stream.indirect_vreg.gather [hbm4b:s29+s1], $0x80, v4, vm0, $0xb8;
	[tilespmem:$0x14200] =	vst v63  }
0x5b: {  	s24 =	simm.s32 $0x4600  }
0x5c: {  	[tilespmem:s24], [sflag:$0x1] =	stream.indirect_vreg.gather [hbm4b:s30+s1], $0x80, v4, vm1, $0xb8;
	[tilespmem:$0x14200] =	vst v63  }
0x5d: {  	v4 =	vld [tilespmem:$0x30];
	_ =	sdelay $0x4  }
0x5e: {  	v5 =	vshrl.u32 v4, $0x3  }
0x5f: {  	v5 =	vmul.u32 $0x18, v5  }
0x60: {  	v4 =	vand.u32 $0x7, v4  }
0x61: {  	v4 =	vor.u32 v4, v5  }
0x62: {  	v5 =	vperm.xlane v4, v0;
	_ =	sdelay $0x1  }
0x63: {  	v5 =	vadd.s32 v1, v5;
	_ =	sdelay $0x1  }
0x64: {  	v4 =	vperm.xlane v4, v2;
	_ =	sdelay $0x1  }
0x65: {  	s25 =	simm.s32 $0x4A00;
	v4 =	vadd.s32 v1, v4  }
0x66: {  	[tilespmem:s25], [sflag:$0x1] =	stream.indirect_vreg.gather [hbm4b:s29+s1], $0x80, v5, vm0, $0xb8;
	[tilespmem:$0x14200] =	vst v63  }
0x67: {  	s26 =	simm.s32 $0x5200  }
0x68: {  	[tilespmem:s26], [sflag:$0x1] =	stream.indirect_vreg.gather [hbm4b:s30+s1], $0x80, v5, vm1, $0xb8;
	[tilespmem:$0x14200] =	vst v63  }
0x69: {  	s28 =	simm.s32 $0x5600  }
0x6a: {  	[tilespmem:s28], [sflag:$0x1] =	stream.indirect_vreg.gather [hbm4b:s29+s1], $0x80, v4, vm0, $0xb8;
	[tilespmem:$0x14200] =	vst v63  }
0x6b: {  	s3 =	simm.s32 $0x5E00  }
0x6c: {  	[tilespmem:s3], [sflag:$0x1] =	stream.indirect_vreg.gather [hbm4b:s30+s1], $0x80, v4, vm1, $0xb8;
	[tilespmem:$0x14200] =	vst v63  }
0x6d: {  	s21 =	rddreg [dreg:$0x5];
	s3 =	simm.s32 $0xC200  }
0x6e: {  	[tilespmem:s3], [sflag:$0x3] =	stream.linear.gather [hbm4b:s21+s1], $0x2000, $0x38;
	[tilespmem:$0x14200] =	vst v63  }
0x6f: {  	v4 =	vld [tilespmem:$0x40];
	_ =	sdelay $0x4  }
0x70: {  	v5 =	vshrl.u32 v4, $0x3  }
0x71: {  	v5 =	vmul.u32 $0x18, v5  }
0x72: {  	v4 =	vand.u32 $0x7, v4  }
0x73: {  	v4 =	vor.u32 v4, v5  }
0x74: {  	v5 =	vperm.xlane v4, v0;
	_ =	sdelay $0x1  }
0x75: {  	v5 =	vadd.s32 v1, v5;
	_ =	sdelay $0x1  }
0x76: {  	v4 =	vperm.xlane v4, v2;
	_ =	sdelay $0x1  }
0x77: {  	v4 =	vadd.s32 v1, v4  }
0x78: {  	[tilespmem:s18], [sflag:$0x2] =	stream.indirect_vreg.gather [hbm4b:s29+s1], $0x80, v5, vm0, $0xb8;
	[tilespmem:$0x14200] =	vst v63  }
0x79: {  	s24 =	simm.s32 $0x6A00  }
0x7a: {  	[tilespmem:s24], [sflag:$0x2] =	stream.indirect_vreg.gather [hbm4b:s30+s1], $0x80, v5, vm1, $0xb8;
	[tilespmem:$0x14200] =	vst v63  }
0x7b: {  	s25 =	simm.s32 $0x6E00  }
0x7c: {  	[tilespmem:s25], [sflag:$0x2] =	stream.indirect_vreg.gather [hbm4b:s29+s1], $0x80, v4, vm0, $0xb8;
	[tilespmem:$0x14200] =	vst v63  }
0x7d: {  	s26 =	simm.s32 $0x7600  }
0x7e: {  	[tilespmem:s26], [sflag:$0x2] =	stream.indirect_vreg.gather [hbm4b:s30+s1], $0x80, v4, vm1, $0xb8;
	[tilespmem:$0x14200] =	vst v63  }
0x7f: {  	v4 =	vld [tilespmem:$0x50];
	_ =	sdelay $0x4  }
0x80: {  	v5 =	vshrl.u32 v4, $0x3  }
0x81: {  	v5 =	vmul.u32 $0x18, v5  }
0x82: {  	v4 =	vand.u32 $0x7, v4  }
0x83: {  	v4 =	vor.u32 v4, v5  }
0x84: {  	v5 =	vperm.xlane v4, v0;
	_ =	sdelay $0x1  }
0x85: {  	v5 =	vadd.s32 v1, v5;
	_ =	sdelay $0x1  }
0x86: {  	v4 =	vperm.xlane v4, v2;
	_ =	sdelay $0x1  }
0x87: {  	s28 =	simm.s32 $0x7A00;
	v4 =	vadd.s32 v1, v4  }
0x88: {  	[tilespmem:s28], [sflag:$0x2] =	stream.indirect_vreg.gather [hbm4b:s29+s1], $0x80, v5, vm0, $0xb8;
	[tilespmem:$0x14200] =	vst v63  }
0x89: {  	s3 =	simm.s32 $0x8200  }
0x8a: {  	[tilespmem:s3], [sflag:$0x2] =	stream.indirect_vreg.gather [hbm4b:s30+s1], $0x80, v5, vm1, $0xb8;
	[tilespmem:$0x14200] =	vst v63  }
0x8b: {  	s21 =	simm.s32 $0x8600  }
0x8c: {  	[tilespmem:s21], [sflag:$0x2] =	stream.indirect_vreg.gather [hbm4b:s29+s1], $0x80, v4, vm0, $0xb8;
	[tilespmem:$0x14200] =	vst v63  }
0x8d: {  	s24 =	simm.s32 $0x8E00  }
0x8e: {  	[tilespmem:s24], [sflag:$0x2] =	stream.indirect_vreg.gather [hbm4b:s30+s1], $0x80, v4, vm1, $0xb8;
	[tilespmem:$0x14200] =	vst v63  }
0x8f: {  	v4 =	vld [tilespmem:$0x60];
	_ =	sdelay $0x4  }
0x90: {  	v5 =	vshrl.u32 v4, $0x3  }
0x91: {  	v5 =	vmul.u32 $0x18, v5  }
0x92: {  	v4 =	vand.u32 $0x7, v4  }
0x93: {  	v4 =	vor.u32 v4, v5  }
0x94: {  	v5 =	vperm.xlane v4, v0;
	_ =	sdelay $0x1  }
0x95: {  	v5 =	vadd.s32 v1, v5;
	_ =	sdelay $0x1  }
0x96: {  	v4 =	vperm.xlane v4, v2;
	_ =	sdelay $0x1  }
0x97: {  	s25 =	simm.s32 $0x9200;
	v4 =	vadd.s32 v1, v4  }
0x98: {  	[tilespmem:s25], [sflag:$0x2] =	stream.indirect_vreg.gather [hbm4b:s29+s1], $0x80, v5, vm0, $0xb8;
	[tilespmem:$0x14200] =	vst v63  }
0x99: {  	s26 =	simm.s32 $0x9A00  }
0x9a: {  	[tilespmem:s26], [sflag:$0x2] =	stream.indirect_vreg.gather [hbm4b:s30+s1], $0x80, v5, vm1, $0xb8;
	[tilespmem:$0x14200] =	vst v63  }
0x9b: {  	s28 =	simm.s32 $0x9E00  }
0x9c: {  	[tilespmem:s28], [sflag:$0x2] =	stream.indirect_vreg.gather [hbm4b:s29+s1], $0x80, v4, vm0, $0xb8;
	[tilespmem:$0x14200] =	vst v63  }
0x9d: {  	s3 =	simm.s32 $0xA600  }
0x9e: {  	[tilespmem:s3], [sflag:$0x2] =	stream.indirect_vreg.gather [hbm4b:s30+s1], $0x80, v4, vm1, $0xb8;
	[tilespmem:$0x14200] =	vst v63  }
0x9f: {  	v4 =	vld [tilespmem:$0x70];
	_ =	sdelay $0x4  }
0xa0: {  	v5 =	vshrl.u32 v4, $0x3  }
0xa1: {  	v5 =	vmul.u32 $0x18, v5  }
0xa2: {  	v4 =	vand.u32 $0x7, v4  }
0xa3: {  	v4 =	vor.u32 v4, v5  }
0xa4: {  	v5 =	vperm.xlane v4, v0;
	_ =	sdelay $0x1  }
0xa5: {  	v5 =	vadd.s32 v1, v5;
	_ =	sdelay $0x1  }
0xa6: {  	v4 =	vperm.xlane v4, v2;
	_ =	sdelay $0x1  }
0xa7: {  	s21 =	simm.s32 $0xAA00;
	v4 =	vadd.s32 v1, v4  }
0xa8: {  	[tilespmem:s21], [sflag:$0x2] =	stream.indirect_vreg.gather [hbm4b:s29+s1], $0x80, v5, vm0, $0xb8;
	[tilespmem:$0x14200] =	vst v63  }
0xa9: {  	_ = 	snop  }
0xaa: {  	[tilespmem:s4], [sflag:$0x2] =	stream.indirect_vreg.gather [hbm4b:s30+s1], $0x80, v5, vm1, $0xb8;
	[tilespmem:$0x14200] =	vst v63  }
0xab: {  	_ = 	snop  }
0xac: {  	[tilespmem:s5], [sflag:$0x2] =	stream.indirect_vreg.gather [hbm4b:s29+s1], $0x80, v4, vm0, $0xb8;
	[tilespmem:$0x14200] =	vst v63  }
0xad: {  	_ = 	snop  }
0xae: {  	[tilespmem:s6], [sflag:$0x2] =	stream.indirect_vreg.gather [hbm4b:s30+s1], $0x80, v4, vm1, $0xb8;
	[tilespmem:$0x14200] =	vst v63  }
0xaf: {  	s24 =	rddreg [dreg:$0x6]  }
0xb0: {  	[tilespmem:s7], [sflag:$0x4] =	stream.linear.gather [hbm4b:s24+s1], $0x2000, $0x38;
	[tilespmem:$0x14200] =	vst v63  }
0xb1: {  	_ =	swait.ge [sflag:s8], $0x6000  }
0xb2: {  	[sflag:s8] =	ssyncset.done $0x0  }
0xb3: {  	[sflag:s8] =	ssyncadd.s32 $0xFFFFA000  }
0xb4: {  	s25 =	simm.s32 $0x0;
	_ =	swait.ge [sflag:s9], $0x2000  }
0xb5: {  	s2 =	smul.u32 $0x3000, s25;
	[sflag:s9] =	ssyncset.done $0x0  }
0xb6: {  	s26 =	simm.s32 $0xC244;
	[sflag:s9] =	ssyncadd.s32 $0xFFFFE000  }
0xb7: {  	s2 =	sshra.s32 s2, $0x2;
	s21 =	sand.u32 $0x380, s1;
	v4 =	vld [tilespmem:s26+$0xFFFFFFBC]  }
0xb8: {  	s2 =	sor.u32 s21, s2  }
0xb9: {  	v5 =	vld [tilespmem:s2+$0xA20];
	_ =	sdelay $0x2  }
0xba: {  	v4 =	vperm.xlane v4, v3;
	_ =	sdelay $0x1  }
0xbb: {  	v4 =	vsel vm2, v5, v4  }
0xbc: {  	[tilespmem:s2+$0xA20] =	vst v4  }
0xbd: {  	v4 =	vld [tilespmem:s26+$0xFFFFFFC0];
	_ =	sdelay $0x4  }
0xbe: {  	[tilespmem:s2+$0xA30] =	vst v4  }
0xbf: {  	v4 =	vld [tilespmem:s26+$0xFFFFFFD0];
	_ =	sdelay $0x4  }
0xc0: {  	[tilespmem:s2+$0xA40] =	vst v4  }
0xc1: {  	v4 =	vld [tilespmem:s26+$0xFFFFFFE0];
	_ =	sdelay $0x4  }
0xc2: {  	[tilespmem:s2+$0xA50] =	vst v4  }
0xc3: {  	v4 =	vld [tilespmem:s26+$0xFFFFFFF0];
	_ =	sdelay $0x4  }
0xc4: {  	[tilespmem:s2+$0xA60] =	vst v4  }
0xc5: {  	v4 =	vld [tilespmem:s26+$0x0];
	_ =	sdelay $0x4  }
0xc6: {  	[tilespmem:s2+$0xA70] =	vst v4  }
0xc7: {  	v4 =	vld [tilespmem:s26+$0x10];
	_ =	sdelay $0x3  }
0xc8: {  	s24 =	simm.s32 $0x10210  }
0xc9: {  	[tilespmem:s24+$0xFFFFFFF0] =	vst v4  }
0xca: {  	v4 =	vld [tilespmem:s26+$0x2C];
	_ =	sdelay $0x4  }
0xcb: {  	[tilespmem:s24+$0xC] =	vst v4  }
0xcc: {  	v4 =	vld [tilespmem:s26+$0x20];
	_ =	sdelay $0x1  }
0xcd: {  	s31 =	simm.s32 $0x2;
	s28 =	simm.s32 $0x0  }
0xce: {  	s25 =	simm.s32 $0xC2C4;
	s2 =	smul.u32 $0x3000, s28;
	s26 =	simm.s32 $0x0  }
.LBB2_2:
0xcf: {  	s26 =	sadd.s32 $0x80, s26  }
0xd0: {  	[tilespmem:s24+$0x0] =	vst v4;
	s24 =	sadd.s32 $0x80, s24;
	s21 =	smov.u32 s31;
	s28 =	sadd.s32 $0x1, s31  }
0xd1: {  	p0 =	sne.s32 s31, $0x3F;
	s3 =	sand.u32 $0x380, s26;
	s2 =	sshra.s32 s2, $0x2;
	v4 =	vld [tilespmem:s25+$0xFFFFFFBC]  }
0xd2: {  	s2 =	sor.u32 s3, s2  }
0xd3: {  	v5 =	vld [tilespmem:s2+$0xA20];
	_ =	sdelay $0x2  }
0xd4: {  	v4 =	vperm.xlane v4, v3;
	_ =	sdelay $0x1  }
0xd5: {  	v4 =	vsel vm2, v5, v4  }
0xd6: {  	[tilespmem:s2+$0xA20] =	vst v4  }
0xd7: {  	v4 =	vld [tilespmem:s25+$0xFFFFFFC0];
	_ =	sdelay $0x4  }
0xd8: {  	[tilespmem:s2+$0xA30] =	vst v4  }
0xd9: {  	v4 =	vld [tilespmem:s25+$0xFFFFFFD0];
	_ =	sdelay $0x4  }
0xda: {  	[tilespmem:s2+$0xA40] =	vst v4  }
0xdb: {  	v4 =	vld [tilespmem:s25+$0xFFFFFFE0];
	_ =	sdelay $0x4  }
0xdc: {  	[tilespmem:s2+$0xA50] =	vst v4  }
0xdd: {  	v4 =	vld [tilespmem:s25+$0xFFFFFFF0];
	_ =	sdelay $0x4  }
0xde: {  	[tilespmem:s2+$0xA60] =	vst v4  }
0xdf: {  	v4 =	vld [tilespmem:s25+$0x0];
	_ =	sdelay $0x4  }
0xe0: {  	[tilespmem:s2+$0xA70] =	vst v4  }
0xe1: {  	v4 =	vld [tilespmem:s25+$0x10];
	_ =	sdelay $0x4  }
0xe2: {  	[tilespmem:s24+$0xFFFFFFF0] =	vst v4  }
0xe3: {  	v4 =	vld [tilespmem:s25+$0x2C];
	_ =	sdelay $0x4  }
0xe4: {  	[tilespmem:s24+$0xC] =	vst v4  }
.Ltmp0:
0xe5: {  	v4 =	vld [tilespmem:s25+$0x20];
	(pc) =	sbr.rel @p0 .LBB2_2-.Ltmp0, $3  }
0xe6: {  	_ =	sdelay $0x1  }
0xe7: {  	s2 =	sshrl.u32 s21, $0x3  }
0xe8: {  	s31 =	smov.u32 s28;
	s2 =	smul.u32 $0x3000, s2;
	s25 =	sadd.s32 $0x80, s25  }
0xe9: {  	[tilespmem:s24+$0x0] =	vst v4;
	s3 =	sadd.s32 $0x80, s26  }
0xea: {  	s3 =	sand.u32 $0x380, s3;
	s2 =	sshra.s32 s2, $0x2;
	v4 =	vld [tilespmem:s25+$0xFFFFFFBC]  }
0xeb: {  	s2 =	sor.u32 s3, s2  }
0xec: {  	v5 =	vld [tilespmem:s2+$0xA20];
	_ =	sdelay $0x2  }
0xed: {  	v4 =	vperm.xlane v4, v3;
	_ =	sdelay $0x1  }
0xee: {  	v4 =	vsel vm2, v5, v4  }
0xef: {  	[tilespmem:s2+$0xA20] =	vst v4  }
0xf0: {  	v4 =	vld [tilespmem:s25+$0xFFFFFFC0];
	_ =	sdelay $0x4  }
0xf1: {  	[tilespmem:s2+$0xA30] =	vst v4  }
0xf2: {  	v4 =	vld [tilespmem:s25+$0xFFFFFFD0];
	_ =	sdelay $0x4  }
0xf3: {  	[tilespmem:s2+$0xA40] =	vst v4  }
0xf4: {  	v4 =	vld [tilespmem:s25+$0xFFFFFFE0];
	_ =	sdelay $0x4  }
0xf5: {  	[tilespmem:s2+$0xA50] =	vst v4  }
0xf6: {  	v4 =	vld [tilespmem:s25+$0xFFFFFFF0];
	_ =	sdelay $0x4  }
0xf7: {  	[tilespmem:s2+$0xA60] =	vst v4  }
0xf8: {  	v4 =	vld [tilespmem:s25+$0x0];
	_ =	sdelay $0x4  }
0xf9: {  	[tilespmem:s2+$0xA70] =	vst v4  }
0xfa: {  	v4 =	vld [tilespmem:s25+$0x10];
	_ =	sdelay $0x3  }
0xfb: {  	s21 =	sadd.s32 $0x80, s24  }
0xfc: {  	[tilespmem:s21+$0xFFFFFFF0] =	vst v4  }
0xfd: {  	v4 =	vld [tilespmem:s25+$0x2C];
	_ =	sdelay $0x4  }
0xfe: {  	[tilespmem:s21+$0xC] =	vst v4  }
0xff: {  	v4 =	vld [tilespmem:s25+$0x20];
	_ =	sdelay $0x4  }
0x100: {  	s24 =	rddreg [dreg:$0x7];
	[tilespmem:s21+$0x0] =	vst v4  }
0x101: {  	[hbm4b:s24+s10] =	stream.strided.scatter [tilespmem:s0], [sflag:$0x5], $0x6000, s11, s10, $0x38;
	[tilespmem:$0x14200] =	vst v63  }
0x102: {  	s25 =	rddreg [dreg:$0x8]  }
0x103: {  	[hbm4b:s25+s12] =	stream.strided.scatter [tilespmem:s13], [sflag:$0x7], $0x2000, s11, s12, $0x38;
	[tilespmem:$0x14200] =	vst v63  }
0x104: {  	_ =	swait.ge [sflag:s14], $0x6000  }
0x105: {  	[sflag:s14] =	ssyncset.done $0x0  }
0x106: {  	[sflag:s14] =	ssyncadd.s32 $0xFFFFA000  }
0x107: {  	_ =	swait.ge [sflag:s15], $0x2000  }
0x108: {  	[sflag:s15] =	ssyncset.done $0x0  }
0x109: {  	[sflag:s15] =	ssyncadd.s32 $0xFFFFE000  }
0x10a: {  	v4 =	vld [tilespmem:$0x80];
	_ =	sdelay $0x4  }
0x10b: {  	v5 =	vshrl.u32 v4, $0x3  }
0x10c: {  	v5 =	vmul.u32 $0x18, v5  }
0x10d: {  	v4 =	vand.u32 $0x7, v4  }
0x10e: {  	v4 =	vor.u32 v4, v5  }
0x10f: {  	v5 =	vperm.xlane v4, v0;
	_ =	sdelay $0x1  }
0x110: {  	v5 =	vadd.s32 v1, v5;
	_ =	sdelay $0x1  }
0x111: {  	v4 =	vperm.xlane v4, v2;
	_ =	sdelay $0x1  }
0x112: {  	s24 =	simm.s32 $0x0;
	v4 =	vadd.s32 v1, v4  }
0x113: {  	[tilespmem:s0], [sflag:$0x1] =	stream.indirect_vreg.gather [hbm4b:s29+s24], $0x80, v5, vm0, $0xb8;
	[tilespmem:$0x14200] =	vst v63  }
0x114: {  	s26 =	simm.s32 $0xA00  }
0x115: {  	[tilespmem:s26], [sflag:$0x1] =	stream.indirect_vreg.gather [hbm4b:s30+s24], $0x80, v5, vm1, $0xb8;
	[tilespmem:$0x14200] =	vst v63  }
0x116: {  	s3 =	simm.s32 $0xE00  }
0x117: {  	[tilespmem:s3], [sflag:$0x1] =	stream.indirect_vreg.gather [hbm4b:s29+s24], $0x80, v4, vm0, $0xb8;
	[tilespmem:$0x14200] =	vst v63  }
0x118: {  	s21 =	simm.s32 $0x1600  }
0x119: {  	[tilespmem:s21], [sflag:$0x1] =	stream.indirect_vreg.gather [hbm4b:s30+s24], $0x80, v4, vm1, $0xb8;
	[tilespmem:$0x14200] =	vst v63  }
0x11a: {  	v4 =	vld [tilespmem:$0x90];
	_ =	sdelay $0x4  }
0x11b: {  	v5 =	vshrl.u32 v4, $0x3  }
0x11c: {  	v5 =	vmul.u32 $0x18, v5  }
0x11d: {  	v4 =	vand.u32 $0x7, v4  }
0x11e: {  	v4 =	vor.u32 v4, v5  }
0x11f: {  	v5 =	vperm.xlane v4, v0;
	_ =	sdelay $0x1  }
0x120: {  	v5 =	vadd.s32 v1, v5;
	_ =	sdelay $0x1  }
0x121: {  	v4 =	vperm.xlane v4, v2;
	_ =	sdelay $0x1  }
0x122: {  	s25 =	simm.s32 $0x1A00;
	v4 =	vadd.s32 v1, v4  }
0x123: {  	[tilespmem:s25], [sflag:$0x1] =	stream.indirect_vreg.gather [hbm4b:s29+s24], $0x80, v5, vm0, $0xb8;
	[tilespmem:$0x14200] =	vst v63  }
0x124: {  	s26 =	simm.s32 $0x2200  }
0x125: {  	[tilespmem:s26], [sflag:$0x1] =	stream.indirect_vreg.gather [hbm4b:s30+s24], $0x80, v5, vm1, $0xb8;
	[tilespmem:$0x14200] =	vst v63  }
0x126: {  	s3 =	simm.s32 $0x2600  }
0x127: {  	[tilespmem:s3], [sflag:$0x1] =	stream.indirect_vreg.gather [hbm4b:s29+s24], $0x80, v4, vm0, $0xb8;
	[tilespmem:$0x14200] =	vst v63  }
0x128: {  	s21 =	simm.s32 $0x2E00  }
0x129: {  	[tilespmem:s21], [sflag:$0x1] =	stream.indirect_vreg.gather [hbm4b:s30+s24], $0x80, v4, vm1, $0xb8;
	[tilespmem:$0x14200] =	vst v63  }
0x12a: {  	v4 =	vld [tilespmem:$0xA0];
	_ =	sdelay $0x4  }
0x12b: {  	v5 =	vshrl.u32 v4, $0x3  }
0x12c: {  	v5 =	vmul.u32 $0x18, v5  }
0x12d: {  	v4 =	vand.u32 $0x7, v4  }
0x12e: {  	v4 =	vor.u32 v4, v5  }
0x12f: {  	v5 =	vperm.xlane v4, v0;
	_ =	sdelay $0x1  }
0x130: {  	v5 =	vadd.s32 v1, v5;
	_ =	sdelay $0x1  }
0x131: {  	v4 =	vperm.xlane v4, v2;
	_ =	sdelay $0x1  }
0x132: {  	s25 =	simm.s32 $0x3200;
	v4 =	vadd.s32 v1, v4  }
0x133: {  	[tilespmem:s25], [sflag:$0x1] =	stream.indirect_vreg.gather [hbm4b:s29+s24], $0x80, v5, vm0, $0xb8;
	[tilespmem:$0x14200] =	vst v63  }
0x134: {  	s26 =	simm.s32 $0x3A00  }
0x135: {  	[tilespmem:s26], [sflag:$0x1] =	stream.indirect_vreg.gather [hbm4b:s30+s24], $0x80, v5, vm1, $0xb8;
	[tilespmem:$0x14200] =	vst v63  }
0x136: {  	s3 =	simm.s32 $0x3E00  }
0x137: {  	[tilespmem:s3], [sflag:$0x1] =	stream.indirect_vreg.gather [hbm4b:s29+s24], $0x80, v4, vm0, $0xb8;
	[tilespmem:$0x14200] =	vst v63  }
0x138: {  	s21 =	simm.s32 $0x4600  }
0x139: {  	[tilespmem:s21], [sflag:$0x1] =	stream.indirect_vreg.gather [hbm4b:s30+s24], $0x80, v4, vm1, $0xb8;
	[tilespmem:$0x14200] =	vst v63  }
0x13a: {  	v4 =	vld [tilespmem:$0xB0];
	_ =	sdelay $0x4  }
0x13b: {  	v5 =	vshrl.u32 v4, $0x3  }
0x13c: {  	v5 =	vmul.u32 $0x18, v5  }
0x13d: {  	v4 =	vand.u32 $0x7, v4  }
0x13e: {  	v4 =	vor.u32 v4, v5  }
0x13f: {  	v5 =	vperm.xlane v4, v0;
	_ =	sdelay $0x1  }
0x140: {  	v5 =	vadd.s32 v1, v5;
	_ =	sdelay $0x1  }
0x141: {  	v4 =	vperm.xlane v4, v2;
	_ =	sdelay $0x1  }
0x142: {  	s25 =	simm.s32 $0x4A00;
	v4 =	vadd.s32 v1, v4  }
0x143: {  	[tilespmem:s25], [sflag:$0x1] =	stream.indirect_vreg.gather [hbm4b:s29+s24], $0x80, v5, vm0, $0xb8;
	[tilespmem:$0x14200] =	vst v63  }
0x144: {  	s26 =	simm.s32 $0x5200  }
0x145: {  	[tilespmem:s26], [sflag:$0x1] =	stream.indirect_vreg.gather [hbm4b:s30+s24], $0x80, v5, vm1, $0xb8;
	[tilespmem:$0x14200] =	vst v63  }
0x146: {  	s3 =	simm.s32 $0x5600  }
0x147: {  	[tilespmem:s3], [sflag:$0x1] =	stream.indirect_vreg.gather [hbm4b:s29+s24], $0x80, v4, vm0, $0xb8;
	[tilespmem:$0x14200] =	vst v63  }
0x148: {  	s21 =	simm.s32 $0x5E00  }
0x149: {  	[tilespmem:s21], [sflag:$0x1] =	stream.indirect_vreg.gather [hbm4b:s30+s24], $0x80, v4, vm1, $0xb8;
	[tilespmem:$0x14200] =	vst v63  }
0x14a: {  	s25 =	rddreg [dreg:$0x9];
	s26 =	simm.s32 $0xC200  }
0x14b: {  	[tilespmem:s26], [sflag:$0x3] =	stream.linear.gather [hbm4b:s25+s24], $0x2000, $0x38;
	[tilespmem:$0x14200] =	vst v63  }
0x14c: {  	_ =	swait.ge [sflag:s16], $0x6000  }
0x14d: {  	[sflag:s16] =	ssyncset.done $0x0  }
0x14e: {  	[sflag:s16] =	ssyncadd.s32 $0xFFFFA000  }
0x14f: {  	s3 =	simm.s32 $0x0;
	_ =	swait.ge [sflag:s17], $0x2000  }
0x150: {  	s2 =	smul.u32 $0x3000, s3;
	[sflag:s17] =	ssyncset.done $0x0  }
0x151: {  	s25 =	simm.s32 $0xE200;
	[sflag:s17] =	ssyncadd.s32 $0xFFFFE000  }
0x152: {  	s21 =	sand.u32 $0x380, s24;
	s2 =	sshra.s32 s2, $0x2;
	v4 =	vld [tilespmem:s25+$0x0]  }
0x153: {  	s2 =	sor.u32 s21, s2  }
0x154: {  	v5 =	vld [tilespmem:s2+$0x6A20];
	_ =	sdelay $0x2  }
0x155: {  	v4 =	vperm.xlane v4, v3;
	_ =	sdelay $0x1  }
0x156: {  	v4 =	vsel vm2, v5, v4  }
0x157: {  	[tilespmem:s2+$0x6A20] =	vst v4  }
0x158: {  	v4 =	vld [tilespmem:s25+$0x4];
	_ =	sdelay $0x4  }
0x159: {  	[tilespmem:s2+$0x6A30] =	vst v4  }
0x15a: {  	v4 =	vld [tilespmem:s25+$0x14];
	_ =	sdelay $0x4  }
0x15b: {  	[tilespmem:s2+$0x6A40] =	vst v4  }
0x15c: {  	v4 =	vld [tilespmem:s25+$0x24];
	_ =	sdelay $0x4  }
0x15d: {  	[tilespmem:s2+$0x6A50] =	vst v4  }
0x15e: {  	v4 =	vld [tilespmem:s25+$0x34];
	_ =	sdelay $0x4  }
0x15f: {  	[tilespmem:s2+$0x6A60] =	vst v4  }
0x160: {  	v4 =	vld [tilespmem:s25+$0x44];
	_ =	sdelay $0x4  }
0x161: {  	[tilespmem:s2+$0x6A70] =	vst v4  }
0x162: {  	v4 =	vld [tilespmem:s25+$0x54];
	_ =	sdelay $0x3  }
0x163: {  	s28 =	simm.s32 $0x1221C  }
0x164: {  	[tilespmem:s28+$0xFFFFFFE4] =	vst v4  }
0x165: {  	v4 =	vld [tilespmem:s25+$0x70];
	_ =	sdelay $0x4  }
0x166: {  	[tilespmem:s28+$0x0] =	vst v4  }
0x167: {  	v4 =	vld [tilespmem:s25+$0x64];
	_ =	sdelay $0x1  }
0x168: {  	s26 =	simm.s32 $0x0  }
0x169: {  	s31 =	simm.s32 $0x2;
	s2 =	smul.u32 $0x3000, s26;
	s26 =	simm.s32 $0x1229C  }
.LBB2_4:
0x16a: {  	s24 =	sadd.s32 $0x80, s24;
	s25 =	sadd.s32 $0x80, s25  }
0x16b: {  	[tilespmem:s28+$0xFFFFFFF4] =	vst v4;
	s21 =	smov.u32 s31;
	s3 =	sadd.s32 $0x1, s31;
	s28 =	smov.u32 s26  }
0x16c: {  	p0 =	sne.s32 s31, $0x3F;
	s31 =	sand.u32 $0x380, s24;
	s2 =	sshra.s32 s2, $0x2;
	v4 =	vld [tilespmem:s25+$0x0]  }
0x16d: {  	s2 =	sor.u32 s31, s2  }
0x16e: {  	v5 =	vld [tilespmem:s2+$0x6A20];
	_ =	sdelay $0x2  }
0x16f: {  	v4 =	vperm.xlane v4, v3;
	_ =	sdelay $0x1  }
0x170: {  	v4 =	vsel vm2, v5, v4  }
0x171: {  	[tilespmem:s2+$0x6A20] =	vst v4  }
0x172: {  	v4 =	vld [tilespmem:s25+$0x4];
	_ =	sdelay $0x4  }
0x173: {  	[tilespmem:s2+$0x6A30] =	vst v4  }
0x174: {  	v4 =	vld [tilespmem:s25+$0x14];
	_ =	sdelay $0x4  }
0x175: {  	[tilespmem:s2+$0x6A40] =	vst v4  }
0x176: {  	v4 =	vld [tilespmem:s25+$0x24];
	_ =	sdelay $0x4  }
0x177: {  	[tilespmem:s2+$0x6A50] =	vst v4  }
0x178: {  	v4 =	vld [tilespmem:s25+$0x34];
	_ =	sdelay $0x4  }
0x179: {  	[tilespmem:s2+$0x6A60] =	vst v4  }
0x17a: {  	v4 =	vld [tilespmem:s25+$0x44];
	_ =	sdelay $0x4  }
0x17b: {  	[tilespmem:s2+$0x6A70] =	vst v4  }
0x17c: {  	v4 =	vld [tilespmem:s25+$0x54];
	_ =	sdelay $0x4  }
0x17d: {  	[tilespmem:s26+$0xFFFFFFE4] =	vst v4  }
0x17e: {  	v4 =	vld [tilespmem:s25+$0x70];
	_ =	sdelay $0x4  }
0x17f: {  	[tilespmem:s26+$0x0] =	vst v4  }
.Ltmp1:
0x180: {  	v4 =	vld [tilespmem:s25+$0x64];
	(pc) =	sbr.rel @p0 .LBB2_4-.Ltmp1, $3  }
0x181: {  	_ =	sdelay $0x1  }
0x182: {  	s2 =	sshrl.u32 s21, $0x3  }
0x183: {  	s31 =	smov.u32 s3;
	s2 =	smul.u32 $0x3000, s2;
	s26 =	sadd.s32 $0x80, s26  }
0x184: {  	[tilespmem:s28+$0xFFFFFFF4] =	vst v4;
	s3 =	sadd.s32 $0x80, s24;
	s21 =	sadd.s32 $0x80, s25  }
0x185: {  	s3 =	sand.u32 $0x380, s3;
	s2 =	sshra.s32 s2, $0x2;
	v4 =	vld [tilespmem:s21+$0x0]  }
0x186: {  	s2 =	sor.u32 s3, s2  }
0x187: {  	v5 =	vld [tilespmem:s2+$0x6A20];
	_ =	sdelay $0x2  }
0x188: {  	v4 =	vperm.xlane v4, v3;
	_ =	sdelay $0x1  }
0x189: {  	v4 =	vsel vm2, v5, v4  }
0x18a: {  	[tilespmem:s2+$0x6A20] =	vst v4  }
0x18b: {  	v4 =	vld [tilespmem:s21+$0x4];
	_ =	sdelay $0x4  }
0x18c: {  	[tilespmem:s2+$0x6A30] =	vst v4  }
0x18d: {  	v4 =	vld [tilespmem:s21+$0x14];
	_ =	sdelay $0x4  }
0x18e: {  	[tilespmem:s2+$0x6A40] =	vst v4  }
0x18f: {  	v4 =	vld [tilespmem:s21+$0x24];
	_ =	sdelay $0x4  }
0x190: {  	[tilespmem:s2+$0x6A50] =	vst v4  }
0x191: {  	v4 =	vld [tilespmem:s21+$0x34];
	_ =	sdelay $0x4  }
0x192: {  	[tilespmem:s2+$0x6A60] =	vst v4  }
0x193: {  	v4 =	vld [tilespmem:s21+$0x44];
	_ =	sdelay $0x4  }
0x194: {  	[tilespmem:s2+$0x6A70] =	vst v4  }
0x195: {  	v4 =	vld [tilespmem:s21+$0x54];
	_ =	sdelay $0x4  }
0x196: {  	[tilespmem:s26+$0xFFFFFFE4] =	vst v4  }
0x197: {  	v4 =	vld [tilespmem:s21+$0x70];
	_ =	sdelay $0x4  }
0x198: {  	[tilespmem:s26+$0x0] =	vst v4  }
0x199: {  	v4 =	vld [tilespmem:s21+$0x64];
	_ =	sdelay $0x4  }
0x19a: {  	s31 =	rddreg [dreg:$0xa];
	[tilespmem:s26+$0xFFFFFFF4] =	vst v4  }
0x19b: {  	[hbm4b:s31+s10] =	stream.strided.scatter [tilespmem:s18], [sflag:$0x6], $0x6000, s11, s10, $0x38;
	[tilespmem:$0x14200] =	vst v63  }
0x19c: {  	s3 =	rddreg [dreg:$0xb]  }
0x19d: {  	[hbm4b:s3+s12] =	stream.strided.scatter [tilespmem:s19], [sflag:$0x8], $0x2000, s11, s12, $0x38;
	[tilespmem:$0x14200] =	vst v63  }
0x19e: {  	_ =	swait.ge [sflag:s20], $0x6000  }
0x19f: {  	[sflag:s20] =	ssyncset.done $0x0  }
0x1a0: {  	[sflag:s20] =	ssyncadd.s32 $0xFFFFA000  }
0x1a1: {  	_ =	swait.ge [sflag:s22], $0x2000  }
0x1a2: {  	[sflag:s22] =	ssyncset.done $0x0  }
0x1a3: {  	[sflag:s22] =	ssyncadd.s32 $0xFFFFE000  }
0x1a4: {  	v4 =	vld [tilespmem:$0xC0];
	_ =	sdelay $0x4  }
0x1a5: {  	v5 =	vshrl.u32 v4, $0x3  }
0x1a6: {  	v5 =	vmul.u32 $0x18, v5  }
0x1a7: {  	v4 =	vand.u32 $0x7, v4  }
0x1a8: {  	v4 =	vor.u32 v4, v5  }
0x1a9: {  	v5 =	vperm.xlane v4, v0;
	_ =	sdelay $0x1  }
0x1aa: {  	v5 =	vadd.s32 v1, v5;
	_ =	sdelay $0x1  }
0x1ab: {  	v4 =	vperm.xlane v4, v2;
	_ =	sdelay $0x1  }
0x1ac: {  	s24 =	simm.s32 $0x0;
	v4 =	vadd.s32 v1, v4  }
0x1ad: {  	[tilespmem:s18], [sflag:$0x2] =	stream.indirect_vreg.gather [hbm4b:s29+s24], $0x80, v5, vm0, $0xb8;
	[tilespmem:$0x14200] =	vst v63  }
0x1ae: {  	s21 =	simm.s32 $0x6A00  }
0x1af: {  	[tilespmem:s21], [sflag:$0x2] =	stream.indirect_vreg.gather [hbm4b:s30+s24], $0x80, v5, vm1, $0xb8;
	[tilespmem:$0x14200] =	vst v63  }
0x1b0: {  	s25 =	simm.s32 $0x6E00  }
0x1b1: {  	[tilespmem:s25], [sflag:$0x2] =	stream.indirect_vreg.gather [hbm4b:s29+s24], $0x80, v4, vm0, $0xb8;
	[tilespmem:$0x14200] =	vst v63  }
0x1b2: {  	s26 =	simm.s32 $0x7600  }
0x1b3: {  	[tilespmem:s26], [sflag:$0x2] =	stream.indirect_vreg.gather [hbm4b:s30+s24], $0x80, v4, vm1, $0xb8;
	[tilespmem:$0x14200] =	vst v63  }
0x1b4: {  	v4 =	vld [tilespmem:$0xD0];
	_ =	sdelay $0x4  }
0x1b5: {  	v5 =	vshrl.u32 v4, $0x3  }
0x1b6: {  	v5 =	vmul.u32 $0x18, v5  }
0x1b7: {  	v4 =	vand.u32 $0x7, v4  }
0x1b8: {  	v4 =	vor.u32 v4, v5  }
0x1b9: {  	v5 =	vperm.xlane v4, v0;
	_ =	sdelay $0x1  }
0x1ba: {  	v5 =	vadd.s32 v1, v5;
	_ =	sdelay $0x1  }
0x1bb: {  	v4 =	vperm.xlane v4, v2;
	_ =	sdelay $0x1  }
0x1bc: {  	s28 =	simm.s32 $0x7A00;
	v4 =	vadd.s32 v1, v4  }
0x1bd: {  	[tilespmem:s28], [sflag:$0x2] =	stream.indirect_vreg.gather [hbm4b:s29+s24], $0x80, v5, vm0, $0xb8;
	[tilespmem:$0x14200] =	vst v63  }
0x1be: {  	s31 =	simm.s32 $0x8200  }
0x1bf: {  	[tilespmem:s31], [sflag:$0x2] =	stream.indirect_vreg.gather [hbm4b:s30+s24], $0x80, v5, vm1, $0xb8;
	[tilespmem:$0x14200] =	vst v63  }
0x1c0: {  	s3 =	simm.s32 $0x8600  }
0x1c1: {  	[tilespmem:s3], [sflag:$0x2] =	stream.indirect_vreg.gather [hbm4b:s29+s24], $0x80, v4, vm0, $0xb8;
	[tilespmem:$0x14200] =	vst v63  }
0x1c2: {  	s21 =	simm.s32 $0x8E00  }
0x1c3: {  	[tilespmem:s21], [sflag:$0x2] =	stream.indirect_vreg.gather [hbm4b:s30+s24], $0x80, v4, vm1, $0xb8;
	[tilespmem:$0x14200] =	vst v63  }
0x1c4: {  	v4 =	vld [tilespmem:$0xE0];
	_ =	sdelay $0x4  }
0x1c5: {  	v5 =	vshrl.u32 v4, $0x3  }
0x1c6: {  	v5 =	vmul.u32 $0x18, v5  }
0x1c7: {  	v4 =	vand.u32 $0x7, v4  }
0x1c8: {  	v4 =	vor.u32 v4, v5  }
0x1c9: {  	v5 =	vperm.xlane v4, v0;
	_ =	sdelay $0x1  }
0x1ca: {  	v5 =	vadd.s32 v1, v5;
	_ =	sdelay $0x1  }
0x1cb: {  	v4 =	vperm.xlane v4, v2;
	_ =	sdelay $0x1  }
0x1cc: {  	s25 =	simm.s32 $0x9200;
	v4 =	vadd.s32 v1, v4  }
0x1cd: {  	[tilespmem:s25], [sflag:$0x2] =	stream.indirect_vreg.gather [hbm4b:s29+s24], $0x80, v5, vm0, $0xb8;
	[tilespmem:$0x14200] =	vst v63  }
0x1ce: {  	s26 =	simm.s32 $0x9A00  }
0x1cf: {  	[tilespmem:s26], [sflag:$0x2] =	stream.indirect_vreg.gather [hbm4b:s30+s24], $0x80, v5, vm1, $0xb8;
	[tilespmem:$0x14200] =	vst v63  }
0x1d0: {  	s28 =	simm.s32 $0x9E00  }
0x1d1: {  	[tilespmem:s28], [sflag:$0x2] =	stream.indirect_vreg.gather [hbm4b:s29+s24], $0x80, v4, vm0, $0xb8;
	[tilespmem:$0x14200] =	vst v63  }
0x1d2: {  	s31 =	simm.s32 $0xA600  }
0x1d3: {  	[tilespmem:s31], [sflag:$0x2] =	stream.indirect_vreg.gather [hbm4b:s30+s24], $0x80, v4, vm1, $0xb8;
	[tilespmem:$0x14200] =	vst v63  }
0x1d4: {  	v4 =	vld [tilespmem:$0xF0];
	_ =	sdelay $0x4  }
0x1d5: {  	v5 =	vshrl.u32 v4, $0x3  }
0x1d6: {  	v5 =	vmul.u32 $0x18, v5  }
0x1d7: {  	v4 =	vand.u32 $0x7, v4  }
0x1d8: {  	v4 =	vor.u32 v4, v5  }
0x1d9: {  	v5 =	vperm.xlane v4, v0;
	_ =	sdelay $0x1  }
0x1da: {  	v5 =	vadd.s32 v1, v5;
	_ =	sdelay $0x1  }
0x1db: {  	v4 =	vperm.xlane v4, v2;
	_ =	sdelay $0x1  }
0x1dc: {  	s3 =	simm.s32 $0xAA00;
	v4 =	vadd.s32 v1, v4  }
0x1dd: {  	[tilespmem:s3], [sflag:$0x2] =	stream.indirect_vreg.gather [hbm4b:s29+s24], $0x80, v5, vm0, $0xb8;
	[tilespmem:$0x14200] =	vst v63  }
0x1de: {  	_ = 	snop  }
0x1df: {  	[tilespmem:s4], [sflag:$0x2] =	stream.indirect_vreg.gather [hbm4b:s30+s24], $0x80, v5, vm1, $0xb8;
	[tilespmem:$0x14200] =	vst v63  }
0x1e0: {  	_ = 	snop  }
0x1e1: {  	[tilespmem:s5], [sflag:$0x2] =	stream.indirect_vreg.gather [hbm4b:s29+s24], $0x80, v4, vm0, $0xb8;
	[tilespmem:$0x14200] =	vst v63  }
0x1e2: {  	_ = 	snop  }
0x1e3: {  	[tilespmem:s6], [sflag:$0x2] =	stream.indirect_vreg.gather [hbm4b:s30+s24], $0x80, v4, vm1, $0xb8;
	[tilespmem:$0x14200] =	vst v63  }
0x1e4: {  	s21 =	rddreg [dreg:$0xc]  }
0x1e5: {  	[tilespmem:s7], [sflag:$0x4] =	stream.linear.gather [hbm4b:s21+s24], $0x2000, $0x38;
	[tilespmem:$0x14200] =	vst v63  }
0x1e6: {  	_ =	swait.ge [sflag:s8], $0x6000  }
0x1e7: {  	[sflag:s8] =	ssyncset.done $0x0  }
0x1e8: {  	[sflag:s8] =	ssyncadd.s32 $0xFFFFA000  }
0x1e9: {  	s25 =	simm.s32 $0x0;
	_ =	swait.ge [sflag:s9], $0x2000  }
0x1ea: {  	s2 =	smul.u32 $0x3000, s25;
	[sflag:s9] =	ssyncset.done $0x0  }
0x1eb: {  	s26 =	simm.s32 $0xC244;
	[sflag:s9] =	ssyncadd.s32 $0xFFFFE000  }
0x1ec: {  	s2 =	sshra.s32 s2, $0x2;
	s28 =	sand.u32 $0x380, s24;
	v4 =	vld [tilespmem:s26+$0xFFFFFFBC]  }
0x1ed: {  	s2 =	sor.u32 s28, s2  }
0x1ee: {  	v5 =	vld [tilespmem:s2+$0xA20];
	_ =	sdelay $0x2  }
0x1ef: {  	v4 =	vperm.xlane v4, v3;
	_ =	sdelay $0x1  }
0x1f0: {  	v4 =	vsel vm2, v5, v4  }
0x1f1: {  	[tilespmem:s2+$0xA20] =	vst v4  }
0x1f2: {  	v4 =	vld [tilespmem:s26+$0xFFFFFFC0];
	_ =	sdelay $0x4  }
0x1f3: {  	[tilespmem:s2+$0xA30] =	vst v4  }
0x1f4: {  	v4 =	vld [tilespmem:s26+$0xFFFFFFD0];
	_ =	sdelay $0x4  }
0x1f5: {  	[tilespmem:s2+$0xA40] =	vst v4  }
0x1f6: {  	v4 =	vld [tilespmem:s26+$0xFFFFFFE0];
	_ =	sdelay $0x4  }
0x1f7: {  	[tilespmem:s2+$0xA50] =	vst v4  }
0x1f8: {  	v4 =	vld [tilespmem:s26+$0xFFFFFFF0];
	_ =	sdelay $0x4  }
0x1f9: {  	[tilespmem:s2+$0xA60] =	vst v4  }
0x1fa: {  	v4 =	vld [tilespmem:s26+$0x0];
	_ =	sdelay $0x4  }
0x1fb: {  	[tilespmem:s2+$0xA70] =	vst v4  }
0x1fc: {  	v4 =	vld [tilespmem:s26+$0x10];
	_ =	sdelay $0x3  }
0x1fd: {  	s25 =	simm.s32 $0x10210  }
0x1fe: {  	[tilespmem:s25+$0xFFFFFFF0] =	vst v4  }
0x1ff: {  	v4 =	vld [tilespmem:s26+$0x2C];
	_ =	sdelay $0x4  }
0x200: {  	[tilespmem:s25+$0xC] =	vst v4  }
0x201: {  	v4 =	vld [tilespmem:s26+$0x20];
	_ =	sdelay $0x1  }
0x202: {  	s31 =	simm.s32 $0x0  }
0x203: {  	s3 =	simm.s32 $0x2;
	s2 =	smul.u32 $0x3000, s31;
	s26 =	simm.s32 $0xC2C4  }
.LBB2_6:
0x204: {  	s24 =	sadd.s32 $0x80, s24  }
0x205: {  	[tilespmem:s25+$0x0] =	vst v4;
	s25 =	sadd.s32 $0x80, s25;
	s21 =	smov.u32 s3;
	s28 =	sadd.s32 $0x1, s3  }
0x206: {  	p0 =	sne.s32 s3, $0x3F;
	s3 =	sand.u32 $0x380, s24;
	s2 =	sshra.s32 s2, $0x2;
	v4 =	vld [tilespmem:s26+$0xFFFFFFBC]  }
0x207: {  	s2 =	sor.u32 s3, s2  }
0x208: {  	v5 =	vld [tilespmem:s2+$0xA20];
	_ =	sdelay $0x2  }
0x209: {  	v4 =	vperm.xlane v4, v3;
	_ =	sdelay $0x1  }
0x20a: {  	v4 =	vsel vm2, v5, v4  }
0x20b: {  	[tilespmem:s2+$0xA20] =	vst v4  }
0x20c: {  	v4 =	vld [tilespmem:s26+$0xFFFFFFC0];
	_ =	sdelay $0x4  }
0x20d: {  	[tilespmem:s2+$0xA30] =	vst v4  }
0x20e: {  	v4 =	vld [tilespmem:s26+$0xFFFFFFD0];
	_ =	sdelay $0x4  }
0x20f: {  	[tilespmem:s2+$0xA40] =	vst v4  }
0x210: {  	v4 =	vld [tilespmem:s26+$0xFFFFFFE0];
	_ =	sdelay $0x4  }
0x211: {  	[tilespmem:s2+$0xA50] =	vst v4  }
0x212: {  	v4 =	vld [tilespmem:s26+$0xFFFFFFF0];
	_ =	sdelay $0x4  }
0x213: {  	[tilespmem:s2+$0xA60] =	vst v4  }
0x214: {  	v4 =	vld [tilespmem:s26+$0x0];
	_ =	sdelay $0x4  }
0x215: {  	[tilespmem:s2+$0xA70] =	vst v4  }
0x216: {  	v4 =	vld [tilespmem:s26+$0x10];
	_ =	sdelay $0x4  }
0x217: {  	[tilespmem:s25+$0xFFFFFFF0] =	vst v4  }
0x218: {  	v4 =	vld [tilespmem:s26+$0x2C];
	_ =	sdelay $0x4  }
0x219: {  	[tilespmem:s25+$0xC] =	vst v4  }
.Ltmp2:
0x21a: {  	v4 =	vld [tilespmem:s26+$0x20];
	(pc) =	sbr.rel @p0 .LBB2_6-.Ltmp2, $3  }
0x21b: {  	_ =	sdelay $0x1  }
0x21c: {  	s2 =	sshrl.u32 s21, $0x3  }
0x21d: {  	s3 =	smov.u32 s28;
	s2 =	smul.u32 $0x3000, s2;
	s26 =	sadd.s32 $0x80, s26  }
0x21e: {  	[tilespmem:s25+$0x0] =	vst v4;
	s3 =	sadd.s32 $0x80, s24  }
0x21f: {  	s3 =	sand.u32 $0x380, s3;
	s2 =	sshra.s32 s2, $0x2;
	v4 =	vld [tilespmem:s26+$0xFFFFFFBC]  }
0x220: {  	s2 =	sor.u32 s3, s2  }
0x221: {  	v5 =	vld [tilespmem:s2+$0xA20];
	_ =	sdelay $0x2  }
0x222: {  	v4 =	vperm.xlane v4, v3;
	_ =	sdelay $0x1  }
0x223: {  	v4 =	vsel vm2, v5, v4  }
0x224: {  	[tilespmem:s2+$0xA20] =	vst v4  }
0x225: {  	v4 =	vld [tilespmem:s26+$0xFFFFFFC0];
	_ =	sdelay $0x4  }
0x226: {  	[tilespmem:s2+$0xA30] =	vst v4  }
0x227: {  	v4 =	vld [tilespmem:s26+$0xFFFFFFD0];
	_ =	sdelay $0x4  }
0x228: {  	[tilespmem:s2+$0xA40] =	vst v4  }
0x229: {  	v4 =	vld [tilespmem:s26+$0xFFFFFFE0];
	_ =	sdelay $0x4  }
0x22a: {  	[tilespmem:s2+$0xA50] =	vst v4  }
0x22b: {  	v4 =	vld [tilespmem:s26+$0xFFFFFFF0];
	_ =	sdelay $0x4  }
0x22c: {  	[tilespmem:s2+$0xA60] =	vst v4  }
0x22d: {  	v4 =	vld [tilespmem:s26+$0x0];
	_ =	sdelay $0x4  }
0x22e: {  	[tilespmem:s2+$0xA70] =	vst v4  }
0x22f: {  	v4 =	vld [tilespmem:s26+$0x10];
	_ =	sdelay $0x3  }
0x230: {  	s25 =	sadd.s32 $0x80, s25  }
0x231: {  	[tilespmem:s25+$0xFFFFFFF0] =	vst v4  }
0x232: {  	v4 =	vld [tilespmem:s26+$0x2C];
	_ =	sdelay $0x4  }
0x233: {  	[tilespmem:s25+$0xC] =	vst v4  }
0x234: {  	v4 =	vld [tilespmem:s26+$0x20];
	_ =	sdelay $0x4  }
0x235: {  	s26 =	rddreg [dreg:$0x11];
	[tilespmem:s25+$0x0] =	vst v4  }
0x236: {  	[hbm4b:s26+s10] =	stream.strided.scatter [tilespmem:s0], [sflag:$0x5], $0x6000, s11, s10, $0x38;
	[tilespmem:$0x14200] =	vst v63  }
0x237: {  	s31 =	rddreg [dreg:$0x12]  }
0x238: {  	[hbm4b:s31+s12] =	stream.strided.scatter [tilespmem:s13], [sflag:$0x7], $0x2000, s11, s12, $0x38;
	[tilespmem:$0x14200] =	vst v63  }
0x239: {  	_ =	swait.ge [sflag:s14], $0x6000  }
0x23a: {  	[sflag:s14] =	ssyncset.done $0x0  }
0x23b: {  	[sflag:s14] =	ssyncadd.s32 $0xFFFFA000  }
0x23c: {  	_ =	swait.ge [sflag:s15], $0x2000  }
0x23d: {  	[sflag:s15] =	ssyncset.done $0x0  }
0x23e: {  	[sflag:s15] =	ssyncadd.s32 $0xFFFFE000  }
0x23f: {  	v4 =	vld [tilespmem:$0x100];
	_ =	sdelay $0x4  }
0x240: {  	v5 =	vshrl.u32 v4, $0x3  }
0x241: {  	v5 =	vmul.u32 $0x18, v5  }
0x242: {  	v4 =	vand.u32 $0x7, v4  }
0x243: {  	v4 =	vor.u32 v4, v5  }
0x244: {  	v5 =	vperm.xlane v4, v0;
	_ =	sdelay $0x1  }
0x245: {  	v5 =	vadd.s32 v1, v5;
	_ =	sdelay $0x1  }
0x246: {  	v4 =	vperm.xlane v4, v2;
	_ =	sdelay $0x1  }
0x247: {  	s24 =	simm.s32 $0x0;
	v4 =	vadd.s32 v1, v4  }
0x248: {  	[tilespmem:s0], [sflag:$0x1] =	stream.indirect_vreg.gather [hbm4b:s29+s24], $0x80, v5, vm0, $0xb8;
	[tilespmem:$0x14200] =	vst v63  }
0x249: {  	s3 =	simm.s32 $0xA00  }
0x24a: {  	[tilespmem:s3], [sflag:$0x1] =	stream.indirect_vreg.gather [hbm4b:s30+s24], $0x80, v5, vm1, $0xb8;
	[tilespmem:$0x14200] =	vst v63  }
0x24b: {  	s21 =	simm.s32 $0xE00  }
0x24c: {  	[tilespmem:s21], [sflag:$0x1] =	stream.indirect_vreg.gather [hbm4b:s29+s24], $0x80, v4, vm0, $0xb8;
	[tilespmem:$0x14200] =	vst v63  }
0x24d: {  	s25 =	simm.s32 $0x1600  }
0x24e: {  	[tilespmem:s25], [sflag:$0x1] =	stream.indirect_vreg.gather [hbm4b:s30+s24], $0x80, v4, vm1, $0xb8;
	[tilespmem:$0x14200] =	vst v63  }
0x24f: {  	v4 =	vld [tilespmem:$0x110];
	_ =	sdelay $0x4  }
0x250: {  	v5 =	vshrl.u32 v4, $0x3  }
0x251: {  	v5 =	vmul.u32 $0x18, v5  }
0x252: {  	v4 =	vand.u32 $0x7, v4  }
0x253: {  	v4 =	vor.u32 v4, v5  }
0x254: {  	v5 =	vperm.xlane v4, v0;
	_ =	sdelay $0x1  }
0x255: {  	v5 =	vadd.s32 v1, v5;
	_ =	sdelay $0x1  }
0x256: {  	v4 =	vperm.xlane v4, v2;
	_ =	sdelay $0x1  }
0x257: {  	s26 =	simm.s32 $0x1A00;
	v4 =	vadd.s32 v1, v4  }
0x258: {  	[tilespmem:s26], [sflag:$0x1] =	stream.indirect_vreg.gather [hbm4b:s29+s24], $0x80, v5, vm0, $0xb8;
	[tilespmem:$0x14200] =	vst v63  }
0x259: {  	s31 =	simm.s32 $0x2200  }
0x25a: {  	[tilespmem:s31], [sflag:$0x1] =	stream.indirect_vreg.gather [hbm4b:s30+s24], $0x80, v5, vm1, $0xb8;
	[tilespmem:$0x14200] =	vst v63  }
0x25b: {  	s3 =	simm.s32 $0x2600  }
0x25c: {  	[tilespmem:s3], [sflag:$0x1] =	stream.indirect_vreg.gather [hbm4b:s29+s24], $0x80, v4, vm0, $0xb8;
	[tilespmem:$0x14200] =	vst v63  }
0x25d: {  	s21 =	simm.s32 $0x2E00  }
0x25e: {  	[tilespmem:s21], [sflag:$0x1] =	stream.indirect_vreg.gather [hbm4b:s30+s24], $0x80, v4, vm1, $0xb8;
	[tilespmem:$0x14200] =	vst v63  }
0x25f: {  	v4 =	vld [tilespmem:$0x120];
	_ =	sdelay $0x4  }
0x260: {  	v5 =	vshrl.u32 v4, $0x3  }
0x261: {  	v5 =	vmul.u32 $0x18, v5  }
0x262: {  	v4 =	vand.u32 $0x7, v4  }
0x263: {  	v4 =	vor.u32 v4, v5  }
0x264: {  	v5 =	vperm.xlane v4, v0;
	_ =	sdelay $0x1  }
0x265: {  	v5 =	vadd.s32 v1, v5;
	_ =	sdelay $0x1  }
0x266: {  	v4 =	vperm.xlane v4, v2;
	_ =	sdelay $0x1  }
0x267: {  	s25 =	simm.s32 $0x3200;
	v4 =	vadd.s32 v1, v4  }
0x268: {  	[tilespmem:s25], [sflag:$0x1] =	stream.indirect_vreg.gather [hbm4b:s29+s24], $0x80, v5, vm0, $0xb8;
	[tilespmem:$0x14200] =	vst v63  }
0x269: {  	s26 =	simm.s32 $0x3A00  }
0x26a: {  	[tilespmem:s26], [sflag:$0x1] =	stream.indirect_vreg.gather [hbm4b:s30+s24], $0x80, v5, vm1, $0xb8;
	[tilespmem:$0x14200] =	vst v63  }
0x26b: {  	s31 =	simm.s32 $0x3E00  }
0x26c: {  	[tilespmem:s31], [sflag:$0x1] =	stream.indirect_vreg.gather [hbm4b:s29+s24], $0x80, v4, vm0, $0xb8;
	[tilespmem:$0x14200] =	vst v63  }
0x26d: {  	s3 =	simm.s32 $0x4600  }
0x26e: {  	[tilespmem:s3], [sflag:$0x1] =	stream.indirect_vreg.gather [hbm4b:s30+s24], $0x80, v4, vm1, $0xb8;
	[tilespmem:$0x14200] =	vst v63  }
0x26f: {  	v4 =	vld [tilespmem:$0x130];
	_ =	sdelay $0x4  }
0x270: {  	v5 =	vshrl.u32 v4, $0x3  }
0x271: {  	v5 =	vmul.u32 $0x18, v5  }
0x272: {  	v4 =	vand.u32 $0x7, v4  }
0x273: {  	v4 =	vor.u32 v4, v5  }
0x274: {  	v5 =	vperm.xlane v4, v0;
	_ =	sdelay $0x1  }
0x275: {  	v5 =	vadd.s32 v1, v5;
	_ =	sdelay $0x1  }
0x276: {  	v4 =	vperm.xlane v4, v2;
	_ =	sdelay $0x1  }
0x277: {  	s21 =	simm.s32 $0x4A00;
	v4 =	vadd.s32 v1, v4  }
0x278: {  	[tilespmem:s21], [sflag:$0x1] =	stream.indirect_vreg.gather [hbm4b:s29+s24], $0x80, v5, vm0, $0xb8;
	[tilespmem:$0x14200] =	vst v63  }
0x279: {  	s25 =	simm.s32 $0x5200  }
0x27a: {  	[tilespmem:s25], [sflag:$0x1] =	stream.indirect_vreg.gather [hbm4b:s30+s24], $0x80, v5, vm1, $0xb8;
	[tilespmem:$0x14200] =	vst v63  }
0x27b: {  	s26 =	simm.s32 $0x5600  }
0x27c: {  	[tilespmem:s26], [sflag:$0x1] =	stream.indirect_vreg.gather [hbm4b:s29+s24], $0x80, v4, vm0, $0xb8;
	[tilespmem:$0x14200] =	vst v63  }
0x27d: {  	s31 =	simm.s32 $0x5E00  }
0x27e: {  	[tilespmem:s31], [sflag:$0x1] =	stream.indirect_vreg.gather [hbm4b:s30+s24], $0x80, v4, vm1, $0xb8;
	[tilespmem:$0x14200] =	vst v63  }
0x27f: {  	s3 =	rddreg [dreg:$0xd];
	s21 =	simm.s32 $0xC200  }
0x280: {  	[tilespmem:s21], [sflag:$0x3] =	stream.linear.gather [hbm4b:s3+s24], $0x2000, $0x38;
	[tilespmem:$0x14200] =	vst v63  }
0x281: {  	_ =	swait.ge [sflag:s16], $0x6000  }
0x282: {  	[sflag:s16] =	ssyncset.done $0x0  }
0x283: {  	[sflag:s16] =	ssyncadd.s32 $0xFFFFA000  }
0x284: {  	s25 =	simm.s32 $0x0;
	_ =	swait.ge [sflag:s17], $0x2000  }
0x285: {  	s2 =	smul.u32 $0x3000, s25;
	[sflag:s17] =	ssyncset.done $0x0  }
0x286: {  	s25 =	simm.s32 $0xE200;
	[sflag:s17] =	ssyncadd.s32 $0xFFFFE000  }
0x287: {  	s26 =	sand.u32 $0x380, s24;
	s2 =	sshra.s32 s2, $0x2;
	v4 =	vld [tilespmem:s25+$0x0]  }
0x288: {  	s2 =	sor.u32 s26, s2  }
0x289: {  	v5 =	vld [tilespmem:s2+$0x6A20];
	_ =	sdelay $0x2  }
0x28a: {  	v4 =	vperm.xlane v4, v3;
	_ =	sdelay $0x1  }
0x28b: {  	v4 =	vsel vm2, v5, v4  }
0x28c: {  	[tilespmem:s2+$0x6A20] =	vst v4  }
0x28d: {  	v4 =	vld [tilespmem:s25+$0x4];
	_ =	sdelay $0x4  }
0x28e: {  	[tilespmem:s2+$0x6A30] =	vst v4  }
0x28f: {  	v4 =	vld [tilespmem:s25+$0x14];
	_ =	sdelay $0x4  }
0x290: {  	[tilespmem:s2+$0x6A40] =	vst v4  }
0x291: {  	v4 =	vld [tilespmem:s25+$0x24];
	_ =	sdelay $0x4  }
0x292: {  	[tilespmem:s2+$0x6A50] =	vst v4  }
0x293: {  	v4 =	vld [tilespmem:s25+$0x34];
	_ =	sdelay $0x4  }
0x294: {  	[tilespmem:s2+$0x6A60] =	vst v4  }
0x295: {  	v4 =	vld [tilespmem:s25+$0x44];
	_ =	sdelay $0x4  }
0x296: {  	[tilespmem:s2+$0x6A70] =	vst v4  }
0x297: {  	v4 =	vld [tilespmem:s25+$0x54];
	_ =	sdelay $0x3  }
0x298: {  	s28 =	simm.s32 $0x1221C  }
0x299: {  	[tilespmem:s28+$0xFFFFFFE4] =	vst v4  }
0x29a: {  	v4 =	vld [tilespmem:s25+$0x70];
	_ =	sdelay $0x4  }
0x29b: {  	[tilespmem:s28+$0x0] =	vst v4  }
0x29c: {  	v4 =	vld [tilespmem:s25+$0x64];
	_ =	sdelay $0x1  }
0x29d: {  	s31 =	simm.s32 $0x0  }
0x29e: {  	s26 =	simm.s32 $0x1229C;
	s3 =	simm.s32 $0x2;
	s2 =	smul.u32 $0x3000, s31  }
.LBB2_8:
0x29f: {  	s24 =	sadd.s32 $0x80, s24;
	s25 =	sadd.s32 $0x80, s25  }
0x2a0: {  	[tilespmem:s28+$0xFFFFFFF4] =	vst v4;
	s21 =	smov.u32 s3;
	s31 =	sadd.s32 $0x1, s3;
	s28 =	smov.u32 s26  }
0x2a1: {  	p0 =	sne.s32 s3, $0x3F;
	s3 =	sand.u32 $0x380, s24;
	s2 =	sshra.s32 s2, $0x2;
	v4 =	vld [tilespmem:s25+$0x0]  }
0x2a2: {  	s2 =	sor.u32 s3, s2  }
0x2a3: {  	v5 =	vld [tilespmem:s2+$0x6A20];
	_ =	sdelay $0x2  }
0x2a4: {  	v4 =	vperm.xlane v4, v3;
	_ =	sdelay $0x1  }
0x2a5: {  	v4 =	vsel vm2, v5, v4  }
0x2a6: {  	[tilespmem:s2+$0x6A20] =	vst v4  }
0x2a7: {  	v4 =	vld [tilespmem:s25+$0x4];
	_ =	sdelay $0x4  }
0x2a8: {  	[tilespmem:s2+$0x6A30] =	vst v4  }
0x2a9: {  	v4 =	vld [tilespmem:s25+$0x14];
	_ =	sdelay $0x4  }
0x2aa: {  	[tilespmem:s2+$0x6A40] =	vst v4  }
0x2ab: {  	v4 =	vld [tilespmem:s25+$0x24];
	_ =	sdelay $0x4  }
0x2ac: {  	[tilespmem:s2+$0x6A50] =	vst v4  }
0x2ad: {  	v4 =	vld [tilespmem:s25+$0x34];
	_ =	sdelay $0x4  }
0x2ae: {  	[tilespmem:s2+$0x6A60] =	vst v4  }
0x2af: {  	v4 =	vld [tilespmem:s25+$0x44];
	_ =	sdelay $0x4  }
0x2b0: {  	[tilespmem:s2+$0x6A70] =	vst v4  }
0x2b1: {  	v4 =	vld [tilespmem:s25+$0x54];
	_ =	sdelay $0x4  }
0x2b2: {  	[tilespmem:s26+$0xFFFFFFE4] =	vst v4  }
0x2b3: {  	v4 =	vld [tilespmem:s25+$0x70];
	_ =	sdelay $0x4  }
0x2b4: {  	[tilespmem:s26+$0x0] =	vst v4  }
.Ltmp3:
0x2b5: {  	v4 =	vld [tilespmem:s25+$0x64];
	(pc) =	sbr.rel @p0 .LBB2_8-.Ltmp3, $3  }
0x2b6: {  	_ =	sdelay $0x1  }
0x2b7: {  	s2 =	sshrl.u32 s21, $0x3  }
0x2b8: {  	s3 =	smov.u32 s31;
	s2 =	smul.u32 $0x3000, s2;
	s26 =	sadd.s32 $0x80, s26  }
0x2b9: {  	[tilespmem:s28+$0xFFFFFFF4] =	vst v4;
	s3 =	sadd.s32 $0x80, s24;
	s21 =	sadd.s32 $0x80, s25  }
0x2ba: {  	s3 =	sand.u32 $0x380, s3;
	s2 =	sshra.s32 s2, $0x2;
	v4 =	vld [tilespmem:s21+$0x0]  }
0x2bb: {  	s2 =	sor.u32 s3, s2  }
0x2bc: {  	v5 =	vld [tilespmem:s2+$0x6A20];
	_ =	sdelay $0x2  }
0x2bd: {  	v4 =	vperm.xlane v4, v3;
	_ =	sdelay $0x1  }
0x2be: {  	v4 =	vsel vm2, v5, v4  }
0x2bf: {  	[tilespmem:s2+$0x6A20] =	vst v4  }
0x2c0: {  	v4 =	vld [tilespmem:s21+$0x4];
	_ =	sdelay $0x4  }
0x2c1: {  	[tilespmem:s2+$0x6A30] =	vst v4  }
0x2c2: {  	v4 =	vld [tilespmem:s21+$0x14];
	_ =	sdelay $0x4  }
0x2c3: {  	[tilespmem:s2+$0x6A40] =	vst v4  }
0x2c4: {  	v4 =	vld [tilespmem:s21+$0x24];
	_ =	sdelay $0x4  }
0x2c5: {  	[tilespmem:s2+$0x6A50] =	vst v4  }
0x2c6: {  	v4 =	vld [tilespmem:s21+$0x34];
	_ =	sdelay $0x4  }
0x2c7: {  	[tilespmem:s2+$0x6A60] =	vst v4  }
0x2c8: {  	v4 =	vld [tilespmem:s21+$0x44];
	_ =	sdelay $0x4  }
0x2c9: {  	[tilespmem:s2+$0x6A70] =	vst v4  }
0x2ca: {  	v4 =	vld [tilespmem:s21+$0x54];
	_ =	sdelay $0x4  }
0x2cb: {  	[tilespmem:s26+$0xFFFFFFE4] =	vst v4  }
0x2cc: {  	v4 =	vld [tilespmem:s21+$0x70];
	_ =	sdelay $0x4  }
0x2cd: {  	[tilespmem:s26+$0x0] =	vst v4  }
0x2ce: {  	v4 =	vld [tilespmem:s21+$0x64];
	_ =	sdelay $0x4  }
0x2cf: {  	s31 =	rddreg [dreg:$0x13];
	[tilespmem:s26+$0xFFFFFFF4] =	vst v4  }
0x2d0: {  	[hbm4b:s31+s10] =	stream.strided.scatter [tilespmem:s18], [sflag:$0x6], $0x6000, s11, s10, $0x38;
	[tilespmem:$0x14200] =	vst v63  }
0x2d1: {  	s3 =	rddreg [dreg:$0x14]  }
0x2d2: {  	[hbm4b:s3+s12] =	stream.strided.scatter [tilespmem:s19], [sflag:$0x8], $0x2000, s11, s12, $0x38;
	[tilespmem:$0x14200] =	vst v63  }
0x2d3: {  	_ =	swait.ge [sflag:s20], $0x6000  }
0x2d4: {  	[sflag:s20] =	ssyncset.done $0x0  }
0x2d5: {  	[sflag:s20] =	ssyncadd.s32 $0xFFFFA000  }
0x2d6: {  	_ =	swait.ge [sflag:s22], $0x2000  }
0x2d7: {  	[sflag:s22] =	ssyncset.done $0x0  }
0x2d8: {  	[sflag:s22] =	ssyncadd.s32 $0xFFFFE000  }
0x2d9: {  	v4 =	vld [tilespmem:$0x140];
	_ =	sdelay $0x4  }
0x2da: {  	v5 =	vshrl.u32 v4, $0x3  }
0x2db: {  	v5 =	vmul.u32 $0x18, v5  }
0x2dc: {  	v4 =	vand.u32 $0x7, v4  }
0x2dd: {  	v4 =	vor.u32 v4, v5  }
0x2de: {  	v5 =	vperm.xlane v4, v0;
	_ =	sdelay $0x1  }
0x2df: {  	v5 =	vadd.s32 v1, v5;
	_ =	sdelay $0x1  }
0x2e0: {  	v4 =	vperm.xlane v4, v2;
	_ =	sdelay $0x1  }
0x2e1: {  	s24 =	simm.s32 $0x0;
	v4 =	vadd.s32 v1, v4  }
0x2e2: {  	[tilespmem:s18], [sflag:$0x2] =	stream.indirect_vreg.gather [hbm4b:s29+s24], $0x80, v5, vm0, $0xb8;
	[tilespmem:$0x14200] =	vst v63  }
0x2e3: {  	s21 =	simm.s32 $0x6A00  }
0x2e4: {  	[tilespmem:s21], [sflag:$0x2] =	stream.indirect_vreg.gather [hbm4b:s30+s24], $0x80, v5, vm1, $0xb8;
	[tilespmem:$0x14200] =	vst v63  }
0x2e5: {  	s25 =	simm.s32 $0x6E00  }
0x2e6: {  	[tilespmem:s25], [sflag:$0x2] =	stream.indirect_vreg.gather [hbm4b:s29+s24], $0x80, v4, vm0, $0xb8;
	[tilespmem:$0x14200] =	vst v63  }
0x2e7: {  	s26 =	simm.s32 $0x7600  }
0x2e8: {  	[tilespmem:s26], [sflag:$0x2] =	stream.indirect_vreg.gather [hbm4b:s30+s24], $0x80, v4, vm1, $0xb8;
	[tilespmem:$0x14200] =	vst v63  }
0x2e9: {  	v4 =	vld [tilespmem:$0x150];
	_ =	sdelay $0x4  }
0x2ea: {  	v5 =	vshrl.u32 v4, $0x3  }
0x2eb: {  	v5 =	vmul.u32 $0x18, v5  }
0x2ec: {  	v4 =	vand.u32 $0x7, v4  }
0x2ed: {  	v4 =	vor.u32 v4, v5  }
0x2ee: {  	v5 =	vperm.xlane v4, v0;
	_ =	sdelay $0x1  }
0x2ef: {  	v5 =	vadd.s32 v1, v5;
	_ =	sdelay $0x1  }
0x2f0: {  	v4 =	vperm.xlane v4, v2;
	_ =	sdelay $0x1  }
0x2f1: {  	s28 =	simm.s32 $0x7A00;
	v4 =	vadd.s32 v1, v4  }
0x2f2: {  	[tilespmem:s28], [sflag:$0x2] =	stream.indirect_vreg.gather [hbm4b:s29+s24], $0x80, v5, vm0, $0xb8;
	[tilespmem:$0x14200] =	vst v63  }
0x2f3: {  	s31 =	simm.s32 $0x8200  }
0x2f4: {  	[tilespmem:s31], [sflag:$0x2] =	stream.indirect_vreg.gather [hbm4b:s30+s24], $0x80, v5, vm1, $0xb8;
	[tilespmem:$0x14200] =	vst v63  }
0x2f5: {  	s3 =	simm.s32 $0x8600  }
0x2f6: {  	[tilespmem:s3], [sflag:$0x2] =	stream.indirect_vreg.gather [hbm4b:s29+s24], $0x80, v4, vm0, $0xb8;
	[tilespmem:$0x14200] =	vst v63  }
0x2f7: {  	s21 =	simm.s32 $0x8E00  }
0x2f8: {  	[tilespmem:s21], [sflag:$0x2] =	stream.indirect_vreg.gather [hbm4b:s30+s24], $0x80, v4, vm1, $0xb8;
	[tilespmem:$0x14200] =	vst v63  }
0x2f9: {  	v4 =	vld [tilespmem:$0x160];
	_ =	sdelay $0x4  }
0x2fa: {  	v5 =	vshrl.u32 v4, $0x3  }
0x2fb: {  	v5 =	vmul.u32 $0x18, v5  }
0x2fc: {  	v4 =	vand.u32 $0x7, v4  }
0x2fd: {  	v4 =	vor.u32 v4, v5  }
0x2fe: {  	v5 =	vperm.xlane v4, v0;
	_ =	sdelay $0x1  }
0x2ff: {  	v5 =	vadd.s32 v1, v5;
	_ =	sdelay $0x1  }
0x300: {  	v4 =	vperm.xlane v4, v2;
	_ =	sdelay $0x1  }
0x301: {  	s25 =	simm.s32 $0x9200;
	v4 =	vadd.s32 v1, v4  }
0x302: {  	[tilespmem:s25], [sflag:$0x2] =	stream.indirect_vreg.gather [hbm4b:s29+s24], $0x80, v5, vm0, $0xb8;
	[tilespmem:$0x14200] =	vst v63  }
0x303: {  	s26 =	simm.s32 $0x9A00  }
0x304: {  	[tilespmem:s26], [sflag:$0x2] =	stream.indirect_vreg.gather [hbm4b:s30+s24], $0x80, v5, vm1, $0xb8;
	[tilespmem:$0x14200] =	vst v63  }
0x305: {  	s28 =	simm.s32 $0x9E00  }
0x306: {  	[tilespmem:s28], [sflag:$0x2] =	stream.indirect_vreg.gather [hbm4b:s29+s24], $0x80, v4, vm0, $0xb8;
	[tilespmem:$0x14200] =	vst v63  }
0x307: {  	s31 =	simm.s32 $0xA600  }
0x308: {  	[tilespmem:s31], [sflag:$0x2] =	stream.indirect_vreg.gather [hbm4b:s30+s24], $0x80, v4, vm1, $0xb8;
	[tilespmem:$0x14200] =	vst v63  }
0x309: {  	v4 =	vld [tilespmem:$0x170];
	_ =	sdelay $0x4  }
0x30a: {  	v5 =	vshrl.u32 v4, $0x3  }
0x30b: {  	v5 =	vmul.u32 $0x18, v5  }
0x30c: {  	v4 =	vand.u32 $0x7, v4  }
0x30d: {  	v4 =	vor.u32 v4, v5  }
0x30e: {  	v5 =	vperm.xlane v4, v0;
	_ =	sdelay $0x1  }
0x30f: {  	v5 =	vadd.s32 v1, v5;
	_ =	sdelay $0x1  }
0x310: {  	v4 =	vperm.xlane v4, v2;
	_ =	sdelay $0x1  }
0x311: {  	s3 =	simm.s32 $0xAA00;
	v4 =	vadd.s32 v1, v4  }
0x312: {  	[tilespmem:s3], [sflag:$0x2] =	stream.indirect_vreg.gather [hbm4b:s29+s24], $0x80, v5, vm0, $0xb8;
	[tilespmem:$0x14200] =	vst v63  }
0x313: {  	_ = 	snop  }
0x314: {  	[tilespmem:s4], [sflag:$0x2] =	stream.indirect_vreg.gather [hbm4b:s30+s24], $0x80, v5, vm1, $0xb8;
	[tilespmem:$0x14200] =	vst v63  }
0x315: {  	_ = 	snop  }
0x316: {  	[tilespmem:s5], [sflag:$0x2] =	stream.indirect_vreg.gather [hbm4b:s29+s24], $0x80, v4, vm0, $0xb8;
	[tilespmem:$0x14200] =	vst v63  }
0x317: {  	_ = 	snop  }
0x318: {  	[tilespmem:s6], [sflag:$0x2] =	stream.indirect_vreg.gather [hbm4b:s30+s24], $0x80, v4, vm1, $0xb8;
	[tilespmem:$0x14200] =	vst v63  }
0x319: {  	s21 =	rddreg [dreg:$0xe]  }
0x31a: {  	[tilespmem:s7], [sflag:$0x4] =	stream.linear.gather [hbm4b:s21+s24], $0x2000, $0x38;
	[tilespmem:$0x14200] =	vst v63  }
0x31b: {  	_ =	swait.ge [sflag:s8], $0x6000  }
0x31c: {  	[sflag:s8] =	ssyncset.done $0x0  }
0x31d: {  	[sflag:s8] =	ssyncadd.s32 $0xFFFFA000  }
0x31e: {  	s25 =	simm.s32 $0x0;
	_ =	swait.ge [sflag:s9], $0x2000  }
0x31f: {  	s2 =	smul.u32 $0x3000, s25;
	[sflag:s9] =	ssyncset.done $0x0  }
0x320: {  	s26 =	simm.s32 $0xC244;
	[sflag:s9] =	ssyncadd.s32 $0xFFFFE000  }
0x321: {  	s2 =	sshra.s32 s2, $0x2;
	s28 =	sand.u32 $0x380, s24;
	v4 =	vld [tilespmem:s26+$0xFFFFFFBC]  }
0x322: {  	s2 =	sor.u32 s28, s2  }
0x323: {  	v5 =	vld [tilespmem:s2+$0xA20];
	_ =	sdelay $0x2  }
0x324: {  	v4 =	vperm.xlane v4, v3;
	_ =	sdelay $0x1  }
0x325: {  	v4 =	vsel vm2, v5, v4  }
0x326: {  	[tilespmem:s2+$0xA20] =	vst v4  }
0x327: {  	v4 =	vld [tilespmem:s26+$0xFFFFFFC0];
	_ =	sdelay $0x4  }
0x328: {  	[tilespmem:s2+$0xA30] =	vst v4  }
0x329: {  	v4 =	vld [tilespmem:s26+$0xFFFFFFD0];
	_ =	sdelay $0x4  }
0x32a: {  	[tilespmem:s2+$0xA40] =	vst v4  }
0x32b: {  	v4 =	vld [tilespmem:s26+$0xFFFFFFE0];
	_ =	sdelay $0x4  }
0x32c: {  	[tilespmem:s2+$0xA50] =	vst v4  }
0x32d: {  	v4 =	vld [tilespmem:s26+$0xFFFFFFF0];
	_ =	sdelay $0x4  }
0x32e: {  	[tilespmem:s2+$0xA60] =	vst v4  }
0x32f: {  	v4 =	vld [tilespmem:s26+$0x0];
	_ =	sdelay $0x4  }
0x330: {  	[tilespmem:s2+$0xA70] =	vst v4  }
0x331: {  	v4 =	vld [tilespmem:s26+$0x10];
	_ =	sdelay $0x3  }
0x332: {  	s25 =	simm.s32 $0x10210  }
0x333: {  	[tilespmem:s25+$0xFFFFFFF0] =	vst v4  }
0x334: {  	v4 =	vld [tilespmem:s26+$0x2C];
	_ =	sdelay $0x4  }
0x335: {  	[tilespmem:s25+$0xC] =	vst v4  }
0x336: {  	v4 =	vld [tilespmem:s26+$0x20];
	_ =	sdelay $0x1  }
0x337: {  	s31 =	simm.s32 $0x0  }
0x338: {  	s3 =	simm.s32 $0x2;
	s2 =	smul.u32 $0x3000, s31;
	s26 =	simm.s32 $0xC2C4  }
.LBB2_10:
0x339: {  	s24 =	sadd.s32 $0x80, s24  }
0x33a: {  	[tilespmem:s25+$0x0] =	vst v4;
	s25 =	sadd.s32 $0x80, s25;
	s21 =	smov.u32 s3;
	s28 =	sadd.s32 $0x1, s3  }
0x33b: {  	p0 =	sne.s32 s3, $0x3F;
	s3 =	sand.u32 $0x380, s24;
	s2 =	sshra.s32 s2, $0x2;
	v4 =	vld [tilespmem:s26+$0xFFFFFFBC]  }
0x33c: {  	s2 =	sor.u32 s3, s2  }
0x33d: {  	v5 =	vld [tilespmem:s2+$0xA20];
	_ =	sdelay $0x2  }
0x33e: {  	v4 =	vperm.xlane v4, v3;
	_ =	sdelay $0x1  }
0x33f: {  	v4 =	vsel vm2, v5, v4  }
0x340: {  	[tilespmem:s2+$0xA20] =	vst v4  }
0x341: {  	v4 =	vld [tilespmem:s26+$0xFFFFFFC0];
	_ =	sdelay $0x4  }
0x342: {  	[tilespmem:s2+$0xA30] =	vst v4  }
0x343: {  	v4 =	vld [tilespmem:s26+$0xFFFFFFD0];
	_ =	sdelay $0x4  }
0x344: {  	[tilespmem:s2+$0xA40] =	vst v4  }
0x345: {  	v4 =	vld [tilespmem:s26+$0xFFFFFFE0];
	_ =	sdelay $0x4  }
0x346: {  	[tilespmem:s2+$0xA50] =	vst v4  }
0x347: {  	v4 =	vld [tilespmem:s26+$0xFFFFFFF0];
	_ =	sdelay $0x4  }
0x348: {  	[tilespmem:s2+$0xA60] =	vst v4  }
0x349: {  	v4 =	vld [tilespmem:s26+$0x0];
	_ =	sdelay $0x4  }
0x34a: {  	[tilespmem:s2+$0xA70] =	vst v4  }
0x34b: {  	v4 =	vld [tilespmem:s26+$0x10];
	_ =	sdelay $0x4  }
0x34c: {  	[tilespmem:s25+$0xFFFFFFF0] =	vst v4  }
0x34d: {  	v4 =	vld [tilespmem:s26+$0x2C];
	_ =	sdelay $0x4  }
0x34e: {  	[tilespmem:s25+$0xC] =	vst v4  }
.Ltmp4:
0x34f: {  	v4 =	vld [tilespmem:s26+$0x20];
	(pc) =	sbr.rel @p0 .LBB2_10-.Ltmp4, $3  }
0x350: {  	_ =	sdelay $0x1  }
0x351: {  	s2 =	sshrl.u32 s21, $0x3  }
0x352: {  	s3 =	smov.u32 s28;
	s2 =	smul.u32 $0x3000, s2;
	s26 =	sadd.s32 $0x80, s26  }
0x353: {  	[tilespmem:s25+$0x0] =	vst v4;
	s3 =	sadd.s32 $0x80, s24  }
0x354: {  	s3 =	sand.u32 $0x380, s3;
	s2 =	sshra.s32 s2, $0x2;
	v4 =	vld [tilespmem:s26+$0xFFFFFFBC]  }
0x355: {  	s2 =	sor.u32 s3, s2  }
0x356: {  	v5 =	vld [tilespmem:s2+$0xA20];
	_ =	sdelay $0x2  }
0x357: {  	v4 =	vperm.xlane v4, v3;
	_ =	sdelay $0x1  }
0x358: {  	v4 =	vsel vm2, v5, v4  }
0x359: {  	[tilespmem:s2+$0xA20] =	vst v4  }
0x35a: {  	v4 =	vld [tilespmem:s26+$0xFFFFFFC0];
	_ =	sdelay $0x4  }
0x35b: {  	[tilespmem:s2+$0xA30] =	vst v4  }
0x35c: {  	v4 =	vld [tilespmem:s26+$0xFFFFFFD0];
	_ =	sdelay $0x4  }
0x35d: {  	[tilespmem:s2+$0xA40] =	vst v4  }
0x35e: {  	v4 =	vld [tilespmem:s26+$0xFFFFFFE0];
	_ =	sdelay $0x4  }
0x35f: {  	[tilespmem:s2+$0xA50] =	vst v4  }
0x360: {  	v4 =	vld [tilespmem:s26+$0xFFFFFFF0];
	_ =	sdelay $0x4  }
0x361: {  	[tilespmem:s2+$0xA60] =	vst v4  }
0x362: {  	v4 =	vld [tilespmem:s26+$0x0];
	_ =	sdelay $0x4  }
0x363: {  	[tilespmem:s2+$0xA70] =	vst v4  }
0x364: {  	v4 =	vld [tilespmem:s26+$0x10];
	_ =	sdelay $0x3  }
0x365: {  	s25 =	sadd.s32 $0x80, s25  }
0x366: {  	[tilespmem:s25+$0xFFFFFFF0] =	vst v4  }
0x367: {  	v4 =	vld [tilespmem:s26+$0x2C];
	_ =	sdelay $0x4  }
0x368: {  	[tilespmem:s25+$0xC] =	vst v4  }
0x369: {  	v4 =	vld [tilespmem:s26+$0x20];
	_ =	sdelay $0x4  }
0x36a: {  	s26 =	rddreg [dreg:$0x15];
	[tilespmem:s25+$0x0] =	vst v4  }
0x36b: {  	[hbm4b:s26+s10] =	stream.strided.scatter [tilespmem:s0], [sflag:$0x5], $0x6000, s11, s10, $0x38;
	[tilespmem:$0x14200] =	vst v63  }
0x36c: {  	s31 =	rddreg [dreg:$0x16]  }
0x36d: {  	[hbm4b:s31+s12] =	stream.strided.scatter [tilespmem:s13], [sflag:$0x7], $0x2000, s11, s12, $0x38;
	[tilespmem:$0x14200] =	vst v63  }
0x36e: {  	_ =	swait.ge [sflag:s14], $0x6000  }
0x36f: {  	[sflag:s14] =	ssyncset.done $0x0  }
0x370: {  	[sflag:s14] =	ssyncadd.s32 $0xFFFFA000  }
0x371: {  	_ =	swait.ge [sflag:s15], $0x2000  }
0x372: {  	[sflag:s15] =	ssyncset.done $0x0  }
0x373: {  	[sflag:s15] =	ssyncadd.s32 $0xFFFFE000  }
0x374: {  	v4 =	vld [tilespmem:$0x180];
	_ =	sdelay $0x4  }
0x375: {  	v5 =	vshrl.u32 v4, $0x3  }
0x376: {  	v5 =	vmul.u32 $0x18, v5  }
0x377: {  	v4 =	vand.u32 $0x7, v4  }
0x378: {  	v4 =	vor.u32 v4, v5  }
0x379: {  	v5 =	vperm.xlane v4, v0;
	_ =	sdelay $0x1  }
0x37a: {  	v5 =	vadd.s32 v1, v5;
	_ =	sdelay $0x1  }
0x37b: {  	v4 =	vperm.xlane v4, v2;
	_ =	sdelay $0x1  }
0x37c: {  	s24 =	simm.s32 $0x0;
	v4 =	vadd.s32 v1, v4  }
0x37d: {  	[tilespmem:s0], [sflag:$0x1] =	stream.indirect_vreg.gather [hbm4b:s29+s24], $0x80, v5, vm0, $0xb8;
	[tilespmem:$0x14200] =	vst v63  }
0x37e: {  	s3 =	simm.s32 $0xA00  }
0x37f: {  	[tilespmem:s3], [sflag:$0x1] =	stream.indirect_vreg.gather [hbm4b:s30+s24], $0x80, v5, vm1, $0xb8;
	[tilespmem:$0x14200] =	vst v63  }
0x380: {  	s21 =	simm.s32 $0xE00  }
0x381: {  	[tilespmem:s21], [sflag:$0x1] =	stream.indirect_vreg.gather [hbm4b:s29+s24], $0x80, v4, vm0, $0xb8;
	[tilespmem:$0x14200] =	vst v63  }
0x382: {  	s25 =	simm.s32 $0x1600  }
0x383: {  	[tilespmem:s25], [sflag:$0x1] =	stream.indirect_vreg.gather [hbm4b:s30+s24], $0x80, v4, vm1, $0xb8;
	[tilespmem:$0x14200] =	vst v63  }
0x384: {  	v4 =	vld [tilespmem:$0x190];
	_ =	sdelay $0x4  }
0x385: {  	v5 =	vshrl.u32 v4, $0x3  }
0x386: {  	v5 =	vmul.u32 $0x18, v5  }
0x387: {  	v4 =	vand.u32 $0x7, v4  }
0x388: {  	v4 =	vor.u32 v4, v5  }
0x389: {  	v5 =	vperm.xlane v4, v0;
	_ =	sdelay $0x1  }
0x38a: {  	v5 =	vadd.s32 v1, v5;
	_ =	sdelay $0x1  }
0x38b: {  	v4 =	vperm.xlane v4, v2;
	_ =	sdelay $0x1  }
0x38c: {  	s26 =	simm.s32 $0x1A00;
	v4 =	vadd.s32 v1, v4  }
0x38d: {  	[tilespmem:s26], [sflag:$0x1] =	stream.indirect_vreg.gather [hbm4b:s29+s24], $0x80, v5, vm0, $0xb8;
	[tilespmem:$0x14200] =	vst v63  }
0x38e: {  	s31 =	simm.s32 $0x2200  }
0x38f: {  	[tilespmem:s31], [sflag:$0x1] =	stream.indirect_vreg.gather [hbm4b:s30+s24], $0x80, v5, vm1, $0xb8;
	[tilespmem:$0x14200] =	vst v63  }
0x390: {  	s3 =	simm.s32 $0x2600  }
0x391: {  	[tilespmem:s3], [sflag:$0x1] =	stream.indirect_vreg.gather [hbm4b:s29+s24], $0x80, v4, vm0, $0xb8;
	[tilespmem:$0x14200] =	vst v63  }
0x392: {  	s21 =	simm.s32 $0x2E00  }
0x393: {  	[tilespmem:s21], [sflag:$0x1] =	stream.indirect_vreg.gather [hbm4b:s30+s24], $0x80, v4, vm1, $0xb8;
	[tilespmem:$0x14200] =	vst v63  }
0x394: {  	v4 =	vld [tilespmem:$0x1A0];
	_ =	sdelay $0x4  }
0x395: {  	v5 =	vshrl.u32 v4, $0x3  }
0x396: {  	v5 =	vmul.u32 $0x18, v5  }
0x397: {  	v4 =	vand.u32 $0x7, v4  }
0x398: {  	v4 =	vor.u32 v4, v5  }
0x399: {  	v5 =	vperm.xlane v4, v0;
	_ =	sdelay $0x1  }
0x39a: {  	v5 =	vadd.s32 v1, v5;
	_ =	sdelay $0x1  }
0x39b: {  	v4 =	vperm.xlane v4, v2;
	_ =	sdelay $0x1  }
0x39c: {  	s25 =	simm.s32 $0x3200;
	v4 =	vadd.s32 v1, v4  }
0x39d: {  	[tilespmem:s25], [sflag:$0x1] =	stream.indirect_vreg.gather [hbm4b:s29+s24], $0x80, v5, vm0, $0xb8;
	[tilespmem:$0x14200] =	vst v63  }
0x39e: {  	s26 =	simm.s32 $0x3A00  }
0x39f: {  	[tilespmem:s26], [sflag:$0x1] =	stream.indirect_vreg.gather [hbm4b:s30+s24], $0x80, v5, vm1, $0xb8;
	[tilespmem:$0x14200] =	vst v63  }
0x3a0: {  	s31 =	simm.s32 $0x3E00  }
0x3a1: {  	[tilespmem:s31], [sflag:$0x1] =	stream.indirect_vreg.gather [hbm4b:s29+s24], $0x80, v4, vm0, $0xb8;
	[tilespmem:$0x14200] =	vst v63  }
0x3a2: {  	s3 =	simm.s32 $0x4600  }
0x3a3: {  	[tilespmem:s3], [sflag:$0x1] =	stream.indirect_vreg.gather [hbm4b:s30+s24], $0x80, v4, vm1, $0xb8;
	[tilespmem:$0x14200] =	vst v63  }
0x3a4: {  	v4 =	vld [tilespmem:$0x1B0];
	_ =	sdelay $0x4  }
0x3a5: {  	v5 =	vshrl.u32 v4, $0x3  }
0x3a6: {  	v5 =	vmul.u32 $0x18, v5  }
0x3a7: {  	v4 =	vand.u32 $0x7, v4  }
0x3a8: {  	v4 =	vor.u32 v4, v5  }
0x3a9: {  	v5 =	vperm.xlane v4, v0;
	_ =	sdelay $0x1  }
0x3aa: {  	v5 =	vadd.s32 v1, v5;
	_ =	sdelay $0x1  }
0x3ab: {  	v4 =	vperm.xlane v4, v2;
	_ =	sdelay $0x1  }
0x3ac: {  	s21 =	simm.s32 $0x4A00;
	v4 =	vadd.s32 v1, v4  }
0x3ad: {  	[tilespmem:s21], [sflag:$0x1] =	stream.indirect_vreg.gather [hbm4b:s29+s24], $0x80, v5, vm0, $0xb8;
	[tilespmem:$0x14200] =	vst v63  }
0x3ae: {  	s25 =	simm.s32 $0x5200  }
0x3af: {  	[tilespmem:s25], [sflag:$0x1] =	stream.indirect_vreg.gather [hbm4b:s30+s24], $0x80, v5, vm1, $0xb8;
	[tilespmem:$0x14200] =	vst v63  }
0x3b0: {  	s26 =	simm.s32 $0x5600  }
0x3b1: {  	[tilespmem:s26], [sflag:$0x1] =	stream.indirect_vreg.gather [hbm4b:s29+s24], $0x80, v4, vm0, $0xb8;
	[tilespmem:$0x14200] =	vst v63  }
0x3b2: {  	s31 =	simm.s32 $0x5E00  }
0x3b3: {  	[tilespmem:s31], [sflag:$0x1] =	stream.indirect_vreg.gather [hbm4b:s30+s24], $0x80, v4, vm1, $0xb8;
	[tilespmem:$0x14200] =	vst v63  }
0x3b4: {  	s3 =	rddreg [dreg:$0xf];
	s21 =	simm.s32 $0xC200  }
0x3b5: {  	[tilespmem:s21], [sflag:$0x3] =	stream.linear.gather [hbm4b:s3+s24], $0x2000, $0x38;
	[tilespmem:$0x14200] =	vst v63  }
0x3b6: {  	_ =	swait.ge [sflag:s16], $0x6000  }
0x3b7: {  	[sflag:s16] =	ssyncset.done $0x0  }
0x3b8: {  	[sflag:s16] =	ssyncadd.s32 $0xFFFFA000  }
0x3b9: {  	s25 =	simm.s32 $0x0;
	_ =	swait.ge [sflag:s17], $0x2000  }
0x3ba: {  	s2 =	smul.u32 $0x3000, s25;
	[sflag:s17] =	ssyncset.done $0x0  }
0x3bb: {  	s25 =	simm.s32 $0xE200;
	[sflag:s17] =	ssyncadd.s32 $0xFFFFE000  }
0x3bc: {  	s26 =	sand.u32 $0x380, s24;
	s2 =	sshra.s32 s2, $0x2;
	v4 =	vld [tilespmem:s25+$0x0]  }
0x3bd: {  	s2 =	sor.u32 s26, s2  }
0x3be: {  	v5 =	vld [tilespmem:s2+$0x6A20];
	_ =	sdelay $0x2  }
0x3bf: {  	v4 =	vperm.xlane v4, v3;
	_ =	sdelay $0x1  }
0x3c0: {  	v4 =	vsel vm2, v5, v4  }
0x3c1: {  	[tilespmem:s2+$0x6A20] =	vst v4  }
0x3c2: {  	v4 =	vld [tilespmem:s25+$0x4];
	_ =	sdelay $0x4  }
0x3c3: {  	[tilespmem:s2+$0x6A30] =	vst v4  }
0x3c4: {  	v4 =	vld [tilespmem:s25+$0x14];
	_ =	sdelay $0x4  }
0x3c5: {  	[tilespmem:s2+$0x6A40] =	vst v4  }
0x3c6: {  	v4 =	vld [tilespmem:s25+$0x24];
	_ =	sdelay $0x4  }
0x3c7: {  	[tilespmem:s2+$0x6A50] =	vst v4  }
0x3c8: {  	v4 =	vld [tilespmem:s25+$0x34];
	_ =	sdelay $0x4  }
0x3c9: {  	[tilespmem:s2+$0x6A60] =	vst v4  }
0x3ca: {  	v4 =	vld [tilespmem:s25+$0x44];
	_ =	sdelay $0x4  }
0x3cb: {  	[tilespmem:s2+$0x6A70] =	vst v4  }
0x3cc: {  	v4 =	vld [tilespmem:s25+$0x54];
	_ =	sdelay $0x3  }
0x3cd: {  	s28 =	simm.s32 $0x1221C  }
0x3ce: {  	[tilespmem:s28+$0xFFFFFFE4] =	vst v4  }
0x3cf: {  	v4 =	vld [tilespmem:s25+$0x70];
	_ =	sdelay $0x4  }
0x3d0: {  	[tilespmem:s28+$0x0] =	vst v4  }
0x3d1: {  	v4 =	vld [tilespmem:s25+$0x64];
	_ =	sdelay $0x1  }
0x3d2: {  	s31 =	simm.s32 $0x0  }
0x3d3: {  	s26 =	simm.s32 $0x1229C;
	s3 =	simm.s32 $0x2;
	s2 =	smul.u32 $0x3000, s31  }
.LBB2_12:
0x3d4: {  	s24 =	sadd.s32 $0x80, s24;
	s25 =	sadd.s32 $0x80, s25  }
0x3d5: {  	[tilespmem:s28+$0xFFFFFFF4] =	vst v4;
	s21 =	smov.u32 s3;
	s31 =	sadd.s32 $0x1, s3;
	s28 =	smov.u32 s26  }
0x3d6: {  	p0 =	sne.s32 s3, $0x3F;
	s3 =	sand.u32 $0x380, s24;
	s2 =	sshra.s32 s2, $0x2;
	v4 =	vld [tilespmem:s25+$0x0]  }
0x3d7: {  	s2 =	sor.u32 s3, s2  }
0x3d8: {  	v5 =	vld [tilespmem:s2+$0x6A20];
	_ =	sdelay $0x2  }
0x3d9: {  	v4 =	vperm.xlane v4, v3;
	_ =	sdelay $0x1  }
0x3da: {  	v4 =	vsel vm2, v5, v4  }
0x3db: {  	[tilespmem:s2+$0x6A20] =	vst v4  }
0x3dc: {  	v4 =	vld [tilespmem:s25+$0x4];
	_ =	sdelay $0x4  }
0x3dd: {  	[tilespmem:s2+$0x6A30] =	vst v4  }
0x3de: {  	v4 =	vld [tilespmem:s25+$0x14];
	_ =	sdelay $0x4  }
0x3df: {  	[tilespmem:s2+$0x6A40] =	vst v4  }
0x3e0: {  	v4 =	vld [tilespmem:s25+$0x24];
	_ =	sdelay $0x4  }
0x3e1: {  	[tilespmem:s2+$0x6A50] =	vst v4  }
0x3e2: {  	v4 =	vld [tilespmem:s25+$0x34];
	_ =	sdelay $0x4  }
0x3e3: {  	[tilespmem:s2+$0x6A60] =	vst v4  }
0x3e4: {  	v4 =	vld [tilespmem:s25+$0x44];
	_ =	sdelay $0x4  }
0x3e5: {  	[tilespmem:s2+$0x6A70] =	vst v4  }
0x3e6: {  	v4 =	vld [tilespmem:s25+$0x54];
	_ =	sdelay $0x4  }
0x3e7: {  	[tilespmem:s26+$0xFFFFFFE4] =	vst v4  }
0x3e8: {  	v4 =	vld [tilespmem:s25+$0x70];
	_ =	sdelay $0x4  }
0x3e9: {  	[tilespmem:s26+$0x0] =	vst v4  }
.Ltmp5:
0x3ea: {  	v4 =	vld [tilespmem:s25+$0x64];
	(pc) =	sbr.rel @p0 .LBB2_12-.Ltmp5, $3  }
0x3eb: {  	_ =	sdelay $0x1  }
0x3ec: {  	s2 =	sshrl.u32 s21, $0x3  }
0x3ed: {  	s3 =	smov.u32 s31;
	s2 =	smul.u32 $0x3000, s2;
	s26 =	sadd.s32 $0x80, s26  }
0x3ee: {  	[tilespmem:s28+$0xFFFFFFF4] =	vst v4;
	s3 =	sadd.s32 $0x80, s24;
	s21 =	sadd.s32 $0x80, s25  }
0x3ef: {  	s3 =	sand.u32 $0x380, s3;
	s2 =	sshra.s32 s2, $0x2;
	v4 =	vld [tilespmem:s21+$0x0]  }
0x3f0: {  	s2 =	sor.u32 s3, s2  }
0x3f1: {  	v5 =	vld [tilespmem:s2+$0x6A20];
	_ =	sdelay $0x2  }
0x3f2: {  	v4 =	vperm.xlane v4, v3;
	_ =	sdelay $0x1  }
0x3f3: {  	v4 =	vsel vm2, v5, v4  }
0x3f4: {  	[tilespmem:s2+$0x6A20] =	vst v4  }
0x3f5: {  	v4 =	vld [tilespmem:s21+$0x4];
	_ =	sdelay $0x4  }
0x3f6: {  	[tilespmem:s2+$0x6A30] =	vst v4  }
0x3f7: {  	v4 =	vld [tilespmem:s21+$0x14];
	_ =	sdelay $0x4  }
0x3f8: {  	[tilespmem:s2+$0x6A40] =	vst v4  }
0x3f9: {  	v4 =	vld [tilespmem:s21+$0x24];
	_ =	sdelay $0x4  }
0x3fa: {  	[tilespmem:s2+$0x6A50] =	vst v4  }
0x3fb: {  	v4 =	vld [tilespmem:s21+$0x34];
	_ =	sdelay $0x4  }
0x3fc: {  	[tilespmem:s2+$0x6A60] =	vst v4  }
0x3fd: {  	v4 =	vld [tilespmem:s21+$0x44];
	_ =	sdelay $0x4  }
0x3fe: {  	[tilespmem:s2+$0x6A70] =	vst v4  }
0x3ff: {  	v4 =	vld [tilespmem:s21+$0x54];
	_ =	sdelay $0x4  }
0x400: {  	[tilespmem:s26+$0xFFFFFFE4] =	vst v4  }
0x401: {  	v4 =	vld [tilespmem:s21+$0x70];
	_ =	sdelay $0x4  }
0x402: {  	[tilespmem:s26+$0x0] =	vst v4  }
0x403: {  	v4 =	vld [tilespmem:s21+$0x64];
	_ =	sdelay $0x4  }
0x404: {  	s31 =	rddreg [dreg:$0x17];
	[tilespmem:s26+$0xFFFFFFF4] =	vst v4  }
0x405: {  	[hbm4b:s31+s10] =	stream.strided.scatter [tilespmem:s18], [sflag:$0x6], $0x6000, s11, s10, $0x38;
	[tilespmem:$0x14200] =	vst v63  }
0x406: {  	s3 =	rddreg [dreg:$0x18]  }
0x407: {  	[hbm4b:s3+s12] =	stream.strided.scatter [tilespmem:s19], [sflag:$0x8], $0x2000, s11, s12, $0x38;
	[tilespmem:$0x14200] =	vst v63  }
0x408: {  	_ =	swait.ge [sflag:s20], $0x6000  }
0x409: {  	[sflag:s20] =	ssyncset.done $0x0  }
0x40a: {  	[sflag:s20] =	ssyncadd.s32 $0xFFFFA000  }
0x40b: {  	_ =	swait.ge [sflag:s22], $0x2000  }
0x40c: {  	[sflag:s22] =	ssyncset.done $0x0  }
0x40d: {  	[sflag:s22] =	ssyncadd.s32 $0xFFFFE000  }
0x40e: {  	v4 =	vld [tilespmem:$0x1C0];
	_ =	sdelay $0x4  }
0x40f: {  	v5 =	vshrl.u32 v4, $0x3  }
0x410: {  	v5 =	vmul.u32 $0x18, v5  }
0x411: {  	v4 =	vand.u32 $0x7, v4  }
0x412: {  	v4 =	vor.u32 v4, v5  }
0x413: {  	v5 =	vperm.xlane v4, v0;
	_ =	sdelay $0x1  }
0x414: {  	v5 =	vadd.s32 v1, v5;
	_ =	sdelay $0x1  }
0x415: {  	v4 =	vperm.xlane v4, v2;
	_ =	sdelay $0x1  }
0x416: {  	s24 =	simm.s32 $0x0;
	v4 =	vadd.s32 v1, v4  }
0x417: {  	[tilespmem:s18], [sflag:$0x2] =	stream.indirect_vreg.gather [hbm4b:s29+s24], $0x80, v5, vm0, $0xb8;
	[tilespmem:$0x14200] =	vst v63  }
0x418: {  	s21 =	simm.s32 $0x6A00  }
0x419: {  	[tilespmem:s21], [sflag:$0x2] =	stream.indirect_vreg.gather [hbm4b:s30+s24], $0x80, v5, vm1, $0xb8;
	[tilespmem:$0x14200] =	vst v63  }
0x41a: {  	s25 =	simm.s32 $0x6E00  }
0x41b: {  	[tilespmem:s25], [sflag:$0x2] =	stream.indirect_vreg.gather [hbm4b:s29+s24], $0x80, v4, vm0, $0xb8;
	[tilespmem:$0x14200] =	vst v63  }
0x41c: {  	s26 =	simm.s32 $0x7600  }
0x41d: {  	[tilespmem:s26], [sflag:$0x2] =	stream.indirect_vreg.gather [hbm4b:s30+s24], $0x80, v4, vm1, $0xb8;
	[tilespmem:$0x14200] =	vst v63  }
0x41e: {  	v4 =	vld [tilespmem:$0x1D0];
	_ =	sdelay $0x4  }
0x41f: {  	v5 =	vshrl.u32 v4, $0x3  }
0x420: {  	v5 =	vmul.u32 $0x18, v5  }
0x421: {  	v4 =	vand.u32 $0x7, v4  }
0x422: {  	v4 =	vor.u32 v4, v5  }
0x423: {  	v5 =	vperm.xlane v4, v0;
	_ =	sdelay $0x1  }
0x424: {  	v5 =	vadd.s32 v1, v5;
	_ =	sdelay $0x1  }
0x425: {  	v4 =	vperm.xlane v4, v2;
	_ =	sdelay $0x1  }
0x426: {  	s28 =	simm.s32 $0x7A00;
	v4 =	vadd.s32 v1, v4  }
0x427: {  	[tilespmem:s28], [sflag:$0x2] =	stream.indirect_vreg.gather [hbm4b:s29+s24], $0x80, v5, vm0, $0xb8;
	[tilespmem:$0x14200] =	vst v63  }
0x428: {  	s31 =	simm.s32 $0x8200  }
0x429: {  	[tilespmem:s31], [sflag:$0x2] =	stream.indirect_vreg.gather [hbm4b:s30+s24], $0x80, v5, vm1, $0xb8;
	[tilespmem:$0x14200] =	vst v63  }
0x42a: {  	s3 =	simm.s32 $0x8600  }
0x42b: {  	[tilespmem:s3], [sflag:$0x2] =	stream.indirect_vreg.gather [hbm4b:s29+s24], $0x80, v4, vm0, $0xb8;
	[tilespmem:$0x14200] =	vst v63  }
0x42c: {  	s21 =	simm.s32 $0x8E00  }
0x42d: {  	[tilespmem:s21], [sflag:$0x2] =	stream.indirect_vreg.gather [hbm4b:s30+s24], $0x80, v4, vm1, $0xb8;
	[tilespmem:$0x14200] =	vst v63  }
0x42e: {  	v4 =	vld [tilespmem:$0x1E0];
	_ =	sdelay $0x4  }
0x42f: {  	v5 =	vshrl.u32 v4, $0x3  }
0x430: {  	v5 =	vmul.u32 $0x18, v5  }
0x431: {  	v4 =	vand.u32 $0x7, v4  }
0x432: {  	v4 =	vor.u32 v4, v5  }
0x433: {  	v5 =	vperm.xlane v4, v0;
	_ =	sdelay $0x1  }
0x434: {  	v5 =	vadd.s32 v1, v5;
	_ =	sdelay $0x1  }
0x435: {  	v4 =	vperm.xlane v4, v2;
	_ =	sdelay $0x1  }
0x436: {  	s25 =	simm.s32 $0x9200;
	v4 =	vadd.s32 v1, v4  }
0x437: {  	[tilespmem:s25], [sflag:$0x2] =	stream.indirect_vreg.gather [hbm4b:s29+s24], $0x80, v5, vm0, $0xb8;
	[tilespmem:$0x14200] =	vst v63  }
0x438: {  	s26 =	simm.s32 $0x9A00  }
0x439: {  	[tilespmem:s26], [sflag:$0x2] =	stream.indirect_vreg.gather [hbm4b:s30+s24], $0x80, v5, vm1, $0xb8;
	[tilespmem:$0x14200] =	vst v63  }
0x43a: {  	s28 =	simm.s32 $0x9E00  }
0x43b: {  	[tilespmem:s28], [sflag:$0x2] =	stream.indirect_vreg.gather [hbm4b:s29+s24], $0x80, v4, vm0, $0xb8;
	[tilespmem:$0x14200] =	vst v63  }
0x43c: {  	s31 =	simm.s32 $0xA600  }
0x43d: {  	[tilespmem:s31], [sflag:$0x2] =	stream.indirect_vreg.gather [hbm4b:s30+s24], $0x80, v4, vm1, $0xb8;
	[tilespmem:$0x14200] =	vst v63  }
0x43e: {  	v4 =	vld [tilespmem:$0x1F0];
	_ =	sdelay $0x4  }
0x43f: {  	v5 =	vshrl.u32 v4, $0x3  }
0x440: {  	v5 =	vmul.u32 $0x18, v5  }
0x441: {  	v4 =	vand.u32 $0x7, v4  }
0x442: {  	v4 =	vor.u32 v4, v5  }
0x443: {  	v5 =	vperm.xlane v4, v0;
	_ =	sdelay $0x1  }
0x444: {  	v5 =	vadd.s32 v1, v5;
	_ =	sdelay $0x1  }
0x445: {  	v4 =	vperm.xlane v4, v2;
	_ =	sdelay $0x1  }
0x446: {  	s3 =	simm.s32 $0xAA00;
	v4 =	vadd.s32 v1, v4  }
0x447: {  	[tilespmem:s3], [sflag:$0x2] =	stream.indirect_vreg.gather [hbm4b:s29+s24], $0x80, v5, vm0, $0xb8;
	[tilespmem:$0x14200] =	vst v63  }
0x448: {  	_ = 	snop  }
0x449: {  	[tilespmem:s4], [sflag:$0x2] =	stream.indirect_vreg.gather [hbm4b:s30+s24], $0x80, v5, vm1, $0xb8;
	[tilespmem:$0x14200] =	vst v63  }
0x44a: {  	_ = 	snop  }
0x44b: {  	[tilespmem:s5], [sflag:$0x2] =	stream.indirect_vreg.gather [hbm4b:s29+s24], $0x80, v4, vm0, $0xb8;
	[tilespmem:$0x14200] =	vst v63  }
0x44c: {  	_ = 	snop  }
0x44d: {  	[tilespmem:s6], [sflag:$0x2] =	stream.indirect_vreg.gather [hbm4b:s30+s24], $0x80, v4, vm1, $0xb8;
	[tilespmem:$0x14200] =	vst v63  }
0x44e: {  	s21 =	rddreg [dreg:$0x10]  }
0x44f: {  	[tilespmem:s7], [sflag:$0x4] =	stream.linear.gather [hbm4b:s21+s24], $0x2000, $0x38;
	[tilespmem:$0x14200] =	vst v63  }
0x450: {  	_ =	swait.ge [sflag:s8], $0x6000  }
0x451: {  	[sflag:s8] =	ssyncset.done $0x0  }
0x452: {  	[sflag:s8] =	ssyncadd.s32 $0xFFFFA000  }
0x453: {  	s25 =	simm.s32 $0x0;
	_ =	swait.ge [sflag:s9], $0x2000  }
0x454: {  	s2 =	smul.u32 $0x3000, s25;
	[sflag:s9] =	ssyncset.done $0x0  }
0x455: {  	s26 =	simm.s32 $0xC244;
	[sflag:s9] =	ssyncadd.s32 $0xFFFFE000  }
0x456: {  	s2 =	sshra.s32 s2, $0x2;
	s28 =	sand.u32 $0x380, s24;
	v4 =	vld [tilespmem:s26+$0xFFFFFFBC]  }
0x457: {  	s2 =	sor.u32 s28, s2  }
0x458: {  	v5 =	vld [tilespmem:s2+$0xA20];
	_ =	sdelay $0x2  }
0x459: {  	v4 =	vperm.xlane v4, v3;
	_ =	sdelay $0x1  }
0x45a: {  	v4 =	vsel vm2, v5, v4  }
0x45b: {  	[tilespmem:s2+$0xA20] =	vst v4  }
0x45c: {  	v4 =	vld [tilespmem:s26+$0xFFFFFFC0];
	_ =	sdelay $0x4  }
0x45d: {  	[tilespmem:s2+$0xA30] =	vst v4  }
0x45e: {  	v4 =	vld [tilespmem:s26+$0xFFFFFFD0];
	_ =	sdelay $0x4  }
0x45f: {  	[tilespmem:s2+$0xA40] =	vst v4  }
0x460: {  	v4 =	vld [tilespmem:s26+$0xFFFFFFE0];
	_ =	sdelay $0x4  }
0x461: {  	[tilespmem:s2+$0xA50] =	vst v4  }
0x462: {  	v4 =	vld [tilespmem:s26+$0xFFFFFFF0];
	_ =	sdelay $0x4  }
0x463: {  	[tilespmem:s2+$0xA60] =	vst v4  }
0x464: {  	v4 =	vld [tilespmem:s26+$0x0];
	_ =	sdelay $0x4  }
0x465: {  	[tilespmem:s2+$0xA70] =	vst v4  }
0x466: {  	v4 =	vld [tilespmem:s26+$0x10];
	_ =	sdelay $0x3  }
0x467: {  	s25 =	simm.s32 $0x10210  }
0x468: {  	[tilespmem:s25+$0xFFFFFFF0] =	vst v4  }
0x469: {  	v4 =	vld [tilespmem:s26+$0x2C];
	_ =	sdelay $0x4  }
0x46a: {  	[tilespmem:s25+$0xC] =	vst v4  }
0x46b: {  	v4 =	vld [tilespmem:s26+$0x20];
	_ =	sdelay $0x1  }
0x46c: {  	s31 =	simm.s32 $0x0  }
0x46d: {  	s3 =	simm.s32 $0x2;
	s2 =	smul.u32 $0x3000, s31;
	s26 =	simm.s32 $0xC2C4  }
.LBB2_14:
0x46e: {  	s24 =	sadd.s32 $0x80, s24  }
0x46f: {  	[tilespmem:s25+$0x0] =	vst v4;
	s25 =	sadd.s32 $0x80, s25;
	s21 =	smov.u32 s3;
	s28 =	sadd.s32 $0x1, s3  }
0x470: {  	p0 =	sne.s32 s3, $0x3F;
	s3 =	sand.u32 $0x380, s24;
	s2 =	sshra.s32 s2, $0x2;
	v4 =	vld [tilespmem:s26+$0xFFFFFFBC]  }
0x471: {  	s2 =	sor.u32 s3, s2  }
0x472: {  	v5 =	vld [tilespmem:s2+$0xA20];
	_ =	sdelay $0x2  }
0x473: {  	v4 =	vperm.xlane v4, v3;
	_ =	sdelay $0x1  }
0x474: {  	v4 =	vsel vm2, v5, v4  }
0x475: {  	[tilespmem:s2+$0xA20] =	vst v4  }
0x476: {  	v4 =	vld [tilespmem:s26+$0xFFFFFFC0];
	_ =	sdelay $0x4  }
0x477: {  	[tilespmem:s2+$0xA30] =	vst v4  }
0x478: {  	v4 =	vld [tilespmem:s26+$0xFFFFFFD0];
	_ =	sdelay $0x4  }
0x479: {  	[tilespmem:s2+$0xA40] =	vst v4  }
0x47a: {  	v4 =	vld [tilespmem:s26+$0xFFFFFFE0];
	_ =	sdelay $0x4  }
0x47b: {  	[tilespmem:s2+$0xA50] =	vst v4  }
0x47c: {  	v4 =	vld [tilespmem:s26+$0xFFFFFFF0];
	_ =	sdelay $0x4  }
0x47d: {  	[tilespmem:s2+$0xA60] =	vst v4  }
0x47e: {  	v4 =	vld [tilespmem:s26+$0x0];
	_ =	sdelay $0x4  }
0x47f: {  	[tilespmem:s2+$0xA70] =	vst v4  }
0x480: {  	v4 =	vld [tilespmem:s26+$0x10];
	_ =	sdelay $0x4  }
0x481: {  	[tilespmem:s25+$0xFFFFFFF0] =	vst v4  }
0x482: {  	v4 =	vld [tilespmem:s26+$0x2C];
	_ =	sdelay $0x4  }
0x483: {  	[tilespmem:s25+$0xC] =	vst v4  }
.Ltmp6:
0x484: {  	v4 =	vld [tilespmem:s26+$0x20];
	(pc) =	sbr.rel @p0 .LBB2_14-.Ltmp6, $3  }
0x485: {  	_ =	sdelay $0x1  }
0x486: {  	s2 =	sshrl.u32 s21, $0x3  }
0x487: {  	s3 =	smov.u32 s28;
	s2 =	smul.u32 $0x3000, s2;
	s26 =	sadd.s32 $0x80, s26  }
0x488: {  	[tilespmem:s25+$0x0] =	vst v4;
	s3 =	sadd.s32 $0x80, s24  }
0x489: {  	s3 =	sand.u32 $0x380, s3;
	s2 =	sshra.s32 s2, $0x2;
	v4 =	vld [tilespmem:s26+$0xFFFFFFBC]  }
0x48a: {  	s2 =	sor.u32 s3, s2  }
0x48b: {  	v5 =	vld [tilespmem:s2+$0xA20];
	_ =	sdelay $0x2  }
0x48c: {  	v4 =	vperm.xlane v4, v3;
	_ =	sdelay $0x1  }
0x48d: {  	v4 =	vsel vm2, v5, v4  }
0x48e: {  	[tilespmem:s2+$0xA20] =	vst v4  }
0x48f: {  	v4 =	vld [tilespmem:s26+$0xFFFFFFC0];
	_ =	sdelay $0x4  }
0x490: {  	[tilespmem:s2+$0xA30] =	vst v4  }
0x491: {  	v4 =	vld [tilespmem:s26+$0xFFFFFFD0];
	_ =	sdelay $0x4  }
0x492: {  	[tilespmem:s2+$0xA40] =	vst v4  }
0x493: {  	v4 =	vld [tilespmem:s26+$0xFFFFFFE0];
	_ =	sdelay $0x4  }
0x494: {  	[tilespmem:s2+$0xA50] =	vst v4  }
0x495: {  	v4 =	vld [tilespmem:s26+$0xFFFFFFF0];
	_ =	sdelay $0x4  }
0x496: {  	[tilespmem:s2+$0xA60] =	vst v4  }
0x497: {  	v4 =	vld [tilespmem:s26+$0x0];
	_ =	sdelay $0x4  }
0x498: {  	[tilespmem:s2+$0xA70] =	vst v4  }
0x499: {  	v4 =	vld [tilespmem:s26+$0x10];
	_ =	sdelay $0x3  }
0x49a: {  	s3 =	sadd.s32 $0x80, s25  }
0x49b: {  	[tilespmem:s3+$0xFFFFFFF0] =	vst v4  }
0x49c: {  	v4 =	vld [tilespmem:s26+$0x2C];
	_ =	sdelay $0x4  }
0x49d: {  	[tilespmem:s3+$0xC] =	vst v4  }
0x49e: {  	v4 =	vld [tilespmem:s26+$0x20];
	_ =	sdelay $0x4  }
0x49f: {  	s21 =	rddreg [dreg:$0x19];
	[tilespmem:s3+$0x0] =	vst v4  }
0x4a0: {  	[hbm4b:s21+s10] =	stream.strided.scatter [tilespmem:s0], [sflag:$0x5], $0x6000, s11, s10, $0x38;
	[tilespmem:$0x14200] =	vst v63  }
0x4a1: {  	s24 =	rddreg [dreg:$0x1a]  }
0x4a2: {  	[hbm4b:s24+s12] =	stream.strided.scatter [tilespmem:s13], [sflag:$0x7], $0x2000, s11, s12, $0x38;
	[tilespmem:$0x14200] =	vst v63  }
0x4a3: {  	_ =	swait.ge [sflag:s16], $0x6000  }
0x4a4: {  	[sflag:s16] =	ssyncset.done $0x0  }
0x4a5: {  	[sflag:s16] =	ssyncadd.s32 $0xFFFFA000  }
0x4a6: {  	s25 =	simm.s32 $0x0;
	_ =	swait.ge [sflag:s17], $0x2000  }
0x4a7: {  	s2 =	smul.u32 $0x3000, s25;
	[sflag:s17] =	ssyncset.done $0x0  }
0x4a8: {  	s25 =	simm.s32 $0xE200;
	s24 =	simm.s32 $0x0;
	[sflag:s17] =	ssyncadd.s32 $0xFFFFE000  }
0x4a9: {  	s2 =	sshra.s32 s2, $0x2;
	s26 =	sand.u32 $0x380, s24;
	v4 =	vld [tilespmem:s25+$0x0]  }
0x4aa: {  	s2 =	sor.u32 s26, s2  }
0x4ab: {  	v5 =	vld [tilespmem:s2+$0x6A20];
	_ =	sdelay $0x2  }
0x4ac: {  	v4 =	vperm.xlane v4, v3;
	_ =	sdelay $0x1  }
0x4ad: {  	v4 =	vsel vm2, v5, v4  }
0x4ae: {  	[tilespmem:s2+$0x6A20] =	vst v4  }
0x4af: {  	v4 =	vld [tilespmem:s25+$0x4];
	_ =	sdelay $0x4  }
0x4b0: {  	[tilespmem:s2+$0x6A30] =	vst v4  }
0x4b1: {  	v4 =	vld [tilespmem:s25+$0x14];
	_ =	sdelay $0x4  }
0x4b2: {  	[tilespmem:s2+$0x6A40] =	vst v4  }
0x4b3: {  	v4 =	vld [tilespmem:s25+$0x24];
	_ =	sdelay $0x4  }
0x4b4: {  	[tilespmem:s2+$0x6A50] =	vst v4  }
0x4b5: {  	v4 =	vld [tilespmem:s25+$0x34];
	_ =	sdelay $0x4  }
0x4b6: {  	[tilespmem:s2+$0x6A60] =	vst v4  }
0x4b7: {  	v4 =	vld [tilespmem:s25+$0x44];
	_ =	sdelay $0x4  }
0x4b8: {  	[tilespmem:s2+$0x6A70] =	vst v4  }
0x4b9: {  	v4 =	vld [tilespmem:s25+$0x54];
	_ =	sdelay $0x3  }
0x4ba: {  	s28 =	simm.s32 $0x1221C  }
0x4bb: {  	[tilespmem:s28+$0xFFFFFFE4] =	vst v4  }
0x4bc: {  	v4 =	vld [tilespmem:s25+$0x70];
	_ =	sdelay $0x4  }
0x4bd: {  	[tilespmem:s28+$0x0] =	vst v4  }
0x4be: {  	v4 =	vld [tilespmem:s25+$0x64];
	_ =	sdelay $0x1  }
0x4bf: {  	s31 =	simm.s32 $0x0  }
0x4c0: {  	s3 =	simm.s32 $0x2;
	s26 =	simm.s32 $0x1229C;
	s2 =	smul.u32 $0x3000, s31  }
.LBB2_16:
0x4c1: {  	s24 =	sadd.s32 $0x80, s24;
	s25 =	sadd.s32 $0x80, s25  }
0x4c2: {  	[tilespmem:s28+$0xFFFFFFF4] =	vst v4;
	s21 =	smov.u32 s3;
	s31 =	sadd.s32 $0x1, s3;
	s28 =	smov.u32 s26  }
0x4c3: {  	p0 =	sne.s32 s3, $0x3F;
	s3 =	sand.u32 $0x380, s24;
	s2 =	sshra.s32 s2, $0x2;
	v4 =	vld [tilespmem:s25+$0x0]  }
0x4c4: {  	s2 =	sor.u32 s3, s2  }
0x4c5: {  	v5 =	vld [tilespmem:s2+$0x6A20];
	_ =	sdelay $0x2  }
0x4c6: {  	v4 =	vperm.xlane v4, v3;
	_ =	sdelay $0x1  }
0x4c7: {  	v4 =	vsel vm2, v5, v4  }
0x4c8: {  	[tilespmem:s2+$0x6A20] =	vst v4  }
0x4c9: {  	v4 =	vld [tilespmem:s25+$0x4];
	_ =	sdelay $0x4  }
0x4ca: {  	[tilespmem:s2+$0x6A30] =	vst v4  }
0x4cb: {  	v4 =	vld [tilespmem:s25+$0x14];
	_ =	sdelay $0x4  }
0x4cc: {  	[tilespmem:s2+$0x6A40] =	vst v4  }
0x4cd: {  	v4 =	vld [tilespmem:s25+$0x24];
	_ =	sdelay $0x4  }
0x4ce: {  	[tilespmem:s2+$0x6A50] =	vst v4  }
0x4cf: {  	v4 =	vld [tilespmem:s25+$0x34];
	_ =	sdelay $0x4  }
0x4d0: {  	[tilespmem:s2+$0x6A60] =	vst v4  }
0x4d1: {  	v4 =	vld [tilespmem:s25+$0x44];
	_ =	sdelay $0x4  }
0x4d2: {  	[tilespmem:s2+$0x6A70] =	vst v4  }
0x4d3: {  	v4 =	vld [tilespmem:s25+$0x54];
	_ =	sdelay $0x4  }
0x4d4: {  	[tilespmem:s26+$0xFFFFFFE4] =	vst v4  }
0x4d5: {  	v4 =	vld [tilespmem:s25+$0x70];
	_ =	sdelay $0x4  }
0x4d6: {  	[tilespmem:s26+$0x0] =	vst v4  }
.Ltmp7:
0x4d7: {  	v4 =	vld [tilespmem:s25+$0x64];
	(pc) =	sbr.rel @p0 .LBB2_16-.Ltmp7, $3  }
0x4d8: {  	_ =	sdelay $0x1  }
0x4d9: {  	s2 =	sshrl.u32 s21, $0x3  }
0x4da: {  	s3 =	smov.u32 s31;
	s2 =	smul.u32 $0x3000, s2;
	s26 =	sadd.s32 $0x80, s26  }
0x4db: {  	[tilespmem:s28+$0xFFFFFFF4] =	vst v4;
	s3 =	sadd.s32 $0x80, s24;
	s21 =	sadd.s32 $0x80, s25  }
0x4dc: {  	s3 =	sand.u32 $0x380, s3;
	s2 =	sshra.s32 s2, $0x2;
	v4 =	vld [tilespmem:s21+$0x0]  }
0x4dd: {  	s2 =	sor.u32 s3, s2  }
0x4de: {  	v5 =	vld [tilespmem:s2+$0x6A20];
	_ =	sdelay $0x2  }
0x4df: {  	v4 =	vperm.xlane v4, v3;
	_ =	sdelay $0x1  }
0x4e0: {  	v4 =	vsel vm2, v5, v4  }
0x4e1: {  	[tilespmem:s2+$0x6A20] =	vst v4  }
0x4e2: {  	v4 =	vld [tilespmem:s21+$0x4];
	_ =	sdelay $0x4  }
0x4e3: {  	[tilespmem:s2+$0x6A30] =	vst v4  }
0x4e4: {  	v4 =	vld [tilespmem:s21+$0x14];
	_ =	sdelay $0x4  }
0x4e5: {  	[tilespmem:s2+$0x6A40] =	vst v4  }
0x4e6: {  	v4 =	vld [tilespmem:s21+$0x24];
	_ =	sdelay $0x4  }
0x4e7: {  	[tilespmem:s2+$0x6A50] =	vst v4  }
0x4e8: {  	v4 =	vld [tilespmem:s21+$0x34];
	_ =	sdelay $0x4  }
0x4e9: {  	[tilespmem:s2+$0x6A60] =	vst v4  }
0x4ea: {  	v4 =	vld [tilespmem:s21+$0x44];
	_ =	sdelay $0x4  }
0x4eb: {  	[tilespmem:s2+$0x6A70] =	vst v4  }
0x4ec: {  	v4 =	vld [tilespmem:s21+$0x54];
	_ =	sdelay $0x4  }
0x4ed: {  	[tilespmem:s26+$0xFFFFFFE4] =	vst v4  }
0x4ee: {  	v4 =	vld [tilespmem:s21+$0x70];
	_ =	sdelay $0x4  }
0x4ef: {  	[tilespmem:s26+$0x0] =	vst v4  }
0x4f0: {  	v4 =	vld [tilespmem:s21+$0x64];
	_ =	sdelay $0x4  }
0x4f1: {  	[tilespmem:s26+$0xFFFFFFF4] =	vst v4;
	s26 =	rddreg [dreg:$0x1b]  }
0x4f2: {  	[hbm4b:s26+s10] =	stream.strided.scatter [tilespmem:s18], [sflag:$0x6], $0x6000, s11, s10, $0x38;
	[tilespmem:$0x14200] =	vst v63  }
0x4f3: {  	s28 =	rddreg [dreg:$0x1c]  }
0x4f4: {  	[hbm4b:s28+s12] =	stream.strided.scatter [tilespmem:s19], [sflag:$0x8], $0x2000, s11, s12, $0x38;
	[tilespmem:$0x14200] =	vst v63  }
0x4f5: {  	_ =	swait.ge [sflag:s14], $0x6000  }
0x4f6: {  	[sflag:s14] =	ssyncset.done $0x0  }
0x4f7: {  	[sflag:s14] =	ssyncadd.s32 $0xFFFFA000  }
0x4f8: {  	_ =	swait.ge [sflag:s15], $0x2000  }
0x4f9: {  	[sflag:s15] =	ssyncset.done $0x0  }
0x4fa: {  	[sflag:s15] =	ssyncadd.s32 $0xFFFFE000  }
0x4fb: {  	_ =	swait.ge [sflag:s20], $0x6000  }
0x4fc: {  	[sflag:s20] =	ssyncset.done $0x0  }
0x4fd: {  	[sflag:s20] =	ssyncadd.s32 $0xFFFFA000  }
0x4fe: {  	_ =	swait.ge [sflag:s22], $0x2000  }
0x4ff: {  	s23 =	sadd.s32 $0x1, s23;
	s31 =	rddreg [dreg:$0x1d]  }
0x500: {  	p0 =	sne.s32 s23, s31  }
.Ltmp8:
0x501: {  	_ = 	snop;
	(pc) =	sbr.rel @p0 .LBB2_1-.Ltmp8, $3  }
0x502: {  	_ =	sdelay $0x1  }
0x503: {  	[sflag:s22] =	ssyncset.done $0x0  }
0x504: {  	[sflag:s22] =	ssyncadd.s32 $0xFFFFE000  }
0x505: {  	_ =	sfence.sel $0x180000  }
0x506: {  	[bflag:$0x0] =	sbarrier.arrive $0xFFFF  }
0x507: {  	_ =	strace $0x90000047  }
0x508: {  	s0 =	stileid.u32;
	[bflag:$0x2] =	sbarrier.arrive $0xFFFF  }
0x509: {  	p0 =	sne.s32 s0, $0x0;
	s0 =	rddreg [dreg:$0x3]  }
0x50a: {  	s0 =	sadd.s32 @!p0 $0x100000, s0  }
0x50b: {  	[sflag:s0] =	ssyncadd.tile.s32 @!p0 $0x1;
	_ =	shalt  }
.Lfunc_end2:
_tile_overlayer_lowered:
.L_overlay_start_2:
0x50c: {  	(tag) =	ssettag $0x2  }
0x50d: {  	s0 =	rddreg [dreg:$0x0];
	s2 =	stileid.u32  }
0x50e: {  	s1 =	rddreg [dreg:$0x1];
	p0 =	sne.s32 s2, $0x0  }
0x50f: {  	s3 =	rddreg [dreg:$0x2];
	[bflag:$0x3] =	sbarrier.arrive $0xFFFF;
	s2 =	simm.s32 @!p0 $0x1C09  }
0x510: {  	[timem:s3], [sflag:s2] =	dma.local @!p0 [hbm:s0], s1  }
0x511: {  	s0 =	simm.s32 @!p0 $0x9  }
0x512: {  	_ =	swait.ge @!p0 [sflag:s0], s1  }
0x513: {  	s1 =	ssub.s32 @!p0 $0x0, s1;
	[sflag:s0] =	ssyncset.done @!p0 $0x0  }
0x514: {  	[sflag:s0] =	ssyncadd.s32 @!p0 s1  }
0x515: {  	[bflag:$0x3] =	sbarrier.arrive $0xFFFF  }
0x516: {  	_ =	shalt  }

</sc_bundles>
